<compile_context>
chip_gen: v7x
topology: tpu7x:2x2x1
jax: 0.10.2.dev20260603
libtpu: 0.0.44.dev20260713+nightly
codegen_flags: <defaults>
</compile_context>

<pallas_src>
import functools

import jax
import jax.numpy as jnp
from jax import lax
from jax.experimental import pallas as pl
from jax.experimental.pallas import tpu as pltpu
from jax.experimental.pallas import tpu_sc as plsc

NN = 10000
NP = 10240
DD = 128
EE = 320000
NC = 2
NS = 16
NW = NC * NS
CH = 128
RPT_E = 80
RR = RPT_E * NW
EPAD = RR * CH
RPT = NP // NS

_mesh = plsc.VectorSubcoreMesh(core_axis_name="c", subcore_axis_name="s")


def _deg_hist(dstp):

    @functools.partial(
        pl.kernel,
        out_type=jax.ShapeDtypeStruct((NC, NP), jnp.float32),
        mesh=_mesh,
        scratch_types=[
            pltpu.VMEM_SHARED((NP,), jnp.float32),
            pltpu.VMEM((RPT_E, CH), jnp.int32),
            pltpu.VMEM((CH,), jnp.float32),
            pltpu.VMEM((RPT,), jnp.float32),
        ],
    )
    def k(dst_hbm, out_hbm, hist_sh, di_all, ones_v, zb_v):
        c = lax.axis_index("c")
        s = lax.axis_index("s")
        row0 = (c * NS + s) * RPT_E
        for i in range(CH // 16):
            ones_v[pl.ds(i * 16, 16)] = jnp.ones((16,), jnp.float32)

        @pl.loop(0, RPT // 16)
        def _(i):
            zb_v[pl.ds(i * 16, 16)] = jnp.zeros((16,), jnp.float32)

        pltpu.sync_copy(zb_v, hist_sh.at[pl.ds(s * RPT, RPT)])
        pltpu.sync_copy(dst_hbm.at[pl.ds(row0, RPT_E)], di_all)
        plsc.subcore_barrier()

        @pl.loop(0, RPT_E)
        def _(j):
            pltpu.sync_copy(ones_v, hist_sh.at[di_all.at[j]], add=True)

        plsc.subcore_barrier()
        pltpu.sync_copy(hist_sh.at[pl.ds(s * RPT, RPT)],
                        out_hbm.at[c, pl.ds(s * RPT, RPT)])

    return k(dstp)


def _edge_agg(hs, srcp, dstp):

    RB = 16

    @functools.partial(
        pl.kernel,
        out_type=jax.ShapeDtypeStruct((NC, NP, DD), jnp.float32),
        mesh=_mesh,
        scratch_types=[
            pltpu.VMEM_SHARED((NP, DD), jnp.float32),
            pltpu.VMEM((RB, CH), jnp.int32),
            pltpu.VMEM((RB, CH), jnp.int32),
            pltpu.VMEM((2, CH, DD), jnp.float32),
            pltpu.SemaphoreType.DMA,
            pltpu.SemaphoreType.DMA,
        ],
    )
    def k(hs_hbm, src_hbm, dst_hbm, out_hbm, acc_sh, si_blk, di_blk, rows_v,
          sem0, sem1):
        c = lax.axis_index("c")
        s = lax.axis_index("s")
        row0 = (c * NS + s) * RPT_E

        @pl.loop(0, CH)
        def _(r):
            for i in range(DD // 16):
                rows_v[0, r, pl.ds(i * 16, 16)] = jnp.zeros((16,), jnp.float32)

        @pl.loop(0, RPT // CH)
        def _(t):
            pltpu.sync_copy(rows_v.at[0], acc_sh.at[pl.ds(s * RPT + t * CH, CH)])

        plsc.subcore_barrier()

        def wait_gather(b, sem):
            pltpu.make_async_copy(hs_hbm.at[pl.ds(0, CH)], rows_v.at[b],
                                  sem).wait()

        @pl.loop(0, RPT_E // RB)
        def _(bk):
            pltpu.sync_copy(src_hbm.at[pl.ds(row0 + bk * RB, RB)], si_blk)
            pltpu.sync_copy(dst_hbm.at[pl.ds(row0 + bk * RB, RB)], di_blk)
            pltpu.async_copy(hs_hbm.at[si_blk.at[0]], rows_v.at[0], sem0)

            @pl.loop(0, RB - 2, step=2)
            def _(j):
                pltpu.async_copy(hs_hbm.at[si_blk.at[j + 1]], rows_v.at[1],
                                 sem1)
                wait_gather(0, sem0)
                pltpu.sync_copy(rows_v.at[0], acc_sh.at[di_blk.at[j]],
                                add=True)
                pltpu.async_copy(hs_hbm.at[si_blk.at[j + 2]], rows_v.at[0],
                                 sem0)
                wait_gather(1, sem1)
                pltpu.sync_copy(rows_v.at[1], acc_sh.at[di_blk.at[j + 1]],
                                add=True)

            pltpu.async_copy(hs_hbm.at[si_blk.at[RB - 1]], rows_v.at[1], sem1)
            wait_gather(0, sem0)
            pltpu.sync_copy(rows_v.at[0], acc_sh.at[di_blk.at[RB - 2]],
                            add=True)
            wait_gather(1, sem1)
            pltpu.sync_copy(rows_v.at[1], acc_sh.at[di_blk.at[RB - 1]],
                            add=True)

        plsc.subcore_barrier()
        pltpu.sync_copy(acc_sh.at[pl.ds(s * RPT, RPT)],
                        out_hbm.at[c, pl.ds(s * RPT, RPT)])

    return k(hs, srcp, dstp)


_BN = 512


def _mm_body(x_ref, w_ref, o_ref):
    o_ref[...] = jnp.dot(x_ref[...], w_ref[...],
                         preferred_element_type=jnp.float32)


def _matmul(xp, w):
    return pl.pallas_call(
        _mm_body,
        grid=(NP // _BN,),
        in_specs=[pl.BlockSpec((_BN, DD), lambda i: (i, 0)),
                  pl.BlockSpec((DD, DD), lambda i: (0, 0))],
        out_specs=pl.BlockSpec((_BN, DD), lambda i: (i, 0)),
        out_shape=jax.ShapeDtypeStruct((NP, DD), jnp.float32),
    )(xp, w)


def _deg_body(h0_ref, h1_ref, hh_ref, disb_ref, hs_ref):
    deg = h0_ref[...] + h1_ref[...] + 1.0
    db = jnp.broadcast_to(lax.rsqrt(deg), (_BN, DD))
    disb_ref[...] = db
    hs_ref[...] = db * hh_ref[...]


def _finish_deg(hist0, hist1, h1):
    return pl.pallas_call(
        _deg_body,
        grid=(NP // _BN,),
        in_specs=[pl.BlockSpec((_BN, 1), lambda i: (i, 0)),
                  pl.BlockSpec((_BN, 1), lambda i: (i, 0)),
                  pl.BlockSpec((_BN, DD), lambda i: (i, 0))],
        out_specs=[pl.BlockSpec((_BN, DD), lambda i: (i, 0)),
                   pl.BlockSpec((_BN, DD), lambda i: (i, 0))],
        out_shape=[jax.ShapeDtypeStruct((NP, DD), jnp.float32),
                   jax.ShapeDtypeStruct((NP, DD), jnp.float32)],
    )(hist0, hist1, h1)


def _mid_body(p0_ref, p1_ref, hs_ref, db_ref, b_ref, w_ref, o_ref):
    t = db_ref[...] * (p0_ref[...] + p1_ref[...] + hs_ref[...]) + b_ref[...]
    a = jnp.tanh(t)
    o_ref[...] = db_ref[...] * jnp.dot(a, w_ref[...],
                                       preferred_element_type=jnp.float32)


def _mid(p0, p1, hs, disb, b, w):
    return pl.pallas_call(
        _mid_body,
        grid=(NP // _BN,),
        in_specs=[pl.BlockSpec((_BN, DD), lambda i: (i, 0)),
                  pl.BlockSpec((_BN, DD), lambda i: (i, 0)),
                  pl.BlockSpec((_BN, DD), lambda i: (i, 0)),
                  pl.BlockSpec((_BN, DD), lambda i: (i, 0)),
                  pl.BlockSpec((1, DD), lambda i: (0, 0)),
                  pl.BlockSpec((DD, DD), lambda i: (0, 0))],
        out_specs=pl.BlockSpec((_BN, DD), lambda i: (i, 0)),
        out_shape=jax.ShapeDtypeStruct((NP, DD), jnp.float32),
    )(p0, p1, hs, disb, b, w)


def _fin_body(p0_ref, p1_ref, hs_ref, db_ref, b_ref, o_ref):
    t = db_ref[...] * (p0_ref[...] + p1_ref[...] + hs_ref[...]) + b_ref[...]
    m = jnp.max(t, axis=1, keepdims=True)
    e = jnp.exp(t - m)
    ssum = jnp.sum(e, axis=1, keepdims=True)
    o_ref[...] = t - m - jnp.log(ssum)


def _fin(p0, p1, hs, disb, b):
    return pl.pallas_call(
        _fin_body,
        grid=(NP // _BN,),
        in_specs=[pl.BlockSpec((_BN, DD), lambda i: (i, 0)),
                  pl.BlockSpec((_BN, DD), lambda i: (i, 0)),
                  pl.BlockSpec((_BN, DD), lambda i: (i, 0)),
                  pl.BlockSpec((_BN, DD), lambda i: (i, 0)),
                  pl.BlockSpec((1, DD), lambda i: (0, 0))],
        out_specs=pl.BlockSpec((_BN, DD), lambda i: (i, 0)),
        out_shape=jax.ShapeDtypeStruct((NP, DD), jnp.float32),
    )(p0, p1, hs, disb, b)


def kernel(x, edge_index, W1, b1, W2, b2, W3, b3):
    assert x.shape == (NN, DD) and edge_index.shape == (2, EE)
    pad_idx = (jnp.arange(EPAD - EE, dtype=jnp.int32) % (NP - NN)) + NN
    src = jnp.concatenate([edge_index[0], pad_idx]).reshape(RR, CH)
    dst = jnp.concatenate([edge_index[1], pad_idx]).reshape(RR, CH)
    xp = jnp.pad(x, ((0, NP - NN), (0, 0)))

    hist = _deg_hist(dst)
    h1 = _matmul(xp, W1)
    disb, hs1 = _finish_deg(hist[0].reshape(NP, 1),
                            hist[1].reshape(NP, 1), h1)

    p = _edge_agg(hs1, src, dst)
    hs2 = _mid(p[0], p[1], hs1, disb, b1.reshape(1, DD), W2)
    p = _edge_agg(hs2, src, dst)
    hs3 = _mid(p[0], p[1], hs2, disb, b2.reshape(1, DD), W3)
    p = _edge_agg(hs3, src, dst)
    out = _fin(p[0], p[1], hs3, disb, b3.reshape(1, DD))
    return out[:NN]

# --- scband reference (transcript-rebuilt; emitter-appended) ---
"""Pipeline reference for scband-my-gcn-27247272526306 (READ-ONLY COPY).

The authoritative reference and input builder live on the scoring server;
editing this copy changes nothing except your own understanding.
"""

import jax, jax.numpy as jnp
import numpy as np

N = 10000
E = 320000
D_IN = 128
D_HID = 128
D_OUT = 128


def _glorot(key, fan_in, fan_out):
    scale = np.sqrt(6.0 / (fan_in + fan_out))
    return jax.random.uniform(key, (fan_in, fan_out), dtype=jnp.float32, minval=-scale, maxval=scale)


def setup_inputs(seed: int = 0) -> dict:
    key = jax.random.key(seed)
    ks = jax.random.split(key, 8)
    x = jax.random.normal(ks[0], (N, D_IN), dtype=jnp.float32)
    edge_index = jax.random.randint(ks[1], (2, E), 0, N, dtype=jnp.int32)
    W1 = _glorot(ks[2], D_IN, D_HID)
    b1 = jnp.zeros((D_HID,), dtype=jnp.float32)
    W2 = _glorot(ks[3], D_HID, D_HID)
    b2 = jnp.zeros((D_HID,), dtype=jnp.float32)
    W3 = _glorot(ks[4], D_HID, D_OUT)
    b3 = jnp.zeros((D_OUT,), dtype=jnp.float32)
    return {"x": x, "edge_index": edge_index, "W1": W1, "b1": b1, "W2": W2, "b2": b2, "W3": W3, "b3": b3}


def gcn_conv(x, edge_index, W, b):
    # PyG-style GCNConv: add self-loops, symmetric normalization, linear transform, sum-aggregate, bias
    n = x.shape[0]
    src = edge_index[0]
    dst = edge_index[1]
    loop = jnp.arange(n, dtype=edge_index.dtype)
    src = jnp.concatenate([src, loop])
    dst = jnp.concatenate([dst, loop])
    deg = jnp.zeros((n,), dtype=x.dtype).at[dst].add(1.0)
    deg_inv_sqrt = jnp.where(deg > 0, jax.lax.rsqrt(jnp.maximum(deg, 1e-12)), 0.0)
    norm = deg_inv_sqrt[src] * deg_inv_sqrt[dst]
    h = x @ W
    msg = h[src] * norm[:, None]
    out = jnp.zeros((n, W.shape[1]), dtype=x.dtype).at[dst].add(msg)
    return out + b


def reference(x, edge_index, W1, b1, W2, b2, W3, b3):
    # layer 1 + Tanh (dropout is identity in eval mode, bn=False)
    h = jnp.tanh(gcn_conv(x, edge_index, W1, b1))
    # layer 2 + Tanh
    h = jnp.tanh(gcn_conv(h, edge_index, W2, b2))
    # final layer
    h = gcn_conv(h, edge_index, W3, b3)
    return jax.nn.log_softmax(h, axis=1)

if __name__ == "__main__":
    import jax
    _d = setup_inputs()
    print(jax.jit(kernel)(*tuple(_d.values())))

</pallas_src>

<mosaic_0001>
#map = affine_map<(d0, d1) -> (0, 0)>
#map1 = affine_map<(d0, d1) -> (0, 0, 0)>
module attributes {stable_mosaic.version = 14 : i64} {
  func.func @k(%arg0: i32, %arg1: i32, %arg2: memref<10240x128xf32, #tpu.memory_space<hbm>>, %arg3: memref<2560x128xi32, #tpu.memory_space<hbm>>, %arg4: memref<2560x128xi32, #tpu.memory_space<hbm>>, %arg5: memref<2x10240x128xf32, #tpu.memory_space<hbm>>, %arg6: memref<10240x128xf32, #tpu.memory_space<vmem_shared>>, %arg7: memref<16x128xi32, #tpu.memory_space<vmem>>, %arg8: memref<16x128xi32, #tpu.memory_space<vmem>>, %arg9: memref<2x128x128xf32, #tpu.memory_space<vmem>>, %arg10: memref<!tpu.dma_semaphore, #tpu.memory_space<semaphore_mem>>, %arg11: memref<!tpu.dma_semaphore, #tpu.memory_space<semaphore_mem>>) attributes {dimension_semantics = [#tpu.dimension_semantics<core_parallel>, #tpu.dimension_semantics<subcore_parallel>], iteration_bounds = array<i64: 2, 16>, scalar_prefetch = 0 : i64, scratch_operands = 6 : i64, tpu.core_type = #tpu.core_type<sc_vector_subcore>, window_params = [{transform_indices = #map}, {transform_indices = #map}, {transform_indices = #map}, {transform_indices = #map1}]} {
    %mul3A = arith.constant 16 : i32
    %mul3A_0 = arith.muli %arg0, %mul3A : i32
    %add3A = arith.addi %mul3A_0, %arg1 : i32
    %mul3A_1 = arith.constant 80 : i32
    %mul3A_2 = arith.muli %add3A, %mul3A_1 : i32
    %scan3A = arith.constant 0 : i32
    %scan3A_3 = arith.constant 128 : i32
    %scan3A_4 = arith.addi %scan3A, %scan3A_3 : i32
    %scan3A_5 = arith.constant 1 : i32
    scf.for %scan3A_22 = %scan3A to %scan3A_4 step %scan3A_5  : i32 {
      %mul3A_23 = arith.constant 1 : i32
      %mul3A_24 = arith.muli %scan3A_22, %mul3A_23 : i32
      %add3A_25 = arith.constant 0 : i32
      %add3A_26 = arith.addi %add3A_25, %mul3A_24 : i32
      %broadcast_in_dim3A = arith.constant 0.000000e+00 : f32
      %broadcast_in_dim3A_27 = vector.broadcast %broadcast_in_dim3A : f32 to vector<16xf32>
      %swap3A = arith.constant 0 : i32
      %swap3A_28 = arith.index_cast %swap3A : i32 to index
      %swap3A_29 = arith.index_cast %add3A_26 : i32 to index
      %swap3A_30 = arith.constant 0 : index
      %swap3A_31 = tpu.vector_load %arg9[%swap3A_28, %swap3A_29, %swap3A_30] {strides = array<i32>} : memref<2x128x128xf32, #tpu.memory_space<vmem>>, vector<1x1x16xf32>,
      %swap3A_32 = vector.shape_cast %swap3A_31 : vector<1x1x16xf32> to vector<16xf32>
      %swap3A_33 = vector.shape_cast %broadcast_in_dim3A_27 : vector<16xf32> to vector<1x1x16xf32>
      tpu.vector_store %arg9[%swap3A_28, %swap3A_29, %swap3A_30], %swap3A_33 {strides = array<i32>} : memref<2x128x128xf32, #tpu.memory_space<vmem>>, vector<1x1x16xf32>,
      %broadcast_in_dim3A_34 = arith.constant 0.000000e+00 : f32
      %broadcast_in_dim3A_35 = vector.broadcast %broadcast_in_dim3A_34 : f32 to vector<16xf32>
      %swap3A_36 = arith.constant 0 : i32
      %swap3A_37 = arith.index_cast %swap3A_36 : i32 to index
      %swap3A_38 = arith.index_cast %add3A_26 : i32 to index
      %swap3A_39 = arith.constant 16 : index
      %swap3A_40 = tpu.vector_load %arg9[%swap3A_37, %swap3A_38, %swap3A_39] {strides = array<i32>} : memref<2x128x128xf32, #tpu.memory_space<vmem>>, vector<1x1x16xf32>,
      %swap3A_41 = vector.shape_cast %swap3A_40 : vector<1x1x16xf32> to vector<16xf32>
      %swap3A_42 = vector.shape_cast %broadcast_in_dim3A_35 : vector<16xf32> to vector<1x1x16xf32>
      tpu.vector_store %arg9[%swap3A_37, %swap3A_38, %swap3A_39], %swap3A_42 {strides = array<i32>} : memref<2x128x128xf32, #tpu.memory_space<vmem>>, vector<1x1x16xf32>,
      %broadcast_in_dim3A_43 = arith.constant 0.000000e+00 : f32
      %broadcast_in_dim3A_44 = vector.broadcast %broadcast_in_dim3A_43 : f32 to vector<16xf32>
      %swap3A_45 = arith.constant 0 : i32
      %swap3A_46 = arith.index_cast %swap3A_45 : i32 to index
      %swap3A_47 = arith.index_cast %add3A_26 : i32 to index
      %swap3A_48 = arith.constant 32 : index
      %swap3A_49 = tpu.vector_load %arg9[%swap3A_46, %swap3A_47, %swap3A_48] {strides = array<i32>} : memref<2x128x128xf32, #tpu.memory_space<vmem>>, vector<1x1x16xf32>,
      %swap3A_50 = vector.shape_cast %swap3A_49 : vector<1x1x16xf32> to vector<16xf32>
      %swap3A_51 = vector.shape_cast %broadcast_in_dim3A_44 : vector<16xf32> to vector<1x1x16xf32>
      tpu.vector_store %arg9[%swap3A_46, %swap3A_47, %swap3A_48], %swap3A_51 {strides = array<i32>} : memref<2x128x128xf32, #tpu.memory_space<vmem>>, vector<1x1x16xf32>,
      %broadcast_in_dim3A_52 = arith.constant 0.000000e+00 : f32
      %broadcast_in_dim3A_53 = vector.broadcast %broadcast_in_dim3A_52 : f32 to vector<16xf32>
      %swap3A_54 = arith.constant 0 : i32
      %swap3A_55 = arith.index_cast %swap3A_54 : i32 to index
      %swap3A_56 = arith.index_cast %add3A_26 : i32 to index
      %swap3A_57 = arith.constant 48 : index
      %swap3A_58 = tpu.vector_load %arg9[%swap3A_55, %swap3A_56, %swap3A_57] {strides = array<i32>} : memref<2x128x128xf32, #tpu.memory_space<vmem>>, vector<1x1x16xf32>,
      %swap3A_59 = vector.shape_cast %swap3A_58 : vector<1x1x16xf32> to vector<16xf32>
      %swap3A_60 = vector.shape_cast %broadcast_in_dim3A_53 : vector<16xf32> to vector<1x1x16xf32>
      tpu.vector_store %arg9[%swap3A_55, %swap3A_56, %swap3A_57], %swap3A_60 {strides = array<i32>} : memref<2x128x128xf32, #tpu.memory_space<vmem>>, vector<1x1x16xf32>,
      %broadcast_in_dim3A_61 = arith.constant 0.000000e+00 : f32
      %broadcast_in_dim3A_62 = vector.broadcast %broadcast_in_dim3A_61 : f32 to vector<16xf32>
      %swap3A_63 = arith.constant 0 : i32
      %swap3A_64 = arith.index_cast %swap3A_63 : i32 to index
      %swap3A_65 = arith.index_cast %add3A_26 : i32 to index
      %swap3A_66 = arith.constant 64 : index
      %swap3A_67 = tpu.vector_load %arg9[%swap3A_64, %swap3A_65, %swap3A_66] {strides = array<i32>} : memref<2x128x128xf32, #tpu.memory_space<vmem>>, vector<1x1x16xf32>,
      %swap3A_68 = vector.shape_cast %swap3A_67 : vector<1x1x16xf32> to vector<16xf32>
      %swap3A_69 = vector.shape_cast %broadcast_in_dim3A_62 : vector<16xf32> to vector<1x1x16xf32>
      tpu.vector_store %arg9[%swap3A_64, %swap3A_65, %swap3A_66], %swap3A_69 {strides = array<i32>} : memref<2x128x128xf32, #tpu.memory_space<vmem>>, vector<1x1x16xf32>,
      %broadcast_in_dim3A_70 = arith.constant 0.000000e+00 : f32
      %broadcast_in_dim3A_71 = vector.broadcast %broadcast_in_dim3A_70 : f32 to vector<16xf32>
      %swap3A_72 = arith.constant 0 : i32
      %swap3A_73 = arith.index_cast %swap3A_72 : i32 to index
      %swap3A_74 = arith.index_cast %add3A_26 : i32 to index
      %swap3A_75 = arith.constant 80 : index
      %swap3A_76 = tpu.vector_load %arg9[%swap3A_73, %swap3A_74, %swap3A_75] {strides = array<i32>} : memref<2x128x128xf32, #tpu.memory_space<vmem>>, vector<1x1x16xf32>,
      %swap3A_77 = vector.shape_cast %swap3A_76 : vector<1x1x16xf32> to vector<16xf32>
      %swap3A_78 = vector.shape_cast %broadcast_in_dim3A_71 : vector<16xf32> to vector<1x1x16xf32>
      tpu.vector_store %arg9[%swap3A_73, %swap3A_74, %swap3A_75], %swap3A_78 {strides = array<i32>} : memref<2x128x128xf32, #tpu.memory_space<vmem>>, vector<1x1x16xf32>,
      %broadcast_in_dim3A_79 = arith.constant 0.000000e+00 : f32
      %broadcast_in_dim3A_80 = vector.broadcast %broadcast_in_dim3A_79 : f32 to vector<16xf32>
      %swap3A_81 = arith.constant 0 : i32
      %swap3A_82 = arith.index_cast %swap3A_81 : i32 to index
      %swap3A_83 = arith.index_cast %add3A_26 : i32 to index
      %swap3A_84 = arith.constant 96 : index
      %swap3A_85 = tpu.vector_load %arg9[%swap3A_82, %swap3A_83, %swap3A_84] {strides = array<i32>} : memref<2x128x128xf32, #tpu.memory_space<vmem>>, vector<1x1x16xf32>,
      %swap3A_86 = vector.shape_cast %swap3A_85 : vector<1x1x16xf32> to vector<16xf32>
      %swap3A_87 = vector.shape_cast %broadcast_in_dim3A_80 : vector<16xf32> to vector<1x1x16xf32>
      tpu.vector_store %arg9[%swap3A_82, %swap3A_83, %swap3A_84], %swap3A_87 {strides = array<i32>} : memref<2x128x128xf32, #tpu.memory_space<vmem>>, vector<1x1x16xf32>,
      %broadcast_in_dim3A_88 = arith.constant 0.000000e+00 : f32
      %broadcast_in_dim3A_89 = vector.broadcast %broadcast_in_dim3A_88 : f32 to vector<16xf32>
      %swap3A_90 = arith.constant 0 : i32
      %swap3A_91 = arith.index_cast %swap3A_90 : i32 to index
      %swap3A_92 = arith.index_cast %add3A_26 : i32 to index
      %swap3A_93 = arith.constant 112 : index
      %swap3A_94 = tpu.vector_load %arg9[%swap3A_91, %swap3A_92, %swap3A_93] {strides = array<i32>} : memref<2x128x128xf32, #tpu.memory_space<vmem>>, vector<1x1x16xf32>,
      %swap3A_95 = vector.shape_cast %swap3A_94 : vector<1x1x16xf32> to vector<16xf32>
      %swap3A_96 = vector.shape_cast %broadcast_in_dim3A_89 : vector<16xf32> to vector<1x1x16xf32>
      tpu.vector_store %arg9[%swap3A_91, %swap3A_92, %swap3A_93], %swap3A_96 {strides = array<i32>} : memref<2x128x128xf32, #tpu.memory_space<vmem>>, vector<1x1x16xf32>,
    }
    %scan3A_6 = arith.constant 128 : i32
    %scan3A_7 = arith.constant 0 : i32
    %scan3A_8 = arith.constant 5 : i32
    %scan3A_9 = arith.addi %scan3A_7, %scan3A_8 : i32
    %scan3A_10 = arith.constant 1 : i32
    scf.for %scan3A_22 = %scan3A_7 to %scan3A_9 step %scan3A_10  : i32 {
      %mul3A_23 = arith.constant 1 : i32
      %mul3A_24 = arith.muli %scan3A_22, %mul3A_23 : i32
      %add3A_25 = arith.constant 0 : i32
      %add3A_26 = arith.addi %add3A_25, %mul3A_24 : i32
      %mul3A_27 = arith.constant 640 : i32
      %mul3A_28 = arith.muli %arg1, %mul3A_27 : i32
      %mul3A_29 = arith.constant 128 : i32
      %mul3A_30 = arith.muli %add3A_26, %mul3A_29 : i32
      %add3A_31 = arith.addi %mul3A_28, %mul3A_30 : i32
      %run_scoped3A = arith.constant 0 : i32
      "tpu.region"() ({
        %run_scoped3A_32 = tpu.sem_alloc : memref<!tpu.dma_semaphore, #tpu.memory_space<semaphore_mem>>
        %dma_start3A = arith.constant 0 : i32
        %dma_start3A_33 = arith.constant 0 : i32
        %dma_start3A_34 = tpu.memref_slice %arg9[%run_scoped3A, %dma_start3A, %dma_start3A_33] : memref<2x128x128xf32, #tpu.memory_space<vmem>> -> memref<1x128x128xf32, #tpu.memory_space<vmem>>
        %dma_start3A_35 = tpu.memref_squeeze %dma_start3A_34 : memref<1x128x128xf32, #tpu.memory_space<vmem>> -> memref<128x128xf32, #tpu.memory_space<vmem>>
        %dma_start3A_36 = arith.constant 0 : i32
        %dma_start3A_37 = tpu.memref_slice %arg6[%add3A_31, %dma_start3A_36] : memref<10240x128xf32, #tpu.memory_space<vmem_shared>> -> memref<128x128xf32, #tpu.memory_space<vmem_shared>>
        %dma_start3A_38 = arith.constant 0 : i32
        %dma_start3A_39 = tpu.memref_slice %arg6[%add3A_31, %dma_start3A_38] : memref<10240x128xf32, #tpu.memory_space<vmem_shared>> -> memref<128x128xf32, #tpu.memory_space<vmem_shared>>
        %dma_start3A_40 = arith.constant 0 : i32
        %dma_start3A_41 = arith.constant 0 : i32
        %dma_start3A_42 = tpu.memref_slice %arg9[%run_scoped3A, %dma_start3A_40, %dma_start3A_41] : memref<2x128x128xf32, #tpu.memory_space<vmem>> -> memref<1x128x128xf32, #tpu.memory_space<vmem>>
        %dma_start3A_43 = tpu.memref_squeeze %dma_start3A_42 : memref<1x128x128xf32, #tpu.memory_space<vmem>> -> memref<128x128xf32, #tpu.memory_space<vmem>>
        tpu.enqueue_dma source(%dma_start3A_43 : memref<128x128xf32, #tpu.memory_space<vmem>>) target(%dma_start3A_39 : memref<128x128xf32, #tpu.memory_space<vmem_shared>>) target_semaphore(%run_scoped3A_32 : memref<!tpu.dma_semaphore, #tpu.memory_space<semaphore_mem>>)
        %dma_wait3A = arith.constant 0 : i32
        %dma_wait3A_44 = arith.constant 0 : i32
        %dma_wait3A_45 = tpu.memref_slice %arg9[%run_scoped3A, %dma_wait3A, %dma_wait3A_44] : memref<2x128x128xf32, #tpu.memory_space<vmem>> -> memref<1x128x128xf32, #tpu.memory_space<vmem>>
        %dma_wait3A_46 = tpu.memref_squeeze %dma_wait3A_45 : memref<1x128x128xf32, #tpu.memory_space<vmem>> -> memref<128x128xf32, #tpu.memory_space<vmem>>
        %dma_wait3A_47 = arith.constant 0 : i32
        %dma_wait3A_48 = tpu.memref_slice %arg6[%add3A_31, %dma_wait3A_47] : memref<10240x128xf32, #tpu.memory_space<vmem_shared>> -> memref<128x128xf32, #tpu.memory_space<vmem_shared>>
        %dma_wait3A_49 = arith.constant 0 : i32
        %dma_wait3A_50 = tpu.memref_slice %arg6[%add3A_31, %dma_wait3A_49] : memref<10240x128xf32, #tpu.memory_space<vmem_shared>> -> memref<128x128xf32, #tpu.memory_space<vmem_shared>>
        %dma_wait3A_51 = arith.constant 0 : i32
        %dma_wait3A_52 = arith.constant 0 : i32
        %dma_wait3A_53 = tpu.memref_slice %arg9[%run_scoped3A, %dma_wait3A_51, %dma_wait3A_52] : memref<2x128x128xf32, #tpu.memory_space<vmem>> -> memref<1x128x128xf32, #tpu.memory_space<vmem>>
        %dma_wait3A_54 = tpu.memref_squeeze %dma_wait3A_53 : memref<1x128x128xf32, #tpu.memory_space<vmem>> -> memref<128x128xf32, #tpu.memory_space<vmem>>
        tpu.wait_dma2 semaphore(%run_scoped3A_32 : memref<!tpu.dma_semaphore, #tpu.memory_space<semaphore_mem>>) src(%dma_wait3A_54 : memref<128x128xf32, #tpu.memory_space<vmem>>) dst(%dma_wait3A_50 : memref<128x128xf32, #tpu.memory_space<vmem_shared>>)
        tpu.yield
      }) : () -> ()
    }
    %scan3A_11 = arith.constant 5 : i32
    %barrier3A = arith.constant 0 : index
    tpu.barrier barrier_id(%barrier3A)
    %scan3A_12 = arith.constant 0 : i32
    %scan3A_13 = arith.constant 5 : i32
    %scan3A_14 = arith.addi %scan3A_12, %scan3A_13 : i32
    %scan3A_15 = arith.constant 1 : i32
    scf.for %scan3A_22 = %scan3A_12 to %scan3A_14 step %scan3A_15  : i32 {
      %mul3A_23 = arith.constant 1 : i32
      %mul3A_24 = arith.muli %scan3A_22, %mul3A_23 : i32
      %add3A_25 = arith.constant 0 : i32
      %add3A_26 = arith.addi %add3A_25, %mul3A_24 : i32
      %mul3A_27 = arith.constant 16 : i32
      %mul3A_28 = arith.muli %add3A_26, %mul3A_27 : i32
      %add3A_29 = arith.addi %mul3A_2, %mul3A_28 : i32
      "tpu.region"() ({
        %run_scoped3A_93 = tpu.sem_alloc : memref<!tpu.dma_semaphore, #tpu.memory_space<semaphore_mem>>
        %dma_start3A_94 = arith.constant 0 : i32
        %dma_start3A_95 = tpu.memref_slice %arg3[%add3A_29, %dma_start3A_94] : memref<2560x128xi32, #tpu.memory_space<hbm>> -> memref<16x128xi32, #tpu.memory_space<hbm>>
        %dma_start3A_96 = arith.constant 0 : i32
        %dma_start3A_97 = tpu.memref_slice %arg3[%add3A_29, %dma_start3A_96] : memref<2560x128xi32, #tpu.memory_space<hbm>> -> memref<16x128xi32, #tpu.memory_space<hbm>>
        tpu.enqueue_dma source(%dma_start3A_97 : memref<16x128xi32, #tpu.memory_space<hbm>>) target(%arg7 : memref<16x128xi32, #tpu.memory_space<vmem>>) target_semaphore(%run_scoped3A_93 : memref<!tpu.dma_semaphore, #tpu.memory_space<semaphore_mem>>)
        %dma_wait3A_98 = arith.constant 0 : i32
        %dma_wait3A_99 = tpu.memref_slice %arg3[%add3A_29, %dma_wait3A_98] : memref<2560x128xi32, #tpu.memory_space<hbm>> -> memref<16x128xi32, #tpu.memory_space<hbm>>
        %dma_wait3A_100 = arith.constant 0 : i32
        %dma_wait3A_101 = tpu.memref_slice %arg3[%add3A_29, %dma_wait3A_100] : memref<2560x128xi32, #tpu.memory_space<hbm>> -> memref<16x128xi32, #tpu.memory_space<hbm>>
        tpu.wait_dma2 semaphore(%run_scoped3A_93 : memref<!tpu.dma_semaphore, #tpu.memory_space<semaphore_mem>>) src(%dma_wait3A_101 : memref<16x128xi32, #tpu.memory_space<hbm>>) dst(%arg7 : memref<16x128xi32, #tpu.memory_space<vmem>>)
        tpu.yield
      }) : () -> ()
      %mul3A_30 = arith.constant 16 : i32
      %mul3A_31 = arith.muli %add3A_26, %mul3A_30 : i32
      %add3A_32 = arith.addi %mul3A_2, %mul3A_31 : i32
      "tpu.region"() ({
        %run_scoped3A_93 = tpu.sem_alloc : memref<!tpu.dma_semaphore, #tpu.memory_space<semaphore_mem>>
        %dma_start3A_94 = arith.constant 0 : i32
        %dma_start3A_95 = tpu.memref_slice %arg4[%add3A_32, %dma_start3A_94] : memref<2560x128xi32, #tpu.memory_space<hbm>> -> memref<16x128xi32, #tpu.memory_space<hbm>>
        %dma_start3A_96 = arith.constant 0 : i32
        %dma_start3A_97 = tpu.memref_slice %arg4[%add3A_32, %dma_start3A_96] : memref<2560x128xi32, #tpu.memory_space<hbm>> -> memref<16x128xi32, #tpu.memory_space<hbm>>
        tpu.enqueue_dma source(%dma_start3A_97 : memref<16x128xi32, #tpu.memory_space<hbm>>) target(%arg8 : memref<16x128xi32, #tpu.memory_space<vmem>>) target_semaphore(%run_scoped3A_93 : memref<!tpu.dma_semaphore, #tpu.memory_space<semaphore_mem>>)
        %dma_wait3A_98 = arith.constant 0 : i32
        %dma_wait3A_99 = tpu.memref_slice %arg4[%add3A_32, %dma_wait3A_98] : memref<2560x128xi32, #tpu.memory_space<hbm>> -> memref<16x128xi32, #tpu.memory_space<hbm>>
        %dma_wait3A_100 = arith.constant 0 : i32
        %dma_wait3A_101 = tpu.memref_slice %arg4[%add3A_32, %dma_wait3A_100] : memref<2560x128xi32, #tpu.memory_space<hbm>> -> memref<16x128xi32, #tpu.memory_space<hbm>>
        tpu.wait_dma2 semaphore(%run_scoped3A_93 : memref<!tpu.dma_semaphore, #tpu.memory_space<semaphore_mem>>) src(%dma_wait3A_101 : memref<16x128xi32, #tpu.memory_space<hbm>>) dst(%arg8 : memref<16x128xi32, #tpu.memory_space<vmem>>)
        tpu.yield
      }) : () -> ()
      %dma_start3A = arith.constant 0 : i32
      %dma_start3A_33 = arith.constant 0 : i32
      %dma_start3A_34 = arith.constant 0 : i32
      %dma_start3A_35 = arith.constant 0 : i32
      %dma_start3A_36 = tpu.memref_slice %arg9[%dma_start3A_33, %dma_start3A_34, %dma_start3A_35] : memref<2x128x128xf32, #tpu.memory_space<vmem>> -> memref<1x128x128xf32, #tpu.memory_space<vmem>>
      %dma_start3A_37 = tpu.memref_squeeze %dma_start3A_36 : memref<1x128x128xf32, #tpu.memory_space<vmem>> -> memref<128x128xf32, #tpu.memory_space<vmem>>
      %dma_start3A_38 = arith.constant 0 : i32
      %dma_start3A_39 = tpu.memref_slice %arg7[%dma_start3A, %dma_start3A_38] : memref<16x128xi32, #tpu.memory_space<vmem>> -> memref<1x128xi32, #tpu.memory_space<vmem>>
      %dma_start3A_40 = tpu.memref_squeeze %dma_start3A_39 : memref<1x128xi32, #tpu.memory_space<vmem>> -> memref<128xi32, #tpu.memory_space<vmem>>
      %dma_start3A_41 = arith.constant 0 : i32
      %dma_start3A_42 = arith.constant 0 : i32
      %dma_start3A_43 = tpu.memref_slice %arg2[%dma_start3A_41, %dma_start3A_42] : memref<10240x128xf32, #tpu.memory_space<hbm>> -> memref<10240x128xf32, #tpu.memory_space<hbm>>
      tpu.enqueue_indirect_dma source(%dma_start3A_43 : memref<10240x128xf32, #tpu.memory_space<hbm>>) target(%dma_start3A_37 : memref<128x128xf32, #tpu.memory_space<vmem>>) offsets(%dma_start3A_40 : memref<128xi32, #tpu.memory_space<vmem>>) semaphore(%arg10 : memref<!tpu.dma_semaphore, #tpu.memory_space<semaphore_mem>>)
      %scan3A_44 = arith.constant 0 : i32
      %scan3A_45 = arith.constant 7 : i32
      %scan3A_46 = arith.addi %scan3A_44, %scan3A_45 : i32
      %scan3A_47 = arith.constant 1 : i32
      scf.for %scan3A_93 = %scan3A_44 to %scan3A_46 step %scan3A_47  : i32 {
        %mul3A_94 = arith.constant 2 : i32
        %mul3A_95 = arith.muli %scan3A_93, %mul3A_94 : i32
        %add3A_96 = arith.constant 0 : i32
        %add3A_97 = arith.addi %add3A_96, %mul3A_95 : i32
        %add3A_98 = arith.constant 1 : i32
        %add3A_99 = arith.addi %add3A_97, %add3A_98 : i32
        %dma_start3A_100 = arith.constant 1 : i32
        %dma_start3A_101 = arith.constant 0 : i32
        %dma_start3A_102 = arith.constant 0 : i32
        %dma_start3A_103 = tpu.memref_slice %arg9[%dma_start3A_100, %dma_start3A_101, %dma_start3A_102] : memref<2x128x128xf32, #tpu.memory_space<vmem>> -> memref<1x128x128xf32, #tpu.memory_space<vmem>>
        %dma_start3A_104 = tpu.memref_squeeze %dma_start3A_103 : memref<1x128x128xf32, #tpu.memory_space<vmem>> -> memref<128x128xf32, #tpu.memory_space<vmem>>
        %dma_start3A_105 = arith.constant 0 : i32
        %dma_start3A_106 = tpu.memref_slice %arg7[%add3A_99, %dma_start3A_105] : memref<16x128xi32, #tpu.memory_space<vmem>> -> memref<1x128xi32, #tpu.memory_space<vmem>>
        %dma_start3A_107 = tpu.memref_squeeze %dma_start3A_106 : memref<1x128xi32, #tpu.memory_space<vmem>> -> memref<128xi32, #tpu.memory_space<vmem>>
        %dma_start3A_108 = arith.constant 0 : i32
        %dma_start3A_109 = arith.constant 0 : i32
        %dma_start3A_110 = tpu.memref_slice %arg2[%dma_start3A_108, %dma_start3A_109] : memref<10240x128xf32, #tpu.memory_space<hbm>> -> memref<10240x128xf32, #tpu.memory_space<hbm>>
        tpu.enqueue_indirect_dma source(%dma_start3A_110 : memref<10240x128xf32, #tpu.memory_space<hbm>>) target(%dma_start3A_104 : memref<128x128xf32, #tpu.memory_space<vmem>>) offsets(%dma_start3A_107 : memref<128xi32, #tpu.memory_space<vmem>>) semaphore(%arg11 : memref<!tpu.dma_semaphore, #tpu.memory_space<semaphore_mem>>)
        %dma_wait3A_111 = arith.constant 0 : i32
        %dma_wait3A_112 = arith.constant 0 : i32
        %dma_wait3A_113 = arith.constant 0 : i32
        %dma_wait3A_114 = tpu.memref_slice %arg9[%dma_wait3A_111, %dma_wait3A_112, %dma_wait3A_113] : memref<2x128x128xf32, #tpu.memory_space<vmem>> -> memref<1x128x128xf32, #tpu.memory_space<vmem>>
        %dma_wait3A_115 = tpu.memref_squeeze %dma_wait3A_114 : memref<1x128x128xf32, #tpu.memory_space<vmem>> -> memref<128x128xf32, #tpu.memory_space<vmem>>
        %dma_wait3A_116 = arith.constant 0 : i32
        %dma_wait3A_117 = arith.constant 0 : i32
        %dma_wait3A_118 = tpu.memref_slice %arg2[%dma_wait3A_116, %dma_wait3A_117] : memref<10240x128xf32, #tpu.memory_space<hbm>> -> memref<128x128xf32, #tpu.memory_space<hbm>>
        %dma_wait3A_119 = arith.constant 0 : i32
        %dma_wait3A_120 = arith.constant 0 : i32
        %dma_wait3A_121 = tpu.memref_slice %arg9[%dma_wait3A_111, %dma_wait3A_119, %dma_wait3A_120] : memref<2x128x128xf32, #tpu.memory_space<vmem>> -> memref<1x128x128xf32, #tpu.memory_space<vmem>>
        %dma_wait3A_122 = tpu.memref_squeeze %dma_wait3A_121 : memref<1x128x128xf32, #tpu.memory_space<vmem>> -> memref<128x128xf32, #tpu.memory_space<vmem>>
        %dma_wait3A_123 = arith.constant 0 : i32
        %dma_wait3A_124 = arith.constant 0 : i32
        %dma_wait3A_125 = tpu.memref_slice %arg2[%dma_wait3A_123, %dma_wait3A_124] : memref<10240x128xf32, #tpu.memory_space<hbm>> -> memref<128x128xf32, #tpu.memory_space<hbm>>
        tpu.wait_dma2 semaphore(%arg10 : memref<!tpu.dma_semaphore, #tpu.memory_space<semaphore_mem>>) src(%dma_wait3A_125 : memref<128x128xf32, #tpu.memory_space<hbm>>) dst(%dma_wait3A_122 : memref<128x128xf32, #tpu.memory_space<vmem>>)
        %run_scoped3A_126 = arith.constant 0 : i32
        "tpu.region"() ({
          %run_scoped3A_158 = tpu.sem_alloc : memref<!tpu.dma_semaphore, #tpu.memory_space<semaphore_mem>>
          %dma_start3A_159 = arith.constant 0 : i32
          %dma_start3A_160 = arith.constant 0 : i32
          %dma_start3A_161 = tpu.memref_slice %arg9[%run_scoped3A_126, %dma_start3A_159, %dma_start3A_160] : memref<2x128x128xf32, #tpu.memory_space<vmem>> -> memref<1x128x128xf32, #tpu.memory_space<vmem>>
          %dma_start3A_162 = tpu.memref_squeeze %dma_start3A_161 : memref<1x128x128xf32, #tpu.memory_space<vmem>> -> memref<128x128xf32, #tpu.memory_space<vmem>>
          %dma_start3A_163 = arith.constant 0 : i32
          %dma_start3A_164 = tpu.memref_slice %arg8[%add3A_97, %dma_start3A_163] : memref<16x128xi32, #tpu.memory_space<vmem>> -> memref<1x128xi32, #tpu.memory_space<vmem>>
          %dma_start3A_165 = tpu.memref_squeeze %dma_start3A_164 : memref<1x128xi32, #tpu.memory_space<vmem>> -> memref<128xi32, #tpu.memory_space<vmem>>
          %dma_start3A_166 = arith.constant 0 : i32
          %dma_start3A_167 = arith.constant 0 : i32
          %dma_start3A_168 = tpu.memref_slice %arg6[%dma_start3A_166, %dma_start3A_167] : memref<10240x128xf32, #tpu.memory_space<vmem_shared>> -> memref<10240x128xf32, #tpu.memory_space<vmem_shared>>
          tpu.enqueue_indirect_dma source(%dma_start3A_162 : memref<128x128xf32, #tpu.memory_space<vmem>>) target(%dma_start3A_168 : memref<10240x128xf32, #tpu.memory_space<vmem_shared>>) offsets(%dma_start3A_165 : memref<128xi32, #tpu.memory_space<vmem>>) semaphore(%run_scoped3A_158 : memref<!tpu.dma_semaphore, #tpu.memory_space<semaphore_mem>>) {add = true}
          %dma_wait3A_169 = arith.constant 0 : i32
          %dma_wait3A_170 = arith.constant 0 : i32
          %dma_wait3A_171 = tpu.memref_slice %arg9[%run_scoped3A_126, %dma_wait3A_169, %dma_wait3A_170] : memref<2x128x128xf32, #tpu.memory_space<vmem>> -> memref<1x128x128xf32, #tpu.memory_space<vmem>>
          %dma_wait3A_172 = tpu.memref_squeeze %dma_wait3A_171 : memref<1x128x128xf32, #tpu.memory_space<vmem>> -> memref<128x128xf32, #tpu.memory_space<vmem>>
          %dma_wait3A_173 = arith.constant 0 : i32
          %dma_wait3A_174 = tpu.memref_slice %arg8[%add3A_97, %dma_wait3A_173] : memref<16x128xi32, #tpu.memory_space<vmem>> -> memref<1x128xi32, #tpu.memory_space<vmem>>
          %dma_wait3A_175 = tpu.memref_squeeze %dma_wait3A_174 : memref<1x128xi32, #tpu.memory_space<vmem>> -> memref<128xi32, #tpu.memory_space<vmem>>
          %dma_wait3A_176 = arith.constant 0 : i32
          %dma_wait3A_177 = arith.constant 0 : i32
          %dma_wait3A_178 = tpu.memref_slice %arg6[%dma_wait3A_176, %dma_wait3A_177] : memref<10240x128xf32, #tpu.memory_space<vmem_shared>> -> memref<10240x128xf32, #tpu.memory_space<vmem_shared>>
          tpu.wait_indirect_dma semaphore(%run_scoped3A_158 : memref<!tpu.dma_semaphore, #tpu.memory_space<semaphore_mem>>) src(%dma_wait3A_172 : memref<128x128xf32, #tpu.memory_space<vmem>>) dst(%dma_wait3A_178 : memref<10240x128xf32, #tpu.memory_space<vmem_shared>>)
          tpu.yield
        }) : () -> ()
        %add3A_127 = arith.constant 2 : i32
        %add3A_128 = arith.addi %add3A_97, %add3A_127 : i32
        %dma_start3A_129 = arith.constant 0 : i32
        %dma_start3A_130 = arith.constant 0 : i32
        %dma_start3A_131 = arith.constant 0 : i32
        %dma_start3A_132 = tpu.memref_slice %arg9[%dma_start3A_129, %dma_start3A_130, %dma_start3A_131] : memref<2x128x128xf32, #tpu.memory_space<vmem>> -> memref<1x128x128xf32, #tpu.memory_space<vmem>>
        %dma_start3A_133 = tpu.memref_squeeze %dma_start3A_132 : memref<1x128x128xf32, #tpu.memory_space<vmem>> -> memref<128x128xf32, #tpu.memory_space<vmem>>
        %dma_start3A_134 = arith.constant 0 : i32
        %dma_start3A_135 = tpu.memref_slice %arg7[%add3A_128, %dma_start3A_134] : memref<16x128xi32, #tpu.memory_space<vmem>> -> memref<1x128xi32, #tpu.memory_space<vmem>>
        %dma_start3A_136 = tpu.memref_squeeze %dma_start3A_135 : memref<1x128xi32, #tpu.memory_space<vmem>> -> memref<128xi32, #tpu.memory_space<vmem>>
        %dma_start3A_137 = arith.constant 0 : i32
        %dma_start3A_138 = arith.constant 0 : i32
        %dma_start3A_139 = tpu.memref_slice %arg2[%dma_start3A_137, %dma_start3A_138] : memref<10240x128xf32, #tpu.memory_space<hbm>> -> memref<10240x128xf32, #tpu.memory_space<hbm>>
        tpu.enqueue_indirect_dma source(%dma_start3A_139 : memref<10240x128xf32, #tpu.memory_space<hbm>>) target(%dma_start3A_133 : memref<128x128xf32, #tpu.memory_space<vmem>>) offsets(%dma_start3A_136 : memref<128xi32, #tpu.memory_space<vmem>>) semaphore(%arg10 : memref<!tpu.dma_semaphore, #tpu.memory_space<semaphore_mem>>)
        %dma_wait3A_140 = arith.constant 1 : i32
        %dma_wait3A_141 = arith.constant 0 : i32
        %dma_wait3A_142 = arith.constant 0 : i32
        %dma_wait3A_143 = tpu.memref_slice %arg9[%dma_wait3A_140, %dma_wait3A_141, %dma_wait3A_142] : memref<2x128x128xf32, #tpu.memory_space<vmem>> -> memref<1x128x128xf32, #tpu.memory_space<vmem>>
        %dma_wait3A_144 = tpu.memref_squeeze %dma_wait3A_143 : memref<1x128x128xf32, #tpu.memory_space<vmem>> -> memref<128x128xf32, #tpu.memory_space<vmem>>
        %dma_wait3A_145 = arith.constant 0 : i32
        %dma_wait3A_146 = arith.constant 0 : i32
        %dma_wait3A_147 = tpu.memref_slice %arg2[%dma_wait3A_145, %dma_wait3A_146] : memref<10240x128xf32, #tpu.memory_space<hbm>> -> memref<128x128xf32, #tpu.memory_space<hbm>>
        %dma_wait3A_148 = arith.constant 0 : i32
        %dma_wait3A_149 = arith.constant 0 : i32
        %dma_wait3A_150 = tpu.memref_slice %arg9[%dma_wait3A_140, %dma_wait3A_148, %dma_wait3A_149] : memref<2x128x128xf32, #tpu.memory_space<vmem>> -> memref<1x128x128xf32, #tpu.memory_space<vmem>>
        %dma_wait3A_151 = tpu.memref_squeeze %dma_wait3A_150 : memref<1x128x128xf32, #tpu.memory_space<vmem>> -> memref<128x128xf32, #tpu.memory_space<vmem>>
        %dma_wait3A_152 = arith.constant 0 : i32
        %dma_wait3A_153 = arith.constant 0 : i32
        %dma_wait3A_154 = tpu.memref_slice %arg2[%dma_wait3A_152, %dma_wait3A_153] : memref<10240x128xf32, #tpu.memory_space<hbm>> -> memref<128x128xf32, #tpu.memory_space<hbm>>
        tpu.wait_dma2 semaphore(%arg11 : memref<!tpu.dma_semaphore, #tpu.memory_space<semaphore_mem>>) src(%dma_wait3A_154 : memref<128x128xf32, #tpu.memory_space<hbm>>) dst(%dma_wait3A_151 : memref<128x128xf32, #tpu.memory_space<vmem>>)
        %add3A_155 = arith.constant 1 : i32
        %add3A_156 = arith.addi %add3A_97, %add3A_155 : i32
        %run_scoped3A_157 = arith.constant 1 : i32
        "tpu.region"() ({
          %run_scoped3A_158 = tpu.sem_alloc : memref<!tpu.dma_semaphore, #tpu.memory_space<semaphore_mem>>
          %dma_start3A_159 = arith.constant 0 : i32
          %dma_start3A_160 = arith.constant 0 : i32
          %dma_start3A_161 = tpu.memref_slice %arg9[%run_scoped3A_157, %dma_start3A_159, %dma_start3A_160] : memref<2x128x128xf32, #tpu.memory_space<vmem>> -> memref<1x128x128xf32, #tpu.memory_space<vmem>>
          %dma_start3A_162 = tpu.memref_squeeze %dma_start3A_161 : memref<1x128x128xf32, #tpu.memory_space<vmem>> -> memref<128x128xf32, #tpu.memory_space<vmem>>
          %dma_start3A_163 = arith.constant 0 : i32
          %dma_start3A_164 = tpu.memref_slice %arg8[%add3A_156, %dma_start3A_163] : memref<16x128xi32, #tpu.memory_space<vmem>> -> memref<1x128xi32, #tpu.memory_space<vmem>>
          %dma_start3A_165 = tpu.memref_squeeze %dma_start3A_164 : memref<1x128xi32, #tpu.memory_space<vmem>> -> memref<128xi32, #tpu.memory_space<vmem>>
          %dma_start3A_166 = arith.constant 0 : i32
          %dma_start3A_167 = arith.constant 0 : i32
          %dma_start3A_168 = tpu.memref_slice %arg6[%dma_start3A_166, %dma_start3A_167] : memref<10240x128xf32, #tpu.memory_space<vmem_shared>> -> memref<10240x128xf32, #tpu.memory_space<vmem_shared>>
          tpu.enqueue_indirect_dma source(%dma_start3A_162 : memref<128x128xf32, #tpu.memory_space<vmem>>) target(%dma_start3A_168 : memref<10240x128xf32, #tpu.memory_space<vmem_shared>>) offsets(%dma_start3A_165 : memref<128xi32, #tpu.memory_space<vmem>>) semaphore(%run_scoped3A_158 : memref<!tpu.dma_semaphore, #tpu.memory_space<semaphore_mem>>) {add = true}
          %dma_wait3A_169 = arith.constant 0 : i32
          %dma_wait3A_170 = arith.constant 0 : i32
          %dma_wait3A_171 = tpu.memref_slice %arg9[%run_scoped3A_157, %dma_wait3A_169, %dma_wait3A_170] : memref<2x128x128xf32, #tpu.memory_space<vmem>> -> memref<1x128x128xf32, #tpu.memory_space<vmem>>
          %dma_wait3A_172 = tpu.memref_squeeze %dma_wait3A_171 : memref<1x128x128xf32, #tpu.memory_space<vmem>> -> memref<128x128xf32, #tpu.memory_space<vmem>>
          %dma_wait3A_173 = arith.constant 0 : i32
          %dma_wait3A_174 = tpu.memref_slice %arg8[%add3A_156, %dma_wait3A_173] : memref<16x128xi32, #tpu.memory_space<vmem>> -> memref<1x128xi32, #tpu.memory_space<vmem>>
          %dma_wait3A_175 = tpu.memref_squeeze %dma_wait3A_174 : memref<1x128xi32, #tpu.memory_space<vmem>> -> memref<128xi32, #tpu.memory_space<vmem>>
          %dma_wait3A_176 = arith.constant 0 : i32
          %dma_wait3A_177 = arith.constant 0 : i32
          %dma_wait3A_178 = tpu.memref_slice %arg6[%dma_wait3A_176, %dma_wait3A_177] : memref<10240x128xf32, #tpu.memory_space<vmem_shared>> -> memref<10240x128xf32, #tpu.memory_space<vmem_shared>>
          tpu.wait_indirect_dma semaphore(%run_scoped3A_158 : memref<!tpu.dma_semaphore, #tpu.memory_space<semaphore_mem>>) src(%dma_wait3A_172 : memref<128x128xf32, #tpu.memory_space<vmem>>) dst(%dma_wait3A_178 : memref<10240x128xf32, #tpu.memory_space<vmem_shared>>)
          tpu.yield
        }) : () -> ()
      }
      %scan3A_48 = arith.constant 7 : i32
      %dma_start3A_49 = arith.constant 15 : i32
      %dma_start3A_50 = arith.constant 1 : i32
      %dma_start3A_51 = arith.constant 0 : i32
      %dma_start3A_52 = arith.constant 0 : i32
      %dma_start3A_53 = tpu.memref_slice %arg9[%dma_start3A_50, %dma_start3A_51, %dma_start3A_52] : memref<2x128x128xf32, #tpu.memory_space<vmem>> -> memref<1x128x128xf32, #tpu.memory_space<vmem>>
      %dma_start3A_54 = tpu.memref_squeeze %dma_start3A_53 : memref<1x128x128xf32, #tpu.memory_space<vmem>> -> memref<128x128xf32, #tpu.memory_space<vmem>>
      %dma_start3A_55 = arith.constant 0 : i32
      %dma_start3A_56 = tpu.memref_slice %arg7[%dma_start3A_49, %dma_start3A_55] : memref<16x128xi32, #tpu.memory_space<vmem>> -> memref<1x128xi32, #tpu.memory_space<vmem>>
      %dma_start3A_57 = tpu.memref_squeeze %dma_start3A_56 : memref<1x128xi32, #tpu.memory_space<vmem>> -> memref<128xi32, #tpu.memory_space<vmem>>
      %dma_start3A_58 = arith.constant 0 : i32
      %dma_start3A_59 = arith.constant 0 : i32
      %dma_start3A_60 = tpu.memref_slice %arg2[%dma_start3A_58, %dma_start3A_59] : memref<10240x128xf32, #tpu.memory_space<hbm>> -> memref<10240x128xf32, #tpu.memory_space<hbm>>
      tpu.enqueue_indirect_dma source(%dma_start3A_60 : memref<10240x128xf32, #tpu.memory_space<hbm>>) target(%dma_start3A_54 : memref<128x128xf32, #tpu.memory_space<vmem>>) offsets(%dma_start3A_57 : memref<128xi32, #tpu.memory_space<vmem>>) semaphore(%arg11 : memref<!tpu.dma_semaphore, #tpu.memory_space<semaphore_mem>>)
      %dma_wait3A = arith.constant 0 : i32
      %dma_wait3A_61 = arith.constant 0 : i32
      %dma_wait3A_62 = arith.constant 0 : i32
      %dma_wait3A_63 = tpu.memref_slice %arg9[%dma_wait3A, %dma_wait3A_61, %dma_wait3A_62] : memref<2x128x128xf32, #tpu.memory_space<vmem>> -> memref<1x128x128xf32, #tpu.memory_space<vmem>>
      %dma_wait3A_64 = tpu.memref_squeeze %dma_wait3A_63 : memref<1x128x128xf32, #tpu.memory_space<vmem>> -> memref<128x128xf32, #tpu.memory_space<vmem>>
      %dma_wait3A_65 = arith.constant 0 : i32
      %dma_wait3A_66 = arith.constant 0 : i32
      %dma_wait3A_67 = tpu.memref_slice %arg2[%dma_wait3A_65, %dma_wait3A_66] : memref<10240x128xf32, #tpu.memory_space<hbm>> -> memref<128x128xf32, #tpu.memory_space<hbm>>
      %dma_wait3A_68 = arith.constant 0 : i32
      %dma_wait3A_69 = arith.constant 0 : i32
      %dma_wait3A_70 = tpu.memref_slice %arg9[%dma_wait3A, %dma_wait3A_68, %dma_wait3A_69] : memref<2x128x128xf32, #tpu.memory_space<vmem>> -> memref<1x128x128xf32, #tpu.memory_space<vmem>>
      %dma_wait3A_71 = tpu.memref_squeeze %dma_wait3A_70 : memref<1x128x128xf32, #tpu.memory_space<vmem>> -> memref<128x128xf32, #tpu.memory_space<vmem>>
      %dma_wait3A_72 = arith.constant 0 : i32
      %dma_wait3A_73 = arith.constant 0 : i32
      %dma_wait3A_74 = tpu.memref_slice %arg2[%dma_wait3A_72, %dma_wait3A_73] : memref<10240x128xf32, #tpu.memory_space<hbm>> -> memref<128x128xf32, #tpu.memory_space<hbm>>
      tpu.wait_dma2 semaphore(%arg10 : memref<!tpu.dma_semaphore, #tpu.memory_space<semaphore_mem>>) src(%dma_wait3A_74 : memref<128x128xf32, #tpu.memory_space<hbm>>) dst(%dma_wait3A_71 : memref<128x128xf32, #tpu.memory_space<vmem>>)
      %run_scoped3A = arith.constant 0 : i32
      %run_scoped3A_75 = arith.constant 14 : i32
      "tpu.region"() ({
        %run_scoped3A_93 = tpu.sem_alloc : memref<!tpu.dma_semaphore, #tpu.memory_space<semaphore_mem>>
        %dma_start3A_94 = arith.constant 0 : i32
        %dma_start3A_95 = arith.constant 0 : i32
        %dma_start3A_96 = tpu.memref_slice %arg9[%run_scoped3A, %dma_start3A_94, %dma_start3A_95] : memref<2x128x128xf32, #tpu.memory_space<vmem>> -> memref<1x128x128xf32, #tpu.memory_space<vmem>>
        %dma_start3A_97 = tpu.memref_squeeze %dma_start3A_96 : memref<1x128x128xf32, #tpu.memory_space<vmem>> -> memref<128x128xf32, #tpu.memory_space<vmem>>
        %dma_start3A_98 = arith.constant 0 : i32
        %dma_start3A_99 = tpu.memref_slice %arg8[%run_scoped3A_75, %dma_start3A_98] : memref<16x128xi32, #tpu.memory_space<vmem>> -> memref<1x128xi32, #tpu.memory_space<vmem>>
        %dma_start3A_100 = tpu.memref_squeeze %dma_start3A_99 : memref<1x128xi32, #tpu.memory_space<vmem>> -> memref<128xi32, #tpu.memory_space<vmem>>
        %dma_start3A_101 = arith.constant 0 : i32
        %dma_start3A_102 = arith.constant 0 : i32
        %dma_start3A_103 = tpu.memref_slice %arg6[%dma_start3A_101, %dma_start3A_102] : memref<10240x128xf32, #tpu.memory_space<vmem_shared>> -> memref<10240x128xf32, #tpu.memory_space<vmem_shared>>
        tpu.enqueue_indirect_dma source(%dma_start3A_97 : memref<128x128xf32, #tpu.memory_space<vmem>>) target(%dma_start3A_103 : memref<10240x128xf32, #tpu.memory_space<vmem_shared>>) offsets(%dma_start3A_100 : memref<128xi32, #tpu.memory_space<vmem>>) semaphore(%run_scoped3A_93 : memref<!tpu.dma_semaphore, #tpu.memory_space<semaphore_mem>>) {add = true}
        %dma_wait3A_104 = arith.constant 0 : i32
        %dma_wait3A_105 = arith.constant 0 : i32
        %dma_wait3A_106 = tpu.memref_slice %arg9[%run_scoped3A, %dma_wait3A_104, %dma_wait3A_105] : memref<2x128x128xf32, #tpu.memory_space<vmem>> -> memref<1x128x128xf32, #tpu.memory_space<vmem>>
        %dma_wait3A_107 = tpu.memref_squeeze %dma_wait3A_106 : memref<1x128x128xf32, #tpu.memory_space<vmem>> -> memref<128x128xf32, #tpu.memory_space<vmem>>
        %dma_wait3A_108 = arith.constant 0 : i32
        %dma_wait3A_109 = tpu.memref_slice %arg8[%run_scoped3A_75, %dma_wait3A_108] : memref<16x128xi32, #tpu.memory_space<vmem>> -> memref<1x128xi32, #tpu.memory_space<vmem>>
        %dma_wait3A_110 = tpu.memref_squeeze %dma_wait3A_109 : memref<1x128xi32, #tpu.memory_space<vmem>> -> memref<128xi32, #tpu.memory_space<vmem>>
        %dma_wait3A_111 = arith.constant 0 : i32
        %dma_wait3A_112 = arith.constant 0 : i32
        %dma_wait3A_113 = tpu.memref_slice %arg6[%dma_wait3A_111, %dma_wait3A_112] : memref<10240x128xf32, #tpu.memory_space<vmem_shared>> -> memref<10240x128xf32, #tpu.memory_space<vmem_shared>>
        tpu.wait_indirect_dma semaphore(%run_scoped3A_93 : memref<!tpu.dma_semaphore, #tpu.memory_space<semaphore_mem>>) src(%dma_wait3A_107 : memref<128x128xf32, #tpu.memory_space<vmem>>) dst(%dma_wait3A_113 : memref<10240x128xf32, #tpu.memory_space<vmem_shared>>)
        tpu.yield
      }) : () -> ()
      %dma_wait3A_76 = arith.constant 1 : i32
      %dma_wait3A_77 = arith.constant 0 : i32
      %dma_wait3A_78 = arith.constant 0 : i32
      %dma_wait3A_79 = tpu.memref_slice %arg9[%dma_wait3A_76, %dma_wait3A_77, %dma_wait3A_78] : memref<2x128x128xf32, #tpu.memory_space<vmem>> -> memref<1x128x128xf32, #tpu.memory_space<vmem>>
      %dma_wait3A_80 = tpu.memref_squeeze %dma_wait3A_79 : memref<1x128x128xf32, #tpu.memory_space<vmem>> -> memref<128x128xf32, #tpu.memory_space<vmem>>
      %dma_wait3A_81 = arith.constant 0 : i32
      %dma_wait3A_82 = arith.constant 0 : i32
      %dma_wait3A_83 = tpu.memref_slice %arg2[%dma_wait3A_81, %dma_wait3A_82] : memref<10240x128xf32, #tpu.memory_space<hbm>> -> memref<128x128xf32, #tpu.memory_space<hbm>>
      %dma_wait3A_84 = arith.constant 0 : i32
      %dma_wait3A_85 = arith.constant 0 : i32
      %dma_wait3A_86 = tpu.memref_slice %arg9[%dma_wait3A_76, %dma_wait3A_84, %dma_wait3A_85] : memref<2x128x128xf32, #tpu.memory_space<vmem>> -> memref<1x128x128xf32, #tpu.memory_space<vmem>>
      %dma_wait3A_87 = tpu.memref_squeeze %dma_wait3A_86 : memref<1x128x128xf32, #tpu.memory_space<vmem>> -> memref<128x128xf32, #tpu.memory_space<vmem>>
      %dma_wait3A_88 = arith.constant 0 : i32
      %dma_wait3A_89 = arith.constant 0 : i32
      %dma_wait3A_90 = tpu.memref_slice %arg2[%dma_wait3A_88, %dma_wait3A_89] : memref<10240x128xf32, #tpu.memory_space<hbm>> -> memref<128x128xf32, #tpu.memory_space<hbm>>
      tpu.wait_dma2 semaphore(%arg11 : memref<!tpu.dma_semaphore, #tpu.memory_space<semaphore_mem>>) src(%dma_wait3A_90 : memref<128x128xf32, #tpu.memory_space<hbm>>) dst(%dma_wait3A_87 : memref<128x128xf32, #tpu.memory_space<vmem>>)
      %run_scoped3A_91 = arith.constant 1 : i32
      %run_scoped3A_92 = arith.constant 15 : i32
      "tpu.region"() ({
        %run_scoped3A_93 = tpu.sem_alloc : memref<!tpu.dma_semaphore, #tpu.memory_space<semaphore_mem>>
        %dma_start3A_94 = arith.constant 0 : i32
        %dma_start3A_95 = arith.constant 0 : i32
        %dma_start3A_96 = tpu.memref_slice %arg9[%run_scoped3A_91, %dma_start3A_94, %dma_start3A_95] : memref<2x128x128xf32, #tpu.memory_space<vmem>> -> memref<1x128x128xf32, #tpu.memory_space<vmem>>
        %dma_start3A_97 = tpu.memref_squeeze %dma_start3A_96 : memref<1x128x128xf32, #tpu.memory_space<vmem>> -> memref<128x128xf32, #tpu.memory_space<vmem>>
        %dma_start3A_98 = arith.constant 0 : i32
        %dma_start3A_99 = tpu.memref_slice %arg8[%run_scoped3A_92, %dma_start3A_98] : memref<16x128xi32, #tpu.memory_space<vmem>> -> memref<1x128xi32, #tpu.memory_space<vmem>>
        %dma_start3A_100 = tpu.memref_squeeze %dma_start3A_99 : memref<1x128xi32, #tpu.memory_space<vmem>> -> memref<128xi32, #tpu.memory_space<vmem>>
        %dma_start3A_101 = arith.constant 0 : i32
        %dma_start3A_102 = arith.constant 0 : i32
        %dma_start3A_103 = tpu.memref_slice %arg6[%dma_start3A_101, %dma_start3A_102] : memref<10240x128xf32, #tpu.memory_space<vmem_shared>> -> memref<10240x128xf32, #tpu.memory_space<vmem_shared>>
        tpu.enqueue_indirect_dma source(%dma_start3A_97 : memref<128x128xf32, #tpu.memory_space<vmem>>) target(%dma_start3A_103 : memref<10240x128xf32, #tpu.memory_space<vmem_shared>>) offsets(%dma_start3A_100 : memref<128xi32, #tpu.memory_space<vmem>>) semaphore(%run_scoped3A_93 : memref<!tpu.dma_semaphore, #tpu.memory_space<semaphore_mem>>) {add = true}
        %dma_wait3A_104 = arith.constant 0 : i32
        %dma_wait3A_105 = arith.constant 0 : i32
        %dma_wait3A_106 = tpu.memref_slice %arg9[%run_scoped3A_91, %dma_wait3A_104, %dma_wait3A_105] : memref<2x128x128xf32, #tpu.memory_space<vmem>> -> memref<1x128x128xf32, #tpu.memory_space<vmem>>
        %dma_wait3A_107 = tpu.memref_squeeze %dma_wait3A_106 : memref<1x128x128xf32, #tpu.memory_space<vmem>> -> memref<128x128xf32, #tpu.memory_space<vmem>>
        %dma_wait3A_108 = arith.constant 0 : i32
        %dma_wait3A_109 = tpu.memref_slice %arg8[%run_scoped3A_92, %dma_wait3A_108] : memref<16x128xi32, #tpu.memory_space<vmem>> -> memref<1x128xi32, #tpu.memory_space<vmem>>
        %dma_wait3A_110 = tpu.memref_squeeze %dma_wait3A_109 : memref<1x128xi32, #tpu.memory_space<vmem>> -> memref<128xi32, #tpu.memory_space<vmem>>
        %dma_wait3A_111 = arith.constant 0 : i32
        %dma_wait3A_112 = arith.constant 0 : i32
        %dma_wait3A_113 = tpu.memref_slice %arg6[%dma_wait3A_111, %dma_wait3A_112] : memref<10240x128xf32, #tpu.memory_space<vmem_shared>> -> memref<10240x128xf32, #tpu.memory_space<vmem_shared>>
        tpu.wait_indirect_dma semaphore(%run_scoped3A_93 : memref<!tpu.dma_semaphore, #tpu.memory_space<semaphore_mem>>) src(%dma_wait3A_107 : memref<128x128xf32, #tpu.memory_space<vmem>>) dst(%dma_wait3A_113 : memref<10240x128xf32, #tpu.memory_space<vmem_shared>>)
        tpu.yield
      }) : () -> ()
    }
    %scan3A_16 = arith.constant 5 : i32
    %barrier3A_17 = arith.constant 0 : index
    tpu.barrier barrier_id(%barrier3A_17)
    %mul3A_18 = arith.constant 640 : i32
    %mul3A_19 = arith.muli %arg1, %mul3A_18 : i32
    %mul3A_20 = arith.constant 640 : i32
    %mul3A_21 = arith.muli %arg1, %mul3A_20 : i32
    "tpu.region"() ({
      %run_scoped3A = tpu.sem_alloc : memref<!tpu.dma_semaphore, #tpu.memory_space<semaphore_mem>>
      %dma_start3A = arith.constant 0 : i32
      %dma_start3A_22 = tpu.memref_slice %arg5[%arg0, %mul3A_21, %dma_start3A] : memref<2x10240x128xf32, #tpu.memory_space<hbm>> -> memref<1x640x128xf32, #tpu.memory_space<hbm>>
      %dma_start3A_23 = tpu.memref_squeeze %dma_start3A_22 : memref<1x640x128xf32, #tpu.memory_space<hbm>> -> memref<640x128xf32, #tpu.memory_space<hbm>>
      %dma_start3A_24 = arith.constant 0 : i32
      %dma_start3A_25 = tpu.memref_slice %arg6[%mul3A_19, %dma_start3A_24] : memref<10240x128xf32, #tpu.memory_space<vmem_shared>> -> memref<640x128xf32, #tpu.memory_space<vmem_shared>>
      tpu.enqueue_dma source(%dma_start3A_25 : memref<640x128xf32, #tpu.memory_space<vmem_shared>>) target(%dma_start3A_23 : memref<640x128xf32, #tpu.memory_space<hbm>>) target_semaphore(%run_scoped3A : memref<!tpu.dma_semaphore, #tpu.memory_space<semaphore_mem>>)
      %dma_wait3A = arith.constant 0 : i32
      %dma_wait3A_26 = tpu.memref_slice %arg5[%arg0, %mul3A_21, %dma_wait3A] : memref<2x10240x128xf32, #tpu.memory_space<hbm>> -> memref<1x640x128xf32, #tpu.memory_space<hbm>>
      %dma_wait3A_27 = tpu.memref_squeeze %dma_wait3A_26 : memref<1x640x128xf32, #tpu.memory_space<hbm>> -> memref<640x128xf32, #tpu.memory_space<hbm>>
      %dma_wait3A_28 = arith.constant 0 : i32
      %dma_wait3A_29 = tpu.memref_slice %arg6[%mul3A_19, %dma_wait3A_28] : memref<10240x128xf32, #tpu.memory_space<vmem_shared>> -> memref<640x128xf32, #tpu.memory_space<vmem_shared>>
      tpu.wait_dma2 semaphore(%run_scoped3A : memref<!tpu.dma_semaphore, #tpu.memory_space<semaphore_mem>>) src(%dma_wait3A_29 : memref<640x128xf32, #tpu.memory_space<vmem_shared>>) dst(%dma_wait3A_27 : memref<640x128xf32, #tpu.memory_space<hbm>>)
      tpu.yield
    }) : () -> ()
    return
  }
}

#map = affine_map<(d0, d1) -> (0, 0)>
#map1 = affine_map<(d0, d1) -> (0, 0, 0)>
module attributes {stable_mosaic.version = 14 : i64} {
  func.func @k(%arg0: i32, %arg1: i32, %arg2: memref<10240x128xf32, #tpu.memory_space<hbm>>, %arg3: memref<2560x128xi32, #tpu.memory_space<hbm>>, %arg4: memref<2560x128xi32, #tpu.memory_space<hbm>>, %arg5: memref<2x10240x128xf32, #tpu.memory_space<hbm>>, %arg6: memref<10240x128xf32, #tpu.memory_space<vmem_shared>>, %arg7: memref<16x128xi32, #tpu.memory_space<vmem>>, %arg8: memref<16x128xi32, #tpu.memory_space<vmem>>, %arg9: memref<2x128x128xf32, #tpu.memory_space<vmem>>, %arg10: memref<!tpu.dma_semaphore, #tpu.memory_space<semaphore_mem>>, %arg11: memref<!tpu.dma_semaphore, #tpu.memory_space<semaphore_mem>>) attributes {dimension_semantics = [#tpu.dimension_semantics<core_parallel>, #tpu.dimension_semantics<subcore_parallel>], iteration_bounds = array<i64: 2, 16>, scalar_prefetch = 0 : i64, scratch_operands = 6 : i64, tpu.core_type = #tpu.core_type<sc_vector_subcore>, window_params = [{transform_indices = #map}, {transform_indices = #map}, {transform_indices = #map}, {transform_indices = #map1}]} {
    %mul3A = arith.constant 16 : i32
    %mul3A_0 = arith.muli %arg0, %mul3A : i32
    %add3A = arith.addi %mul3A_0, %arg1 : i32
    %mul3A_1 = arith.constant 80 : i32
    %mul3A_2 = arith.muli %add3A, %mul3A_1 : i32
    %scan3A = arith.constant 0 : i32
    %scan3A_3 = arith.constant 128 : i32
    %scan3A_4 = arith.addi %scan3A, %scan3A_3 : i32
    %scan3A_5 = arith.constant 1 : i32
    scf.for %scan3A_22 = %scan3A to %scan3A_4 step %scan3A_5  : i32 {
      %mul3A_23 = arith.constant 1 : i32
      %mul3A_24 = arith.muli %scan3A_22, %mul3A_23 : i32
      %add3A_25 = arith.constant 0 : i32
      %add3A_26 = arith.addi %add3A_25, %mul3A_24 : i32
      %broadcast_in_dim3A = arith.constant 0.000000e+00 : f32
      %broadcast_in_dim3A_27 = vector.broadcast %broadcast_in_dim3A : f32 to vector<16xf32>
      %swap3A = arith.constant 0 : i32
      %swap3A_28 = arith.index_cast %swap3A : i32 to index
      %swap3A_29 = arith.index_cast %add3A_26 : i32 to index
      %swap3A_30 = arith.constant 0 : index
      %swap3A_31 = tpu.vector_load %arg9[%swap3A_28, %swap3A_29, %swap3A_30] {strides = array<i32>} : memref<2x128x128xf32, #tpu.memory_space<vmem>>, vector<1x1x16xf32>,
      %swap3A_32 = vector.shape_cast %swap3A_31 : vector<1x1x16xf32> to vector<16xf32>
      %swap3A_33 = vector.shape_cast %broadcast_in_dim3A_27 : vector<16xf32> to vector<1x1x16xf32>
      tpu.vector_store %arg9[%swap3A_28, %swap3A_29, %swap3A_30], %swap3A_33 {strides = array<i32>} : memref<2x128x128xf32, #tpu.memory_space<vmem>>, vector<1x1x16xf32>,
      %broadcast_in_dim3A_34 = arith.constant 0.000000e+00 : f32
      %broadcast_in_dim3A_35 = vector.broadcast %broadcast_in_dim3A_34 : f32 to vector<16xf32>
      %swap3A_36 = arith.constant 0 : i32
      %swap3A_37 = arith.index_cast %swap3A_36 : i32 to index
      %swap3A_38 = arith.index_cast %add3A_26 : i32 to index
      %swap3A_39 = arith.constant 16 : index
      %swap3A_40 = tpu.vector_load %arg9[%swap3A_37, %swap3A_38, %swap3A_39] {strides = array<i32>} : memref<2x128x128xf32, #tpu.memory_space<vmem>>, vector<1x1x16xf32>,
      %swap3A_41 = vector.shape_cast %swap3A_40 : vector<1x1x16xf32> to vector<16xf32>
      %swap3A_42 = vector.shape_cast %broadcast_in_dim3A_35 : vector<16xf32> to vector<1x1x16xf32>
      tpu.vector_store %arg9[%swap3A_37, %swap3A_38, %swap3A_39], %swap3A_42 {strides = array<i32>} : memref<2x128x128xf32, #tpu.memory_space<vmem>>, vector<1x1x16xf32>,
      %broadcast_in_dim3A_43 = arith.constant 0.000000e+00 : f32
      %broadcast_in_dim3A_44 = vector.broadcast %broadcast_in_dim3A_43 : f32 to vector<16xf32>
      %swap3A_45 = arith.constant 0 : i32
      %swap3A_46 = arith.index_cast %swap3A_45 : i32 to index
      %swap3A_47 = arith.index_cast %add3A_26 : i32 to index
      %swap3A_48 = arith.constant 32 : index
      %swap3A_49 = tpu.vector_load %arg9[%swap3A_46, %swap3A_47, %swap3A_48] {strides = array<i32>} : memref<2x128x128xf32, #tpu.memory_space<vmem>>, vector<1x1x16xf32>,
      %swap3A_50 = vector.shape_cast %swap3A_49 : vector<1x1x16xf32> to vector<16xf32>
      %swap3A_51 = vector.shape_cast %broadcast_in_dim3A_44 : vector<16xf32> to vector<1x1x16xf32>
      tpu.vector_store %arg9[%swap3A_46, %swap3A_47, %swap3A_48], %swap3A_51 {strides = array<i32>} : memref<2x128x128xf32, #tpu.memory_space<vmem>>, vector<1x1x16xf32>,
      %broadcast_in_dim3A_52 = arith.constant 0.000000e+00 : f32
      %broadcast_in_dim3A_53 = vector.broadcast %broadcast_in_dim3A_52 : f32 to vector<16xf32>
      %swap3A_54 = arith.constant 0 : i32
      %swap3A_55 = arith.index_cast %swap3A_54 : i32 to index
      %swap3A_56 = arith.index_cast %add3A_26 : i32 to index
      %swap3A_57 = arith.constant 48 : index
      %swap3A_58 = tpu.vector_load %arg9[%swap3A_55, %swap3A_56, %swap3A_57] {strides = array<i32>} : memref<2x128x128xf32, #tpu.memory_space<vmem>>, vector<1x1x16xf32>,
      %swap3A_59 = vector.shape_cast %swap3A_58 : vector<1x1x16xf32> to vector<16xf32>
      %swap3A_60 = vector.shape_cast %broadcast_in_dim3A_53 : vector<16xf32> to vector<1x1x16xf32>
      tpu.vector_store %arg9[%swap3A_55, %swap3A_56, %swap3A_57], %swap3A_60 {strides = array<i32>} : memref<2x128x128xf32, #tpu.memory_space<vmem>>, vector<1x1x16xf32>,
      %broadcast_in_dim3A_61 = arith.constant 0.000000e+00 : f32
      %broadcast_in_dim3A_62 = vector.broadcast %broadcast_in_dim3A_61 : f32 to vector<16xf32>
      %swap3A_63 = arith.constant 0 : i32
      %swap3A_64 = arith.index_cast %swap3A_63 : i32 to index
      %swap3A_65 = arith.index_cast %add3A_26 : i32 to index
      %swap3A_66 = arith.constant 64 : index
      %swap3A_67 = tpu.vector_load %arg9[%swap3A_64, %swap3A_65, %swap3A_66] {strides = array<i32>} : memref<2x128x128xf32, #tpu.memory_space<vmem>>, vector<1x1x16xf32>,
      %swap3A_68 = vector.shape_cast %swap3A_67 : vector<1x1x16xf32> to vector<16xf32>
      %swap3A_69 = vector.shape_cast %broadcast_in_dim3A_62 : vector<16xf32> to vector<1x1x16xf32>
      tpu.vector_store %arg9[%swap3A_64, %swap3A_65, %swap3A_66], %swap3A_69 {strides = array<i32>} : memref<2x128x128xf32, #tpu.memory_space<vmem>>, vector<1x1x16xf32>,
      %broadcast_in_dim3A_70 = arith.constant 0.000000e+00 : f32
      %broadcast_in_dim3A_71 = vector.broadcast %broadcast_in_dim3A_70 : f32 to vector<16xf32>
      %swap3A_72 = arith.constant 0 : i32
      %swap3A_73 = arith.index_cast %swap3A_72 : i32 to index
      %swap3A_74 = arith.index_cast %add3A_26 : i32 to index
      %swap3A_75 = arith.constant 80 : index
      %swap3A_76 = tpu.vector_load %arg9[%swap3A_73, %swap3A_74, %swap3A_75] {strides = array<i32>} : memref<2x128x128xf32, #tpu.memory_space<vmem>>, vector<1x1x16xf32>,
      %swap3A_77 = vector.shape_cast %swap3A_76 : vector<1x1x16xf32> to vector<16xf32>
      %swap3A_78 = vector.shape_cast %broadcast_in_dim3A_71 : vector<16xf32> to vector<1x1x16xf32>
      tpu.vector_store %arg9[%swap3A_73, %swap3A_74, %swap3A_75], %swap3A_78 {strides = array<i32>} : memref<2x128x128xf32, #tpu.memory_space<vmem>>, vector<1x1x16xf32>,
      %broadcast_in_dim3A_79 = arith.constant 0.000000e+00 : f32
      %broadcast_in_dim3A_80 = vector.broadcast %broadcast_in_dim3A_79 : f32 to vector<16xf32>
      %swap3A_81 = arith.constant 0 : i32
      %swap3A_82 = arith.index_cast %swap3A_81 : i32 to index
      %swap3A_83 = arith.index_cast %add3A_26 : i32 to index
      %swap3A_84 = arith.constant 96 : index
      %swap3A_85 = tpu.vector_load %arg9[%swap3A_82, %swap3A_83, %swap3A_84] {strides = array<i32>} : memref<2x128x128xf32, #tpu.memory_space<vmem>>, vector<1x1x16xf32>,
      %swap3A_86 = vector.shape_cast %swap3A_85 : vector<1x1x16xf32> to vector<16xf32>
      %swap3A_87 = vector.shape_cast %broadcast_in_dim3A_80 : vector<16xf32> to vector<1x1x16xf32>
      tpu.vector_store %arg9[%swap3A_82, %swap3A_83, %swap3A_84], %swap3A_87 {strides = array<i32>} : memref<2x128x128xf32, #tpu.memory_space<vmem>>, vector<1x1x16xf32>,
      %broadcast_in_dim3A_88 = arith.constant 0.000000e+00 : f32
      %broadcast_in_dim3A_89 = vector.broadcast %broadcast_in_dim3A_88 : f32 to vector<16xf32>
      %swap3A_90 = arith.constant 0 : i32
      %swap3A_91 = arith.index_cast %swap3A_90 : i32 to index
      %swap3A_92 = arith.index_cast %add3A_26 : i32 to index
      %swap3A_93 = arith.constant 112 : index
      %swap3A_94 = tpu.vector_load %arg9[%swap3A_91, %swap3A_92, %swap3A_93] {strides = array<i32>} : memref<2x128x128xf32, #tpu.memory_space<vmem>>, vector<1x1x16xf32>,
      %swap3A_95 = vector.shape_cast %swap3A_94 : vector<1x1x16xf32> to vector<16xf32>
      %swap3A_96 = vector.shape_cast %broadcast_in_dim3A_89 : vector<16xf32> to vector<1x1x16xf32>
      tpu.vector_store %arg9[%swap3A_91, %swap3A_92, %swap3A_93], %swap3A_96 {strides = array<i32>} : memref<2x128x128xf32, #tpu.memory_space<vmem>>, vector<1x1x16xf32>,
    }
    %scan3A_6 = arith.constant 128 : i32
    %scan3A_7 = arith.constant 0 : i32
    %scan3A_8 = arith.constant 5 : i32
    %scan3A_9 = arith.addi %scan3A_7, %scan3A_8 : i32
    %scan3A_10 = arith.constant 1 : i32
    scf.for %scan3A_22 = %scan3A_7 to %scan3A_9 step %scan3A_10  : i32 {
      %mul3A_23 = arith.constant 1 : i32
      %mul3A_24 = arith.muli %scan3A_22, %mul3A_23 : i32
      %add3A_25 = arith.constant 0 : i32
      %add3A_26 = arith.addi %add3A_25, %mul3A_24 : i32
      %mul3A_27 = arith.constant 640 : i32
      %mul3A_28 = arith.muli %arg1, %mul3A_27 : i32
      %mul3A_29 = arith.constant 128 : i32
      %mul3A_30 = arith.muli %add3A_26, %mul3A_29 : i32
      %add3A_31 = arith.addi %mul3A_28, %mul3A_30 : i32
      %run_scoped3A = arith.constant 0 : i32
      "tpu.region"() ({
        %run_scoped3A_32 = tpu.sem_alloc : memref<!tpu.dma_semaphore, #tpu.memory_space<semaphore_mem>>
        %dma_start3A = arith.constant 0 : i32
        %dma_start3A_33 = arith.constant 0 : i32
        %dma_start3A_34 = tpu.memref_slice %arg9[%run_scoped3A, %dma_start3A, %dma_start3A_33] : memref<2x128x128xf32, #tpu.memory_space<vmem>> -> memref<1x128x128xf32, #tpu.memory_space<vmem>>
        %dma_start3A_35 = tpu.memref_squeeze %dma_start3A_34 : memref<1x128x128xf32, #tpu.memory_space<vmem>> -> memref<128x128xf32, #tpu.memory_space<vmem>>
        %dma_start3A_36 = arith.constant 0 : i32
        %dma_start3A_37 = tpu.memref_slice %arg6[%add3A_31, %dma_start3A_36] : memref<10240x128xf32, #tpu.memory_space<vmem_shared>> -> memref<128x128xf32, #tpu.memory_space<vmem_shared>>
        %dma_start3A_38 = arith.constant 0 : i32
        %dma_start3A_39 = tpu.memref_slice %arg6[%add3A_31, %dma_start3A_38] : memref<10240x128xf32, #tpu.memory_space<vmem_shared>> -> memref<128x128xf32, #tpu.memory_space<vmem_shared>>
        %dma_start3A_40 = arith.constant 0 : i32
        %dma_start3A_41 = arith.constant 0 : i32
        %dma_start3A_42 = tpu.memref_slice %arg9[%run_scoped3A, %dma_start3A_40, %dma_start3A_41] : memref<2x128x128xf32, #tpu.memory_space<vmem>> -> memref<1x128x128xf32, #tpu.memory_space<vmem>>
        %dma_start3A_43 = tpu.memref_squeeze %dma_start3A_42 : memref<1x128x128xf32, #tpu.memory_space<vmem>> -> memref<128x128xf32, #tpu.memory_space<vmem>>
        tpu.enqueue_dma source(%dma_start3A_43 : memref<128x128xf32, #tpu.memory_space<vmem>>) target(%dma_start3A_39 : memref<128x128xf32, #tpu.memory_space<vmem_shared>>) target_semaphore(%run_scoped3A_32 : memref<!tpu.dma_semaphore, #tpu.memory_space<semaphore_mem>>)
        %dma_wait3A = arith.constant 0 : i32
        %dma_wait3A_44 = arith.constant 0 : i32
        %dma_wait3A_45 = tpu.memref_slice %arg9[%run_scoped3A, %dma_wait3A, %dma_wait3A_44] : memref<2x128x128xf32, #tpu.memory_space<vmem>> -> memref<1x128x128xf32, #tpu.memory_space<vmem>>
        %dma_wait3A_46 = tpu.memref_squeeze %dma_wait3A_45 : memref<1x128x128xf32, #tpu.memory_space<vmem>> -> memref<128x128xf32, #tpu.memory_space<vmem>>
        %dma_wait3A_47 = arith.constant 0 : i32
        %dma_wait3A_48 = tpu.memref_slice %arg6[%add3A_31, %dma_wait3A_47] : memref<10240x128xf32, #tpu.memory_space<vmem_shared>> -> memref<128x128xf32, #tpu.memory_space<vmem_shared>>
        %dma_wait3A_49 = arith.constant 0 : i32
        %dma_wait3A_50 = tpu.memref_slice %arg6[%add3A_31, %dma_wait3A_49] : memref<10240x128xf32, #tpu.memory_space<vmem_shared>> -> memref<128x128xf32, #tpu.memory_space<vmem_shared>>
        %dma_wait3A_51 = arith.constant 0 : i32
        %dma_wait3A_52 = arith.constant 0 : i32
        %dma_wait3A_53 = tpu.memref_slice %arg9[%run_scoped3A, %dma_wait3A_51, %dma_wait3A_52] : memref<2x128x128xf32, #tpu.memory_space<vmem>> -> memref<1x128x128xf32, #tpu.memory_space<vmem>>
        %dma_wait3A_54 = tpu.memref_squeeze %dma_wait3A_53 : memref<1x128x128xf32, #tpu.memory_space<vmem>> -> memref<128x128xf32, #tpu.memory_space<vmem>>
        tpu.wait_dma2 semaphore(%run_scoped3A_32 : memref<!tpu.dma_semaphore, #tpu.memory_space<semaphore_mem>>) src(%dma_wait3A_54 : memref<128x128xf32, #tpu.memory_space<vmem>>) dst(%dma_wait3A_50 : memref<128x128xf32, #tpu.memory_space<vmem_shared>>)
        tpu.yield
      }) : () -> ()
    }
    %scan3A_11 = arith.constant 5 : i32
    %barrier3A = arith.constant 0 : index
    tpu.barrier barrier_id(%barrier3A)
    %scan3A_12 = arith.constant 0 : i32
    %scan3A_13 = arith.constant 5 : i32
    %scan3A_14 = arith.addi %scan3A_12, %scan3A_13 : i32
    %scan3A_15 = arith.constant 1 : i32
    scf.for %scan3A_22 = %scan3A_12 to %scan3A_14 step %scan3A_15  : i32 {
      %mul3A_23 = arith.constant 1 : i32
      %mul3A_24 = arith.muli %scan3A_22, %mul3A_23 : i32
      %add3A_25 = arith.constant 0 : i32
      %add3A_26 = arith.addi %add3A_25, %mul3A_24 : i32
      %mul3A_27 = arith.constant 16 : i32
      %mul3A_28 = arith.muli %add3A_26, %mul3A_27 : i32
      %add3A_29 = arith.addi %mul3A_2, %mul3A_28 : i32
      "tpu.region"() ({
        %run_scoped3A_93 = tpu.sem_alloc : memref<!tpu.dma_semaphore, #tpu.memory_space<semaphore_mem>>
        %dma_start3A_94 = arith.constant 0 : i32
        %dma_start3A_95 = tpu.memref_slice %arg3[%add3A_29, %dma_start3A_94] : memref<2560x128xi32, #tpu.memory_space<hbm>> -> memref<16x128xi32, #tpu.memory_space<hbm>>
        %dma_start3A_96 = arith.constant 0 : i32
        %dma_start3A_97 = tpu.memref_slice %arg3[%add3A_29, %dma_start3A_96] : memref<2560x128xi32, #tpu.memory_space<hbm>> -> memref<16x128xi32, #tpu.memory_space<hbm>>
        tpu.enqueue_dma source(%dma_start3A_97 : memref<16x128xi32, #tpu.memory_space<hbm>>) target(%arg7 : memref<16x128xi32, #tpu.memory_space<vmem>>) target_semaphore(%run_scoped3A_93 : memref<!tpu.dma_semaphore, #tpu.memory_space<semaphore_mem>>)
        %dma_wait3A_98 = arith.constant 0 : i32
        %dma_wait3A_99 = tpu.memref_slice %arg3[%add3A_29, %dma_wait3A_98] : memref<2560x128xi32, #tpu.memory_space<hbm>> -> memref<16x128xi32, #tpu.memory_space<hbm>>
        %dma_wait3A_100 = arith.constant 0 : i32
        %dma_wait3A_101 = tpu.memref_slice %arg3[%add3A_29, %dma_wait3A_100] : memref<2560x128xi32, #tpu.memory_space<hbm>> -> memref<16x128xi32, #tpu.memory_space<hbm>>
        tpu.wait_dma2 semaphore(%run_scoped3A_93 : memref<!tpu.dma_semaphore, #tpu.memory_space<semaphore_mem>>) src(%dma_wait3A_101 : memref<16x128xi32, #tpu.memory_space<hbm>>) dst(%arg7 : memref<16x128xi32, #tpu.memory_space<vmem>>)
        tpu.yield
      }) : () -> ()
      %mul3A_30 = arith.constant 16 : i32
      %mul3A_31 = arith.muli %add3A_26, %mul3A_30 : i32
      %add3A_32 = arith.addi %mul3A_2, %mul3A_31 : i32
      "tpu.region"() ({
        %run_scoped3A_93 = tpu.sem_alloc : memref<!tpu.dma_semaphore, #tpu.memory_space<semaphore_mem>>
        %dma_start3A_94 = arith.constant 0 : i32
        %dma_start3A_95 = tpu.memref_slice %arg4[%add3A_32, %dma_start3A_94] : memref<2560x128xi32, #tpu.memory_space<hbm>> -> memref<16x128xi32, #tpu.memory_space<hbm>>
        %dma_start3A_96 = arith.constant 0 : i32
        %dma_start3A_97 = tpu.memref_slice %arg4[%add3A_32, %dma_start3A_96] : memref<2560x128xi32, #tpu.memory_space<hbm>> -> memref<16x128xi32, #tpu.memory_space<hbm>>
        tpu.enqueue_dma source(%dma_start3A_97 : memref<16x128xi32, #tpu.memory_space<hbm>>) target(%arg8 : memref<16x128xi32, #tpu.memory_space<vmem>>) target_semaphore(%run_scoped3A_93 : memref<!tpu.dma_semaphore, #tpu.memory_space<semaphore_mem>>)
        %dma_wait3A_98 = arith.constant 0 : i32
        %dma_wait3A_99 = tpu.memref_slice %arg4[%add3A_32, %dma_wait3A_98] : memref<2560x128xi32, #tpu.memory_space<hbm>> -> memref<16x128xi32, #tpu.memory_space<hbm>>
        %dma_wait3A_100 = arith.constant 0 : i32
        %dma_wait3A_101 = tpu.memref_slice %arg4[%add3A_32, %dma_wait3A_100] : memref<2560x128xi32, #tpu.memory_space<hbm>> -> memref<16x128xi32, #tpu.memory_space<hbm>>
        tpu.wait_dma2 semaphore(%run_scoped3A_93 : memref<!tpu.dma_semaphore, #tpu.memory_space<semaphore_mem>>) src(%dma_wait3A_101 : memref<16x128xi32, #tpu.memory_space<hbm>>) dst(%arg8 : memref<16x128xi32, #tpu.memory_space<vmem>>)
        tpu.yield
      }) : () -> ()
      %dma_start3A = arith.constant 0 : i32
      %dma_start3A_33 = arith.constant 0 : i32
      %dma_start3A_34 = arith.constant 0 : i32
      %dma_start3A_35 = arith.constant 0 : i32
      %dma_start3A_36 = tpu.memref_slice %arg9[%dma_start3A_33, %dma_start3A_34, %dma_start3A_35] : memref<2x128x128xf32, #tpu.memory_space<vmem>> -> memref<1x128x128xf32, #tpu.memory_space<vmem>>
      %dma_start3A_37 = tpu.memref_squeeze %dma_start3A_36 : memref<1x128x128xf32, #tpu.memory_space<vmem>> -> memref<128x128xf32, #tpu.memory_space<vmem>>
      %dma_start3A_38 = arith.constant 0 : i32
      %dma_start3A_39 = tpu.memref_slice %arg7[%dma_start3A, %dma_start3A_38] : memref<16x128xi32, #tpu.memory_space<vmem>> -> memref<1x128xi32, #tpu.memory_space<vmem>>
      %dma_start3A_40 = tpu.memref_squeeze %dma_start3A_39 : memref<1x128xi32, #tpu.memory_space<vmem>> -> memref<128xi32, #tpu.memory_space<vmem>>
      %dma_start3A_41 = arith.constant 0 : i32
      %dma_start3A_42 = arith.constant 0 : i32
      %dma_start3A_43 = tpu.memref_slice %arg2[%dma_start3A_41, %dma_start3A_42] : memref<10240x128xf32, #tpu.memory_space<hbm>> -> memref<10240x128xf32, #tpu.memory_space<hbm>>
      tpu.enqueue_indirect_dma source(%dma_start3A_43 : memref<10240x128xf32, #tpu.memory_space<hbm>>) target(%dma_start3A_37 : memref<128x128xf32, #tpu.memory_space<vmem>>) offsets(%dma_start3A_40 : memref<128xi32, #tpu.memory_space<vmem>>) semaphore(%arg10 : memref<!tpu.dma_semaphore, #tpu.memory_space<semaphore_mem>>)
      %scan3A_44 = arith.constant 0 : i32
      %scan3A_45 = arith.constant 7 : i32
      %scan3A_46 = arith.addi %scan3A_44, %scan3A_45 : i32
      %scan3A_47 = arith.constant 1 : i32
      scf.for %scan3A_93 = %scan3A_44 to %scan3A_46 step %scan3A_47  : i32 {
        %mul3A_94 = arith.constant 2 : i32
        %mul3A_95 = arith.muli %scan3A_93, %mul3A_94 : i32
        %add3A_96 = arith.constant 0 : i32
        %add3A_97 = arith.addi %add3A_96, %mul3A_95 : i32
        %add3A_98 = arith.constant 1 : i32
        %add3A_99 = arith.addi %add3A_97, %add3A_98 : i32
        %dma_start3A_100 = arith.constant 1 : i32
        %dma_start3A_101 = arith.constant 0 : i32
        %dma_start3A_102 = arith.constant 0 : i32
        %dma_start3A_103 = tpu.memref_slice %arg9[%dma_start3A_100, %dma_start3A_101, %dma_start3A_102] : memref<2x128x128xf32, #tpu.memory_space<vmem>> -> memref<1x128x128xf32, #tpu.memory_space<vmem>>
        %dma_start3A_104 = tpu.memref_squeeze %dma_start3A_103 : memref<1x128x128xf32, #tpu.memory_space<vmem>> -> memref<128x128xf32, #tpu.memory_space<vmem>>
        %dma_start3A_105 = arith.constant 0 : i32
        %dma_start3A_106 = tpu.memref_slice %arg7[%add3A_99, %dma_start3A_105] : memref<16x128xi32, #tpu.memory_space<vmem>> -> memref<1x128xi32, #tpu.memory_space<vmem>>
        %dma_start3A_107 = tpu.memref_squeeze %dma_start3A_106 : memref<1x128xi32, #tpu.memory_space<vmem>> -> memref<128xi32, #tpu.memory_space<vmem>>
        %dma_start3A_108 = arith.constant 0 : i32
        %dma_start3A_109 = arith.constant 0 : i32
        %dma_start3A_110 = tpu.memref_slice %arg2[%dma_start3A_108, %dma_start3A_109] : memref<10240x128xf32, #tpu.memory_space<hbm>> -> memref<10240x128xf32, #tpu.memory_space<hbm>>
        tpu.enqueue_indirect_dma source(%dma_start3A_110 : memref<10240x128xf32, #tpu.memory_space<hbm>>) target(%dma_start3A_104 : memref<128x128xf32, #tpu.memory_space<vmem>>) offsets(%dma_start3A_107 : memref<128xi32, #tpu.memory_space<vmem>>) semaphore(%arg11 : memref<!tpu.dma_semaphore, #tpu.memory_space<semaphore_mem>>)
        %dma_wait3A_111 = arith.constant 0 : i32
        %dma_wait3A_112 = arith.constant 0 : i32
        %dma_wait3A_113 = arith.constant 0 : i32
        %dma_wait3A_114 = tpu.memref_slice %arg9[%dma_wait3A_111, %dma_wait3A_112, %dma_wait3A_113] : memref<2x128x128xf32, #tpu.memory_space<vmem>> -> memref<1x128x128xf32, #tpu.memory_space<vmem>>
        %dma_wait3A_115 = tpu.memref_squeeze %dma_wait3A_114 : memref<1x128x128xf32, #tpu.memory_space<vmem>> -> memref<128x128xf32, #tpu.memory_space<vmem>>
        %dma_wait3A_116 = arith.constant 0 : i32
        %dma_wait3A_117 = arith.constant 0 : i32
        %dma_wait3A_118 = tpu.memref_slice %arg2[%dma_wait3A_116, %dma_wait3A_117] : memref<10240x128xf32, #tpu.memory_space<hbm>> -> memref<128x128xf32, #tpu.memory_space<hbm>>
        %dma_wait3A_119 = arith.constant 0 : i32
        %dma_wait3A_120 = arith.constant 0 : i32
        %dma_wait3A_121 = tpu.memref_slice %arg9[%dma_wait3A_111, %dma_wait3A_119, %dma_wait3A_120] : memref<2x128x128xf32, #tpu.memory_space<vmem>> -> memref<1x128x128xf32, #tpu.memory_space<vmem>>
        %dma_wait3A_122 = tpu.memref_squeeze %dma_wait3A_121 : memref<1x128x128xf32, #tpu.memory_space<vmem>> -> memref<128x128xf32, #tpu.memory_space<vmem>>
        %dma_wait3A_123 = arith.constant 0 : i32
        %dma_wait3A_124 = arith.constant 0 : i32
        %dma_wait3A_125 = tpu.memref_slice %arg2[%dma_wait3A_123, %dma_wait3A_124] : memref<10240x128xf32, #tpu.memory_space<hbm>> -> memref<128x128xf32, #tpu.memory_space<hbm>>
        tpu.wait_dma2 semaphore(%arg10 : memref<!tpu.dma_semaphore, #tpu.memory_space<semaphore_mem>>) src(%dma_wait3A_125 : memref<128x128xf32, #tpu.memory_space<hbm>>) dst(%dma_wait3A_122 : memref<128x128xf32, #tpu.memory_space<vmem>>)
        %run_scoped3A_126 = arith.constant 0 : i32
        "tpu.region"() ({
          %run_scoped3A_158 = tpu.sem_alloc : memref<!tpu.dma_semaphore, #tpu.memory_space<semaphore_mem>>
          %dma_start3A_159 = arith.constant 0 : i32
          %dma_start3A_160 = arith.constant 0 : i32
          %dma_start3A_161 = tpu.memref_slice %arg9[%run_scoped3A_126, %dma_start3A_159, %dma_start3A_160] : memref<2x128x128xf32, #tpu.memory_space<vmem>> -> memref<1x128x128xf32, #tpu.memory_space<vmem>>
          %dma_start3A_162 = tpu.memref_squeeze %dma_start3A_161 : memref<1x128x128xf32, #tpu.memory_space<vmem>> -> memref<128x128xf32, #tpu.memory_space<vmem>>
          %dma_start3A_163 = arith.constant 0 : i32
          %dma_start3A_164 = tpu.memref_slice %arg8[%add3A_97, %dma_start3A_163] : memref<16x128xi32, #tpu.memory_space<vmem>> -> memref<1x128xi32, #tpu.memory_space<vmem>>
          %dma_start3A_165 = tpu.memref_squeeze %dma_start3A_164 : memref<1x128xi32, #tpu.memory_space<vmem>> -> memref<128xi32, #tpu.memory_space<vmem>>
          %dma_start3A_166 = arith.constant 0 : i32
          %dma_start3A_167 = arith.constant 0 : i32
          %dma_start3A_168 = tpu.memref_slice %arg6[%dma_start3A_166, %dma_start3A_167] : memref<10240x128xf32, #tpu.memory_space<vmem_shared>> -> memref<10240x128xf32, #tpu.memory_space<vmem_shared>>
          tpu.enqueue_indirect_dma source(%dma_start3A_162 : memref<128x128xf32, #tpu.memory_space<vmem>>) target(%dma_start3A_168 : memref<10240x128xf32, #tpu.memory_space<vmem_shared>>) offsets(%dma_start3A_165 : memref<128xi32, #tpu.memory_space<vmem>>) semaphore(%run_scoped3A_158 : memref<!tpu.dma_semaphore, #tpu.memory_space<semaphore_mem>>) {add = true}
          %dma_wait3A_169 = arith.constant 0 : i32
          %dma_wait3A_170 = arith.constant 0 : i32
          %dma_wait3A_171 = tpu.memref_slice %arg9[%run_scoped3A_126, %dma_wait3A_169, %dma_wait3A_170] : memref<2x128x128xf32, #tpu.memory_space<vmem>> -> memref<1x128x128xf32, #tpu.memory_space<vmem>>
          %dma_wait3A_172 = tpu.memref_squeeze %dma_wait3A_171 : memref<1x128x128xf32, #tpu.memory_space<vmem>> -> memref<128x128xf32, #tpu.memory_space<vmem>>
          %dma_wait3A_173 = arith.constant 0 : i32
          %dma_wait3A_174 = tpu.memref_slice %arg8[%add3A_97, %dma_wait3A_173] : memref<16x128xi32, #tpu.memory_space<vmem>> -> memref<1x128xi32, #tpu.memory_space<vmem>>
          %dma_wait3A_175 = tpu.memref_squeeze %dma_wait3A_174 : memref<1x128xi32, #tpu.memory_space<vmem>> -> memref<128xi32, #tpu.memory_space<vmem>>
          %dma_wait3A_176 = arith.constant 0 : i32
          %dma_wait3A_177 = arith.constant 0 : i32
          %dma_wait3A_178 = tpu.memref_slice %arg6[%dma_wait3A_176, %dma_wait3A_177] : memref<10240x128xf32, #tpu.memory_space<vmem_shared>> -> memref<10240x128xf32, #tpu.memory_space<vmem_shared>>
          tpu.wait_indirect_dma semaphore(%run_scoped3A_158 : memref<!tpu.dma_semaphore, #tpu.memory_space<semaphore_mem>>) src(%dma_wait3A_172 : memref<128x128xf32, #tpu.memory_space<vmem>>) dst(%dma_wait3A_178 : memref<10240x128xf32, #tpu.memory_space<vmem_shared>>)
          tpu.yield
        }) : () -> ()
        %add3A_127 = arith.constant 2 : i32
        %add3A_128 = arith.addi %add3A_97, %add3A_127 : i32
        %dma_start3A_129 = arith.constant 0 : i32
        %dma_start3A_130 = arith.constant 0 : i32
        %dma_start3A_131 = arith.constant 0 : i32
        %dma_start3A_132 = tpu.memref_slice %arg9[%dma_start3A_129, %dma_start3A_130, %dma_start3A_131] : memref<2x128x128xf32, #tpu.memory_space<vmem>> -> memref<1x128x128xf32, #tpu.memory_space<vmem>>
        %dma_start3A_133 = tpu.memref_squeeze %dma_start3A_132 : memref<1x128x128xf32, #tpu.memory_space<vmem>> -> memref<128x128xf32, #tpu.memory_space<vmem>>
        %dma_start3A_134 = arith.constant 0 : i32
        %dma_start3A_135 = tpu.memref_slice %arg7[%add3A_128, %dma_start3A_134] : memref<16x128xi32, #tpu.memory_space<vmem>> -> memref<1x128xi32, #tpu.memory_space<vmem>>
        %dma_start3A_136 = tpu.memref_squeeze %dma_start3A_135 : memref<1x128xi32, #tpu.memory_space<vmem>> -> memref<128xi32, #tpu.memory_space<vmem>>
        %dma_start3A_137 = arith.constant 0 : i32
        %dma_start3A_138 = arith.constant 0 : i32
        %dma_start3A_139 = tpu.memref_slice %arg2[%dma_start3A_137, %dma_start3A_138] : memref<10240x128xf32, #tpu.memory_space<hbm>> -> memref<10240x128xf32, #tpu.memory_space<hbm>>
        tpu.enqueue_indirect_dma source(%dma_start3A_139 : memref<10240x128xf32, #tpu.memory_space<hbm>>) target(%dma_start3A_133 : memref<128x128xf32, #tpu.memory_space<vmem>>) offsets(%dma_start3A_136 : memref<128xi32, #tpu.memory_space<vmem>>) semaphore(%arg10 : memref<!tpu.dma_semaphore, #tpu.memory_space<semaphore_mem>>)
        %dma_wait3A_140 = arith.constant 1 : i32
        %dma_wait3A_141 = arith.constant 0 : i32
        %dma_wait3A_142 = arith.constant 0 : i32
        %dma_wait3A_143 = tpu.memref_slice %arg9[%dma_wait3A_140, %dma_wait3A_141, %dma_wait3A_142] : memref<2x128x128xf32, #tpu.memory_space<vmem>> -> memref<1x128x128xf32, #tpu.memory_space<vmem>>
        %dma_wait3A_144 = tpu.memref_squeeze %dma_wait3A_143 : memref<1x128x128xf32, #tpu.memory_space<vmem>> -> memref<128x128xf32, #tpu.memory_space<vmem>>
        %dma_wait3A_145 = arith.constant 0 : i32
        %dma_wait3A_146 = arith.constant 0 : i32
        %dma_wait3A_147 = tpu.memref_slice %arg2[%dma_wait3A_145, %dma_wait3A_146] : memref<10240x128xf32, #tpu.memory_space<hbm>> -> memref<128x128xf32, #tpu.memory_space<hbm>>
        %dma_wait3A_148 = arith.constant 0 : i32
        %dma_wait3A_149 = arith.constant 0 : i32
        %dma_wait3A_150 = tpu.memref_slice %arg9[%dma_wait3A_140, %dma_wait3A_148, %dma_wait3A_149] : memref<2x128x128xf32, #tpu.memory_space<vmem>> -> memref<1x128x128xf32, #tpu.memory_space<vmem>>
        %dma_wait3A_151 = tpu.memref_squeeze %dma_wait3A_150 : memref<1x128x128xf32, #tpu.memory_space<vmem>> -> memref<128x128xf32, #tpu.memory_space<vmem>>
        %dma_wait3A_152 = arith.constant 0 : i32
        %dma_wait3A_153 = arith.constant 0 : i32
        %dma_wait3A_154 = tpu.memref_slice %arg2[%dma_wait3A_152, %dma_wait3A_153] : memref<10240x128xf32, #tpu.memory_space<hbm>> -> memref<128x128xf32, #tpu.memory_space<hbm>>
        tpu.wait_dma2 semaphore(%arg11 : memref<!tpu.dma_semaphore, #tpu.memory_space<semaphore_mem>>) src(%dma_wait3A_154 : memref<128x128xf32, #tpu.memory_space<hbm>>) dst(%dma_wait3A_151 : memref<128x128xf32, #tpu.memory_space<vmem>>)
        %add3A_155 = arith.constant 1 : i32
        %add3A_156 = arith.addi %add3A_97, %add3A_155 : i32
        %run_scoped3A_157 = arith.constant 1 : i32
        "tpu.region"() ({
          %run_scoped3A_158 = tpu.sem_alloc : memref<!tpu.dma_semaphore, #tpu.memory_space<semaphore_mem>>
          %dma_start3A_159 = arith.constant 0 : i32
          %dma_start3A_160 = arith.constant 0 : i32
          %dma_start3A_161 = tpu.memref_slice %arg9[%run_scoped3A_157, %dma_start3A_159, %dma_start3A_160] : memref<2x128x128xf32, #tpu.memory_space<vmem>> -> memref<1x128x128xf32, #tpu.memory_space<vmem>>
          %dma_start3A_162 = tpu.memref_squeeze %dma_start3A_161 : memref<1x128x128xf32, #tpu.memory_space<vmem>> -> memref<128x128xf32, #tpu.memory_space<vmem>>
          %dma_start3A_163 = arith.constant 0 : i32
          %dma_start3A_164 = tpu.memref_slice %arg8[%add3A_156, %dma_start3A_163] : memref<16x128xi32, #tpu.memory_space<vmem>> -> memref<1x128xi32, #tpu.memory_space<vmem>>
          %dma_start3A_165 = tpu.memref_squeeze %dma_start3A_164 : memref<1x128xi32, #tpu.memory_space<vmem>> -> memref<128xi32, #tpu.memory_space<vmem>>
          %dma_start3A_166 = arith.constant 0 : i32
          %dma_start3A_167 = arith.constant 0 : i32
          %dma_start3A_168 = tpu.memref_slice %arg6[%dma_start3A_166, %dma_start3A_167] : memref<10240x128xf32, #tpu.memory_space<vmem_shared>> -> memref<10240x128xf32, #tpu.memory_space<vmem_shared>>
          tpu.enqueue_indirect_dma source(%dma_start3A_162 : memref<128x128xf32, #tpu.memory_space<vmem>>) target(%dma_start3A_168 : memref<10240x128xf32, #tpu.memory_space<vmem_shared>>) offsets(%dma_start3A_165 : memref<128xi32, #tpu.memory_space<vmem>>) semaphore(%run_scoped3A_158 : memref<!tpu.dma_semaphore, #tpu.memory_space<semaphore_mem>>) {add = true}
          %dma_wait3A_169 = arith.constant 0 : i32
          %dma_wait3A_170 = arith.constant 0 : i32
          %dma_wait3A_171 = tpu.memref_slice %arg9[%run_scoped3A_157, %dma_wait3A_169, %dma_wait3A_170] : memref<2x128x128xf32, #tpu.memory_space<vmem>> -> memref<1x128x128xf32, #tpu.memory_space<vmem>>
          %dma_wait3A_172 = tpu.memref_squeeze %dma_wait3A_171 : memref<1x128x128xf32, #tpu.memory_space<vmem>> -> memref<128x128xf32, #tpu.memory_space<vmem>>
          %dma_wait3A_173 = arith.constant 0 : i32
          %dma_wait3A_174 = tpu.memref_slice %arg8[%add3A_156, %dma_wait3A_173] : memref<16x128xi32, #tpu.memory_space<vmem>> -> memref<1x128xi32, #tpu.memory_space<vmem>>
          %dma_wait3A_175 = tpu.memref_squeeze %dma_wait3A_174 : memref<1x128xi32, #tpu.memory_space<vmem>> -> memref<128xi32, #tpu.memory_space<vmem>>
          %dma_wait3A_176 = arith.constant 0 : i32
          %dma_wait3A_177 = arith.constant 0 : i32
          %dma_wait3A_178 = tpu.memref_slice %arg6[%dma_wait3A_176, %dma_wait3A_177] : memref<10240x128xf32, #tpu.memory_space<vmem_shared>> -> memref<10240x128xf32, #tpu.memory_space<vmem_shared>>
          tpu.wait_indirect_dma semaphore(%run_scoped3A_158 : memref<!tpu.dma_semaphore, #tpu.memory_space<semaphore_mem>>) src(%dma_wait3A_172 : memref<128x128xf32, #tpu.memory_space<vmem>>) dst(%dma_wait3A_178 : memref<10240x128xf32, #tpu.memory_space<vmem_shared>>)
          tpu.yield
        }) : () -> ()
      }
      %scan3A_48 = arith.constant 7 : i32
      %dma_start3A_49 = arith.constant 15 : i32
      %dma_start3A_50 = arith.constant 1 : i32
      %dma_start3A_51 = arith.constant 0 : i32
      %dma_start3A_52 = arith.constant 0 : i32
      %dma_start3A_53 = tpu.memref_slice %arg9[%dma_start3A_50, %dma_start3A_51, %dma_start3A_52] : memref<2x128x128xf32, #tpu.memory_space<vmem>> -> memref<1x128x128xf32, #tpu.memory_space<vmem>>
      %dma_start3A_54 = tpu.memref_squeeze %dma_start3A_53 : memref<1x128x128xf32, #tpu.memory_space<vmem>> -> memref<128x128xf32, #tpu.memory_space<vmem>>
      %dma_start3A_55 = arith.constant 0 : i32
      %dma_start3A_56 = tpu.memref_slice %arg7[%dma_start3A_49, %dma_start3A_55] : memref<16x128xi32, #tpu.memory_space<vmem>> -> memref<1x128xi32, #tpu.memory_space<vmem>>
      %dma_start3A_57 = tpu.memref_squeeze %dma_start3A_56 : memref<1x128xi32, #tpu.memory_space<vmem>> -> memref<128xi32, #tpu.memory_space<vmem>>
      %dma_start3A_58 = arith.constant 0 : i32
      %dma_start3A_59 = arith.constant 0 : i32
      %dma_start3A_60 = tpu.memref_slice %arg2[%dma_start3A_58, %dma_start3A_59] : memref<10240x128xf32, #tpu.memory_space<hbm>> -> memref<10240x128xf32, #tpu.memory_space<hbm>>
      tpu.enqueue_indirect_dma source(%dma_start3A_60 : memref<10240x128xf32, #tpu.memory_space<hbm>>) target(%dma_start3A_54 : memref<128x128xf32, #tpu.memory_space<vmem>>) offsets(%dma_start3A_57 : memref<128xi32, #tpu.memory_space<vmem>>) semaphore(%arg11 : memref<!tpu.dma_semaphore, #tpu.memory_space<semaphore_mem>>)
      %dma_wait3A = arith.constant 0 : i32
      %dma_wait3A_61 = arith.constant 0 : i32
      %dma_wait3A_62 = arith.constant 0 : i32
      %dma_wait3A_63 = tpu.memref_slice %arg9[%dma_wait3A, %dma_wait3A_61, %dma_wait3A_62] : memref<2x128x128xf32, #tpu.memory_space<vmem>> -> memref<1x128x128xf32, #tpu.memory_space<vmem>>
      %dma_wait3A_64 = tpu.memref_squeeze %dma_wait3A_63 : memref<1x128x128xf32, #tpu.memory_space<vmem>> -> memref<128x128xf32, #tpu.memory_space<vmem>>
      %dma_wait3A_65 = arith.constant 0 : i32
      %dma_wait3A_66 = arith.constant 0 : i32
      %dma_wait3A_67 = tpu.memref_slice %arg2[%dma_wait3A_65, %dma_wait3A_66] : memref<10240x128xf32, #tpu.memory_space<hbm>> -> memref<128x128xf32, #tpu.memory_space<hbm>>
      %dma_wait3A_68 = arith.constant 0 : i32
      %dma_wait3A_69 = arith.constant 0 : i32
      %dma_wait3A_70 = tpu.memref_slice %arg9[%dma_wait3A, %dma_wait3A_68, %dma_wait3A_69] : memref<2x128x128xf32, #tpu.memory_space<vmem>> -> memref<1x128x128xf32, #tpu.memory_space<vmem>>
      %dma_wait3A_71 = tpu.memref_squeeze %dma_wait3A_70 : memref<1x128x128xf32, #tpu.memory_space<vmem>> -> memref<128x128xf32, #tpu.memory_space<vmem>>
      %dma_wait3A_72 = arith.constant 0 : i32
      %dma_wait3A_73 = arith.constant 0 : i32
      %dma_wait3A_74 = tpu.memref_slice %arg2[%dma_wait3A_72, %dma_wait3A_73] : memref<10240x128xf32, #tpu.memory_space<hbm>> -> memref<128x128xf32, #tpu.memory_space<hbm>>
      tpu.wait_dma2 semaphore(%arg10 : memref<!tpu.dma_semaphore, #tpu.memory_space<semaphore_mem>>) src(%dma_wait3A_74 : memref<128x128xf32, #tpu.memory_space<hbm>>) dst(%dma_wait3A_71 : memref<128x128xf32, #tpu.memory_space<vmem>>)
      %run_scoped3A = arith.constant 0 : i32
      %run_scoped3A_75 = arith.constant 14 : i32
      "tpu.region"() ({
        %run_scoped3A_93 = tpu.sem_alloc : memref<!tpu.dma_semaphore, #tpu.memory_space<semaphore_mem>>
        %dma_start3A_94 = arith.constant 0 : i32
        %dma_start3A_95 = arith.constant 0 : i32
        %dma_start3A_96 = tpu.memref_slice %arg9[%run_scoped3A, %dma_start3A_94, %dma_start3A_95] : memref<2x128x128xf32, #tpu.memory_space<vmem>> -> memref<1x128x128xf32, #tpu.memory_space<vmem>>
        %dma_start3A_97 = tpu.memref_squeeze %dma_start3A_96 : memref<1x128x128xf32, #tpu.memory_space<vmem>> -> memref<128x128xf32, #tpu.memory_space<vmem>>
        %dma_start3A_98 = arith.constant 0 : i32
        %dma_start3A_99 = tpu.memref_slice %arg8[%run_scoped3A_75, %dma_start3A_98] : memref<16x128xi32, #tpu.memory_space<vmem>> -> memref<1x128xi32, #tpu.memory_space<vmem>>
        %dma_start3A_100 = tpu.memref_squeeze %dma_start3A_99 : memref<1x128xi32, #tpu.memory_space<vmem>> -> memref<128xi32, #tpu.memory_space<vmem>>
        %dma_start3A_101 = arith.constant 0 : i32
        %dma_start3A_102 = arith.constant 0 : i32
        %dma_start3A_103 = tpu.memref_slice %arg6[%dma_start3A_101, %dma_start3A_102] : memref<10240x128xf32, #tpu.memory_space<vmem_shared>> -> memref<10240x128xf32, #tpu.memory_space<vmem_shared>>
        tpu.enqueue_indirect_dma source(%dma_start3A_97 : memref<128x128xf32, #tpu.memory_space<vmem>>) target(%dma_start3A_103 : memref<10240x128xf32, #tpu.memory_space<vmem_shared>>) offsets(%dma_start3A_100 : memref<128xi32, #tpu.memory_space<vmem>>) semaphore(%run_scoped3A_93 : memref<!tpu.dma_semaphore, #tpu.memory_space<semaphore_mem>>) {add = true}
        %dma_wait3A_104 = arith.constant 0 : i32
        %dma_wait3A_105 = arith.constant 0 : i32
        %dma_wait3A_106 = tpu.memref_slice %arg9[%run_scoped3A, %dma_wait3A_104, %dma_wait3A_105] : memref<2x128x128xf32, #tpu.memory_space<vmem>> -> memref<1x128x128xf32, #tpu.memory_space<vmem>>
        %dma_wait3A_107 = tpu.memref_squeeze %dma_wait3A_106 : memref<1x128x128xf32, #tpu.memory_space<vmem>> -> memref<128x128xf32, #tpu.memory_space<vmem>>
        %dma_wait3A_108 = arith.constant 0 : i32
        %dma_wait3A_109 = tpu.memref_slice %arg8[%run_scoped3A_75, %dma_wait3A_108] : memref<16x128xi32, #tpu.memory_space<vmem>> -> memref<1x128xi32, #tpu.memory_space<vmem>>
        %dma_wait3A_110 = tpu.memref_squeeze %dma_wait3A_109 : memref<1x128xi32, #tpu.memory_space<vmem>> -> memref<128xi32, #tpu.memory_space<vmem>>
        %dma_wait3A_111 = arith.constant 0 : i32
        %dma_wait3A_112 = arith.constant 0 : i32
        %dma_wait3A_113 = tpu.memref_slice %arg6[%dma_wait3A_111, %dma_wait3A_112] : memref<10240x128xf32, #tpu.memory_space<vmem_shared>> -> memref<10240x128xf32, #tpu.memory_space<vmem_shared>>
        tpu.wait_indirect_dma semaphore(%run_scoped3A_93 : memref<!tpu.dma_semaphore, #tpu.memory_space<semaphore_mem>>) src(%dma_wait3A_107 : memref<128x128xf32, #tpu.memory_space<vmem>>) dst(%dma_wait3A_113 : memref<10240x128xf32, #tpu.memory_space<vmem_shared>>)
        tpu.yield
      }) : () -> ()
      %dma_wait3A_76 = arith.constant 1 : i32
      %dma_wait3A_77 = arith.constant 0 : i32
      %dma_wait3A_78 = arith.constant 0 : i32
      %dma_wait3A_79 = tpu.memref_slice %arg9[%dma_wait3A_76, %dma_wait3A_77, %dma_wait3A_78] : memref<2x128x128xf32, #tpu.memory_space<vmem>> -> memref<1x128x128xf32, #tpu.memory_space<vmem>>
      %dma_wait3A_80 = tpu.memref_squeeze %dma_wait3A_79 : memref<1x128x128xf32, #tpu.memory_space<vmem>> -> memref<128x128xf32, #tpu.memory_space<vmem>>
      %dma_wait3A_81 = arith.constant 0 : i32
      %dma_wait3A_82 = arith.constant 0 : i32
      %dma_wait3A_83 = tpu.memref_slice %arg2[%dma_wait3A_81, %dma_wait3A_82] : memref<10240x128xf32, #tpu.memory_space<hbm>> -> memref<128x128xf32, #tpu.memory_space<hbm>>
      %dma_wait3A_84 = arith.constant 0 : i32
      %dma_wait3A_85 = arith.constant 0 : i32
      %dma_wait3A_86 = tpu.memref_slice %arg9[%dma_wait3A_76, %dma_wait3A_84, %dma_wait3A_85] : memref<2x128x128xf32, #tpu.memory_space<vmem>> -> memref<1x128x128xf32, #tpu.memory_space<vmem>>
      %dma_wait3A_87 = tpu.memref_squeeze %dma_wait3A_86 : memref<1x128x128xf32, #tpu.memory_space<vmem>> -> memref<128x128xf32, #tpu.memory_space<vmem>>
      %dma_wait3A_88 = arith.constant 0 : i32
      %dma_wait3A_89 = arith.constant 0 : i32
      %dma_wait3A_90 = tpu.memref_slice %arg2[%dma_wait3A_88, %dma_wait3A_89] : memref<10240x128xf32, #tpu.memory_space<hbm>> -> memref<128x128xf32, #tpu.memory_space<hbm>>
      tpu.wait_dma2 semaphore(%arg11 : memref<!tpu.dma_semaphore, #tpu.memory_space<semaphore_mem>>) src(%dma_wait3A_90 : memref<128x128xf32, #tpu.memory_space<hbm>>) dst(%dma_wait3A_87 : memref<128x128xf32, #tpu.memory_space<vmem>>)
      %run_scoped3A_91 = arith.constant 1 : i32
      %run_scoped3A_92 = arith.constant 15 : i32
      "tpu.region"() ({
        %run_scoped3A_93 = tpu.sem_alloc : memref<!tpu.dma_semaphore, #tpu.memory_space<semaphore_mem>>
        %dma_start3A_94 = arith.constant 0 : i32
        %dma_start3A_95 = arith.constant 0 : i32
        %dma_start3A_96 = tpu.memref_slice %arg9[%run_scoped3A_91, %dma_start3A_94, %dma_start3A_95] : memref<2x128x128xf32, #tpu.memory_space<vmem>> -> memref<1x128x128xf32, #tpu.memory_space<vmem>>
        %dma_start3A_97 = tpu.memref_squeeze %dma_start3A_96 : memref<1x128x128xf32, #tpu.memory_space<vmem>> -> memref<128x128xf32, #tpu.memory_space<vmem>>
        %dma_start3A_98 = arith.constant 0 : i32
        %dma_start3A_99 = tpu.memref_slice %arg8[%run_scoped3A_92, %dma_start3A_98] : memref<16x128xi32, #tpu.memory_space<vmem>> -> memref<1x128xi32, #tpu.memory_space<vmem>>
        %dma_start3A_100 = tpu.memref_squeeze %dma_start3A_99 : memref<1x128xi32, #tpu.memory_space<vmem>> -> memref<128xi32, #tpu.memory_space<vmem>>
        %dma_start3A_101 = arith.constant 0 : i32
        %dma_start3A_102 = arith.constant 0 : i32
        %dma_start3A_103 = tpu.memref_slice %arg6[%dma_start3A_101, %dma_start3A_102] : memref<10240x128xf32, #tpu.memory_space<vmem_shared>> -> memref<10240x128xf32, #tpu.memory_space<vmem_shared>>
        tpu.enqueue_indirect_dma source(%dma_start3A_97 : memref<128x128xf32, #tpu.memory_space<vmem>>) target(%dma_start3A_103 : memref<10240x128xf32, #tpu.memory_space<vmem_shared>>) offsets(%dma_start3A_100 : memref<128xi32, #tpu.memory_space<vmem>>) semaphore(%run_scoped3A_93 : memref<!tpu.dma_semaphore, #tpu.memory_space<semaphore_mem>>) {add = true}
        %dma_wait3A_104 = arith.constant 0 : i32
        %dma_wait3A_105 = arith.constant 0 : i32
        %dma_wait3A_106 = tpu.memref_slice %arg9[%run_scoped3A_91, %dma_wait3A_104, %dma_wait3A_105] : memref<2x128x128xf32, #tpu.memory_space<vmem>> -> memref<1x128x128xf32, #tpu.memory_space<vmem>>
        %dma_wait3A_107 = tpu.memref_squeeze %dma_wait3A_106 : memref<1x128x128xf32, #tpu.memory_space<vmem>> -> memref<128x128xf32, #tpu.memory_space<vmem>>
        %dma_wait3A_108 = arith.constant 0 : i32
        %dma_wait3A_109 = tpu.memref_slice %arg8[%run_scoped3A_92, %dma_wait3A_108] : memref<16x128xi32, #tpu.memory_space<vmem>> -> memref<1x128xi32, #tpu.memory_space<vmem>>
        %dma_wait3A_110 = tpu.memref_squeeze %dma_wait3A_109 : memref<1x128xi32, #tpu.memory_space<vmem>> -> memref<128xi32, #tpu.memory_space<vmem>>
        %dma_wait3A_111 = arith.constant 0 : i32
        %dma_wait3A_112 = arith.constant 0 : i32
        %dma_wait3A_113 = tpu.memref_slice %arg6[%dma_wait3A_111, %dma_wait3A_112] : memref<10240x128xf32, #tpu.memory_space<vmem_shared>> -> memref<10240x128xf32, #tpu.memory_space<vmem_shared>>
        tpu.wait_indirect_dma semaphore(%run_scoped3A_93 : memref<!tpu.dma_semaphore, #tpu.memory_space<semaphore_mem>>) src(%dma_wait3A_107 : memref<128x128xf32, #tpu.memory_space<vmem>>) dst(%dma_wait3A_113 : memref<10240x128xf32, #tpu.memory_space<vmem_shared>>)
        tpu.yield
      }) : () -> ()
    }
    %scan3A_16 = arith.constant 5 : i32
    %barrier3A_17 = arith.constant 0 : index
    tpu.barrier barrier_id(%barrier3A_17)
    %mul3A_18 = arith.constant 640 : i32
    %mul3A_19 = arith.muli %arg1, %mul3A_18 : i32
    %mul3A_20 = arith.constant 640 : i32
    %mul3A_21 = arith.muli %arg1, %mul3A_20 : i32
    "tpu.region"() ({
      %run_scoped3A = tpu.sem_alloc : memref<!tpu.dma_semaphore, #tpu.memory_space<semaphore_mem>>
      %dma_start3A = arith.constant 0 : i32
      %dma_start3A_22 = tpu.memref_slice %arg5[%arg0, %mul3A_21, %dma_start3A] : memref<2x10240x128xf32, #tpu.memory_space<hbm>> -> memref<1x640x128xf32, #tpu.memory_space<hbm>>
      %dma_start3A_23 = tpu.memref_squeeze %dma_start3A_22 : memref<1x640x128xf32, #tpu.memory_space<hbm>> -> memref<640x128xf32, #tpu.memory_space<hbm>>
      %dma_start3A_24 = arith.constant 0 : i32
      %dma_start3A_25 = tpu.memref_slice %arg6[%mul3A_19, %dma_start3A_24] : memref<10240x128xf32, #tpu.memory_space<vmem_shared>> -> memref<640x128xf32, #tpu.memory_space<vmem_shared>>
      tpu.enqueue_dma source(%dma_start3A_25 : memref<640x128xf32, #tpu.memory_space<vmem_shared>>) target(%dma_start3A_23 : memref<640x128xf32, #tpu.memory_space<hbm>>) target_semaphore(%run_scoped3A : memref<!tpu.dma_semaphore, #tpu.memory_space<semaphore_mem>>)
      %dma_wait3A = arith.constant 0 : i32
      %dma_wait3A_26 = tpu.memref_slice %arg5[%arg0, %mul3A_21, %dma_wait3A] : memref<2x10240x128xf32, #tpu.memory_space<hbm>> -> memref<1x640x128xf32, #tpu.memory_space<hbm>>
      %dma_wait3A_27 = tpu.memref_squeeze %dma_wait3A_26 : memref<1x640x128xf32, #tpu.memory_space<hbm>> -> memref<640x128xf32, #tpu.memory_space<hbm>>
      %dma_wait3A_28 = arith.constant 0 : i32
      %dma_wait3A_29 = tpu.memref_slice %arg6[%mul3A_19, %dma_wait3A_28] : memref<10240x128xf32, #tpu.memory_space<vmem_shared>> -> memref<640x128xf32, #tpu.memory_space<vmem_shared>>
      tpu.wait_dma2 semaphore(%run_scoped3A : memref<!tpu.dma_semaphore, #tpu.memory_space<semaphore_mem>>) src(%dma_wait3A_29 : memref<640x128xf32, #tpu.memory_space<vmem_shared>>) dst(%dma_wait3A_27 : memref<640x128xf32, #tpu.memory_space<hbm>>)
      tpu.yield
    }) : () -> ()
    return
  }
}

#map = affine_map<(d0, d1) -> (0, 0)>
module attributes {stable_mosaic.version = 14 : i64} {
  func.func @k(%arg0: i32, %arg1: i32, %arg2: memref<2560x128xi32, #tpu.memory_space<hbm>>, %arg3: memref<2x10240xf32, #tpu.memory_space<hbm>>, %arg4: memref<10240xf32, #tpu.memory_space<vmem_shared>>, %arg5: memref<80x128xi32, #tpu.memory_space<vmem>>, %arg6: memref<128xf32, #tpu.memory_space<vmem>>, %arg7: memref<640xf32, #tpu.memory_space<vmem>>) attributes {dimension_semantics = [#tpu.dimension_semantics<core_parallel>, #tpu.dimension_semantics<subcore_parallel>], iteration_bounds = array<i64: 2, 16>, scalar_prefetch = 0 : i64, scratch_operands = 4 : i64, tpu.core_type = #tpu.core_type<sc_vector_subcore>, window_params = [{transform_indices = #map}, {transform_indices = #map}]} {
    %mul3A = arith.constant 16 : i32
    %mul3A_0 = arith.muli %arg0, %mul3A : i32
    %add3A = arith.addi %mul3A_0, %arg1 : i32
    %mul3A_1 = arith.constant 80 : i32
    %mul3A_2 = arith.muli %add3A, %mul3A_1 : i32
    %broadcast_in_dim3A = arith.constant 1.000000e+00 : f32
    %broadcast_in_dim3A_3 = vector.broadcast %broadcast_in_dim3A : f32 to vector<16xf32>
    %swap3A = arith.constant 0 : index
    %swap3A_4 = tpu.vector_load %arg6[%swap3A] {strides = array<i32>} : memref<128xf32, #tpu.memory_space<vmem>>, vector<16xf32>,
    %swap3A_5 = vector.shape_cast %swap3A_4 : vector<16xf32> to vector<16xf32>
    %swap3A_6 = vector.shape_cast %broadcast_in_dim3A_3 : vector<16xf32> to vector<16xf32>
    tpu.vector_store %arg6[%swap3A], %swap3A_6 {strides = array<i32>} : memref<128xf32, #tpu.memory_space<vmem>>, vector<16xf32>,
    %broadcast_in_dim3A_7 = arith.constant 1.000000e+00 : f32
    %broadcast_in_dim3A_8 = vector.broadcast %broadcast_in_dim3A_7 : f32 to vector<16xf32>
    %swap3A_9 = arith.constant 16 : index
    %swap3A_10 = tpu.vector_load %arg6[%swap3A_9] {strides = array<i32>} : memref<128xf32, #tpu.memory_space<vmem>>, vector<16xf32>,
    %swap3A_11 = vector.shape_cast %swap3A_10 : vector<16xf32> to vector<16xf32>
    %swap3A_12 = vector.shape_cast %broadcast_in_dim3A_8 : vector<16xf32> to vector<16xf32>
    tpu.vector_store %arg6[%swap3A_9], %swap3A_12 {strides = array<i32>} : memref<128xf32, #tpu.memory_space<vmem>>, vector<16xf32>,
    %broadcast_in_dim3A_13 = arith.constant 1.000000e+00 : f32
    %broadcast_in_dim3A_14 = vector.broadcast %broadcast_in_dim3A_13 : f32 to vector<16xf32>
    %swap3A_15 = arith.constant 32 : index
    %swap3A_16 = tpu.vector_load %arg6[%swap3A_15] {strides = array<i32>} : memref<128xf32, #tpu.memory_space<vmem>>, vector<16xf32>,
    %swap3A_17 = vector.shape_cast %swap3A_16 : vector<16xf32> to vector<16xf32>
    %swap3A_18 = vector.shape_cast %broadcast_in_dim3A_14 : vector<16xf32> to vector<16xf32>
    tpu.vector_store %arg6[%swap3A_15], %swap3A_18 {strides = array<i32>} : memref<128xf32, #tpu.memory_space<vmem>>, vector<16xf32>,
    %broadcast_in_dim3A_19 = arith.constant 1.000000e+00 : f32
    %broadcast_in_dim3A_20 = vector.broadcast %broadcast_in_dim3A_19 : f32 to vector<16xf32>
    %swap3A_21 = arith.constant 48 : index
    %swap3A_22 = tpu.vector_load %arg6[%swap3A_21] {strides = array<i32>} : memref<128xf32, #tpu.memory_space<vmem>>, vector<16xf32>,
    %swap3A_23 = vector.shape_cast %swap3A_22 : vector<16xf32> to vector<16xf32>
    %swap3A_24 = vector.shape_cast %broadcast_in_dim3A_20 : vector<16xf32> to vector<16xf32>
    tpu.vector_store %arg6[%swap3A_21], %swap3A_24 {strides = array<i32>} : memref<128xf32, #tpu.memory_space<vmem>>, vector<16xf32>,
    %broadcast_in_dim3A_25 = arith.constant 1.000000e+00 : f32
    %broadcast_in_dim3A_26 = vector.broadcast %broadcast_in_dim3A_25 : f32 to vector<16xf32>
    %swap3A_27 = arith.constant 64 : index
    %swap3A_28 = tpu.vector_load %arg6[%swap3A_27] {strides = array<i32>} : memref<128xf32, #tpu.memory_space<vmem>>, vector<16xf32>,
    %swap3A_29 = vector.shape_cast %swap3A_28 : vector<16xf32> to vector<16xf32>
    %swap3A_30 = vector.shape_cast %broadcast_in_dim3A_26 : vector<16xf32> to vector<16xf32>
    tpu.vector_store %arg6[%swap3A_27], %swap3A_30 {strides = array<i32>} : memref<128xf32, #tpu.memory_space<vmem>>, vector<16xf32>,
    %broadcast_in_dim3A_31 = arith.constant 1.000000e+00 : f32
    %broadcast_in_dim3A_32 = vector.broadcast %broadcast_in_dim3A_31 : f32 to vector<16xf32>
    %swap3A_33 = arith.constant 80 : index
    %swap3A_34 = tpu.vector_load %arg6[%swap3A_33] {strides = array<i32>} : memref<128xf32, #tpu.memory_space<vmem>>, vector<16xf32>,
    %swap3A_35 = vector.shape_cast %swap3A_34 : vector<16xf32> to vector<16xf32>
    %swap3A_36 = vector.shape_cast %broadcast_in_dim3A_32 : vector<16xf32> to vector<16xf32>
    tpu.vector_store %arg6[%swap3A_33], %swap3A_36 {strides = array<i32>} : memref<128xf32, #tpu.memory_space<vmem>>, vector<16xf32>,
    %broadcast_in_dim3A_37 = arith.constant 1.000000e+00 : f32
    %broadcast_in_dim3A_38 = vector.broadcast %broadcast_in_dim3A_37 : f32 to vector<16xf32>
    %swap3A_39 = arith.constant 96 : index
    %swap3A_40 = tpu.vector_load %arg6[%swap3A_39] {strides = array<i32>} : memref<128xf32, #tpu.memory_space<vmem>>, vector<16xf32>,
    %swap3A_41 = vector.shape_cast %swap3A_40 : vector<16xf32> to vector<16xf32>
    %swap3A_42 = vector.shape_cast %broadcast_in_dim3A_38 : vector<16xf32> to vector<16xf32>
    tpu.vector_store %arg6[%swap3A_39], %swap3A_42 {strides = array<i32>} : memref<128xf32, #tpu.memory_space<vmem>>, vector<16xf32>,
    %broadcast_in_dim3A_43 = arith.constant 1.000000e+00 : f32
    %broadcast_in_dim3A_44 = vector.broadcast %broadcast_in_dim3A_43 : f32 to vector<16xf32>
    %swap3A_45 = arith.constant 112 : index
    %swap3A_46 = tpu.vector_load %arg6[%swap3A_45] {strides = array<i32>} : memref<128xf32, #tpu.memory_space<vmem>>, vector<16xf32>,
    %swap3A_47 = vector.shape_cast %swap3A_46 : vector<16xf32> to vector<16xf32>
    %swap3A_48 = vector.shape_cast %broadcast_in_dim3A_44 : vector<16xf32> to vector<16xf32>
    tpu.vector_store %arg6[%swap3A_45], %swap3A_48 {strides = array<i32>} : memref<128xf32, #tpu.memory_space<vmem>>, vector<16xf32>,
    %scan3A = arith.constant 0 : i32
    %scan3A_49 = arith.constant 40 : i32
    %scan3A_50 = arith.addi %scan3A, %scan3A_49 : i32
    %scan3A_51 = arith.constant 1 : i32
    scf.for %scan3A_65 = %scan3A to %scan3A_50 step %scan3A_51  : i32 {
      %mul3A_66 = arith.constant 1 : i32
      %mul3A_67 = arith.muli %scan3A_65, %mul3A_66 : i32
      %add3A_68 = arith.constant 0 : i32
      %add3A_69 = arith.addi %add3A_68, %mul3A_67 : i32
      %broadcast_in_dim3A_70 = arith.constant 0.000000e+00 : f32
      %broadcast_in_dim3A_71 = vector.broadcast %broadcast_in_dim3A_70 : f32 to vector<16xf32>
      %mul3A_72 = arith.constant 16 : i32
      %mul3A_73 = arith.muli %add3A_69, %mul3A_72 : i32
      %swap3A_74 = arith.index_cast %mul3A_73 : i32 to index
      %swap3A_75 = tpu.vector_load %arg7[%swap3A_74] {strides = array<i32>} : memref<640xf32, #tpu.memory_space<vmem>>, vector<16xf32>,
      %swap3A_76 = vector.shape_cast %swap3A_75 : vector<16xf32> to vector<16xf32>
      %swap3A_77 = vector.shape_cast %broadcast_in_dim3A_71 : vector<16xf32> to vector<16xf32>
      tpu.vector_store %arg7[%swap3A_74], %swap3A_77 {strides = array<i32>} : memref<640xf32, #tpu.memory_space<vmem>>, vector<16xf32>,
    }
    %scan3A_52 = arith.constant 40 : i32
    %mul3A_53 = arith.constant 640 : i32
    %mul3A_54 = arith.muli %arg1, %mul3A_53 : i32
    "tpu.region"() ({
      %run_scoped3A = tpu.sem_alloc : memref<!tpu.dma_semaphore, #tpu.memory_space<semaphore_mem>>
      %dma_start3A = tpu.memref_slice %arg4[%mul3A_54] : memref<10240xf32, #tpu.memory_space<vmem_shared>> -> memref<640xf32, #tpu.memory_space<vmem_shared>>
      %dma_start3A_65 = tpu.memref_slice %arg4[%mul3A_54] : memref<10240xf32, #tpu.memory_space<vmem_shared>> -> memref<640xf32, #tpu.memory_space<vmem_shared>>
      tpu.enqueue_dma source(%arg7 : memref<640xf32, #tpu.memory_space<vmem>>) target(%dma_start3A_65 : memref<640xf32, #tpu.memory_space<vmem_shared>>) target_semaphore(%run_scoped3A : memref<!tpu.dma_semaphore, #tpu.memory_space<semaphore_mem>>)
      %dma_wait3A = tpu.memref_slice %arg4[%mul3A_54] : memref<10240xf32, #tpu.memory_space<vmem_shared>> -> memref<640xf32, #tpu.memory_space<vmem_shared>>
      %dma_wait3A_66 = tpu.memref_slice %arg4[%mul3A_54] : memref<10240xf32, #tpu.memory_space<vmem_shared>> -> memref<640xf32, #tpu.memory_space<vmem_shared>>
      tpu.wait_dma2 semaphore(%run_scoped3A : memref<!tpu.dma_semaphore, #tpu.memory_space<semaphore_mem>>) src(%arg7 : memref<640xf32, #tpu.memory_space<vmem>>) dst(%dma_wait3A_66 : memref<640xf32, #tpu.memory_space<vmem_shared>>)
      tpu.yield
    }) : () -> ()
    "tpu.region"() ({
      %run_scoped3A = tpu.sem_alloc : memref<!tpu.dma_semaphore, #tpu.memory_space<semaphore_mem>>
      %dma_start3A = arith.constant 0 : i32
      %dma_start3A_65 = tpu.memref_slice %arg2[%mul3A_2, %dma_start3A] : memref<2560x128xi32, #tpu.memory_space<hbm>> -> memref<80x128xi32, #tpu.memory_space<hbm>>
      %dma_start3A_66 = arith.constant 0 : i32
      %dma_start3A_67 = tpu.memref_slice %arg2[%mul3A_2, %dma_start3A_66] : memref<2560x128xi32, #tpu.memory_space<hbm>> -> memref<80x128xi32, #tpu.memory_space<hbm>>
      tpu.enqueue_dma source(%dma_start3A_67 : memref<80x128xi32, #tpu.memory_space<hbm>>) target(%arg5 : memref<80x128xi32, #tpu.memory_space<vmem>>) target_semaphore(%run_scoped3A : memref<!tpu.dma_semaphore, #tpu.memory_space<semaphore_mem>>)
      %dma_wait3A = arith.constant 0 : i32
      %dma_wait3A_68 = tpu.memref_slice %arg2[%mul3A_2, %dma_wait3A] : memref<2560x128xi32, #tpu.memory_space<hbm>> -> memref<80x128xi32, #tpu.memory_space<hbm>>
      %dma_wait3A_69 = arith.constant 0 : i32
      %dma_wait3A_70 = tpu.memref_slice %arg2[%mul3A_2, %dma_wait3A_69] : memref<2560x128xi32, #tpu.memory_space<hbm>> -> memref<80x128xi32, #tpu.memory_space<hbm>>
      tpu.wait_dma2 semaphore(%run_scoped3A : memref<!tpu.dma_semaphore, #tpu.memory_space<semaphore_mem>>) src(%dma_wait3A_70 : memref<80x128xi32, #tpu.memory_space<hbm>>) dst(%arg5 : memref<80x128xi32, #tpu.memory_space<vmem>>)
      tpu.yield
    }) : () -> ()
    %barrier3A = arith.constant 0 : index
    tpu.barrier barrier_id(%barrier3A)
    %scan3A_55 = arith.constant 0 : i32
    %scan3A_56 = arith.constant 80 : i32
    %scan3A_57 = arith.addi %scan3A_55, %scan3A_56 : i32
    %scan3A_58 = arith.constant 1 : i32
    scf.for %scan3A_65 = %scan3A_55 to %scan3A_57 step %scan3A_58  : i32 {
      %mul3A_66 = arith.constant 1 : i32
      %mul3A_67 = arith.muli %scan3A_65, %mul3A_66 : i32
      %add3A_68 = arith.constant 0 : i32
      %add3A_69 = arith.addi %add3A_68, %mul3A_67 : i32
      "tpu.region"() ({
        %run_scoped3A = tpu.sem_alloc : memref<!tpu.dma_semaphore, #tpu.memory_space<semaphore_mem>>
        %dma_start3A = arith.constant 0 : i32
        %dma_start3A_70 = tpu.memref_slice %arg5[%add3A_69, %dma_start3A] : memref<80x128xi32, #tpu.memory_space<vmem>> -> memref<1x128xi32, #tpu.memory_space<vmem>>
        %dma_start3A_71 = tpu.memref_squeeze %dma_start3A_70 : memref<1x128xi32, #tpu.memory_space<vmem>> -> memref<128xi32, #tpu.memory_space<vmem>>
        %dma_start3A_72 = arith.constant 0 : i32
        %dma_start3A_73 = tpu.memref_slice %arg4[%dma_start3A_72] : memref<10240xf32, #tpu.memory_space<vmem_shared>> -> memref<10240xf32, #tpu.memory_space<vmem_shared>>
        tpu.enqueue_indirect_dma source(%arg6 : memref<128xf32, #tpu.memory_space<vmem>>) target(%dma_start3A_73 : memref<10240xf32, #tpu.memory_space<vmem_shared>>) offsets(%dma_start3A_71 : memref<128xi32, #tpu.memory_space<vmem>>) semaphore(%run_scoped3A : memref<!tpu.dma_semaphore, #tpu.memory_space<semaphore_mem>>) {add = true}
        %dma_wait3A = arith.constant 0 : i32
        %dma_wait3A_74 = tpu.memref_slice %arg5[%add3A_69, %dma_wait3A] : memref<80x128xi32, #tpu.memory_space<vmem>> -> memref<1x128xi32, #tpu.memory_space<vmem>>
        %dma_wait3A_75 = tpu.memref_squeeze %dma_wait3A_74 : memref<1x128xi32, #tpu.memory_space<vmem>> -> memref<128xi32, #tpu.memory_space<vmem>>
        %dma_wait3A_76 = arith.constant 0 : i32
        %dma_wait3A_77 = tpu.memref_slice %arg4[%dma_wait3A_76] : memref<10240xf32, #tpu.memory_space<vmem_shared>> -> memref<10240xf32, #tpu.memory_space<vmem_shared>>
        tpu.wait_indirect_dma semaphore(%run_scoped3A : memref<!tpu.dma_semaphore, #tpu.memory_space<semaphore_mem>>) src(%arg6 : memref<128xf32, #tpu.memory_space<vmem>>) dst(%dma_wait3A_77 : memref<10240xf32, #tpu.memory_space<vmem_shared>>)
        tpu.yield
      }) : () -> ()
    }
    %scan3A_59 = arith.constant 80 : i32
    %barrier3A_60 = arith.constant 0 : index
    tpu.barrier barrier_id(%barrier3A_60)
    %mul3A_61 = arith.constant 640 : i32
    %mul3A_62 = arith.muli %arg1, %mul3A_61 : i32
    %mul3A_63 = arith.constant 640 : i32
    %mul3A_64 = arith.muli %arg1, %mul3A_63 : i32
    "tpu.region"() ({
      %run_scoped3A = tpu.sem_alloc : memref<!tpu.dma_semaphore, #tpu.memory_space<semaphore_mem>>
      %dma_start3A = tpu.memref_slice %arg3[%arg0, %mul3A_64] : memref<2x10240xf32, #tpu.memory_space<hbm>> -> memref<1x640xf32, #tpu.memory_space<hbm>>
      %dma_start3A_65 = tpu.memref_squeeze %dma_start3A : memref<1x640xf32, #tpu.memory_space<hbm>> -> memref<640xf32, #tpu.memory_space<hbm>>
      %dma_start3A_66 = tpu.memref_slice %arg4[%mul3A_62] : memref<10240xf32, #tpu.memory_space<vmem_shared>> -> memref<640xf32, #tpu.memory_space<vmem_shared>>
      tpu.enqueue_dma source(%dma_start3A_66 : memref<640xf32, #tpu.memory_space<vmem_shared>>) target(%dma_start3A_65 : memref<640xf32, #tpu.memory_space<hbm>>) target_semaphore(%run_scoped3A : memref<!tpu.dma_semaphore, #tpu.memory_space<semaphore_mem>>)
      %dma_wait3A = tpu.memref_slice %arg3[%arg0, %mul3A_64] : memref<2x10240xf32, #tpu.memory_space<hbm>> -> memref<1x640xf32, #tpu.memory_space<hbm>>
      %dma_wait3A_67 = tpu.memref_squeeze %dma_wait3A : memref<1x640xf32, #tpu.memory_space<hbm>> -> memref<640xf32, #tpu.memory_space<hbm>>
      %dma_wait3A_68 = tpu.memref_slice %arg4[%mul3A_62] : memref<10240xf32, #tpu.memory_space<vmem_shared>> -> memref<640xf32, #tpu.memory_space<vmem_shared>>
      tpu.wait_dma2 semaphore(%run_scoped3A : memref<!tpu.dma_semaphore, #tpu.memory_space<semaphore_mem>>) src(%dma_wait3A_68 : memref<640xf32, #tpu.memory_space<vmem_shared>>) dst(%dma_wait3A_67 : memref<640xf32, #tpu.memory_space<hbm>>)
      tpu.yield
    }) : () -> ()
    return
  }
}

#map = affine_map<(d0, d1) -> (0, 0)>
#map1 = affine_map<(d0, d1) -> (0, 0, 0)>
module attributes {stable_mosaic.version = 14 : i64} {
  func.func @k(%arg0: i32, %arg1: i32, %arg2: memref<10240x128xf32, #tpu.memory_space<hbm>>, %arg3: memref<2560x128xi32, #tpu.memory_space<hbm>>, %arg4: memref<2560x128xi32, #tpu.memory_space<hbm>>, %arg5: memref<2x10240x128xf32, #tpu.memory_space<hbm>>, %arg6: memref<10240x128xf32, #tpu.memory_space<vmem_shared>>, %arg7: memref<16x128xi32, #tpu.memory_space<vmem>>, %arg8: memref<16x128xi32, #tpu.memory_space<vmem>>, %arg9: memref<2x128x128xf32, #tpu.memory_space<vmem>>, %arg10: memref<!tpu.dma_semaphore, #tpu.memory_space<semaphore_mem>>, %arg11: memref<!tpu.dma_semaphore, #tpu.memory_space<semaphore_mem>>) attributes {dimension_semantics = [#tpu.dimension_semantics<core_parallel>, #tpu.dimension_semantics<subcore_parallel>], iteration_bounds = array<i64: 2, 16>, scalar_prefetch = 0 : i64, scratch_operands = 6 : i64, tpu.core_type = #tpu.core_type<sc_vector_subcore>, window_params = [{transform_indices = #map}, {transform_indices = #map}, {transform_indices = #map}, {transform_indices = #map1}]} {
    %mul3A = arith.constant 16 : i32
    %mul3A_0 = arith.muli %arg0, %mul3A : i32
    %add3A = arith.addi %mul3A_0, %arg1 : i32
    %mul3A_1 = arith.constant 80 : i32
    %mul3A_2 = arith.muli %add3A, %mul3A_1 : i32
    %scan3A = arith.constant 0 : i32
    %scan3A_3 = arith.constant 128 : i32
    %scan3A_4 = arith.addi %scan3A, %scan3A_3 : i32
    %scan3A_5 = arith.constant 1 : i32
    scf.for %scan3A_22 = %scan3A to %scan3A_4 step %scan3A_5  : i32 {
      %mul3A_23 = arith.constant 1 : i32
      %mul3A_24 = arith.muli %scan3A_22, %mul3A_23 : i32
      %add3A_25 = arith.constant 0 : i32
      %add3A_26 = arith.addi %add3A_25, %mul3A_24 : i32
      %broadcast_in_dim3A = arith.constant 0.000000e+00 : f32
      %broadcast_in_dim3A_27 = vector.broadcast %broadcast_in_dim3A : f32 to vector<16xf32>
      %swap3A = arith.constant 0 : i32
      %swap3A_28 = arith.index_cast %swap3A : i32 to index
      %swap3A_29 = arith.index_cast %add3A_26 : i32 to index
      %swap3A_30 = arith.constant 0 : index
      %swap3A_31 = tpu.vector_load %arg9[%swap3A_28, %swap3A_29, %swap3A_30] {strides = array<i32>} : memref<2x128x128xf32, #tpu.memory_space<vmem>>, vector<1x1x16xf32>,
      %swap3A_32 = vector.shape_cast %swap3A_31 : vector<1x1x16xf32> to vector<16xf32>
      %swap3A_33 = vector.shape_cast %broadcast_in_dim3A_27 : vector<16xf32> to vector<1x1x16xf32>
      tpu.vector_store %arg9[%swap3A_28, %swap3A_29, %swap3A_30], %swap3A_33 {strides = array<i32>} : memref<2x128x128xf32, #tpu.memory_space<vmem>>, vector<1x1x16xf32>,
      %broadcast_in_dim3A_34 = arith.constant 0.000000e+00 : f32
      %broadcast_in_dim3A_35 = vector.broadcast %broadcast_in_dim3A_34 : f32 to vector<16xf32>
      %swap3A_36 = arith.constant 0 : i32
      %swap3A_37 = arith.index_cast %swap3A_36 : i32 to index
      %swap3A_38 = arith.index_cast %add3A_26 : i32 to index
      %swap3A_39 = arith.constant 16 : index
      %swap3A_40 = tpu.vector_load %arg9[%swap3A_37, %swap3A_38, %swap3A_39] {strides = array<i32>} : memref<2x128x128xf32, #tpu.memory_space<vmem>>, vector<1x1x16xf32>,
      %swap3A_41 = vector.shape_cast %swap3A_40 : vector<1x1x16xf32> to vector<16xf32>
      %swap3A_42 = vector.shape_cast %broadcast_in_dim3A_35 : vector<16xf32> to vector<1x1x16xf32>
      tpu.vector_store %arg9[%swap3A_37, %swap3A_38, %swap3A_39], %swap3A_42 {strides = array<i32>} : memref<2x128x128xf32, #tpu.memory_space<vmem>>, vector<1x1x16xf32>,
      %broadcast_in_dim3A_43 = arith.constant 0.000000e+00 : f32
      %broadcast_in_dim3A_44 = vector.broadcast %broadcast_in_dim3A_43 : f32 to vector<16xf32>
      %swap3A_45 = arith.constant 0 : i32
      %swap3A_46 = arith.index_cast %swap3A_45 : i32 to index
      %swap3A_47 = arith.index_cast %add3A_26 : i32 to index
      %swap3A_48 = arith.constant 32 : index
      %swap3A_49 = tpu.vector_load %arg9[%swap3A_46, %swap3A_47, %swap3A_48] {strides = array<i32>} : memref<2x128x128xf32, #tpu.memory_space<vmem>>, vector<1x1x16xf32>,
      %swap3A_50 = vector.shape_cast %swap3A_49 : vector<1x1x16xf32> to vector<16xf32>
      %swap3A_51 = vector.shape_cast %broadcast_in_dim3A_44 : vector<16xf32> to vector<1x1x16xf32>
      tpu.vector_store %arg9[%swap3A_46, %swap3A_47, %swap3A_48], %swap3A_51 {strides = array<i32>} : memref<2x128x128xf32, #tpu.memory_space<vmem>>, vector<1x1x16xf32>,
      %broadcast_in_dim3A_52 = arith.constant 0.000000e+00 : f32
      %broadcast_in_dim3A_53 = vector.broadcast %broadcast_in_dim3A_52 : f32 to vector<16xf32>
      %swap3A_54 = arith.constant 0 : i32
      %swap3A_55 = arith.index_cast %swap3A_54 : i32 to index
      %swap3A_56 = arith.index_cast %add3A_26 : i32 to index
      %swap3A_57 = arith.constant 48 : index
      %swap3A_58 = tpu.vector_load %arg9[%swap3A_55, %swap3A_56, %swap3A_57] {strides = array<i32>} : memref<2x128x128xf32, #tpu.memory_space<vmem>>, vector<1x1x16xf32>,
      %swap3A_59 = vector.shape_cast %swap3A_58 : vector<1x1x16xf32> to vector<16xf32>
      %swap3A_60 = vector.shape_cast %broadcast_in_dim3A_53 : vector<16xf32> to vector<1x1x16xf32>
      tpu.vector_store %arg9[%swap3A_55, %swap3A_56, %swap3A_57], %swap3A_60 {strides = array<i32>} : memref<2x128x128xf32, #tpu.memory_space<vmem>>, vector<1x1x16xf32>,
      %broadcast_in_dim3A_61 = arith.constant 0.000000e+00 : f32
      %broadcast_in_dim3A_62 = vector.broadcast %broadcast_in_dim3A_61 : f32 to vector<16xf32>
      %swap3A_63 = arith.constant 0 : i32
      %swap3A_64 = arith.index_cast %swap3A_63 : i32 to index
      %swap3A_65 = arith.index_cast %add3A_26 : i32 to index
      %swap3A_66 = arith.constant 64 : index
      %swap3A_67 = tpu.vector_load %arg9[%swap3A_64, %swap3A_65, %swap3A_66] {strides = array<i32>} : memref<2x128x128xf32, #tpu.memory_space<vmem>>, vector<1x1x16xf32>,
      %swap3A_68 = vector.shape_cast %swap3A_67 : vector<1x1x16xf32> to vector<16xf32>
      %swap3A_69 = vector.shape_cast %broadcast_in_dim3A_62 : vector<16xf32> to vector<1x1x16xf32>
      tpu.vector_store %arg9[%swap3A_64, %swap3A_65, %swap3A_66], %swap3A_69 {strides = array<i32>} : memref<2x128x128xf32, #tpu.memory_space<vmem>>, vector<1x1x16xf32>,
      %broadcast_in_dim3A_70 = arith.constant 0.000000e+00 : f32
      %broadcast_in_dim3A_71 = vector.broadcast %broadcast_in_dim3A_70 : f32 to vector<16xf32>
      %swap3A_72 = arith.constant 0 : i32
      %swap3A_73 = arith.index_cast %swap3A_72 : i32 to index
      %swap3A_74 = arith.index_cast %add3A_26 : i32 to index
      %swap3A_75 = arith.constant 80 : index
      %swap3A_76 = tpu.vector_load %arg9[%swap3A_73, %swap3A_74, %swap3A_75] {strides = array<i32>} : memref<2x128x128xf32, #tpu.memory_space<vmem>>, vector<1x1x16xf32>,
      %swap3A_77 = vector.shape_cast %swap3A_76 : vector<1x1x16xf32> to vector<16xf32>
      %swap3A_78 = vector.shape_cast %broadcast_in_dim3A_71 : vector<16xf32> to vector<1x1x16xf32>
      tpu.vector_store %arg9[%swap3A_73, %swap3A_74, %swap3A_75], %swap3A_78 {strides = array<i32>} : memref<2x128x128xf32, #tpu.memory_space<vmem>>, vector<1x1x16xf32>,
      %broadcast_in_dim3A_79 = arith.constant 0.000000e+00 : f32
      %broadcast_in_dim3A_80 = vector.broadcast %broadcast_in_dim3A_79 : f32 to vector<16xf32>
      %swap3A_81 = arith.constant 0 : i32
      %swap3A_82 = arith.index_cast %swap3A_81 : i32 to index
      %swap3A_83 = arith.index_cast %add3A_26 : i32 to index
      %swap3A_84 = arith.constant 96 : index
      %swap3A_85 = tpu.vector_load %arg9[%swap3A_82, %swap3A_83, %swap3A_84] {strides = array<i32>} : memref<2x128x128xf32, #tpu.memory_space<vmem>>, vector<1x1x16xf32>,
      %swap3A_86 = vector.shape_cast %swap3A_85 : vector<1x1x16xf32> to vector<16xf32>
      %swap3A_87 = vector.shape_cast %broadcast_in_dim3A_80 : vector<16xf32> to vector<1x1x16xf32>
      tpu.vector_store %arg9[%swap3A_82, %swap3A_83, %swap3A_84], %swap3A_87 {strides = array<i32>} : memref<2x128x128xf32, #tpu.memory_space<vmem>>, vector<1x1x16xf32>,
      %broadcast_in_dim3A_88 = arith.constant 0.000000e+00 : f32
      %broadcast_in_dim3A_89 = vector.broadcast %broadcast_in_dim3A_88 : f32 to vector<16xf32>
      %swap3A_90 = arith.constant 0 : i32
      %swap3A_91 = arith.index_cast %swap3A_90 : i32 to index
      %swap3A_92 = arith.index_cast %add3A_26 : i32 to index
      %swap3A_93 = arith.constant 112 : index
      %swap3A_94 = tpu.vector_load %arg9[%swap3A_91, %swap3A_92, %swap3A_93] {strides = array<i32>} : memref<2x128x128xf32, #tpu.memory_space<vmem>>, vector<1x1x16xf32>,
      %swap3A_95 = vector.shape_cast %swap3A_94 : vector<1x1x16xf32> to vector<16xf32>
      %swap3A_96 = vector.shape_cast %broadcast_in_dim3A_89 : vector<16xf32> to vector<1x1x16xf32>
      tpu.vector_store %arg9[%swap3A_91, %swap3A_92, %swap3A_93], %swap3A_96 {strides = array<i32>} : memref<2x128x128xf32, #tpu.memory_space<vmem>>, vector<1x1x16xf32>,
    }
    %scan3A_6 = arith.constant 128 : i32
    %scan3A_7 = arith.constant 0 : i32
    %scan3A_8 = arith.constant 5 : i32
    %scan3A_9 = arith.addi %scan3A_7, %scan3A_8 : i32
    %scan3A_10 = arith.constant 1 : i32
    scf.for %scan3A_22 = %scan3A_7 to %scan3A_9 step %scan3A_10  : i32 {
      %mul3A_23 = arith.constant 1 : i32
      %mul3A_24 = arith.muli %scan3A_22, %mul3A_23 : i32
      %add3A_25 = arith.constant 0 : i32
      %add3A_26 = arith.addi %add3A_25, %mul3A_24 : i32
      %mul3A_27 = arith.constant 640 : i32
      %mul3A_28 = arith.muli %arg1, %mul3A_27 : i32
      %mul3A_29 = arith.constant 128 : i32
      %mul3A_30 = arith.muli %add3A_26, %mul3A_29 : i32
      %add3A_31 = arith.addi %mul3A_28, %mul3A_30 : i32
      %run_scoped3A = arith.constant 0 : i32
      "tpu.region"() ({
        %run_scoped3A_32 = tpu.sem_alloc : memref<!tpu.dma_semaphore, #tpu.memory_space<semaphore_mem>>
        %dma_start3A = arith.constant 0 : i32
        %dma_start3A_33 = arith.constant 0 : i32
        %dma_start3A_34 = tpu.memref_slice %arg9[%run_scoped3A, %dma_start3A, %dma_start3A_33] : memref<2x128x128xf32, #tpu.memory_space<vmem>> -> memref<1x128x128xf32, #tpu.memory_space<vmem>>
        %dma_start3A_35 = tpu.memref_squeeze %dma_start3A_34 : memref<1x128x128xf32, #tpu.memory_space<vmem>> -> memref<128x128xf32, #tpu.memory_space<vmem>>
        %dma_start3A_36 = arith.constant 0 : i32
        %dma_start3A_37 = tpu.memref_slice %arg6[%add3A_31, %dma_start3A_36] : memref<10240x128xf32, #tpu.memory_space<vmem_shared>> -> memref<128x128xf32, #tpu.memory_space<vmem_shared>>
        %dma_start3A_38 = arith.constant 0 : i32
        %dma_start3A_39 = tpu.memref_slice %arg6[%add3A_31, %dma_start3A_38] : memref<10240x128xf32, #tpu.memory_space<vmem_shared>> -> memref<128x128xf32, #tpu.memory_space<vmem_shared>>
        %dma_start3A_40 = arith.constant 0 : i32
        %dma_start3A_41 = arith.constant 0 : i32
        %dma_start3A_42 = tpu.memref_slice %arg9[%run_scoped3A, %dma_start3A_40, %dma_start3A_41] : memref<2x128x128xf32, #tpu.memory_space<vmem>> -> memref<1x128x128xf32, #tpu.memory_space<vmem>>
        %dma_start3A_43 = tpu.memref_squeeze %dma_start3A_42 : memref<1x128x128xf32, #tpu.memory_space<vmem>> -> memref<128x128xf32, #tpu.memory_space<vmem>>
        tpu.enqueue_dma source(%dma_start3A_43 : memref<128x128xf32, #tpu.memory_space<vmem>>) target(%dma_start3A_39 : memref<128x128xf32, #tpu.memory_space<vmem_shared>>) target_semaphore(%run_scoped3A_32 : memref<!tpu.dma_semaphore, #tpu.memory_space<semaphore_mem>>)
        %dma_wait3A = arith.constant 0 : i32
        %dma_wait3A_44 = arith.constant 0 : i32
        %dma_wait3A_45 = tpu.memref_slice %arg9[%run_scoped3A, %dma_wait3A, %dma_wait3A_44] : memref<2x128x128xf32, #tpu.memory_space<vmem>> -> memref<1x128x128xf32, #tpu.memory_space<vmem>>
        %dma_wait3A_46 = tpu.memref_squeeze %dma_wait3A_45 : memref<1x128x128xf32, #tpu.memory_space<vmem>> -> memref<128x128xf32, #tpu.memory_space<vmem>>
        %dma_wait3A_47 = arith.constant 0 : i32
        %dma_wait3A_48 = tpu.memref_slice %arg6[%add3A_31, %dma_wait3A_47] : memref<10240x128xf32, #tpu.memory_space<vmem_shared>> -> memref<128x128xf32, #tpu.memory_space<vmem_shared>>
        %dma_wait3A_49 = arith.constant 0 : i32
        %dma_wait3A_50 = tpu.memref_slice %arg6[%add3A_31, %dma_wait3A_49] : memref<10240x128xf32, #tpu.memory_space<vmem_shared>> -> memref<128x128xf32, #tpu.memory_space<vmem_shared>>
        %dma_wait3A_51 = arith.constant 0 : i32
        %dma_wait3A_52 = arith.constant 0 : i32
        %dma_wait3A_53 = tpu.memref_slice %arg9[%run_scoped3A, %dma_wait3A_51, %dma_wait3A_52] : memref<2x128x128xf32, #tpu.memory_space<vmem>> -> memref<1x128x128xf32, #tpu.memory_space<vmem>>
        %dma_wait3A_54 = tpu.memref_squeeze %dma_wait3A_53 : memref<1x128x128xf32, #tpu.memory_space<vmem>> -> memref<128x128xf32, #tpu.memory_space<vmem>>
        tpu.wait_dma2 semaphore(%run_scoped3A_32 : memref<!tpu.dma_semaphore, #tpu.memory_space<semaphore_mem>>) src(%dma_wait3A_54 : memref<128x128xf32, #tpu.memory_space<vmem>>) dst(%dma_wait3A_50 : memref<128x128xf32, #tpu.memory_space<vmem_shared>>)
        tpu.yield
      }) : () -> ()
    }
    %scan3A_11 = arith.constant 5 : i32
    %barrier3A = arith.constant 0 : index
    tpu.barrier barrier_id(%barrier3A)
    %scan3A_12 = arith.constant 0 : i32
    %scan3A_13 = arith.constant 5 : i32
    %scan3A_14 = arith.addi %scan3A_12, %scan3A_13 : i32
    %scan3A_15 = arith.constant 1 : i32
    scf.for %scan3A_22 = %scan3A_12 to %scan3A_14 step %scan3A_15  : i32 {
      %mul3A_23 = arith.constant 1 : i32
      %mul3A_24 = arith.muli %scan3A_22, %mul3A_23 : i32
      %add3A_25 = arith.constant 0 : i32
      %add3A_26 = arith.addi %add3A_25, %mul3A_24 : i32
      %mul3A_27 = arith.constant 16 : i32
      %mul3A_28 = arith.muli %add3A_26, %mul3A_27 : i32
      %add3A_29 = arith.addi %mul3A_2, %mul3A_28 : i32
      "tpu.region"() ({
        %run_scoped3A_93 = tpu.sem_alloc : memref<!tpu.dma_semaphore, #tpu.memory_space<semaphore_mem>>
        %dma_start3A_94 = arith.constant 0 : i32
        %dma_start3A_95 = tpu.memref_slice %arg3[%add3A_29, %dma_start3A_94] : memref<2560x128xi32, #tpu.memory_space<hbm>> -> memref<16x128xi32, #tpu.memory_space<hbm>>
        %dma_start3A_96 = arith.constant 0 : i32
        %dma_start3A_97 = tpu.memref_slice %arg3[%add3A_29, %dma_start3A_96] : memref<2560x128xi32, #tpu.memory_space<hbm>> -> memref<16x128xi32, #tpu.memory_space<hbm>>
        tpu.enqueue_dma source(%dma_start3A_97 : memref<16x128xi32, #tpu.memory_space<hbm>>) target(%arg7 : memref<16x128xi32, #tpu.memory_space<vmem>>) target_semaphore(%run_scoped3A_93 : memref<!tpu.dma_semaphore, #tpu.memory_space<semaphore_mem>>)
        %dma_wait3A_98 = arith.constant 0 : i32
        %dma_wait3A_99 = tpu.memref_slice %arg3[%add3A_29, %dma_wait3A_98] : memref<2560x128xi32, #tpu.memory_space<hbm>> -> memref<16x128xi32, #tpu.memory_space<hbm>>
        %dma_wait3A_100 = arith.constant 0 : i32
        %dma_wait3A_101 = tpu.memref_slice %arg3[%add3A_29, %dma_wait3A_100] : memref<2560x128xi32, #tpu.memory_space<hbm>> -> memref<16x128xi32, #tpu.memory_space<hbm>>
        tpu.wait_dma2 semaphore(%run_scoped3A_93 : memref<!tpu.dma_semaphore, #tpu.memory_space<semaphore_mem>>) src(%dma_wait3A_101 : memref<16x128xi32, #tpu.memory_space<hbm>>) dst(%arg7 : memref<16x128xi32, #tpu.memory_space<vmem>>)
        tpu.yield
      }) : () -> ()
      %mul3A_30 = arith.constant 16 : i32
      %mul3A_31 = arith.muli %add3A_26, %mul3A_30 : i32
      %add3A_32 = arith.addi %mul3A_2, %mul3A_31 : i32
      "tpu.region"() ({
        %run_scoped3A_93 = tpu.sem_alloc : memref<!tpu.dma_semaphore, #tpu.memory_space<semaphore_mem>>
        %dma_start3A_94 = arith.constant 0 : i32
        %dma_start3A_95 = tpu.memref_slice %arg4[%add3A_32, %dma_start3A_94] : memref<2560x128xi32, #tpu.memory_space<hbm>> -> memref<16x128xi32, #tpu.memory_space<hbm>>
        %dma_start3A_96 = arith.constant 0 : i32
        %dma_start3A_97 = tpu.memref_slice %arg4[%add3A_32, %dma_start3A_96] : memref<2560x128xi32, #tpu.memory_space<hbm>> -> memref<16x128xi32, #tpu.memory_space<hbm>>
        tpu.enqueue_dma source(%dma_start3A_97 : memref<16x128xi32, #tpu.memory_space<hbm>>) target(%arg8 : memref<16x128xi32, #tpu.memory_space<vmem>>) target_semaphore(%run_scoped3A_93 : memref<!tpu.dma_semaphore, #tpu.memory_space<semaphore_mem>>)
        %dma_wait3A_98 = arith.constant 0 : i32
        %dma_wait3A_99 = tpu.memref_slice %arg4[%add3A_32, %dma_wait3A_98] : memref<2560x128xi32, #tpu.memory_space<hbm>> -> memref<16x128xi32, #tpu.memory_space<hbm>>
        %dma_wait3A_100 = arith.constant 0 : i32
        %dma_wait3A_101 = tpu.memref_slice %arg4[%add3A_32, %dma_wait3A_100] : memref<2560x128xi32, #tpu.memory_space<hbm>> -> memref<16x128xi32, #tpu.memory_space<hbm>>
        tpu.wait_dma2 semaphore(%run_scoped3A_93 : memref<!tpu.dma_semaphore, #tpu.memory_space<semaphore_mem>>) src(%dma_wait3A_101 : memref<16x128xi32, #tpu.memory_space<hbm>>) dst(%arg8 : memref<16x128xi32, #tpu.memory_space<vmem>>)
        tpu.yield
      }) : () -> ()
      %dma_start3A = arith.constant 0 : i32
      %dma_start3A_33 = arith.constant 0 : i32
      %dma_start3A_34 = arith.constant 0 : i32
      %dma_start3A_35 = arith.constant 0 : i32
      %dma_start3A_36 = tpu.memref_slice %arg9[%dma_start3A_33, %dma_start3A_34, %dma_start3A_35] : memref<2x128x128xf32, #tpu.memory_space<vmem>> -> memref<1x128x128xf32, #tpu.memory_space<vmem>>
      %dma_start3A_37 = tpu.memref_squeeze %dma_start3A_36 : memref<1x128x128xf32, #tpu.memory_space<vmem>> -> memref<128x128xf32, #tpu.memory_space<vmem>>
      %dma_start3A_38 = arith.constant 0 : i32
      %dma_start3A_39 = tpu.memref_slice %arg7[%dma_start3A, %dma_start3A_38] : memref<16x128xi32, #tpu.memory_space<vmem>> -> memref<1x128xi32, #tpu.memory_space<vmem>>
      %dma_start3A_40 = tpu.memref_squeeze %dma_start3A_39 : memref<1x128xi32, #tpu.memory_space<vmem>> -> memref<128xi32, #tpu.memory_space<vmem>>
      %dma_start3A_41 = arith.constant 0 : i32
      %dma_start3A_42 = arith.constant 0 : i32
      %dma_start3A_43 = tpu.memref_slice %arg2[%dma_start3A_41, %dma_start3A_42] : memref<10240x128xf32, #tpu.memory_space<hbm>> -> memref<10240x128xf32, #tpu.memory_space<hbm>>
      tpu.enqueue_indirect_dma source(%dma_start3A_43 : memref<10240x128xf32, #tpu.memory_space<hbm>>) target(%dma_start3A_37 : memref<128x128xf32, #tpu.memory_space<vmem>>) offsets(%dma_start3A_40 : memref<128xi32, #tpu.memory_space<vmem>>) semaphore(%arg10 : memref<!tpu.dma_semaphore, #tpu.memory_space<semaphore_mem>>)
      %scan3A_44 = arith.constant 0 : i32
      %scan3A_45 = arith.constant 7 : i32
      %scan3A_46 = arith.addi %scan3A_44, %scan3A_45 : i32
      %scan3A_47 = arith.constant 1 : i32
      scf.for %scan3A_93 = %scan3A_44 to %scan3A_46 step %scan3A_47  : i32 {
        %mul3A_94 = arith.constant 2 : i32
        %mul3A_95 = arith.muli %scan3A_93, %mul3A_94 : i32
        %add3A_96 = arith.constant 0 : i32
        %add3A_97 = arith.addi %add3A_96, %mul3A_95 : i32
        %add3A_98 = arith.constant 1 : i32
        %add3A_99 = arith.addi %add3A_97, %add3A_98 : i32
        %dma_start3A_100 = arith.constant 1 : i32
        %dma_start3A_101 = arith.constant 0 : i32
        %dma_start3A_102 = arith.constant 0 : i32
        %dma_start3A_103 = tpu.memref_slice %arg9[%dma_start3A_100, %dma_start3A_101, %dma_start3A_102] : memref<2x128x128xf32, #tpu.memory_space<vmem>> -> memref<1x128x128xf32, #tpu.memory_space<vmem>>
        %dma_start3A_104 = tpu.memref_squeeze %dma_start3A_103 : memref<1x128x128xf32, #tpu.memory_space<vmem>> -> memref<128x128xf32, #tpu.memory_space<vmem>>
        %dma_start3A_105 = arith.constant 0 : i32
        %dma_start3A_106 = tpu.memref_slice %arg7[%add3A_99, %dma_start3A_105] : memref<16x128xi32, #tpu.memory_space<vmem>> -> memref<1x128xi32, #tpu.memory_space<vmem>>
        %dma_start3A_107 = tpu.memref_squeeze %dma_start3A_106 : memref<1x128xi32, #tpu.memory_space<vmem>> -> memref<128xi32, #tpu.memory_space<vmem>>
        %dma_start3A_108 = arith.constant 0 : i32
        %dma_start3A_109 = arith.constant 0 : i32
        %dma_start3A_110 = tpu.memref_slice %arg2[%dma_start3A_108, %dma_start3A_109] : memref<10240x128xf32, #tpu.memory_space<hbm>> -> memref<10240x128xf32, #tpu.memory_space<hbm>>
        tpu.enqueue_indirect_dma source(%dma_start3A_110 : memref<10240x128xf32, #tpu.memory_space<hbm>>) target(%dma_start3A_104 : memref<128x128xf32, #tpu.memory_space<vmem>>) offsets(%dma_start3A_107 : memref<128xi32, #tpu.memory_space<vmem>>) semaphore(%arg11 : memref<!tpu.dma_semaphore, #tpu.memory_space<semaphore_mem>>)
        %dma_wait3A_111 = arith.constant 0 : i32
        %dma_wait3A_112 = arith.constant 0 : i32
        %dma_wait3A_113 = arith.constant 0 : i32
        %dma_wait3A_114 = tpu.memref_slice %arg9[%dma_wait3A_111, %dma_wait3A_112, %dma_wait3A_113] : memref<2x128x128xf32, #tpu.memory_space<vmem>> -> memref<1x128x128xf32, #tpu.memory_space<vmem>>
        %dma_wait3A_115 = tpu.memref_squeeze %dma_wait3A_114 : memref<1x128x128xf32, #tpu.memory_space<vmem>> -> memref<128x128xf32, #tpu.memory_space<vmem>>
        %dma_wait3A_116 = arith.constant 0 : i32
        %dma_wait3A_117 = arith.constant 0 : i32
        %dma_wait3A_118 = tpu.memref_slice %arg2[%dma_wait3A_116, %dma_wait3A_117] : memref<10240x128xf32, #tpu.memory_space<hbm>> -> memref<128x128xf32, #tpu.memory_space<hbm>>
        %dma_wait3A_119 = arith.constant 0 : i32
        %dma_wait3A_120 = arith.constant 0 : i32
        %dma_wait3A_121 = tpu.memref_slice %arg9[%dma_wait3A_111, %dma_wait3A_119, %dma_wait3A_120] : memref<2x128x128xf32, #tpu.memory_space<vmem>> -> memref<1x128x128xf32, #tpu.memory_space<vmem>>
        %dma_wait3A_122 = tpu.memref_squeeze %dma_wait3A_121 : memref<1x128x128xf32, #tpu.memory_space<vmem>> -> memref<128x128xf32, #tpu.memory_space<vmem>>
        %dma_wait3A_123 = arith.constant 0 : i32
        %dma_wait3A_124 = arith.constant 0 : i32
        %dma_wait3A_125 = tpu.memref_slice %arg2[%dma_wait3A_123, %dma_wait3A_124] : memref<10240x128xf32, #tpu.memory_space<hbm>> -> memref<128x128xf32, #tpu.memory_space<hbm>>
        tpu.wait_dma2 semaphore(%arg10 : memref<!tpu.dma_semaphore, #tpu.memory_space<semaphore_mem>>) src(%dma_wait3A_125 : memref<128x128xf32, #tpu.memory_space<hbm>>) dst(%dma_wait3A_122 : memref<128x128xf32, #tpu.memory_space<vmem>>)
        %run_scoped3A_126 = arith.constant 0 : i32
        "tpu.region"() ({
          %run_scoped3A_158 = tpu.sem_alloc : memref<!tpu.dma_semaphore, #tpu.memory_space<semaphore_mem>>
          %dma_start3A_159 = arith.constant 0 : i32
          %dma_start3A_160 = arith.constant 0 : i32
          %dma_start3A_161 = tpu.memref_slice %arg9[%run_scoped3A_126, %dma_start3A_159, %dma_start3A_160] : memref<2x128x128xf32, #tpu.memory_space<vmem>> -> memref<1x128x128xf32, #tpu.memory_space<vmem>>
          %dma_start3A_162 = tpu.memref_squeeze %dma_start3A_161 : memref<1x128x128xf32, #tpu.memory_space<vmem>> -> memref<128x128xf32, #tpu.memory_space<vmem>>
          %dma_start3A_163 = arith.constant 0 : i32
          %dma_start3A_164 = tpu.memref_slice %arg8[%add3A_97, %dma_start3A_163] : memref<16x128xi32, #tpu.memory_space<vmem>> -> memref<1x128xi32, #tpu.memory_space<vmem>>
          %dma_start3A_165 = tpu.memref_squeeze %dma_start3A_164 : memref<1x128xi32, #tpu.memory_space<vmem>> -> memref<128xi32, #tpu.memory_space<vmem>>
          %dma_start3A_166 = arith.constant 0 : i32
          %dma_start3A_167 = arith.constant 0 : i32
          %dma_start3A_168 = tpu.memref_slice %arg6[%dma_start3A_166, %dma_start3A_167] : memref<10240x128xf32, #tpu.memory_space<vmem_shared>> -> memref<10240x128xf32, #tpu.memory_space<vmem_shared>>
          tpu.enqueue_indirect_dma source(%dma_start3A_162 : memref<128x128xf32, #tpu.memory_space<vmem>>) target(%dma_start3A_168 : memref<10240x128xf32, #tpu.memory_space<vmem_shared>>) offsets(%dma_start3A_165 : memref<128xi32, #tpu.memory_space<vmem>>) semaphore(%run_scoped3A_158 : memref<!tpu.dma_semaphore, #tpu.memory_space<semaphore_mem>>) {add = true}
          %dma_wait3A_169 = arith.constant 0 : i32
          %dma_wait3A_170 = arith.constant 0 : i32
          %dma_wait3A_171 = tpu.memref_slice %arg9[%run_scoped3A_126, %dma_wait3A_169, %dma_wait3A_170] : memref<2x128x128xf32, #tpu.memory_space<vmem>> -> memref<1x128x128xf32, #tpu.memory_space<vmem>>
          %dma_wait3A_172 = tpu.memref_squeeze %dma_wait3A_171 : memref<1x128x128xf32, #tpu.memory_space<vmem>> -> memref<128x128xf32, #tpu.memory_space<vmem>>
          %dma_wait3A_173 = arith.constant 0 : i32
          %dma_wait3A_174 = tpu.memref_slice %arg8[%add3A_97, %dma_wait3A_173] : memref<16x128xi32, #tpu.memory_space<vmem>> -> memref<1x128xi32, #tpu.memory_space<vmem>>
          %dma_wait3A_175 = tpu.memref_squeeze %dma_wait3A_174 : memref<1x128xi32, #tpu.memory_space<vmem>> -> memref<128xi32, #tpu.memory_space<vmem>>
          %dma_wait3A_176 = arith.constant 0 : i32
          %dma_wait3A_177 = arith.constant 0 : i32
          %dma_wait3A_178 = tpu.memref_slice %arg6[%dma_wait3A_176, %dma_wait3A_177] : memref<10240x128xf32, #tpu.memory_space<vmem_shared>> -> memref<10240x128xf32, #tpu.memory_space<vmem_shared>>
          tpu.wait_indirect_dma semaphore(%run_scoped3A_158 : memref<!tpu.dma_semaphore, #tpu.memory_space<semaphore_mem>>) src(%dma_wait3A_172 : memref<128x128xf32, #tpu.memory_space<vmem>>) dst(%dma_wait3A_178 : memref<10240x128xf32, #tpu.memory_space<vmem_shared>>)
          tpu.yield
        }) : () -> ()
        %add3A_127 = arith.constant 2 : i32
        %add3A_128 = arith.addi %add3A_97, %add3A_127 : i32
        %dma_start3A_129 = arith.constant 0 : i32
        %dma_start3A_130 = arith.constant 0 : i32
        %dma_start3A_131 = arith.constant 0 : i32
        %dma_start3A_132 = tpu.memref_slice %arg9[%dma_start3A_129, %dma_start3A_130, %dma_start3A_131] : memref<2x128x128xf32, #tpu.memory_space<vmem>> -> memref<1x128x128xf32, #tpu.memory_space<vmem>>
        %dma_start3A_133 = tpu.memref_squeeze %dma_start3A_132 : memref<1x128x128xf32, #tpu.memory_space<vmem>> -> memref<128x128xf32, #tpu.memory_space<vmem>>
        %dma_start3A_134 = arith.constant 0 : i32
        %dma_start3A_135 = tpu.memref_slice %arg7[%add3A_128, %dma_start3A_134] : memref<16x128xi32, #tpu.memory_space<vmem>> -> memref<1x128xi32, #tpu.memory_space<vmem>>
        %dma_start3A_136 = tpu.memref_squeeze %dma_start3A_135 : memref<1x128xi32, #tpu.memory_space<vmem>> -> memref<128xi32, #tpu.memory_space<vmem>>
        %dma_start3A_137 = arith.constant 0 : i32
        %dma_start3A_138 = arith.constant 0 : i32
        %dma_start3A_139 = tpu.memref_slice %arg2[%dma_start3A_137, %dma_start3A_138] : memref<10240x128xf32, #tpu.memory_space<hbm>> -> memref<10240x128xf32, #tpu.memory_space<hbm>>
        tpu.enqueue_indirect_dma source(%dma_start3A_139 : memref<10240x128xf32, #tpu.memory_space<hbm>>) target(%dma_start3A_133 : memref<128x128xf32, #tpu.memory_space<vmem>>) offsets(%dma_start3A_136 : memref<128xi32, #tpu.memory_space<vmem>>) semaphore(%arg10 : memref<!tpu.dma_semaphore, #tpu.memory_space<semaphore_mem>>)
        %dma_wait3A_140 = arith.constant 1 : i32
        %dma_wait3A_141 = arith.constant 0 : i32
        %dma_wait3A_142 = arith.constant 0 : i32
        %dma_wait3A_143 = tpu.memref_slice %arg9[%dma_wait3A_140, %dma_wait3A_141, %dma_wait3A_142] : memref<2x128x128xf32, #tpu.memory_space<vmem>> -> memref<1x128x128xf32, #tpu.memory_space<vmem>>
        %dma_wait3A_144 = tpu.memref_squeeze %dma_wait3A_143 : memref<1x128x128xf32, #tpu.memory_space<vmem>> -> memref<128x128xf32, #tpu.memory_space<vmem>>
        %dma_wait3A_145 = arith.constant 0 : i32
        %dma_wait3A_146 = arith.constant 0 : i32
        %dma_wait3A_147 = tpu.memref_slice %arg2[%dma_wait3A_145, %dma_wait3A_146] : memref<10240x128xf32, #tpu.memory_space<hbm>> -> memref<128x128xf32, #tpu.memory_space<hbm>>
        %dma_wait3A_148 = arith.constant 0 : i32
        %dma_wait3A_149 = arith.constant 0 : i32
        %dma_wait3A_150 = tpu.memref_slice %arg9[%dma_wait3A_140, %dma_wait3A_148, %dma_wait3A_149] : memref<2x128x128xf32, #tpu.memory_space<vmem>> -> memref<1x128x128xf32, #tpu.memory_space<vmem>>
        %dma_wait3A_151 = tpu.memref_squeeze %dma_wait3A_150 : memref<1x128x128xf32, #tpu.memory_space<vmem>> -> memref<128x128xf32, #tpu.memory_space<vmem>>
        %dma_wait3A_152 = arith.constant 0 : i32
        %dma_wait3A_153 = arith.constant 0 : i32
        %dma_wait3A_154 = tpu.memref_slice %arg2[%dma_wait3A_152, %dma_wait3A_153] : memref<10240x128xf32, #tpu.memory_space<hbm>> -> memref<128x128xf32, #tpu.memory_space<hbm>>
        tpu.wait_dma2 semaphore(%arg11 : memref<!tpu.dma_semaphore, #tpu.memory_space<semaphore_mem>>) src(%dma_wait3A_154 : memref<128x128xf32, #tpu.memory_space<hbm>>) dst(%dma_wait3A_151 : memref<128x128xf32, #tpu.memory_space<vmem>>)
        %add3A_155 = arith.constant 1 : i32
        %add3A_156 = arith.addi %add3A_97, %add3A_155 : i32
        %run_scoped3A_157 = arith.constant 1 : i32
        "tpu.region"() ({
          %run_scoped3A_158 = tpu.sem_alloc : memref<!tpu.dma_semaphore, #tpu.memory_space<semaphore_mem>>
          %dma_start3A_159 = arith.constant 0 : i32
          %dma_start3A_160 = arith.constant 0 : i32
          %dma_start3A_161 = tpu.memref_slice %arg9[%run_scoped3A_157, %dma_start3A_159, %dma_start3A_160] : memref<2x128x128xf32, #tpu.memory_space<vmem>> -> memref<1x128x128xf32, #tpu.memory_space<vmem>>
          %dma_start3A_162 = tpu.memref_squeeze %dma_start3A_161 : memref<1x128x128xf32, #tpu.memory_space<vmem>> -> memref<128x128xf32, #tpu.memory_space<vmem>>
          %dma_start3A_163 = arith.constant 0 : i32
          %dma_start3A_164 = tpu.memref_slice %arg8[%add3A_156, %dma_start3A_163] : memref<16x128xi32, #tpu.memory_space<vmem>> -> memref<1x128xi32, #tpu.memory_space<vmem>>
          %dma_start3A_165 = tpu.memref_squeeze %dma_start3A_164 : memref<1x128xi32, #tpu.memory_space<vmem>> -> memref<128xi32, #tpu.memory_space<vmem>>
          %dma_start3A_166 = arith.constant 0 : i32
          %dma_start3A_167 = arith.constant 0 : i32
          %dma_start3A_168 = tpu.memref_slice %arg6[%dma_start3A_166, %dma_start3A_167] : memref<10240x128xf32, #tpu.memory_space<vmem_shared>> -> memref<10240x128xf32, #tpu.memory_space<vmem_shared>>
          tpu.enqueue_indirect_dma source(%dma_start3A_162 : memref<128x128xf32, #tpu.memory_space<vmem>>) target(%dma_start3A_168 : memref<10240x128xf32, #tpu.memory_space<vmem_shared>>) offsets(%dma_start3A_165 : memref<128xi32, #tpu.memory_space<vmem>>) semaphore(%run_scoped3A_158 : memref<!tpu.dma_semaphore, #tpu.memory_space<semaphore_mem>>) {add = true}
          %dma_wait3A_169 = arith.constant 0 : i32
          %dma_wait3A_170 = arith.constant 0 : i32
          %dma_wait3A_171 = tpu.memref_slice %arg9[%run_scoped3A_157, %dma_wait3A_169, %dma_wait3A_170] : memref<2x128x128xf32, #tpu.memory_space<vmem>> -> memref<1x128x128xf32, #tpu.memory_space<vmem>>
          %dma_wait3A_172 = tpu.memref_squeeze %dma_wait3A_171 : memref<1x128x128xf32, #tpu.memory_space<vmem>> -> memref<128x128xf32, #tpu.memory_space<vmem>>
          %dma_wait3A_173 = arith.constant 0 : i32
          %dma_wait3A_174 = tpu.memref_slice %arg8[%add3A_156, %dma_wait3A_173] : memref<16x128xi32, #tpu.memory_space<vmem>> -> memref<1x128xi32, #tpu.memory_space<vmem>>
          %dma_wait3A_175 = tpu.memref_squeeze %dma_wait3A_174 : memref<1x128xi32, #tpu.memory_space<vmem>> -> memref<128xi32, #tpu.memory_space<vmem>>
          %dma_wait3A_176 = arith.constant 0 : i32
          %dma_wait3A_177 = arith.constant 0 : i32
          %dma_wait3A_178 = tpu.memref_slice %arg6[%dma_wait3A_176, %dma_wait3A_177] : memref<10240x128xf32, #tpu.memory_space<vmem_shared>> -> memref<10240x128xf32, #tpu.memory_space<vmem_shared>>
          tpu.wait_indirect_dma semaphore(%run_scoped3A_158 : memref<!tpu.dma_semaphore, #tpu.memory_space<semaphore_mem>>) src(%dma_wait3A_172 : memref<128x128xf32, #tpu.memory_space<vmem>>) dst(%dma_wait3A_178 : memref<10240x128xf32, #tpu.memory_space<vmem_shared>>)
          tpu.yield
        }) : () -> ()
      }
      %scan3A_48 = arith.constant 7 : i32
      %dma_start3A_49 = arith.constant 15 : i32
      %dma_start3A_50 = arith.constant 1 : i32
      %dma_start3A_51 = arith.constant 0 : i32
      %dma_start3A_52 = arith.constant 0 : i32
      %dma_start3A_53 = tpu.memref_slice %arg9[%dma_start3A_50, %dma_start3A_51, %dma_start3A_52] : memref<2x128x128xf32, #tpu.memory_space<vmem>> -> memref<1x128x128xf32, #tpu.memory_space<vmem>>
      %dma_start3A_54 = tpu.memref_squeeze %dma_start3A_53 : memref<1x128x128xf32, #tpu.memory_space<vmem>> -> memref<128x128xf32, #tpu.memory_space<vmem>>
      %dma_start3A_55 = arith.constant 0 : i32
      %dma_start3A_56 = tpu.memref_slice %arg7[%dma_start3A_49, %dma_start3A_55] : memref<16x128xi32, #tpu.memory_space<vmem>> -> memref<1x128xi32, #tpu.memory_space<vmem>>
      %dma_start3A_57 = tpu.memref_squeeze %dma_start3A_56 : memref<1x128xi32, #tpu.memory_space<vmem>> -> memref<128xi32, #tpu.memory_space<vmem>>
      %dma_start3A_58 = arith.constant 0 : i32
      %dma_start3A_59 = arith.constant 0 : i32
      %dma_start3A_60 = tpu.memref_slice %arg2[%dma_start3A_58, %dma_start3A_59] : memref<10240x128xf32, #tpu.memory_space<hbm>> -> memref<10240x128xf32, #tpu.memory_space<hbm>>
      tpu.enqueue_indirect_dma source(%dma_start3A_60 : memref<10240x128xf32, #tpu.memory_space<hbm>>) target(%dma_start3A_54 : memref<128x128xf32, #tpu.memory_space<vmem>>) offsets(%dma_start3A_57 : memref<128xi32, #tpu.memory_space<vmem>>) semaphore(%arg11 : memref<!tpu.dma_semaphore, #tpu.memory_space<semaphore_mem>>)
      %dma_wait3A = arith.constant 0 : i32
      %dma_wait3A_61 = arith.constant 0 : i32
      %dma_wait3A_62 = arith.constant 0 : i32
      %dma_wait3A_63 = tpu.memref_slice %arg9[%dma_wait3A, %dma_wait3A_61, %dma_wait3A_62] : memref<2x128x128xf32, #tpu.memory_space<vmem>> -> memref<1x128x128xf32, #tpu.memory_space<vmem>>
      %dma_wait3A_64 = tpu.memref_squeeze %dma_wait3A_63 : memref<1x128x128xf32, #tpu.memory_space<vmem>> -> memref<128x128xf32, #tpu.memory_space<vmem>>
      %dma_wait3A_65 = arith.constant 0 : i32
      %dma_wait3A_66 = arith.constant 0 : i32
      %dma_wait3A_67 = tpu.memref_slice %arg2[%dma_wait3A_65, %dma_wait3A_66] : memref<10240x128xf32, #tpu.memory_space<hbm>> -> memref<128x128xf32, #tpu.memory_space<hbm>>
      %dma_wait3A_68 = arith.constant 0 : i32
      %dma_wait3A_69 = arith.constant 0 : i32
      %dma_wait3A_70 = tpu.memref_slice %arg9[%dma_wait3A, %dma_wait3A_68, %dma_wait3A_69] : memref<2x128x128xf32, #tpu.memory_space<vmem>> -> memref<1x128x128xf32, #tpu.memory_space<vmem>>
      %dma_wait3A_71 = tpu.memref_squeeze %dma_wait3A_70 : memref<1x128x128xf32, #tpu.memory_space<vmem>> -> memref<128x128xf32, #tpu.memory_space<vmem>>
      %dma_wait3A_72 = arith.constant 0 : i32
      %dma_wait3A_73 = arith.constant 0 : i32
      %dma_wait3A_74 = tpu.memref_slice %arg2[%dma_wait3A_72, %dma_wait3A_73] : memref<10240x128xf32, #tpu.memory_space<hbm>> -> memref<128x128xf32, #tpu.memory_space<hbm>>
      tpu.wait_dma2 semaphore(%arg10 : memref<!tpu.dma_semaphore, #tpu.memory_space<semaphore_mem>>) src(%dma_wait3A_74 : memref<128x128xf32, #tpu.memory_space<hbm>>) dst(%dma_wait3A_71 : memref<128x128xf32, #tpu.memory_space<vmem>>)
      %run_scoped3A = arith.constant 0 : i32
      %run_scoped3A_75 = arith.constant 14 : i32
      "tpu.region"() ({
        %run_scoped3A_93 = tpu.sem_alloc : memref<!tpu.dma_semaphore, #tpu.memory_space<semaphore_mem>>
        %dma_start3A_94 = arith.constant 0 : i32
        %dma_start3A_95 = arith.constant 0 : i32
        %dma_start3A_96 = tpu.memref_slice %arg9[%run_scoped3A, %dma_start3A_94, %dma_start3A_95] : memref<2x128x128xf32, #tpu.memory_space<vmem>> -> memref<1x128x128xf32, #tpu.memory_space<vmem>>
        %dma_start3A_97 = tpu.memref_squeeze %dma_start3A_96 : memref<1x128x128xf32, #tpu.memory_space<vmem>> -> memref<128x128xf32, #tpu.memory_space<vmem>>
        %dma_start3A_98 = arith.constant 0 : i32
        %dma_start3A_99 = tpu.memref_slice %arg8[%run_scoped3A_75, %dma_start3A_98] : memref<16x128xi32, #tpu.memory_space<vmem>> -> memref<1x128xi32, #tpu.memory_space<vmem>>
        %dma_start3A_100 = tpu.memref_squeeze %dma_start3A_99 : memref<1x128xi32, #tpu.memory_space<vmem>> -> memref<128xi32, #tpu.memory_space<vmem>>
        %dma_start3A_101 = arith.constant 0 : i32
        %dma_start3A_102 = arith.constant 0 : i32
        %dma_start3A_103 = tpu.memref_slice %arg6[%dma_start3A_101, %dma_start3A_102] : memref<10240x128xf32, #tpu.memory_space<vmem_shared>> -> memref<10240x128xf32, #tpu.memory_space<vmem_shared>>
        tpu.enqueue_indirect_dma source(%dma_start3A_97 : memref<128x128xf32, #tpu.memory_space<vmem>>) target(%dma_start3A_103 : memref<10240x128xf32, #tpu.memory_space<vmem_shared>>) offsets(%dma_start3A_100 : memref<128xi32, #tpu.memory_space<vmem>>) semaphore(%run_scoped3A_93 : memref<!tpu.dma_semaphore, #tpu.memory_space<semaphore_mem>>) {add = true}
        %dma_wait3A_104 = arith.constant 0 : i32
        %dma_wait3A_105 = arith.constant 0 : i32
        %dma_wait3A_106 = tpu.memref_slice %arg9[%run_scoped3A, %dma_wait3A_104, %dma_wait3A_105] : memref<2x128x128xf32, #tpu.memory_space<vmem>> -> memref<1x128x128xf32, #tpu.memory_space<vmem>>
        %dma_wait3A_107 = tpu.memref_squeeze %dma_wait3A_106 : memref<1x128x128xf32, #tpu.memory_space<vmem>> -> memref<128x128xf32, #tpu.memory_space<vmem>>
        %dma_wait3A_108 = arith.constant 0 : i32
        %dma_wait3A_109 = tpu.memref_slice %arg8[%run_scoped3A_75, %dma_wait3A_108] : memref<16x128xi32, #tpu.memory_space<vmem>> -> memref<1x128xi32, #tpu.memory_space<vmem>>
        %dma_wait3A_110 = tpu.memref_squeeze %dma_wait3A_109 : memref<1x128xi32, #tpu.memory_space<vmem>> -> memref<128xi32, #tpu.memory_space<vmem>>
        %dma_wait3A_111 = arith.constant 0 : i32
        %dma_wait3A_112 = arith.constant 0 : i32
        %dma_wait3A_113 = tpu.memref_slice %arg6[%dma_wait3A_111, %dma_wait3A_112] : memref<10240x128xf32, #tpu.memory_space<vmem_shared>> -> memref<10240x128xf32, #tpu.memory_space<vmem_shared>>
        tpu.wait_indirect_dma semaphore(%run_scoped3A_93 : memref<!tpu.dma_semaphore, #tpu.memory_space<semaphore_mem>>) src(%dma_wait3A_107 : memref<128x128xf32, #tpu.memory_space<vmem>>) dst(%dma_wait3A_113 : memref<10240x128xf32, #tpu.memory_space<vmem_shared>>)
        tpu.yield
      }) : () -> ()
      %dma_wait3A_76 = arith.constant 1 : i32
      %dma_wait3A_77 = arith.constant 0 : i32
      %dma_wait3A_78 = arith.constant 0 : i32
      %dma_wait3A_79 = tpu.memref_slice %arg9[%dma_wait3A_76, %dma_wait3A_77, %dma_wait3A_78] : memref<2x128x128xf32, #tpu.memory_space<vmem>> -> memref<1x128x128xf32, #tpu.memory_space<vmem>>
      %dma_wait3A_80 = tpu.memref_squeeze %dma_wait3A_79 : memref<1x128x128xf32, #tpu.memory_space<vmem>> -> memref<128x128xf32, #tpu.memory_space<vmem>>
      %dma_wait3A_81 = arith.constant 0 : i32
      %dma_wait3A_82 = arith.constant 0 : i32
      %dma_wait3A_83 = tpu.memref_slice %arg2[%dma_wait3A_81, %dma_wait3A_82] : memref<10240x128xf32, #tpu.memory_space<hbm>> -> memref<128x128xf32, #tpu.memory_space<hbm>>
      %dma_wait3A_84 = arith.constant 0 : i32
      %dma_wait3A_85 = arith.constant 0 : i32
      %dma_wait3A_86 = tpu.memref_slice %arg9[%dma_wait3A_76, %dma_wait3A_84, %dma_wait3A_85] : memref<2x128x128xf32, #tpu.memory_space<vmem>> -> memref<1x128x128xf32, #tpu.memory_space<vmem>>
      %dma_wait3A_87 = tpu.memref_squeeze %dma_wait3A_86 : memref<1x128x128xf32, #tpu.memory_space<vmem>> -> memref<128x128xf32, #tpu.memory_space<vmem>>
      %dma_wait3A_88 = arith.constant 0 : i32
      %dma_wait3A_89 = arith.constant 0 : i32
      %dma_wait3A_90 = tpu.memref_slice %arg2[%dma_wait3A_88, %dma_wait3A_89] : memref<10240x128xf32, #tpu.memory_space<hbm>> -> memref<128x128xf32, #tpu.memory_space<hbm>>
      tpu.wait_dma2 semaphore(%arg11 : memref<!tpu.dma_semaphore, #tpu.memory_space<semaphore_mem>>) src(%dma_wait3A_90 : memref<128x128xf32, #tpu.memory_space<hbm>>) dst(%dma_wait3A_87 : memref<128x128xf32, #tpu.memory_space<vmem>>)
      %run_scoped3A_91 = arith.constant 1 : i32
      %run_scoped3A_92 = arith.constant 15 : i32
      "tpu.region"() ({
        %run_scoped3A_93 = tpu.sem_alloc : memref<!tpu.dma_semaphore, #tpu.memory_space<semaphore_mem>>
        %dma_start3A_94 = arith.constant 0 : i32
        %dma_start3A_95 = arith.constant 0 : i32
        %dma_start3A_96 = tpu.memref_slice %arg9[%run_scoped3A_91, %dma_start3A_94, %dma_start3A_95] : memref<2x128x128xf32, #tpu.memory_space<vmem>> -> memref<1x128x128xf32, #tpu.memory_space<vmem>>
        %dma_start3A_97 = tpu.memref_squeeze %dma_start3A_96 : memref<1x128x128xf32, #tpu.memory_space<vmem>> -> memref<128x128xf32, #tpu.memory_space<vmem>>
        %dma_start3A_98 = arith.constant 0 : i32
        %dma_start3A_99 = tpu.memref_slice %arg8[%run_scoped3A_92, %dma_start3A_98] : memref<16x128xi32, #tpu.memory_space<vmem>> -> memref<1x128xi32, #tpu.memory_space<vmem>>
        %dma_start3A_100 = tpu.memref_squeeze %dma_start3A_99 : memref<1x128xi32, #tpu.memory_space<vmem>> -> memref<128xi32, #tpu.memory_space<vmem>>
        %dma_start3A_101 = arith.constant 0 : i32
        %dma_start3A_102 = arith.constant 0 : i32
        %dma_start3A_103 = tpu.memref_slice %arg6[%dma_start3A_101, %dma_start3A_102] : memref<10240x128xf32, #tpu.memory_space<vmem_shared>> -> memref<10240x128xf32, #tpu.memory_space<vmem_shared>>
        tpu.enqueue_indirect_dma source(%dma_start3A_97 : memref<128x128xf32, #tpu.memory_space<vmem>>) target(%dma_start3A_103 : memref<10240x128xf32, #tpu.memory_space<vmem_shared>>) offsets(%dma_start3A_100 : memref<128xi32, #tpu.memory_space<vmem>>) semaphore(%run_scoped3A_93 : memref<!tpu.dma_semaphore, #tpu.memory_space<semaphore_mem>>) {add = true}
        %dma_wait3A_104 = arith.constant 0 : i32
        %dma_wait3A_105 = arith.constant 0 : i32
        %dma_wait3A_106 = tpu.memref_slice %arg9[%run_scoped3A_91, %dma_wait3A_104, %dma_wait3A_105] : memref<2x128x128xf32, #tpu.memory_space<vmem>> -> memref<1x128x128xf32, #tpu.memory_space<vmem>>
        %dma_wait3A_107 = tpu.memref_squeeze %dma_wait3A_106 : memref<1x128x128xf32, #tpu.memory_space<vmem>> -> memref<128x128xf32, #tpu.memory_space<vmem>>
        %dma_wait3A_108 = arith.constant 0 : i32
        %dma_wait3A_109 = tpu.memref_slice %arg8[%run_scoped3A_92, %dma_wait3A_108] : memref<16x128xi32, #tpu.memory_space<vmem>> -> memref<1x128xi32, #tpu.memory_space<vmem>>
        %dma_wait3A_110 = tpu.memref_squeeze %dma_wait3A_109 : memref<1x128xi32, #tpu.memory_space<vmem>> -> memref<128xi32, #tpu.memory_space<vmem>>
        %dma_wait3A_111 = arith.constant 0 : i32
        %dma_wait3A_112 = arith.constant 0 : i32
        %dma_wait3A_113 = tpu.memref_slice %arg6[%dma_wait3A_111, %dma_wait3A_112] : memref<10240x128xf32, #tpu.memory_space<vmem_shared>> -> memref<10240x128xf32, #tpu.memory_space<vmem_shared>>
        tpu.wait_indirect_dma semaphore(%run_scoped3A_93 : memref<!tpu.dma_semaphore, #tpu.memory_space<semaphore_mem>>) src(%dma_wait3A_107 : memref<128x128xf32, #tpu.memory_space<vmem>>) dst(%dma_wait3A_113 : memref<10240x128xf32, #tpu.memory_space<vmem_shared>>)
        tpu.yield
      }) : () -> ()
    }
    %scan3A_16 = arith.constant 5 : i32
    %barrier3A_17 = arith.constant 0 : index
    tpu.barrier barrier_id(%barrier3A_17)
    %mul3A_18 = arith.constant 640 : i32
    %mul3A_19 = arith.muli %arg1, %mul3A_18 : i32
    %mul3A_20 = arith.constant 640 : i32
    %mul3A_21 = arith.muli %arg1, %mul3A_20 : i32
    "tpu.region"() ({
      %run_scoped3A = tpu.sem_alloc : memref<!tpu.dma_semaphore, #tpu.memory_space<semaphore_mem>>
      %dma_start3A = arith.constant 0 : i32
      %dma_start3A_22 = tpu.memref_slice %arg5[%arg0, %mul3A_21, %dma_start3A] : memref<2x10240x128xf32, #tpu.memory_space<hbm>> -> memref<1x640x128xf32, #tpu.memory_space<hbm>>
      %dma_start3A_23 = tpu.memref_squeeze %dma_start3A_22 : memref<1x640x128xf32, #tpu.memory_space<hbm>> -> memref<640x128xf32, #tpu.memory_space<hbm>>
      %dma_start3A_24 = arith.constant 0 : i32
      %dma_start3A_25 = tpu.memref_slice %arg6[%mul3A_19, %dma_start3A_24] : memref<10240x128xf32, #tpu.memory_space<vmem_shared>> -> memref<640x128xf32, #tpu.memory_space<vmem_shared>>
      tpu.enqueue_dma source(%dma_start3A_25 : memref<640x128xf32, #tpu.memory_space<vmem_shared>>) target(%dma_start3A_23 : memref<640x128xf32, #tpu.memory_space<hbm>>) target_semaphore(%run_scoped3A : memref<!tpu.dma_semaphore, #tpu.memory_space<semaphore_mem>>)
      %dma_wait3A = arith.constant 0 : i32
      %dma_wait3A_26 = tpu.memref_slice %arg5[%arg0, %mul3A_21, %dma_wait3A] : memref<2x10240x128xf32, #tpu.memory_space<hbm>> -> memref<1x640x128xf32, #tpu.memory_space<hbm>>
      %dma_wait3A_27 = tpu.memref_squeeze %dma_wait3A_26 : memref<1x640x128xf32, #tpu.memory_space<hbm>> -> memref<640x128xf32, #tpu.memory_space<hbm>>
      %dma_wait3A_28 = arith.constant 0 : i32
      %dma_wait3A_29 = tpu.memref_slice %arg6[%mul3A_19, %dma_wait3A_28] : memref<10240x128xf32, #tpu.memory_space<vmem_shared>> -> memref<640x128xf32, #tpu.memory_space<vmem_shared>>
      tpu.wait_dma2 semaphore(%run_scoped3A : memref<!tpu.dma_semaphore, #tpu.memory_space<semaphore_mem>>) src(%dma_wait3A_29 : memref<640x128xf32, #tpu.memory_space<vmem_shared>>) dst(%dma_wait3A_27 : memref<640x128xf32, #tpu.memory_space<hbm>>)
      tpu.yield
    }) : () -> ()
    return
  }
}

module attributes {stable_mosaic.version = 14 : i64} {
  func.func @_mm_body(%arg0: i32, %arg1: memref<512x128xf32, #tpu.memory_space<vmem>>, %arg2: memref<128x128xf32, #tpu.memory_space<vmem>>, %arg3: memref<512x128xf32, #tpu.memory_space<vmem>>) attributes {dimension_semantics = [#tpu.dimension_semantics<arbitrary>], iteration_bounds = array<i64: 20>, scalar_prefetch = 0 : i64, scratch_operands = 0 : i64, tpu.core_type = #tpu.core_type<tc>, window_params = [{transform_indices = @transform_0, window_bounds = array<i64: 512, 128>}, {pipeline_mode = #tpu.pipeline_mode<synchronous>, transform_indices = @transform_1, window_bounds = array<i64: 128, 128>}, {transform_indices = @transform_2, window_bounds = array<i64: 512, 128>}]} {
    %get3A = arith.constant 0 : index
    %get3A_0 = arith.constant 0 : index
    %get3A_1 = vector.load %arg1[%get3A, %get3A_0] : memref<512x128xf32, #tpu.memory_space<vmem>>, vector<512x128xf32>
    %get3A_2 = arith.constant 0 : index
    %get3A_3 = arith.constant 0 : index
    %get3A_4 = vector.load %arg2[%get3A_2, %get3A_3] : memref<128x128xf32, #tpu.memory_space<vmem>>, vector<128x128xf32>
    %dot_general3A = arith.constant dense<0.000000e+00> : vector<512x128xf32>
    %dot_general3A_5 = tpu.matmul %get3A_1, %get3A_4, %dot_general3A {dimension_numbers = #tpu.dot_dimension_numbers<[1], [0], [0], [1], [0, 0, 1, 1], [], []>, transpose_lhs_hint = false} : vector<512x128xf32>, vector<128x128xf32>, vector<512x128xf32> -> vector<512x128xf32>
    %swap3A = arith.constant 0 : index
    %swap3A_6 = arith.constant 0 : index
    %swap3A_7 = vector.load %arg3[%swap3A, %swap3A_6] : memref<512x128xf32, #tpu.memory_space<vmem>>, vector<512x128xf32>
    tpu.vector_store %arg3[%swap3A, %swap3A_6], %dot_general3A_5 {strides = array<i32>} : memref<512x128xf32, #tpu.memory_space<vmem>>, vector<512x128xf32>,
    return
  }
  func.func @transform_0(%arg0: i32) -> (i32, i32) {
    %c0_i32 = arith.constant 0 : i32
    %c0_i32_0 = arith.constant 0 : i32
    return %arg0, %c0_i32 : i32, i32
  }
  func.func @transform_1(%arg0: i32) -> (i32, i32) {
    %c0_i32 = arith.constant 0 : i32
    %c0_i32_0 = arith.constant 0 : i32
    %c0_i32_1 = arith.constant 0 : i32
    return %c0_i32, %c0_i32_0 : i32, i32
  }
  func.func @transform_2(%arg0: i32) -> (i32, i32) {
    %c0_i32 = arith.constant 0 : i32
    %c0_i32_0 = arith.constant 0 : i32
    return %arg0, %c0_i32 : i32, i32
  }
}

module attributes {stable_mosaic.version = 14 : i64} {
  func.func @_deg_body(%arg0: i32, %arg1: memref<512x1xf32, #tpu.memory_space<vmem>>, %arg2: memref<512x1xf32, #tpu.memory_space<vmem>>, %arg3: memref<512x128xf32, #tpu.memory_space<vmem>>, %arg4: memref<512x128xf32, #tpu.memory_space<vmem>>, %arg5: memref<512x128xf32, #tpu.memory_space<vmem>>) attributes {dimension_semantics = [#tpu.dimension_semantics<arbitrary>], iteration_bounds = array<i64: 20>, scalar_prefetch = 0 : i64, scratch_operands = 0 : i64, tpu.core_type = #tpu.core_type<tc>, window_params = [{transform_indices = @transform_0, window_bounds = array<i64: 512, 1>}, {transform_indices = @transform_1, window_bounds = array<i64: 512, 1>}, {transform_indices = @transform_2, window_bounds = array<i64: 512, 128>}, {transform_indices = @transform_3, window_bounds = array<i64: 512, 128>}, {transform_indices = @transform_4, window_bounds = array<i64: 512, 128>}]} {
    %get3A = arith.constant 0 : index
    %get3A_0 = arith.constant 0 : index
    %get3A_1 = vector.load %arg1[%get3A, %get3A_0] : memref<512x1xf32, #tpu.memory_space<vmem>>, vector<512x1xf32>
    %get3A_2 = arith.constant 0 : index
    %get3A_3 = arith.constant 0 : index
    %get3A_4 = vector.load %arg2[%get3A_2, %get3A_3] : memref<512x1xf32, #tpu.memory_space<vmem>>, vector<512x1xf32>
    %add3A = arith.addf %get3A_1, %get3A_4 : vector<512x1xf32>
    %add3A_5 = arith.constant 1.000000e+00 : f32
    %add3A_6 = vector.broadcast %add3A_5 : f32 to vector<512x1xf32>
    %add3A_7 = arith.addf %add3A, %add3A_6 : vector<512x1xf32>
    %rsqrt3A = math.rsqrt %add3A_7 : vector<512x1xf32>
    %broadcast_in_dim3A = vector.shape_cast %rsqrt3A : vector<512x1xf32> to vector<512x1xf32>
    %broadcast_in_dim3A_8 = vector.broadcast %broadcast_in_dim3A : vector<512x1xf32> to vector<512x128xf32>
    %swap3A = arith.constant 0 : index
    %swap3A_9 = arith.constant 0 : index
    %swap3A_10 = vector.load %arg4[%swap3A, %swap3A_9] : memref<512x128xf32, #tpu.memory_space<vmem>>, vector<512x128xf32>
    tpu.vector_store %arg4[%swap3A, %swap3A_9], %broadcast_in_dim3A_8 {strides = array<i32>} : memref<512x128xf32, #tpu.memory_space<vmem>>, vector<512x128xf32>,
    %get3A_11 = arith.constant 0 : index
    %get3A_12 = arith.constant 0 : index
    %get3A_13 = vector.load %arg3[%get3A_11, %get3A_12] : memref<512x128xf32, #tpu.memory_space<vmem>>, vector<512x128xf32>
    %mul3A = arith.mulf %broadcast_in_dim3A_8, %get3A_13 : vector<512x128xf32>
    %swap3A_14 = arith.constant 0 : index
    %swap3A_15 = arith.constant 0 : index
    %swap3A_16 = vector.load %arg5[%swap3A_14, %swap3A_15] : memref<512x128xf32, #tpu.memory_space<vmem>>, vector<512x128xf32>
    tpu.vector_store %arg5[%swap3A_14, %swap3A_15], %mul3A {strides = array<i32>} : memref<512x128xf32, #tpu.memory_space<vmem>>, vector<512x128xf32>,
    return
  }
  func.func @transform_0(%arg0: i32) -> (i32, i32) {
    %c0_i32 = arith.constant 0 : i32
    %c0_i32_0 = arith.constant 0 : i32
    return %arg0, %c0_i32 : i32, i32
  }
  func.func @transform_1(%arg0: i32) -> (i32, i32) {
    %c0_i32 = arith.constant 0 : i32
    %c0_i32_0 = arith.constant 0 : i32
    return %arg0, %c0_i32 : i32, i32
  }
  func.func @transform_2(%arg0: i32) -> (i32, i32) {
    %c0_i32 = arith.constant 0 : i32
    %c0_i32_0 = arith.constant 0 : i32
    return %arg0, %c0_i32 : i32, i32
  }
  func.func @transform_3(%arg0: i32) -> (i32, i32) {
    %c0_i32 = arith.constant 0 : i32
    %c0_i32_0 = arith.constant 0 : i32
    return %arg0, %c0_i32 : i32, i32
  }
  func.func @transform_4(%arg0: i32) -> (i32, i32) {
    %c0_i32 = arith.constant 0 : i32
    %c0_i32_0 = arith.constant 0 : i32
    return %arg0, %c0_i32 : i32, i32
  }
}

module attributes {stable_mosaic.version = 14 : i64} {
  func.func @_mid_body(%arg0: i32, %arg1: memref<512x128xf32, #tpu.memory_space<vmem>>, %arg2: memref<512x128xf32, #tpu.memory_space<vmem>>, %arg3: memref<512x128xf32, #tpu.memory_space<vmem>>, %arg4: memref<512x128xf32, #tpu.memory_space<vmem>>, %arg5: memref<1x128xf32, #tpu.memory_space<vmem>>, %arg6: memref<128x128xf32, #tpu.memory_space<vmem>>, %arg7: memref<512x128xf32, #tpu.memory_space<vmem>>) attributes {dimension_semantics = [#tpu.dimension_semantics<arbitrary>], iteration_bounds = array<i64: 20>, scalar_prefetch = 0 : i64, scratch_operands = 0 : i64, tpu.core_type = #tpu.core_type<tc>, window_params = [{transform_indices = @transform_0, window_bounds = array<i64: 512, 128>}, {transform_indices = @transform_1, window_bounds = array<i64: 512, 128>}, {transform_indices = @transform_2, window_bounds = array<i64: 512, 128>}, {transform_indices = @transform_3, window_bounds = array<i64: 512, 128>}, {pipeline_mode = #tpu.pipeline_mode<synchronous>, transform_indices = @transform_4, window_bounds = array<i64: 1, 128>}, {pipeline_mode = #tpu.pipeline_mode<synchronous>, transform_indices = @transform_5, window_bounds = array<i64: 128, 128>}, {transform_indices = @transform_6, window_bounds = array<i64: 512, 128>}]} {
    %get3A = arith.constant 0 : index
    %get3A_0 = arith.constant 0 : index
    %get3A_1 = vector.load %arg4[%get3A, %get3A_0] : memref<512x128xf32, #tpu.memory_space<vmem>>, vector<512x128xf32>
    %get3A_2 = arith.constant 0 : index
    %get3A_3 = arith.constant 0 : index
    %get3A_4 = vector.load %arg1[%get3A_2, %get3A_3] : memref<512x128xf32, #tpu.memory_space<vmem>>, vector<512x128xf32>
    %get3A_5 = arith.constant 0 : index
    %get3A_6 = arith.constant 0 : index
    %get3A_7 = vector.load %arg2[%get3A_5, %get3A_6] : memref<512x128xf32, #tpu.memory_space<vmem>>, vector<512x128xf32>
    %add3A = arith.addf %get3A_4, %get3A_7 : vector<512x128xf32>
    %get3A_8 = arith.constant 0 : index
    %get3A_9 = arith.constant 0 : index
    %get3A_10 = vector.load %arg3[%get3A_8, %get3A_9] : memref<512x128xf32, #tpu.memory_space<vmem>>, vector<512x128xf32>
    %add3A_11 = arith.addf %add3A, %get3A_10 : vector<512x128xf32>
    %mul3A = arith.mulf %get3A_1, %add3A_11 : vector<512x128xf32>
    %get3A_12 = arith.constant 0 : index
    %get3A_13 = arith.constant 0 : index
    %get3A_14 = vector.load %arg5[%get3A_12, %get3A_13] : memref<1x128xf32, #tpu.memory_space<vmem>>, vector<1x128xf32>
    %add3A_15 = vector.broadcast %get3A_14 : vector<1x128xf32> to vector<512x128xf32>
    %add3A_16 = arith.addf %mul3A, %add3A_15 : vector<512x128xf32>
    %tanh3A = math.tanh %add3A_16 : vector<512x128xf32>
    %get3A_17 = arith.constant 0 : index
    %get3A_18 = arith.constant 0 : index
    %get3A_19 = vector.load %arg4[%get3A_17, %get3A_18] : memref<512x128xf32, #tpu.memory_space<vmem>>, vector<512x128xf32>
    %get3A_20 = arith.constant 0 : index
    %get3A_21 = arith.constant 0 : index
    %get3A_22 = vector.load %arg6[%get3A_20, %get3A_21] : memref<128x128xf32, #tpu.memory_space<vmem>>, vector<128x128xf32>
    %dot_general3A = arith.constant dense<0.000000e+00> : vector<512x128xf32>
    %dot_general3A_23 = tpu.matmul %tanh3A, %get3A_22, %dot_general3A {dimension_numbers = #tpu.dot_dimension_numbers<[1], [0], [0], [1], [0, 0, 1, 1], [], []>, transpose_lhs_hint = false} : vector<512x128xf32>, vector<128x128xf32>, vector<512x128xf32> -> vector<512x128xf32>
    %mul3A_24 = arith.mulf %get3A_19, %dot_general3A_23 : vector<512x128xf32>
    %swap3A = arith.constant 0 : index
    %swap3A_25 = arith.constant 0 : index
    %swap3A_26 = vector.load %arg7[%swap3A, %swap3A_25] : memref<512x128xf32, #tpu.memory_space<vmem>>, vector<512x128xf32>
    tpu.vector_store %arg7[%swap3A, %swap3A_25], %mul3A_24 {strides = array<i32>} : memref<512x128xf32, #tpu.memory_space<vmem>>, vector<512x128xf32>,
    return
  }
  func.func @transform_0(%arg0: i32) -> (i32, i32) {
    %c0_i32 = arith.constant 0 : i32
    %c0_i32_0 = arith.constant 0 : i32
    return %arg0, %c0_i32 : i32, i32
  }
  func.func @transform_1(%arg0: i32) -> (i32, i32) {
    %c0_i32 = arith.constant 0 : i32
    %c0_i32_0 = arith.constant 0 : i32
    return %arg0, %c0_i32 : i32, i32
  }
  func.func @transform_2(%arg0: i32) -> (i32, i32) {
    %c0_i32 = arith.constant 0 : i32
    %c0_i32_0 = arith.constant 0 : i32
    return %arg0, %c0_i32 : i32, i32
  }
  func.func @transform_3(%arg0: i32) -> (i32, i32) {
    %c0_i32 = arith.constant 0 : i32
    %c0_i32_0 = arith.constant 0 : i32
    return %arg0, %c0_i32 : i32, i32
  }
  func.func @transform_4(%arg0: i32) -> (i32, i32) {
    %c0_i32 = arith.constant 0 : i32
    %c0_i32_0 = arith.constant 0 : i32
    %c0_i32_1 = arith.constant 0 : i32
    return %c0_i32, %c0_i32_0 : i32, i32
  }
  func.func @transform_5(%arg0: i32) -> (i32, i32) {
    %c0_i32 = arith.constant 0 : i32
    %c0_i32_0 = arith.constant 0 : i32
    %c0_i32_1 = arith.constant 0 : i32
    return %c0_i32, %c0_i32_0 : i32, i32
  }
  func.func @transform_6(%arg0: i32) -> (i32, i32) {
    %c0_i32 = arith.constant 0 : i32
    %c0_i32_0 = arith.constant 0 : i32
    return %arg0, %c0_i32 : i32, i32
  }
}

module attributes {stable_mosaic.version = 14 : i64} {
  func.func @_fin_body(%arg0: i32, %arg1: memref<512x128xf32, #tpu.memory_space<vmem>>, %arg2: memref<512x128xf32, #tpu.memory_space<vmem>>, %arg3: memref<512x128xf32, #tpu.memory_space<vmem>>, %arg4: memref<512x128xf32, #tpu.memory_space<vmem>>, %arg5: memref<1x128xf32, #tpu.memory_space<vmem>>, %arg6: memref<512x128xf32, #tpu.memory_space<vmem>>) attributes {dimension_semantics = [#tpu.dimension_semantics<arbitrary>], iteration_bounds = array<i64: 20>, scalar_prefetch = 0 : i64, scratch_operands = 0 : i64, tpu.core_type = #tpu.core_type<tc>, window_params = [{transform_indices = @transform_0, window_bounds = array<i64: 512, 128>}, {transform_indices = @transform_1, window_bounds = array<i64: 512, 128>}, {transform_indices = @transform_2, window_bounds = array<i64: 512, 128>}, {transform_indices = @transform_3, window_bounds = array<i64: 512, 128>}, {pipeline_mode = #tpu.pipeline_mode<synchronous>, transform_indices = @transform_4, window_bounds = array<i64: 1, 128>}, {transform_indices = @transform_5, window_bounds = array<i64: 512, 128>}]} {
    %get3A = arith.constant 0 : index
    %get3A_0 = arith.constant 0 : index
    %get3A_1 = vector.load %arg4[%get3A, %get3A_0] : memref<512x128xf32, #tpu.memory_space<vmem>>, vector<512x128xf32>
    %get3A_2 = arith.constant 0 : index
    %get3A_3 = arith.constant 0 : index
    %get3A_4 = vector.load %arg1[%get3A_2, %get3A_3] : memref<512x128xf32, #tpu.memory_space<vmem>>, vector<512x128xf32>
    %get3A_5 = arith.constant 0 : index
    %get3A_6 = arith.constant 0 : index
    %get3A_7 = vector.load %arg2[%get3A_5, %get3A_6] : memref<512x128xf32, #tpu.memory_space<vmem>>, vector<512x128xf32>
    %add3A = arith.addf %get3A_4, %get3A_7 : vector<512x128xf32>
    %get3A_8 = arith.constant 0 : index
    %get3A_9 = arith.constant 0 : index
    %get3A_10 = vector.load %arg3[%get3A_8, %get3A_9] : memref<512x128xf32, #tpu.memory_space<vmem>>, vector<512x128xf32>
    %add3A_11 = arith.addf %add3A, %get3A_10 : vector<512x128xf32>
    %mul3A = arith.mulf %get3A_1, %add3A_11 : vector<512x128xf32>
    %get3A_12 = arith.constant 0 : index
    %get3A_13 = arith.constant 0 : index
    %get3A_14 = vector.load %arg5[%get3A_12, %get3A_13] : memref<1x128xf32, #tpu.memory_space<vmem>>, vector<1x128xf32>
    %add3A_15 = vector.broadcast %get3A_14 : vector<1x128xf32> to vector<512x128xf32>
    %add3A_16 = arith.addf %mul3A, %add3A_15 : vector<512x128xf32>
    %reduce_max3A = arith.constant dense<0xFF800000> : vector<512xf32>
    %reduce_max3A_17 = vector.multi_reduction <maximumf>, %add3A_16, %reduce_max3A [1] : vector<512x128xf32> to vector<512xf32>
    %broadcast_in_dim3A = vector.shape_cast %reduce_max3A_17 : vector<512xf32> to vector<512x1xf32>
    %sub3A = vector.broadcast %broadcast_in_dim3A : vector<512x1xf32> to vector<512x128xf32>
    %sub3A_18 = arith.subf %add3A_16, %sub3A : vector<512x128xf32>
    %exp3A = math.exp %sub3A_18 : vector<512x128xf32>
    %reduce_sum3A = arith.constant dense<0.000000e+00> : vector<512xf32>
    %reduce_sum3A_19 = vector.multi_reduction <add>, %exp3A, %reduce_sum3A [1] : vector<512x128xf32> to vector<512xf32>
    %broadcast_in_dim3A_20 = vector.shape_cast %reduce_sum3A_19 : vector<512xf32> to vector<512x1xf32>
    %sub3A_21 = vector.broadcast %broadcast_in_dim3A : vector<512x1xf32> to vector<512x128xf32>
    %sub3A_22 = arith.subf %add3A_16, %sub3A_21 : vector<512x128xf32>
    %log3A = math.log %broadcast_in_dim3A_20 : vector<512x1xf32>
    %sub3A_23 = vector.broadcast %log3A : vector<512x1xf32> to vector<512x128xf32>
    %sub3A_24 = arith.subf %sub3A_22, %sub3A_23 : vector<512x128xf32>
    %swap3A = arith.constant 0 : index
    %swap3A_25 = arith.constant 0 : index
    %swap3A_26 = vector.load %arg6[%swap3A, %swap3A_25] : memref<512x128xf32, #tpu.memory_space<vmem>>, vector<512x128xf32>
    tpu.vector_store %arg6[%swap3A, %swap3A_25], %sub3A_24 {strides = array<i32>} : memref<512x128xf32, #tpu.memory_space<vmem>>, vector<512x128xf32>,
    return
  }
  func.func @transform_0(%arg0: i32) -> (i32, i32) {
    %c0_i32 = arith.constant 0 : i32
    %c0_i32_0 = arith.constant 0 : i32
    return %arg0, %c0_i32 : i32, i32
  }
  func.func @transform_1(%arg0: i32) -> (i32, i32) {
    %c0_i32 = arith.constant 0 : i32
    %c0_i32_0 = arith.constant 0 : i32
    return %arg0, %c0_i32 : i32, i32
  }
  func.func @transform_2(%arg0: i32) -> (i32, i32) {
    %c0_i32 = arith.constant 0 : i32
    %c0_i32_0 = arith.constant 0 : i32
    return %arg0, %c0_i32 : i32, i32
  }
  func.func @transform_3(%arg0: i32) -> (i32, i32) {
    %c0_i32 = arith.constant 0 : i32
    %c0_i32_0 = arith.constant 0 : i32
    return %arg0, %c0_i32 : i32, i32
  }
  func.func @transform_4(%arg0: i32) -> (i32, i32) {
    %c0_i32 = arith.constant 0 : i32
    %c0_i32_0 = arith.constant 0 : i32
    %c0_i32_1 = arith.constant 0 : i32
    return %c0_i32, %c0_i32_0 : i32, i32
  }
  func.func @transform_5(%arg0: i32) -> (i32, i32) {
    %c0_i32 = arith.constant 0 : i32
    %c0_i32_0 = arith.constant 0 : i32
    return %arg0, %c0_i32 : i32, i32
  }
}

</mosaic_0001>

<sc_bundles>
// kernel: kernel.11.cloned.1.call-start
scs
__scs_entry_jumppad:
0x0: {  	(pc) =	sbr.rel $0x88, $3  }
0x1: {  	(tag) =	ssettag $0x0;
	lr =	simm.s32 $0x1  }
0x2: {  	[smem:$0x3F99] =	sst lr;
	_ =	strace $0xD0000000  }
0x3: {  	_ = 	snop  }
0x4: {  	_ = 	snop  }
0x5: {  	_ = 	snop  }
0x6: {  	_ = 	snop  }
0x7: {  	_ = 	snop  }
__scs_overlays_trampoline_lowered:
0x8: {  	[smem:$0x3FA8] =	sst s0  }
0x9: {  	[smem:$0x3FA9] =	sst s1  }
0xa: {  	[smem:$0x3FAA] =	sst s2  }
0xb: {  	[smem:$0x3FAB] =	sst s3  }
0xc: {  	[smem:$0x3FAC] =	sst s4  }
0xd: {  	[smem:$0x3FAD] =	sst s5  }
0xe: {  	[smem:$0x3FAE] =	sst s6  }
0xf: {  	[smem:$0x3FAF] =	sst s7  }
0x10: {  	[smem:$0x3FB0] =	sst s8  }
0x11: {  	[smem:$0x3FB1] =	sst s9;
	s0 =	simm.s32 @!p0 $0x0  }
0x12: {  	s1 =	sld [smem:$0x3F97];
	s0 =	simm.s32 @p0 $0x1  }
0x13: {  	[smem:$0x3FB2] =	sst s0;
	s0 =	simm.s32 @!p1 $0x0  }
0x14: {  	s2 =	sld [smem:$0x3F96];
	s0 =	simm.s32 @p1 $0x1  }
0x15: {  	[smem:$0x3FB3] =	sst s0;
	s0 =	simm.s32 @!p2 $0x0  }
0x16: {  	s3 =	sld [smem:$0x3FDB];
	s0 =	simm.s32 @p2 $0x1  }
0x17: {  	s4 =	simm.s32 $0x1BF5;
	[smem:$0x3FB5] =	sst s0  }
0x18: {  	s0 =	sld [smem:$0x3F98];
	_ =	swait.ge [sflag:s4], $0x0  }
0x19: {  	s7 =	sld [smem:$0x3F99]  }
0x1a: {  	s8 =	sadd.s32 $0xFFFFE003, lr  }
0x1b: {  	s9 =	sadd.s32 $0xFFFFFEF7, lr;
	s5 =	simm.s32 $0xFFFFFFFF;
	p2 =	slt.u32 s8, $0xFFFFF086  }
0x1c: {  	p1 =	slt.u32 s9, $0xF7A;
	s5 =	simm.s32 @!p2 $0x0  }
0x1d: {  	s5 =	simm.s32 @p1 $0x1;
	p0 =	seq.s32 s7, s2  }
0x1e: {  	s7 =	smul.u32 @!p0 $0xF7A, s2;
	p2 =	seq.s32 @!p0 s5, $0x0  }
0x1f: {  	s9 =	smul.u32 $0xF7A, s1;
	s8 =	simm.s32 @!p0 $0x1BF5;
	p2 =	por !p2, p0  }
0x20: {  	[sflag:s8] =	ssyncset.s32 @!p0 $0xFFFFF086;
	s6 =	sadd.s32 @!p0 s3, s7;
	s7 =	simm.s32 @!p0 $0x108  }
0x21: {  	s3 =	sadd.s32 s3, s9;
	s6 =	sadd.s32 @!p0 $0x88, s6;
	s7 =	simm.s32 @p2 $0x1082  }
0x22: {  	[simem:s7], [sflag:s8] =	dma.local @!p0 [hbm:s6], $0xF7A  }
0x23: {  	s9 =	sor.u32 $0xD0000000, s2;
	s6 =	simm.s32 $0x108;
	_ =	swait.ge @!p0 [sflag:s8], $0x0  }
0x24: {  	s3 =	sadd.s32 $0x88, s3;
	s6 =	simm.s32 @!p1 $0x1082;
	[sflag:s4] =	ssyncset.s32 $0xFFFFF086  }
0x25: {  	[simem:s6], [sflag:s4] =	dma.local [hbm:s3], $0xF7A  }
0x26: {  	[smem:$0x3F99] =	sst s1;
	(tag) =	ssettag s2;
	_ =	strace s9  }
0x27: {  	s1 =	sld [smem:$0x3FA9]  }
0x28: {  	s2 =	sld [smem:$0x3FAA]  }
0x29: {  	s4 =	sld [smem:$0x3FAC]  }
0x2a: {  	p0 =	seq.s32 s5, $0x0;
	s5 =	sld [smem:$0x3FAD]  }
0x2b: {  	s6 =	sld [smem:$0x3FAE]  }
0x2c: {  	s7 =	sld [smem:$0x3FAF]  }
0x2d: {  	s3 =	simm.s32 $0x108;
	s8 =	sld [smem:$0x3FB0]  }
0x2e: {  	s3 =	simm.s32 @!p0 $0x1082;
	s9 =	sld [smem:$0x3FB1]  }
0x2f: {  	lr =	sadd.s32 s0, s3;
	s0 =	sld [smem:$0x3FA8]  }
0x30: {  	s3 =	sld [smem:$0x3FAB]  }
0x31: {  	[smem:$0x3FB4] =	sst s10  }
0x32: {  	s10 =	sld [smem:$0x3FB2];
	_ =	sdelay $0x3  }
0x33: {  	p0 =	seq.s32 s10, $0x1;
	s10 =	sld [smem:$0x3FB4];
	_ =	sdelay $0x3  }
0x34: {  	[smem:$0x3FB4] =	sst s10  }
0x35: {  	s10 =	sld [smem:$0x3FB3];
	_ =	sdelay $0x3  }
0x36: {  	p1 =	seq.s32 s10, $0x1;
	s10 =	sld [smem:$0x3FB4];
	_ =	sdelay $0x3  }
0x37: {  	[smem:$0x3FB4] =	sst s10  }
0x38: {  	s10 =	sld [smem:$0x3FB5]  }
0x39: {  	_ = 	snop;
	(pc) =	sbr.ind lr, $3  }
0x3a: {  	_ = 	snop  }
0x3b: {  	_ = 	snop  }
0x3c: {  	p2 =	seq.s32 s10, $0x1;
	s10 =	sld [smem:$0x3FB4]  }
0x3d: {  	_ =	shalt  }
0x3e: {  	_ =	shalt  }
0x3f: {  	_ =	shalt  }
0x40: {  	_ =	shalt  }
0x41: {  	_ =	shalt  }
0x42: {  	_ =	shalt  }
0x43: {  	_ =	shalt  }
0x44: {  	_ =	shalt  }
0x45: {  	_ =	shalt  }
0x46: {  	_ =	shalt  }
0x47: {  	_ =	shalt  }
0x48: {  	_ =	shalt  }
0x49: {  	_ =	shalt  }
0x4a: {  	_ =	shalt  }
0x4b: {  	_ =	shalt  }
0x4c: {  	_ =	shalt  }
0x4d: {  	_ =	shalt  }
0x4e: {  	_ =	shalt  }
0x4f: {  	_ =	shalt  }
0x50: {  	_ =	shalt  }
0x51: {  	_ =	shalt  }
0x52: {  	_ =	shalt  }
0x53: {  	_ =	shalt  }
0x54: {  	_ =	shalt  }
0x55: {  	_ =	shalt  }
0x56: {  	_ =	shalt  }
0x57: {  	_ =	shalt  }
0x58: {  	_ =	shalt  }
0x59: {  	_ =	shalt  }
0x5a: {  	_ =	shalt  }
0x5b: {  	_ =	shalt  }
0x5c: {  	_ =	shalt  }
0x5d: {  	_ =	shalt  }
0x5e: {  	_ =	shalt  }
0x5f: {  	_ =	shalt  }
0x60: {  	_ =	shalt  }
0x61: {  	_ =	shalt  }
0x62: {  	_ =	shalt  }
0x63: {  	_ =	shalt  }
0x64: {  	_ =	shalt  }
0x65: {  	_ =	shalt  }
0x66: {  	_ =	shalt  }
0x67: {  	_ =	shalt  }
0x68: {  	_ =	shalt  }
0x69: {  	_ =	shalt  }
0x6a: {  	_ =	shalt  }
0x6b: {  	_ =	shalt  }
0x6c: {  	_ =	shalt  }
0x6d: {  	_ =	shalt  }
0x6e: {  	_ =	shalt  }
0x6f: {  	_ =	shalt  }
0x70: {  	_ =	shalt  }
0x71: {  	_ =	shalt  }
0x72: {  	_ =	shalt  }
0x73: {  	_ =	shalt  }
0x74: {  	_ =	shalt  }
0x75: {  	_ =	shalt  }
0x76: {  	_ =	shalt  }
0x77: {  	_ =	shalt  }
0x78: {  	_ =	shalt  }
0x79: {  	_ =	shalt  }
0x7a: {  	_ =	shalt  }
0x7b: {  	_ =	shalt  }
0x7c: {  	_ =	shalt  }
0x7d: {  	_ =	shalt  }
0x7e: {  	_ =	shalt  }
0x7f: {  	_ =	shalt  }
0x80: {  	_ =	shalt  }
0x81: {  	_ =	shalt  }
0x82: {  	_ =	shalt  }
0x83: {  	_ =	shalt  }
0x84: {  	_ =	shalt  }
0x85: {  	_ =	shalt  }
0x86: {  	_ =	shalt  }
0x87: {  	_ =	shalt  }
.Lfunc_end0:
.L_simem_size_0:
called_computation_lowered:
.L_overlay_start_0:
0x88: {  	s2 =	sld [smem:$0x3FD9]  }
0x89: {  	s3 =	sld [smem:$0x3FFE];
	_ =	sdelay $0x1  }
0x8a: {  	s1 =	srdreg.scid  }
0x8b: {  	s0 =	sand.u32 $0x1, s1  }
0x8c: {  	s16 =	sshll.u32 s0, $0xA;
	s2 =	sadd.s32 s3, s2  }
0x8d: {  	s2 =	sadd.s32 s2, s16  }
0x8e: {  	[smem:$0x3FC0] =	sst s2  }
0x8f: {  	_ = 	snop  }
0x90: {  	(tm) =	ssettm $0x1  }
0x91: {  	s17 =	sld [smem:$0x3FFB];
	_ =	sdelay $0x3  }
0x92: {  	_ =	strace s17  }
0x93: {  	s2 =	sld [smem:$0x3FFC];
	_ =	sdelay $0x3  }
0x94: {  	_ =	strace s2  }
0x95: {  	s2 =	sld [smem:$0x3FFD];
	_ =	sdelay $0x3  }
0x96: {  	_ =	strace s2  }
0x97: {  	_ =	strace $0x8FFFFFFF  }
0x98: {  	s18 =	sld [smem:$0x3FDB];
	_ =	sdelay $0x1  }
0x99: {  	s19 =	simm.s32 $_scs_section_size  }
0x9a: {  	s4 =	simm.s32 $_size__tile_overlayer_lowered;
	s5 =	simm.s32 $_tile_overlayer_lowered  }
0x9b: {  	s22 =	simm.s32 $0x1BFF;
	s21 =	sshll.u32 s5, $0x1;
	s2 =	sadd.s32 s19, s18  }
0x9c: {  	s6 =	simm.s32 $0x0;
	s20 =	sshll.u32 s4, $0x1;
	s4 =	sadd.s32 s21, s2  }
0x9d: {  	[timem:s6], [sflag:s22] =	dma.local [hbm:s4], s20  }
0x9e: {  	_ =	swait.ge [sflag:s22], s20  }
0x9f: {  	s3 =	ssub.s32 $0x0, s20;
	[sflag:s22] =	ssyncset.done $0x0  }
0xa0: {  	[sflag:s22] =	ssyncadd.s32 s3;
	_ =	sdelay $0x1  }
0xa1: {  	s23 =	simm.s32 $0x1B8B  }
0xa2: {  	_ =	swait.ge [sflag:s23], $0x1  }
0xa3: {  	[sflag:s23] =	ssyncset.done $0x0  }
0xa4: {  	s25 =	simm.s32 $0x1B8E;
	s24 =	sld [smem:$0x3FFE];
	[sflag:s23] =	ssyncadd.s32 $0xFFFFFFFF  }
0xa5: {  	s26 =	simm.s32 $execute0_lowered;
	[smem:$0x3FD2] =	sst s25  }
0xa6: {  	s4 =	sshll.u32 s26, $0x1;
	_ =	strace $0x80000046;
	[dreg:$0x1] =	wrdreg $0xFFFFFFFF  }
0xa7: {  	s28 =	simm.s32 $_size_execute0_lowered;
	s2 =	sadd.s32 s2, s4;
	[dreg:$0x0] =	wrdreg $0x0  }
0xa8: {  	s4 =	sshll.u32 s28, $0x1;
	[dreg:$0x2] =	wrdreg s2  }
0xa9: {  	[dreg:$0x3] =	wrdreg s4  }
0xaa: {  	[dreg:$0x4] =	wrdreg $0xC0  }
0xab: {  	_ =	task [dreg:s6], $0x5FFFF  }
0xac: {  	[dreg:$0x1] =	wrdreg $0xFFFFFFFF  }
0xad: {  	[dreg:$0x0] =	wrdreg $0x60  }
0xae: {  	[dreg:$0x2] =	wrdreg s24  }
0xaf: {  	[dreg:$0x3] =	wrdreg $0x0  }
0xb0: {  	[dreg:$0x4] =	wrdreg $0x9  }
0xb1: {  	_ =	task.clear_ibuf [dreg:s6], $0x5FFFF;
	_ =	strace $0x90000046  }
0xb2: {  	s29 =	simm.s32 $0x9;
	_ =	strace $0x80000048  }
0xb3: {  	_ =	swait.ge [sflag:s29], $0x1  }
0xb4: {  	[sflag:s29] =	ssyncadd.s32 $0xFFFFFFFF  }
0xb5: {  	_ =	strace $0x90000048  }
0xb6: {  	_ =	sfence  }
0xb7: {  	s30 =	sld [smem:$0x0];
	_ =	sdelay $0x2  }
0xb8: {  	s31 =	sshll.u32 s1, $0xD;
	s1 =	sshrl.u32 s1, $0x2  }
0xb9: {  	s3 =	sand.u32 $0x4000, s31;
	s1 =	sadd.s32 s1, s30  }
0xba: {  	s0 =	sor.u32 s3, s0;
	s1 =	sshll.u32 s1, $0x11  }
0xbb: {  	s0 =	sor.u32 s1, s0  }
0xbc: {  	s0 =	sadd.s32 $0x8F2B, s0  }
0xbd: {  	[sflag:s0] =	ssyncadd.remote.s32 $0x1  }
0xbe: {  	_ =	sfence.sel $0xFFFF  }
0xbf: {  	[dreg:$0x0] =	wrdreg $0xFFFFFFFF;
	(pc) =	sbr.abs _section_cstart, $3  }
0xc0: {  	[dreg:$0x1] =	wrdreg $0xFFFFFFFF  }
0xc1: {  	_ =	task.clear_ibuf [dreg:s6], $0x2FFFF;
	_ =	strace $0x9FFFFFFF  }
0xc2: {  	(tm) =	ssettm $0x7FFFFFFF  }
0xc3: {  	_ =	shalt  }
tec
execute0_lowered:
.L_overlay_start_1:
0x0: {  	(tag) =	ssettag $0x1  }
0x1: {  	s4 =	rddreg [dreg:$0x0]  }
0x2: {  	s1 =	rddreg [dreg:$0x1]  }
0x3: {  	s2 =	srdreg.scid;
	s0 =	rddreg [dreg:$0x2];
	s3 =	simm.s32 $0x0  }
0x4: {  	s10 =	simm.s32 $0x280;
	s11 =	simm.s32 $0x80;
	s12 =	simm.s32 $0x2A80  }
0x5: {  	s15 =	simm.s32 $0x20;
	s16 =	simm.s32 $0x10;
	s17 =	simm.s32 $0x0  }
0x6: {  	s5 =	sand.u32 $0x1, s2;
	s2 =	stileid.u32;
	[smem:$0x7FF] =	sst s3  }
0x7: {  	s6 =	sshll.u32 s5, $0x4;
	s7 =	smul.u32 $0x500, s2;
	_ =	strace $0x80000047  }
0x8: {  	s8 =	sshll.u32 s5, $0x7;
	s5 =	ssub.s32 $0x2, s5;
	s30 =	smul.u32 $0xA00, s2  }
0x9: {  	s13 =	sshll.u32 s2, $0x6;
	s6 =	sor.u32 s2, s6;
	s9 =	sshrl.u32 s5, $0x1  }
0xa: {  	s13 =	sor.u32 $0x1C01, s13;
	s6 =	smul.u32 $0x500, s6;
	s7 =	sor.u32 s8, s7  }
0xb: {  	s9 =	ssub.s32 s5, s9;
	s31 =	sshrl.u32 s30, $0x2;
	s7 =	sshrl.u32 s7, $0x3  }
0xc: {  	s8 =	simm.s32 $0x2B00;
	s6 =	sadd.s32 s6, s4;
	s7 =	sadd.s32 s7, s4  }
0xd: {  	s4 =	sadd.s32 s31, s1;
	s5 =	sadd.s32 $0x4400, s6;
	s6 =	sadd.s32 $0xE400, s7  }
0xe: {  	v0 =	vimm.f32 $1.000000000e+00;
	v1 =	vimm.f32 $0.0e+00;
	s7 =	smax.u32 s9, $0x1;
	s9 =	simm.s32 $0x1;
	s14 =	sshrl.u32 s4, $0x3  }
.LBB2_1:
0xf: {  	[tilespmem:$0x2A80] =	vst v0  }
0x10: {  	[tilespmem:$0x2A90] =	vst v0  }
0x11: {  	[tilespmem:$0x2AA0] =	vst v0  }
0x12: {  	[tilespmem:$0x2AB0] =	vst v0  }
0x13: {  	[tilespmem:$0x2AC0] =	vst v0  }
0x14: {  	[tilespmem:$0x2AD0] =	vst v0  }
0x15: {  	[tilespmem:$0x2AE0] =	vst v0  }
0x16: {  	[tilespmem:$0x2AF0] =	vst v0  }
0x17: {  	[tilespmem:$0x2B00] =	vst v1  }
0x18: {  	[tilespmem:$0x2B10] =	vst v1  }
0x19: {  	[tilespmem:$0x2B20] =	vst v1  }
0x1a: {  	[tilespmem:$0x2B30] =	vst v1  }
0x1b: {  	[tilespmem:$0x2B40] =	vst v1  }
0x1c: {  	[tilespmem:$0x2B50] =	vst v1  }
0x1d: {  	[tilespmem:$0x2B60] =	vst v1  }
0x1e: {  	[tilespmem:$0x2B70] =	vst v1  }
0x1f: {  	[tilespmem:$0x2B80] =	vst v1  }
0x20: {  	[tilespmem:$0x2B90] =	vst v1  }
0x21: {  	[tilespmem:$0x2BA0] =	vst v1  }
0x22: {  	[tilespmem:$0x2BB0] =	vst v1  }
0x23: {  	[tilespmem:$0x2BC0] =	vst v1  }
0x24: {  	[tilespmem:$0x2BD0] =	vst v1  }
0x25: {  	[tilespmem:$0x2BE0] =	vst v1  }
0x26: {  	[tilespmem:$0x2BF0] =	vst v1  }
0x27: {  	[tilespmem:$0x2C00] =	vst v1  }
0x28: {  	[tilespmem:$0x2C10] =	vst v1  }
0x29: {  	[tilespmem:$0x2C20] =	vst v1  }
0x2a: {  	[tilespmem:$0x2C30] =	vst v1  }
0x2b: {  	[tilespmem:$0x2C40] =	vst v1  }
0x2c: {  	[tilespmem:$0x2C50] =	vst v1  }
0x2d: {  	[tilespmem:$0x2C60] =	vst v1  }
0x2e: {  	[tilespmem:$0x2C70] =	vst v1  }
0x2f: {  	[tilespmem:$0x2C80] =	vst v1  }
0x30: {  	[tilespmem:$0x2C90] =	vst v1  }
0x31: {  	[tilespmem:$0x2CA0] =	vst v1  }
0x32: {  	[tilespmem:$0x2CB0] =	vst v1  }
0x33: {  	[tilespmem:$0x2CC0] =	vst v1  }
0x34: {  	[tilespmem:$0x2CD0] =	vst v1  }
0x35: {  	[tilespmem:$0x2CE0] =	vst v1  }
0x36: {  	[tilespmem:$0x2CF0] =	vst v1  }
0x37: {  	[tilespmem:$0x2D00] =	vst v1  }
0x38: {  	[tilespmem:$0x2D10] =	vst v1  }
0x39: {  	[tilespmem:$0x2D20] =	vst v1  }
0x3a: {  	[tilespmem:$0x2D30] =	vst v1  }
0x3b: {  	[tilespmem:$0x2D40] =	vst v1  }
0x3c: {  	[tilespmem:$0x2D50] =	vst v1  }
0x3d: {  	[tilespmem:$0x2D60] =	vst v1  }
0x3e: {  	[tilespmem:$0x2D70] =	vst v1  }
0x3f: {  	[spmem:s4] =	stream.linear.scatter [tilespmem:s8], [sflag:$0x1], $0x280, $0x38;
	[tilespmem:$0x2D80] =	vst v63  }
0x40: {  	_ =	swait.ge [sflag:s9], $0x280  }
0x41: {  	[sflag:s9] =	ssyncset.done $0x0  }
0x42: {  	[sflag:s9] =	ssyncadd.s32 $0xFFFFFD80  }
0x43: {  	[tilespmem:s10], [sflag:$0x1] =	stream.linear.gather [hbm4b:s5+s3], $0x2800, $0x38;
	[tilespmem:$0x2D80] =	vst v63  }
0x44: {  	_ =	swait.ge [sflag:s9], $0x2800  }
0x45: {  	[sflag:s9] =	ssyncset.done $0x0  }
0x46: {  	[sflag:s9] =	ssyncadd.s32 $0xFFFFD800  }
0x47: {  	s18 =	simm.s32 $0x280;
	[bflag:$0x0] =	sbarrier.arrive $0xFFFF  }
0x48: {  	[spmem:s1] =	stream.indirect.scatter.add.f32 [tilespmem:s12], [sflag:$0x1], $0x1, s18, s11, $0xb8;
	[tilespmem:$0x2D80] =	vst v63  }
0x49: {  	s18 =	simm.s32 $0x200;
	_ =	swait.ge [sflag:s9], $0x80  }
.LBB2_2:
0x4a: {  	s19 =	sshra.s32 s18, $0x2;
	[sflag:s9] =	ssyncset.done $0x0;
	p0 =	sne.s32 s18, $0x9E00  }
.Ltmp0:
0x4b: {  	s19 =	sadd.s32 $0x280, s19;
	[sflag:s9] =	ssyncadd.s32 $0xFFFFFF80;
	(pc) =	sbr.rel @p0 .LBB2_2-.Ltmp0, $3  }
0x4c: {  	[spmem:s1] =	stream.indirect.scatter.add.f32 [tilespmem:s12], [sflag:$0x1], $0x1, s19, s11, $0xb8;
	[tilespmem:$0x2D80] =	vst v63  }
0x4d: {  	s18 =	sadd.s32 $0x200, s18;
	_ =	sdelay $0x1  }
0x4e: {  	_ =	swait.ge [sflag:s9], $0x80  }
0x4f: {  	[sflag:s9] =	ssyncset.done $0x0;
	s17 =	sadd.s32 $0x1, s17  }
0x50: {  	[sflag:s9] =	ssyncadd.s32 $0xFFFFFF80;
	p0 =	sne.s32 s17, s7  }
.Ltmp1:
0x51: {  	[bflag:$0x0] =	sbarrier.arrive $0xFFFF;
	(pc) =	sbr.rel @p0 .LBB2_1-.Ltmp1, $4  }
0x52: {  	[hbm:s6@s15], [sflag:s13] =	dma.strided [spmem:s14@s16], $0x50, s9, $0x10   }
0x53: {  	_ =	swait.ge [sflag:s9], $0x50  }
0x54: {  	[sflag:s9] =	ssyncset.done $0x0  }
0x55: {  	[sflag:s9] =	ssyncadd.s32 $0xFFFFFFB0  }
0x56: {  	_ =	sfence.sel $0x180000  }
0x57: {  	[bflag:$0x0] =	sbarrier.arrive $0xFFFF  }
0x58: {  	p0 =	sne.s32 s2, $0x0;
	_ =	strace $0x90000047  }
0x59: {  	s0 =	sadd.s32 @!p0 $0x100000, s0;
	[bflag:$0x2] =	sbarrier.arrive $0xFFFF  }
0x5a: {  	[sflag:s0] =	ssyncadd.tile.s32 @!p0 $0x1;
	_ =	shalt  }
.Lfunc_end2:
_tile_overlayer_lowered:
.L_overlay_start_2:
0x5b: {  	(tag) =	ssettag $0x2  }
0x5c: {  	s0 =	rddreg [dreg:$0x0];
	s2 =	stileid.u32  }
0x5d: {  	s1 =	rddreg [dreg:$0x1];
	p0 =	sne.s32 s2, $0x0  }
0x5e: {  	s3 =	rddreg [dreg:$0x2];
	[bflag:$0x3] =	sbarrier.arrive $0xFFFF;
	s2 =	simm.s32 @!p0 $0x1C01  }
0x5f: {  	[timem:s3], [sflag:s2] =	dma.local @!p0 [hbm:s0], s1  }
0x60: {  	s0 =	simm.s32 @!p0 $0x1  }
0x61: {  	_ =	swait.ge @!p0 [sflag:s0], s1  }
0x62: {  	s1 =	ssub.s32 @!p0 $0x0, s1;
	[sflag:s0] =	ssyncset.done @!p0 $0x0  }
0x63: {  	[sflag:s0] =	ssyncadd.s32 @!p0 s1  }
0x64: {  	[bflag:$0x3] =	sbarrier.arrive $0xFFFF  }
0x65: {  	_ =	shalt  }

// kernel: kernel.14.cloned.1.call-start
scs
__scs_entry_jumppad:
0x0: {  	(pc) =	sbr.rel $0x88, $3  }
0x1: {  	(tag) =	ssettag $0x0;
	lr =	simm.s32 $0x1  }
0x2: {  	[smem:$0x3F99] =	sst lr;
	_ =	strace $0xD0000000  }
0x3: {  	_ = 	snop  }
0x4: {  	_ = 	snop  }
0x5: {  	_ = 	snop  }
0x6: {  	_ = 	snop  }
0x7: {  	_ = 	snop  }
__scs_overlays_trampoline_lowered:
0x8: {  	[smem:$0x3FA8] =	sst s0  }
0x9: {  	[smem:$0x3FA9] =	sst s1  }
0xa: {  	[smem:$0x3FAA] =	sst s2  }
0xb: {  	[smem:$0x3FAB] =	sst s3  }
0xc: {  	[smem:$0x3FAC] =	sst s4  }
0xd: {  	[smem:$0x3FAD] =	sst s5  }
0xe: {  	[smem:$0x3FAE] =	sst s6  }
0xf: {  	[smem:$0x3FAF] =	sst s7  }
0x10: {  	[smem:$0x3FB0] =	sst s8  }
0x11: {  	[smem:$0x3FB1] =	sst s9;
	s0 =	simm.s32 @!p0 $0x0  }
0x12: {  	s1 =	sld [smem:$0x3F97];
	s0 =	simm.s32 @p0 $0x1  }
0x13: {  	[smem:$0x3FB2] =	sst s0;
	s0 =	simm.s32 @!p1 $0x0  }
0x14: {  	s2 =	sld [smem:$0x3F96];
	s0 =	simm.s32 @p1 $0x1  }
0x15: {  	[smem:$0x3FB3] =	sst s0;
	s0 =	simm.s32 @!p2 $0x0  }
0x16: {  	s3 =	sld [smem:$0x3FDB];
	s0 =	simm.s32 @p2 $0x1  }
0x17: {  	s4 =	simm.s32 $0x1BF5;
	[smem:$0x3FB5] =	sst s0  }
0x18: {  	s0 =	sld [smem:$0x3F98];
	_ =	swait.ge [sflag:s4], $0x0  }
0x19: {  	s7 =	sld [smem:$0x3F99]  }
0x1a: {  	s8 =	sadd.s32 $0xFFFFE003, lr  }
0x1b: {  	s9 =	sadd.s32 $0xFFFFFEF7, lr;
	s5 =	simm.s32 $0xFFFFFFFF;
	p2 =	slt.u32 s8, $0xFFFFF086  }
0x1c: {  	p1 =	slt.u32 s9, $0xF7A;
	s5 =	simm.s32 @!p2 $0x0  }
0x1d: {  	s5 =	simm.s32 @p1 $0x1;
	p0 =	seq.s32 s7, s2  }
0x1e: {  	s7 =	smul.u32 @!p0 $0xF7A, s2;
	p2 =	seq.s32 @!p0 s5, $0x0  }
0x1f: {  	s9 =	smul.u32 $0xF7A, s1;
	s8 =	simm.s32 @!p0 $0x1BF5;
	p2 =	por !p2, p0  }
0x20: {  	[sflag:s8] =	ssyncset.s32 @!p0 $0xFFFFF086;
	s6 =	sadd.s32 @!p0 s3, s7;
	s7 =	simm.s32 @!p0 $0x108  }
0x21: {  	s3 =	sadd.s32 s3, s9;
	s6 =	sadd.s32 @!p0 $0x88, s6;
	s7 =	simm.s32 @p2 $0x1082  }
0x22: {  	[simem:s7], [sflag:s8] =	dma.local @!p0 [hbm:s6], $0xF7A  }
0x23: {  	s9 =	sor.u32 $0xD0000000, s2;
	s6 =	simm.s32 $0x108;
	_ =	swait.ge @!p0 [sflag:s8], $0x0  }
0x24: {  	s3 =	sadd.s32 $0x88, s3;
	s6 =	simm.s32 @!p1 $0x1082;
	[sflag:s4] =	ssyncset.s32 $0xFFFFF086  }
0x25: {  	[simem:s6], [sflag:s4] =	dma.local [hbm:s3], $0xF7A  }
0x26: {  	[smem:$0x3F99] =	sst s1;
	(tag) =	ssettag s2;
	_ =	strace s9  }
0x27: {  	s1 =	sld [smem:$0x3FA9]  }
0x28: {  	s2 =	sld [smem:$0x3FAA]  }
0x29: {  	s4 =	sld [smem:$0x3FAC]  }
0x2a: {  	p0 =	seq.s32 s5, $0x0;
	s5 =	sld [smem:$0x3FAD]  }
0x2b: {  	s6 =	sld [smem:$0x3FAE]  }
0x2c: {  	s7 =	sld [smem:$0x3FAF]  }
0x2d: {  	s3 =	simm.s32 $0x108;
	s8 =	sld [smem:$0x3FB0]  }
0x2e: {  	s3 =	simm.s32 @!p0 $0x1082;
	s9 =	sld [smem:$0x3FB1]  }
0x2f: {  	lr =	sadd.s32 s0, s3;
	s0 =	sld [smem:$0x3FA8]  }
0x30: {  	s3 =	sld [smem:$0x3FAB]  }
0x31: {  	[smem:$0x3FB4] =	sst s10  }
0x32: {  	s10 =	sld [smem:$0x3FB2];
	_ =	sdelay $0x3  }
0x33: {  	p0 =	seq.s32 s10, $0x1;
	s10 =	sld [smem:$0x3FB4];
	_ =	sdelay $0x3  }
0x34: {  	[smem:$0x3FB4] =	sst s10  }
0x35: {  	s10 =	sld [smem:$0x3FB3];
	_ =	sdelay $0x3  }
0x36: {  	p1 =	seq.s32 s10, $0x1;
	s10 =	sld [smem:$0x3FB4];
	_ =	sdelay $0x3  }
0x37: {  	[smem:$0x3FB4] =	sst s10  }
0x38: {  	s10 =	sld [smem:$0x3FB5]  }
0x39: {  	_ = 	snop;
	(pc) =	sbr.ind lr, $3  }
0x3a: {  	_ = 	snop  }
0x3b: {  	_ = 	snop  }
0x3c: {  	p2 =	seq.s32 s10, $0x1;
	s10 =	sld [smem:$0x3FB4]  }
0x3d: {  	_ =	shalt  }
0x3e: {  	_ =	shalt  }
0x3f: {  	_ =	shalt  }
0x40: {  	_ =	shalt  }
0x41: {  	_ =	shalt  }
0x42: {  	_ =	shalt  }
0x43: {  	_ =	shalt  }
0x44: {  	_ =	shalt  }
0x45: {  	_ =	shalt  }
0x46: {  	_ =	shalt  }
0x47: {  	_ =	shalt  }
0x48: {  	_ =	shalt  }
0x49: {  	_ =	shalt  }
0x4a: {  	_ =	shalt  }
0x4b: {  	_ =	shalt  }
0x4c: {  	_ =	shalt  }
0x4d: {  	_ =	shalt  }
0x4e: {  	_ =	shalt  }
0x4f: {  	_ =	shalt  }
0x50: {  	_ =	shalt  }
0x51: {  	_ =	shalt  }
0x52: {  	_ =	shalt  }
0x53: {  	_ =	shalt  }
0x54: {  	_ =	shalt  }
0x55: {  	_ =	shalt  }
0x56: {  	_ =	shalt  }
0x57: {  	_ =	shalt  }
0x58: {  	_ =	shalt  }
0x59: {  	_ =	shalt  }
0x5a: {  	_ =	shalt  }
0x5b: {  	_ =	shalt  }
0x5c: {  	_ =	shalt  }
0x5d: {  	_ =	shalt  }
0x5e: {  	_ =	shalt  }
0x5f: {  	_ =	shalt  }
0x60: {  	_ =	shalt  }
0x61: {  	_ =	shalt  }
0x62: {  	_ =	shalt  }
0x63: {  	_ =	shalt  }
0x64: {  	_ =	shalt  }
0x65: {  	_ =	shalt  }
0x66: {  	_ =	shalt  }
0x67: {  	_ =	shalt  }
0x68: {  	_ =	shalt  }
0x69: {  	_ =	shalt  }
0x6a: {  	_ =	shalt  }
0x6b: {  	_ =	shalt  }
0x6c: {  	_ =	shalt  }
0x6d: {  	_ =	shalt  }
0x6e: {  	_ =	shalt  }
0x6f: {  	_ =	shalt  }
0x70: {  	_ =	shalt  }
0x71: {  	_ =	shalt  }
0x72: {  	_ =	shalt  }
0x73: {  	_ =	shalt  }
0x74: {  	_ =	shalt  }
0x75: {  	_ =	shalt  }
0x76: {  	_ =	shalt  }
0x77: {  	_ =	shalt  }
0x78: {  	_ =	shalt  }
0x79: {  	_ =	shalt  }
0x7a: {  	_ =	shalt  }
0x7b: {  	_ =	shalt  }
0x7c: {  	_ =	shalt  }
0x7d: {  	_ =	shalt  }
0x7e: {  	_ =	shalt  }
0x7f: {  	_ =	shalt  }
0x80: {  	_ =	shalt  }
0x81: {  	_ =	shalt  }
0x82: {  	_ =	shalt  }
0x83: {  	_ =	shalt  }
0x84: {  	_ =	shalt  }
0x85: {  	_ =	shalt  }
0x86: {  	_ =	shalt  }
0x87: {  	_ =	shalt  }
.Lfunc_end0:
.L_simem_size_0:
called_computation.1_lowered:
.L_overlay_start_0:
0x88: {  	s2 =	sld [smem:$0x3FD9]  }
0x89: {  	s3 =	sld [smem:$0x3FFE];
	_ =	sdelay $0x1  }
0x8a: {  	s1 =	srdreg.scid  }
0x8b: {  	s0 =	sand.u32 $0x1, s1  }
0x8c: {  	s17 =	sshll.u32 s0, $0xA;
	s2 =	sadd.s32 s3, s2  }
0x8d: {  	s2 =	sadd.s32 s2, s17  }
0x8e: {  	[smem:$0x3FC0] =	sst s2  }
0x8f: {  	_ = 	snop  }
0x90: {  	s2 =	sld [smem:$0x3FD0];
	(tm) =	ssettm $0x1  }
0x91: {  	s18 =	sld [smem:$0x3FFB];
	_ =	sdelay $0x3  }
0x92: {  	_ =	strace s18  }
0x93: {  	s3 =	sld [smem:$0x3FFC];
	_ =	sdelay $0x3  }
0x94: {  	_ =	strace s3  }
0x95: {  	s3 =	sld [smem:$0x3FFD];
	_ =	sdelay $0x3  }
0x96: {  	_ =	strace s3  }
0x97: {  	_ =	strace $0x8FFFFFFF  }
0x98: {  	s19 =	sld [smem:$0x3FDB];
	_ =	sdelay $0x1  }
0x99: {  	s4 =	simm.s32 $_scs_section_size  }
0x9a: {  	s5 =	simm.s32 $_size__tile_overlayer_lowered;
	s6 =	simm.s32 $_tile_overlayer_lowered  }
0x9b: {  	s22 =	simm.s32 $0x1BFF;
	s21 =	sshll.u32 s6, $0x1;
	s3 =	sadd.s32 s4, s19  }
0x9c: {  	s7 =	simm.s32 $0x0;
	s20 =	sshll.u32 s5, $0x1;
	s5 =	sadd.s32 s21, s3  }
0x9d: {  	[timem:s7], [sflag:s22] =	dma.local [hbm:s5], s20  }
0x9e: {  	_ =	swait.ge [sflag:s22], s20  }
0x9f: {  	s4 =	ssub.s32 $0x0, s20;
	[sflag:s22] =	ssyncset.done $0x0  }
0xa0: {  	[sflag:s22] =	ssyncadd.s32 s4;
	_ =	sdelay $0x1  }
0xa1: {  	s23 =	simm.s32 $0x1B8B  }
0xa2: {  	_ =	swait.ge [sflag:s23], $0x1  }
0xa3: {  	[sflag:s23] =	ssyncset.done $0x0  }
0xa4: {  	s25 =	simm.s32 $0x1B8E;
	s24 =	sld [smem:$0x3FFE];
	[sflag:s23] =	ssyncadd.s32 $0xFFFFFFFF  }
0xa5: {  	s26 =	simm.s32 $execute0_lowered;
	[smem:$0x3FD2] =	sst s25  }
0xa6: {  	s5 =	sshll.u32 s26, $0x1;
	_ =	strace $0x80000049;
	[dreg:$0x1] =	wrdreg $0xFFFFFFFF  }
0xa7: {  	s28 =	simm.s32 $_size_execute0_lowered;
	s3 =	sadd.s32 s3, s5;
	[dreg:$0x0] =	wrdreg $0x0  }
0xa8: {  	s5 =	sshll.u32 s28, $0x1;
	[dreg:$0x2] =	wrdreg s3  }
0xa9: {  	[dreg:$0x3] =	wrdreg s5  }
0xaa: {  	[dreg:$0x4] =	wrdreg $0xC0  }
0xab: {  	_ =	task [dreg:s7], $0x5FFFF  }
0xac: {  	[dreg:$0x1] =	wrdreg $0xFFFFFFFF  }
0xad: {  	[dreg:$0x0] =	wrdreg $0x60  }
0xae: {  	[dreg:$0x2] =	wrdreg s24  }
0xaf: {  	[dreg:$0x3] =	wrdreg s2  }
0xb0: {  	[dreg:$0x4] =	wrdreg $0x0  }
0xb1: {  	[dreg:$0x5] =	wrdreg $0x9  }
0xb2: {  	_ =	task.clear_ibuf [dreg:s7], $0x6FFFF;
	_ =	strace $0x90000049  }
0xb3: {  	s29 =	simm.s32 $0x9;
	_ =	strace $0x8000004B  }
0xb4: {  	_ =	swait.ge [sflag:s29], $0x1  }
0xb5: {  	[sflag:s29] =	ssyncadd.s32 $0xFFFFFFFF  }
0xb6: {  	_ =	strace $0x9000004B  }
0xb7: {  	_ =	sfence  }
0xb8: {  	s30 =	sld [smem:$0x0];
	_ =	sdelay $0x2  }
0xb9: {  	s31 =	sshll.u32 s1, $0xD;
	s1 =	sshrl.u32 s1, $0x2  }
0xba: {  	s3 =	sand.u32 $0x4000, s31;
	s1 =	sadd.s32 s1, s30  }
0xbb: {  	s0 =	sor.u32 s3, s0;
	s1 =	sshll.u32 s1, $0x11  }
0xbc: {  	s0 =	sor.u32 s1, s0  }
0xbd: {  	s0 =	sadd.s32 $0x8F2B, s0  }
0xbe: {  	[sflag:s0] =	ssyncadd.remote.s32 $0x1  }
0xbf: {  	_ =	sfence.sel $0xFFFF  }
0xc0: {  	[dreg:$0x0] =	wrdreg $0xFFFFFFFF;
	(pc) =	sbr.abs _section_cstart, $3  }
0xc1: {  	[dreg:$0x1] =	wrdreg $0xFFFFFFFF  }
0xc2: {  	_ =	task.clear_ibuf [dreg:s7], $0x2FFFF;
	_ =	strace $0x9FFFFFFF  }
0xc3: {  	(tm) =	ssettm $0x7FFFFFFF  }
tec
execute0_lowered:
.L_overlay_start_1:
0x0: {  	(tag) =	ssettag $0x1  }
0x1: {  	s0 =	rddreg [dreg:$0x0];
	s1 =	srdreg.scid  }
0x2: {  	s5 =	rddreg [dreg:$0x1];
	s9 =	stileid.u32  }
0x3: {  	s2 =	rddreg [dreg:$0x2];
	s6 =	smul.u32 $0x2800, s9  }
0x4: {  	s3 =	simm.s32 $0x0;
	s10 =	simm.s32 $0x14100;
	s8 =	smul.u32 $0x14000, s9  }
0x5: {  	[smem:$0x7FF] =	sst s3;
	s22 =	smul.u32 $0x50000, s9;
	s9 =	simm.s32 $0x14080  }
0x6: {  	s12 =	simm.s32 $0x14880;
	_ =	strace $0x8000004A;
	[dreg:$0x6] =	wrdreg s9  }
0x7: {  	s14 =	simm.s32 $0x14180;
	s16 =	simm.s32 $0x14900;
	[dreg:$0x7] =	wrdreg s10  }
0x8: {  	s18 =	simm.s32 $0x14200;
	s19 =	simm.s32 $0x14980;
	[dreg:$0x8] =	wrdreg s12  }
0x9: {  	s20 =	simm.s32 $0x14280;
	s21 =	simm.s32 $0x14A00;
	[dreg:$0x9] =	wrdreg s14  }
0xa: {  	s28 =	simm.s32 $0x14600;
	s29 =	simm.s32 $0x14D80;
	[dreg:$0xa] =	wrdreg s16  }
0xb: {  	s30 =	simm.s32 $0x14680;
	s1 =	sand.u32 $0x1, s1;
	[dreg:$0xb] =	wrdreg s18  }
0xc: {  	s31 =	simm.s32 $0x14E00;
	s4 =	smul.u32 $0x28000, s1;
	[dreg:$0xc] =	wrdreg s19  }
0xd: {  	s7 =	smul.u32 $0x140000, s1;
	s1 =	ssub.s32 $0x2, s1;
	[dreg:$0xd] =	wrdreg s20  }
0xe: {  	s12 =	simm.s32 $0x15000;
	s14 =	simm.s32 $0x14000;
	[dreg:$0xe] =	wrdreg s21  }
0xf: {  	s16 =	simm.s32 $0x80;
	s18 =	simm.s32 $0x1;
	s19 =	simm.s32 $0x2  }
0x10: {  	s20 =	simm.s32 $0x14B80;
	s21 =	simm.s32 $0x14480;
	s24 =	sshrl.u32 s1, $0x1  }
0x11: {  	s25 =	sshrl.u32 s22, $0x2;
	s22 =	simm.s32 $0x14300;
	s6 =	sadd.s32 s6, s4  }
0x12: {  	s4 =	sadd.s32 $0xE400, s0;
	s7 =	sadd.s32 s8, s7;
	s1 =	ssub.s32 s1, s24  }
0x13: {  	[dreg:$0xf] =	wrdreg s22;
	s24 =	simm.s32 $0x14380;
	s6 =	sshrl.u32 s6, $0x3  }
0x14: {  	s7 =	sshrl.u32 s7, $0x3;
	s1 =	smax.u32 s1, $0x1;
	[dreg:$0x11] =	wrdreg s24  }
0x15: {  	s23 =	sadd.s32 s6, s0;
	s5 =	sadd.s32 s6, s5;
	[dreg:$0x16] =	wrdreg s1  }
0x16: {  	s0 =	sadd.s32 s7, s0;
	s7 =	sadd.s32 s25, s2;
	[dreg:$0x5] =	wrdreg s5  }
0x17: {  	s9 =	simm.s32 $0x0;
	s25 =	simm.s32 $0x14B00;
	[dreg:$0x14] =	wrdreg s7  }
0x18: {  	s22 =	simm.s32 $0x14C00;
	s26 =	sadd.s32 $0x4400, s23;
	[dreg:$0x12] =	wrdreg s25  }
0x19: {  	s8 =	simm.s32 $0x14F80;
	s0 =	sadd.s32 $0x5E400, s0;
	[dreg:$0x4] =	wrdreg s26  }
0x1a: {  	s24 =	simm.s32 $0x14C80;
	s11 =	sadd.s32 $0x4000, s7;
	[dreg:$0x15] =	wrdreg s0  }
0x1b: {  	s1 =	simm.s32 $0x14700;
	s13 =	sadd.s32 $0x8000, s7;
	[dreg:$0x17] =	wrdreg s11  }
0x1c: {  	s6 =	simm.s32 $0x14780;
	s15 =	sadd.s32 $0xC000, s7;
	[dreg:$0x18] =	wrdreg s13  }
0x1d: {  	s17 =	sadd.s32 $0x10000, s7;
	s23 =	simm.s32 $0x14A80;
	[dreg:$0x19] =	wrdreg s15  }
0x1e: {  	s25 =	simm.s32 $0x14580;
	s7 =	simm.s32 $0x14F00;
	[dreg:$0x1a] =	wrdreg s17  }
0x1f: {  	s13 =	simm.s32 $0x3;
	s15 =	simm.s32 $0x14800;
	s17 =	simm.s32 $0x19000  }
0x20: {  	[dreg:$0x10] =	wrdreg s23;
	s26 =	simm.s32 $0x14400;
	s23 =	simm.s32 $0x14500  }
0x21: {  	v0 =	vimm.f32 $0.0e+00;
	s0 =	simm.s32 $0x14E80;
	[dreg:$0x13] =	wrdreg s26;
	s26 =	simm.s32 $0x14D00  }
.LBB2_1:
0x22: {  	s10 =	simm.s32 $0x0;
	s11 =	simm.s32 $0x200  }
.LBB2_2:
0x23: {  	p0 =	sne.s32 s11, $0xFE00;
	[tilespmem:s10+$0x15070] =	vst v0  }
0x24: {  	[tilespmem:s10+$0x15000] =	vst v0  }
0x25: {  	[tilespmem:s10+$0x15010] =	vst v0  }
.Ltmp0:
0x26: {  	[tilespmem:s10+$0x15020] =	vst v0;
	(pc) =	sbr.rel @p0 .LBB2_2-.Ltmp0, $4  }
0x27: {  	[tilespmem:s10+$0x15030] =	vst v0  }
0x28: {  	[tilespmem:s10+$0x15040] =	vst v0  }
0x29: {  	[tilespmem:s10+$0x15050] =	vst v0  }
0x2a: {  	[tilespmem:s10+$0x15060] =	vst v0;
	s10 =	sshra.s32 s11, $0x2;
	s11 =	sadd.s32 $0x200, s11  }
0x2b: {  	[tilespmem:s10+$0x15070] =	vst v0  }
0x2c: {  	[tilespmem:s10+$0x15000] =	vst v0  }
0x2d: {  	[tilespmem:s10+$0x15010] =	vst v0  }
0x2e: {  	[tilespmem:s10+$0x15020] =	vst v0  }
0x2f: {  	[tilespmem:s10+$0x15030] =	vst v0  }
0x30: {  	[tilespmem:s10+$0x15040] =	vst v0  }
0x31: {  	[dreg:$0x1b] =	wrdreg s9;
	[tilespmem:s10+$0x15050] =	vst v0  }
0x32: {  	[tilespmem:s10+$0x15060] =	vst v0;
	s5 =	rddreg [dreg:$0x14]  }
0x33: {  	[spmem:s5] =	stream.linear.scatter [tilespmem:s12], [sflag:$0x3], $0x4000, $0x38;
	[tilespmem:$0x1D000] =	vst v63  }
0x34: {  	_ =	swait.ge [sflag:s13], $0x4000  }
0x35: {  	[sflag:s13] =	ssyncset.done $0x0  }
0x36: {  	s10 =	rddreg [dreg:$0x17];
	[sflag:s13] =	ssyncadd.s32 $0xFFFFC000  }
0x37: {  	[spmem:s10] =	stream.linear.scatter [tilespmem:s12], [sflag:$0x3], $0x4000, $0x38;
	[tilespmem:$0x1D000] =	vst v63  }
0x38: {  	_ =	swait.ge [sflag:s13], $0x4000  }
0x39: {  	[sflag:s13] =	ssyncset.done $0x0  }
0x3a: {  	s11 =	rddreg [dreg:$0x18];
	[sflag:s13] =	ssyncadd.s32 $0xFFFFC000  }
0x3b: {  	[spmem:s11] =	stream.linear.scatter [tilespmem:s12], [sflag:$0x3], $0x4000, $0x38;
	[tilespmem:$0x1D000] =	vst v63  }
0x3c: {  	_ =	swait.ge [sflag:s13], $0x4000  }
0x3d: {  	[sflag:s13] =	ssyncset.done $0x0  }
0x3e: {  	s9 =	rddreg [dreg:$0x19];
	[sflag:s13] =	ssyncadd.s32 $0xFFFFC000  }
0x3f: {  	[spmem:s9] =	stream.linear.scatter [tilespmem:s12], [sflag:$0x3], $0x4000, $0x38;
	[tilespmem:$0x1D000] =	vst v63  }
0x40: {  	_ =	swait.ge [sflag:s13], $0x4000  }
0x41: {  	[sflag:s13] =	ssyncset.done $0x0  }
0x42: {  	s10 =	rddreg [dreg:$0x1a];
	[sflag:s13] =	ssyncadd.s32 $0xFFFFC000  }
0x43: {  	[spmem:s10] =	stream.linear.scatter [tilespmem:s12], [sflag:$0x3], $0x4000, $0x38;
	[tilespmem:$0x1D000] =	vst v63  }
0x44: {  	_ =	swait.ge [sflag:s13], $0x4000  }
0x45: {  	[sflag:s13] =	ssyncset.done $0x0  }
0x46: {  	[sflag:s13] =	ssyncadd.s32 $0xFFFFC000  }
0x47: {  	[bflag:$0x0] =	sbarrier.arrive $0xFFFF  }
0x48: {  	s11 =	rddreg [dreg:$0x5]  }
0x49: {  	s5 =	sadd.s32 $0x0, s11  }
0x4a: {  	[tilespmem:s14], [sflag:$0x3] =	stream.linear.gather [hbm4b:s5+s3], $0x800, $0x38;
	[tilespmem:$0x1D000] =	vst v63  }
0x4b: {  	_ =	swait.ge [sflag:s13], $0x800  }
0x4c: {  	s9 =	rddreg [dreg:$0x4];
	[sflag:s13] =	ssyncset.done $0x0  }
0x4d: {  	[sflag:s13] =	ssyncadd.s32 $0xFFFFF800;
	s5 =	sadd.s32 $0x0, s9  }
0x4e: {  	[tilespmem:s15], [sflag:$0x3] =	stream.linear.gather [hbm4b:s5+s3], $0x800, $0x38;
	[tilespmem:$0x1D000] =	vst v63  }
0x4f: {  	_ =	swait.ge [sflag:s13], $0x800  }
0x50: {  	[sflag:s13] =	ssyncset.done $0x0  }
0x51: {  	[sflag:s13] =	ssyncadd.s32 $0xFFFFF800  }
0x52: {  	[tilespmem:s12], [sflag:$0x1] =	stream.indirect.gather [hbm4b:s4+s16], $0x80, s14, s16, $0xb8;
	[tilespmem:$0x1D000] =	vst v63  }
0x53: {  	s10 =	rddreg [dreg:$0x6]  }
0x54: {  	[tilespmem:s17], [sflag:$0x2] =	stream.indirect.gather [hbm4b:s4+s16], $0x80, s10, s16, $0xb8;
	[tilespmem:$0x1D000] =	vst v63  }
0x55: {  	_ =	swait.ge [sflag:s18], $0x4000  }
0x56: {  	[sflag:s18] =	ssyncset.done $0x0  }
0x57: {  	[sflag:s18] =	ssyncadd.s32 $0xFFFFC000  }
0x58: {  	[spmem:s2] =	stream.indirect.scatter.add.f32 [tilespmem:s12], [sflag:$0x3], $0x80, s15, s16, $0xb8;
	[tilespmem:$0x1D000] =	vst v63  }
0x59: {  	_ =	swait.ge [sflag:s13], $0x4000  }
0x5a: {  	[sflag:s13] =	ssyncset.done $0x0  }
0x5b: {  	s11 =	rddreg [dreg:$0x7];
	[sflag:s13] =	ssyncadd.s32 $0xFFFFC000  }
0x5c: {  	[tilespmem:s12], [sflag:$0x1] =	stream.indirect.gather [hbm4b:s4+s16], $0x80, s11, s16, $0xb8;
	[tilespmem:$0x1D000] =	vst v63  }
0x5d: {  	_ =	swait.ge [sflag:s19], $0x4000  }
0x5e: {  	[sflag:s19] =	ssyncset.done $0x0  }
0x5f: {  	s9 =	rddreg [dreg:$0x8];
	[sflag:s19] =	ssyncadd.s32 $0xFFFFC000  }
0x60: {  	[spmem:s2] =	stream.indirect.scatter.add.f32 [tilespmem:s17], [sflag:$0x3], $0x80, s9, s16, $0xb8;
	[tilespmem:$0x1D000] =	vst v63  }
0x61: {  	_ =	swait.ge [sflag:s13], $0x4000  }
0x62: {  	[sflag:s13] =	ssyncset.done $0x0  }
0x63: {  	s10 =	rddreg [dreg:$0x9];
	[sflag:s13] =	ssyncadd.s32 $0xFFFFC000  }
0x64: {  	[tilespmem:s17], [sflag:$0x2] =	stream.indirect.gather [hbm4b:s4+s16], $0x80, s10, s16, $0xb8;
	[tilespmem:$0x1D000] =	vst v63  }
0x65: {  	_ =	swait.ge [sflag:s18], $0x4000  }
0x66: {  	[sflag:s18] =	ssyncset.done $0x0  }
0x67: {  	s11 =	rddreg [dreg:$0xa];
	[sflag:s18] =	ssyncadd.s32 $0xFFFFC000  }
0x68: {  	[spmem:s2] =	stream.indirect.scatter.add.f32 [tilespmem:s12], [sflag:$0x3], $0x80, s11, s16, $0xb8;
	[tilespmem:$0x1D000] =	vst v63  }
0x69: {  	_ =	swait.ge [sflag:s13], $0x4000  }
0x6a: {  	[sflag:s13] =	ssyncset.done $0x0  }
0x6b: {  	s9 =	rddreg [dreg:$0xb];
	[sflag:s13] =	ssyncadd.s32 $0xFFFFC000  }
0x6c: {  	[tilespmem:s12], [sflag:$0x1] =	stream.indirect.gather [hbm4b:s4+s16], $0x80, s9, s16, $0xb8;
	[tilespmem:$0x1D000] =	vst v63  }
0x6d: {  	_ =	swait.ge [sflag:s19], $0x4000  }
0x6e: {  	[sflag:s19] =	ssyncset.done $0x0  }
0x6f: {  	s10 =	rddreg [dreg:$0xc];
	[sflag:s19] =	ssyncadd.s32 $0xFFFFC000  }
0x70: {  	[spmem:s2] =	stream.indirect.scatter.add.f32 [tilespmem:s17], [sflag:$0x3], $0x80, s10, s16, $0xb8;
	[tilespmem:$0x1D000] =	vst v63  }
0x71: {  	_ =	swait.ge [sflag:s13], $0x4000  }
0x72: {  	[sflag:s13] =	ssyncset.done $0x0  }
0x73: {  	s11 =	rddreg [dreg:$0xd];
	[sflag:s13] =	ssyncadd.s32 $0xFFFFC000  }
0x74: {  	[tilespmem:s17], [sflag:$0x2] =	stream.indirect.gather [hbm4b:s4+s16], $0x80, s11, s16, $0xb8;
	[tilespmem:$0x1D000] =	vst v63  }
0x75: {  	_ =	swait.ge [sflag:s18], $0x4000  }
0x76: {  	[sflag:s18] =	ssyncset.done $0x0  }
0x77: {  	s9 =	rddreg [dreg:$0xe];
	[sflag:s18] =	ssyncadd.s32 $0xFFFFC000  }
0x78: {  	[spmem:s2] =	stream.indirect.scatter.add.f32 [tilespmem:s12], [sflag:$0x3], $0x80, s9, s16, $0xb8;
	[tilespmem:$0x1D000] =	vst v63  }
0x79: {  	_ =	swait.ge [sflag:s13], $0x4000  }
0x7a: {  	[sflag:s13] =	ssyncset.done $0x0  }
0x7b: {  	s10 =	rddreg [dreg:$0xf];
	[sflag:s13] =	ssyncadd.s32 $0xFFFFC000  }
0x7c: {  	[tilespmem:s12], [sflag:$0x1] =	stream.indirect.gather [hbm4b:s4+s16], $0x80, s10, s16, $0xb8;
	[tilespmem:$0x1D000] =	vst v63  }
0x7d: {  	_ =	swait.ge [sflag:s19], $0x4000  }
0x7e: {  	[sflag:s19] =	ssyncset.done $0x0  }
0x7f: {  	s11 =	rddreg [dreg:$0x10];
	[sflag:s19] =	ssyncadd.s32 $0xFFFFC000  }
0x80: {  	[spmem:s2] =	stream.indirect.scatter.add.f32 [tilespmem:s17], [sflag:$0x3], $0x80, s11, s16, $0xb8;
	[tilespmem:$0x1D000] =	vst v63  }
0x81: {  	_ =	swait.ge [sflag:s13], $0x4000  }
0x82: {  	[sflag:s13] =	ssyncset.done $0x0  }
0x83: {  	s9 =	rddreg [dreg:$0x11];
	[sflag:s13] =	ssyncadd.s32 $0xFFFFC000  }
0x84: {  	[tilespmem:s17], [sflag:$0x2] =	stream.indirect.gather [hbm4b:s4+s16], $0x80, s9, s16, $0xb8;
	[tilespmem:$0x1D000] =	vst v63  }
0x85: {  	_ =	swait.ge [sflag:s18], $0x4000  }
0x86: {  	[sflag:s18] =	ssyncset.done $0x0  }
0x87: {  	s10 =	rddreg [dreg:$0x12];
	[sflag:s18] =	ssyncadd.s32 $0xFFFFC000  }
0x88: {  	[spmem:s2] =	stream.indirect.scatter.add.f32 [tilespmem:s12], [sflag:$0x3], $0x80, s10, s16, $0xb8;
	[tilespmem:$0x1D000] =	vst v63  }
0x89: {  	_ =	swait.ge [sflag:s13], $0x4000  }
0x8a: {  	[sflag:s13] =	ssyncset.done $0x0  }
0x8b: {  	s11 =	rddreg [dreg:$0x13];
	[sflag:s13] =	ssyncadd.s32 $0xFFFFC000  }
0x8c: {  	[tilespmem:s12], [sflag:$0x1] =	stream.indirect.gather [hbm4b:s4+s16], $0x80, s11, s16, $0xb8;
	[tilespmem:$0x1D000] =	vst v63  }
0x8d: {  	_ =	swait.ge [sflag:s19], $0x4000  }
0x8e: {  	[sflag:s19] =	ssyncset.done $0x0  }
0x8f: {  	[sflag:s19] =	ssyncadd.s32 $0xFFFFC000  }
0x90: {  	[spmem:s2] =	stream.indirect.scatter.add.f32 [tilespmem:s17], [sflag:$0x3], $0x80, s20, s16, $0xb8;
	[tilespmem:$0x1D000] =	vst v63  }
0x91: {  	_ =	swait.ge [sflag:s13], $0x4000  }
0x92: {  	[sflag:s13] =	ssyncset.done $0x0  }
0x93: {  	[sflag:s13] =	ssyncadd.s32 $0xFFFFC000  }
0x94: {  	[tilespmem:s17], [sflag:$0x2] =	stream.indirect.gather [hbm4b:s4+s16], $0x80, s21, s16, $0xb8;
	[tilespmem:$0x1D000] =	vst v63  }
0x95: {  	_ =	swait.ge [sflag:s18], $0x4000  }
0x96: {  	[sflag:s18] =	ssyncset.done $0x0  }
0x97: {  	[sflag:s18] =	ssyncadd.s32 $0xFFFFC000  }
0x98: {  	[spmem:s2] =	stream.indirect.scatter.add.f32 [tilespmem:s12], [sflag:$0x3], $0x80, s22, s16, $0xb8;
	[tilespmem:$0x1D000] =	vst v63  }
0x99: {  	_ =	swait.ge [sflag:s13], $0x4000  }
0x9a: {  	[sflag:s13] =	ssyncset.done $0x0  }
0x9b: {  	[sflag:s13] =	ssyncadd.s32 $0xFFFFC000  }
0x9c: {  	[tilespmem:s12], [sflag:$0x1] =	stream.indirect.gather [hbm4b:s4+s16], $0x80, s23, s16, $0xb8;
	[tilespmem:$0x1D000] =	vst v63  }
0x9d: {  	_ =	swait.ge [sflag:s19], $0x4000  }
0x9e: {  	[sflag:s19] =	ssyncset.done $0x0  }
0x9f: {  	[sflag:s19] =	ssyncadd.s32 $0xFFFFC000  }
0xa0: {  	[spmem:s2] =	stream.indirect.scatter.add.f32 [tilespmem:s17], [sflag:$0x3], $0x80, s24, s16, $0xb8;
	[tilespmem:$0x1D000] =	vst v63  }
0xa1: {  	_ =	swait.ge [sflag:s13], $0x4000  }
0xa2: {  	[sflag:s13] =	ssyncset.done $0x0  }
0xa3: {  	[sflag:s13] =	ssyncadd.s32 $0xFFFFC000  }
0xa4: {  	[tilespmem:s17], [sflag:$0x2] =	stream.indirect.gather [hbm4b:s4+s16], $0x80, s25, s16, $0xb8;
	[tilespmem:$0x1D000] =	vst v63  }
0xa5: {  	_ =	swait.ge [sflag:s18], $0x4000  }
0xa6: {  	[sflag:s18] =	ssyncset.done $0x0  }
0xa7: {  	[sflag:s18] =	ssyncadd.s32 $0xFFFFC000  }
0xa8: {  	[spmem:s2] =	stream.indirect.scatter.add.f32 [tilespmem:s12], [sflag:$0x3], $0x80, s26, s16, $0xb8;
	[tilespmem:$0x1D000] =	vst v63  }
0xa9: {  	_ =	swait.ge [sflag:s13], $0x4000  }
0xaa: {  	[sflag:s13] =	ssyncset.done $0x0  }
0xab: {  	[sflag:s13] =	ssyncadd.s32 $0xFFFFC000  }
0xac: {  	[tilespmem:s12], [sflag:$0x1] =	stream.indirect.gather [hbm4b:s4+s16], $0x80, s28, s16, $0xb8;
	[tilespmem:$0x1D000] =	vst v63  }
0xad: {  	_ =	swait.ge [sflag:s19], $0x4000  }
0xae: {  	[sflag:s19] =	ssyncset.done $0x0  }
0xaf: {  	[sflag:s19] =	ssyncadd.s32 $0xFFFFC000  }
0xb0: {  	[spmem:s2] =	stream.indirect.scatter.add.f32 [tilespmem:s17], [sflag:$0x3], $0x80, s29, s16, $0xb8;
	[tilespmem:$0x1D000] =	vst v63  }
0xb1: {  	_ =	swait.ge [sflag:s13], $0x4000  }
0xb2: {  	[sflag:s13] =	ssyncset.done $0x0  }
0xb3: {  	[sflag:s13] =	ssyncadd.s32 $0xFFFFC000  }
0xb4: {  	[tilespmem:s17], [sflag:$0x2] =	stream.indirect.gather [hbm4b:s4+s16], $0x80, s30, s16, $0xb8;
	[tilespmem:$0x1D000] =	vst v63  }
0xb5: {  	_ =	swait.ge [sflag:s18], $0x4000  }
0xb6: {  	[sflag:s18] =	ssyncset.done $0x0  }
0xb7: {  	[sflag:s18] =	ssyncadd.s32 $0xFFFFC000  }
0xb8: {  	[spmem:s2] =	stream.indirect.scatter.add.f32 [tilespmem:s12], [sflag:$0x3], $0x80, s31, s16, $0xb8;
	[tilespmem:$0x1D000] =	vst v63  }
0xb9: {  	_ =	swait.ge [sflag:s13], $0x4000  }
0xba: {  	[sflag:s13] =	ssyncset.done $0x0  }
0xbb: {  	[sflag:s13] =	ssyncadd.s32 $0xFFFFC000  }
0xbc: {  	[tilespmem:s12], [sflag:$0x1] =	stream.indirect.gather [hbm4b:s4+s16], $0x80, s1, s16, $0xb8;
	[tilespmem:$0x1D000] =	vst v63  }
0xbd: {  	_ =	swait.ge [sflag:s19], $0x4000  }
0xbe: {  	[sflag:s19] =	ssyncset.done $0x0  }
0xbf: {  	[sflag:s19] =	ssyncadd.s32 $0xFFFFC000  }
0xc0: {  	[spmem:s2] =	stream.indirect.scatter.add.f32 [tilespmem:s17], [sflag:$0x3], $0x80, s0, s16, $0xb8;
	[tilespmem:$0x1D000] =	vst v63  }
0xc1: {  	_ =	swait.ge [sflag:s13], $0x4000  }
0xc2: {  	[sflag:s13] =	ssyncset.done $0x0  }
0xc3: {  	[sflag:s13] =	ssyncadd.s32 $0xFFFFC000  }
0xc4: {  	[tilespmem:s17], [sflag:$0x2] =	stream.indirect.gather [hbm4b:s4+s16], $0x80, s6, s16, $0xb8;
	[tilespmem:$0x1D000] =	vst v63  }
0xc5: {  	_ =	swait.ge [sflag:s18], $0x4000  }
0xc6: {  	[sflag:s18] =	ssyncset.done $0x0  }
0xc7: {  	[sflag:s18] =	ssyncadd.s32 $0xFFFFC000  }
0xc8: {  	[spmem:s2] =	stream.indirect.scatter.add.f32 [tilespmem:s12], [sflag:$0x3], $0x80, s7, s16, $0xb8;
	[tilespmem:$0x1D000] =	vst v63  }
0xc9: {  	_ =	swait.ge [sflag:s13], $0x4000  }
0xca: {  	[sflag:s13] =	ssyncset.done $0x0  }
0xcb: {  	[sflag:s13] =	ssyncadd.s32 $0xFFFFC000  }
0xcc: {  	_ =	swait.ge [sflag:s19], $0x4000  }
0xcd: {  	[sflag:s19] =	ssyncset.done $0x0  }
0xce: {  	[sflag:s19] =	ssyncadd.s32 $0xFFFFC000  }
0xcf: {  	[spmem:s2] =	stream.indirect.scatter.add.f32 [tilespmem:s17], [sflag:$0x3], $0x80, s8, s16, $0xb8;
	[tilespmem:$0x1D000] =	vst v63  }
0xd0: {  	s10 =	simm.s32 $0x100;
	_ =	swait.ge [sflag:s13], $0x4000  }
0xd1: {  	s11 =	simm.s32 $0x200;
	s5 =	rddreg [dreg:$0x5];
	[sflag:s13] =	ssyncset.done $0x0  }
.LBB2_4:
0xd2: {  	[sflag:s13] =	ssyncadd.s32 $0xFFFFC000;
	s5 =	sadd.s32 s10, s5  }
0xd3: {  	[tilespmem:s14], [sflag:$0x3] =	stream.linear.gather [hbm4b:s5+s3], $0x800, $0x38;
	[tilespmem:$0x1D000] =	vst v63  }
0xd4: {  	_ =	swait.ge [sflag:s13], $0x800  }
0xd5: {  	s5 =	rddreg [dreg:$0x4];
	[sflag:s13] =	ssyncset.done $0x0  }
0xd6: {  	[sflag:s13] =	ssyncadd.s32 $0xFFFFF800;
	s5 =	sadd.s32 s10, s5  }
0xd7: {  	[tilespmem:s15], [sflag:$0x3] =	stream.linear.gather [hbm4b:s5+s3], $0x800, $0x38;
	[tilespmem:$0x1D000] =	vst v63  }
0xd8: {  	_ =	swait.ge [sflag:s13], $0x800  }
0xd9: {  	[sflag:s13] =	ssyncset.done $0x0  }
0xda: {  	s9 =	smov.u32 s11;
	[sflag:s13] =	ssyncadd.s32 $0xFFFFF800  }
0xdb: {  	[tilespmem:s12], [sflag:$0x1] =	stream.indirect.gather [hbm4b:s4+s16], $0x80, s14, s16, $0xb8;
	[tilespmem:$0x1D000] =	vst v63  }
0xdc: {  	s10 =	smov.u32 s9;
	s9 =	rddreg [dreg:$0x6]  }
0xdd: {  	[tilespmem:s17], [sflag:$0x2] =	stream.indirect.gather [hbm4b:s4+s16], $0x80, s9, s16, $0xb8;
	[tilespmem:$0x1D000] =	vst v63  }
0xde: {  	_ =	swait.ge [sflag:s18], $0x4000  }
0xdf: {  	[sflag:s18] =	ssyncset.done $0x0  }
0xe0: {  	[sflag:s18] =	ssyncadd.s32 $0xFFFFC000  }
0xe1: {  	[spmem:s2] =	stream.indirect.scatter.add.f32 [tilespmem:s12], [sflag:$0x3], $0x80, s15, s16, $0xb8;
	[tilespmem:$0x1D000] =	vst v63  }
0xe2: {  	_ =	swait.ge [sflag:s13], $0x4000  }
0xe3: {  	[sflag:s13] =	ssyncset.done $0x0  }
0xe4: {  	s9 =	rddreg [dreg:$0x7];
	[sflag:s13] =	ssyncadd.s32 $0xFFFFC000  }
0xe5: {  	[tilespmem:s12], [sflag:$0x1] =	stream.indirect.gather [hbm4b:s4+s16], $0x80, s9, s16, $0xb8;
	[tilespmem:$0x1D000] =	vst v63  }
0xe6: {  	_ =	swait.ge [sflag:s19], $0x4000  }
0xe7: {  	[sflag:s19] =	ssyncset.done $0x0  }
0xe8: {  	s9 =	rddreg [dreg:$0x8];
	[sflag:s19] =	ssyncadd.s32 $0xFFFFC000  }
0xe9: {  	[spmem:s2] =	stream.indirect.scatter.add.f32 [tilespmem:s17], [sflag:$0x3], $0x80, s9, s16, $0xb8;
	[tilespmem:$0x1D000] =	vst v63  }
0xea: {  	_ =	swait.ge [sflag:s13], $0x4000  }
0xeb: {  	[sflag:s13] =	ssyncset.done $0x0  }
0xec: {  	s9 =	rddreg [dreg:$0x9];
	[sflag:s13] =	ssyncadd.s32 $0xFFFFC000  }
0xed: {  	[tilespmem:s17], [sflag:$0x2] =	stream.indirect.gather [hbm4b:s4+s16], $0x80, s9, s16, $0xb8;
	[tilespmem:$0x1D000] =	vst v63  }
0xee: {  	_ =	swait.ge [sflag:s18], $0x4000  }
0xef: {  	[sflag:s18] =	ssyncset.done $0x0  }
0xf0: {  	s9 =	rddreg [dreg:$0xa];
	[sflag:s18] =	ssyncadd.s32 $0xFFFFC000  }
0xf1: {  	[spmem:s2] =	stream.indirect.scatter.add.f32 [tilespmem:s12], [sflag:$0x3], $0x80, s9, s16, $0xb8;
	[tilespmem:$0x1D000] =	vst v63  }
0xf2: {  	_ =	swait.ge [sflag:s13], $0x4000  }
0xf3: {  	[sflag:s13] =	ssyncset.done $0x0  }
0xf4: {  	s9 =	rddreg [dreg:$0xb];
	[sflag:s13] =	ssyncadd.s32 $0xFFFFC000  }
0xf5: {  	[tilespmem:s12], [sflag:$0x1] =	stream.indirect.gather [hbm4b:s4+s16], $0x80, s9, s16, $0xb8;
	[tilespmem:$0x1D000] =	vst v63  }
0xf6: {  	_ =	swait.ge [sflag:s19], $0x4000  }
0xf7: {  	[sflag:s19] =	ssyncset.done $0x0  }
0xf8: {  	s9 =	rddreg [dreg:$0xc];
	[sflag:s19] =	ssyncadd.s32 $0xFFFFC000  }
0xf9: {  	[spmem:s2] =	stream.indirect.scatter.add.f32 [tilespmem:s17], [sflag:$0x3], $0x80, s9, s16, $0xb8;
	[tilespmem:$0x1D000] =	vst v63  }
0xfa: {  	_ =	swait.ge [sflag:s13], $0x4000  }
0xfb: {  	[sflag:s13] =	ssyncset.done $0x0  }
0xfc: {  	s9 =	rddreg [dreg:$0xd];
	[sflag:s13] =	ssyncadd.s32 $0xFFFFC000  }
0xfd: {  	[tilespmem:s17], [sflag:$0x2] =	stream.indirect.gather [hbm4b:s4+s16], $0x80, s9, s16, $0xb8;
	[tilespmem:$0x1D000] =	vst v63  }
0xfe: {  	_ =	swait.ge [sflag:s18], $0x4000  }
0xff: {  	[sflag:s18] =	ssyncset.done $0x0  }
0x100: {  	s9 =	rddreg [dreg:$0xe];
	[sflag:s18] =	ssyncadd.s32 $0xFFFFC000  }
0x101: {  	[spmem:s2] =	stream.indirect.scatter.add.f32 [tilespmem:s12], [sflag:$0x3], $0x80, s9, s16, $0xb8;
	[tilespmem:$0x1D000] =	vst v63  }
0x102: {  	_ =	swait.ge [sflag:s13], $0x4000  }
0x103: {  	[sflag:s13] =	ssyncset.done $0x0  }
0x104: {  	s9 =	rddreg [dreg:$0xf];
	[sflag:s13] =	ssyncadd.s32 $0xFFFFC000  }
0x105: {  	[tilespmem:s12], [sflag:$0x1] =	stream.indirect.gather [hbm4b:s4+s16], $0x80, s9, s16, $0xb8;
	[tilespmem:$0x1D000] =	vst v63  }
0x106: {  	_ =	swait.ge [sflag:s19], $0x4000  }
0x107: {  	[sflag:s19] =	ssyncset.done $0x0  }
0x108: {  	s9 =	rddreg [dreg:$0x10];
	[sflag:s19] =	ssyncadd.s32 $0xFFFFC000  }
0x109: {  	[spmem:s2] =	stream.indirect.scatter.add.f32 [tilespmem:s17], [sflag:$0x3], $0x80, s9, s16, $0xb8;
	[tilespmem:$0x1D000] =	vst v63  }
0x10a: {  	_ =	swait.ge [sflag:s13], $0x4000  }
0x10b: {  	[sflag:s13] =	ssyncset.done $0x0  }
0x10c: {  	s9 =	rddreg [dreg:$0x11];
	[sflag:s13] =	ssyncadd.s32 $0xFFFFC000  }
0x10d: {  	[tilespmem:s17], [sflag:$0x2] =	stream.indirect.gather [hbm4b:s4+s16], $0x80, s9, s16, $0xb8;
	[tilespmem:$0x1D000] =	vst v63  }
0x10e: {  	_ =	swait.ge [sflag:s18], $0x4000  }
0x10f: {  	[sflag:s18] =	ssyncset.done $0x0  }
0x110: {  	s9 =	rddreg [dreg:$0x12];
	[sflag:s18] =	ssyncadd.s32 $0xFFFFC000  }
0x111: {  	[spmem:s2] =	stream.indirect.scatter.add.f32 [tilespmem:s12], [sflag:$0x3], $0x80, s9, s16, $0xb8;
	[tilespmem:$0x1D000] =	vst v63  }
0x112: {  	_ =	swait.ge [sflag:s13], $0x4000  }
0x113: {  	[sflag:s13] =	ssyncset.done $0x0  }
0x114: {  	s9 =	rddreg [dreg:$0x13];
	[sflag:s13] =	ssyncadd.s32 $0xFFFFC000  }
0x115: {  	[tilespmem:s12], [sflag:$0x1] =	stream.indirect.gather [hbm4b:s4+s16], $0x80, s9, s16, $0xb8;
	[tilespmem:$0x1D000] =	vst v63  }
0x116: {  	_ =	swait.ge [sflag:s19], $0x4000  }
0x117: {  	[sflag:s19] =	ssyncset.done $0x0  }
0x118: {  	[sflag:s19] =	ssyncadd.s32 $0xFFFFC000  }
0x119: {  	[spmem:s2] =	stream.indirect.scatter.add.f32 [tilespmem:s17], [sflag:$0x3], $0x80, s20, s16, $0xb8;
	[tilespmem:$0x1D000] =	vst v63  }
0x11a: {  	_ =	swait.ge [sflag:s13], $0x4000  }
0x11b: {  	[sflag:s13] =	ssyncset.done $0x0  }
0x11c: {  	[sflag:s13] =	ssyncadd.s32 $0xFFFFC000  }
0x11d: {  	[tilespmem:s17], [sflag:$0x2] =	stream.indirect.gather [hbm4b:s4+s16], $0x80, s21, s16, $0xb8;
	[tilespmem:$0x1D000] =	vst v63  }
0x11e: {  	_ =	swait.ge [sflag:s18], $0x4000  }
0x11f: {  	[sflag:s18] =	ssyncset.done $0x0  }
0x120: {  	[sflag:s18] =	ssyncadd.s32 $0xFFFFC000  }
0x121: {  	[spmem:s2] =	stream.indirect.scatter.add.f32 [tilespmem:s12], [sflag:$0x3], $0x80, s22, s16, $0xb8;
	[tilespmem:$0x1D000] =	vst v63  }
0x122: {  	_ =	swait.ge [sflag:s13], $0x4000  }
0x123: {  	[sflag:s13] =	ssyncset.done $0x0  }
0x124: {  	[sflag:s13] =	ssyncadd.s32 $0xFFFFC000  }
0x125: {  	[tilespmem:s12], [sflag:$0x1] =	stream.indirect.gather [hbm4b:s4+s16], $0x80, s23, s16, $0xb8;
	[tilespmem:$0x1D000] =	vst v63  }
0x126: {  	_ =	swait.ge [sflag:s19], $0x4000  }
0x127: {  	[sflag:s19] =	ssyncset.done $0x0  }
0x128: {  	[sflag:s19] =	ssyncadd.s32 $0xFFFFC000  }
0x129: {  	[spmem:s2] =	stream.indirect.scatter.add.f32 [tilespmem:s17], [sflag:$0x3], $0x80, s24, s16, $0xb8;
	[tilespmem:$0x1D000] =	vst v63  }
0x12a: {  	_ =	swait.ge [sflag:s13], $0x4000  }
0x12b: {  	[sflag:s13] =	ssyncset.done $0x0  }
0x12c: {  	[sflag:s13] =	ssyncadd.s32 $0xFFFFC000  }
0x12d: {  	[tilespmem:s17], [sflag:$0x2] =	stream.indirect.gather [hbm4b:s4+s16], $0x80, s25, s16, $0xb8;
	[tilespmem:$0x1D000] =	vst v63  }
0x12e: {  	_ =	swait.ge [sflag:s18], $0x4000  }
0x12f: {  	[sflag:s18] =	ssyncset.done $0x0  }
0x130: {  	[sflag:s18] =	ssyncadd.s32 $0xFFFFC000  }
0x131: {  	[spmem:s2] =	stream.indirect.scatter.add.f32 [tilespmem:s12], [sflag:$0x3], $0x80, s26, s16, $0xb8;
	[tilespmem:$0x1D000] =	vst v63  }
0x132: {  	_ =	swait.ge [sflag:s13], $0x4000  }
0x133: {  	[sflag:s13] =	ssyncset.done $0x0  }
0x134: {  	[sflag:s13] =	ssyncadd.s32 $0xFFFFC000  }
0x135: {  	[tilespmem:s12], [sflag:$0x1] =	stream.indirect.gather [hbm4b:s4+s16], $0x80, s28, s16, $0xb8;
	[tilespmem:$0x1D000] =	vst v63  }
0x136: {  	_ =	swait.ge [sflag:s19], $0x4000  }
0x137: {  	[sflag:s19] =	ssyncset.done $0x0  }
0x138: {  	[sflag:s19] =	ssyncadd.s32 $0xFFFFC000  }
0x139: {  	[spmem:s2] =	stream.indirect.scatter.add.f32 [tilespmem:s17], [sflag:$0x3], $0x80, s29, s16, $0xb8;
	[tilespmem:$0x1D000] =	vst v63  }
0x13a: {  	_ =	swait.ge [sflag:s13], $0x4000  }
0x13b: {  	[sflag:s13] =	ssyncset.done $0x0  }
0x13c: {  	[sflag:s13] =	ssyncadd.s32 $0xFFFFC000  }
0x13d: {  	[tilespmem:s17], [sflag:$0x2] =	stream.indirect.gather [hbm4b:s4+s16], $0x80, s30, s16, $0xb8;
	[tilespmem:$0x1D000] =	vst v63  }
0x13e: {  	_ =	swait.ge [sflag:s18], $0x4000  }
0x13f: {  	[sflag:s18] =	ssyncset.done $0x0  }
0x140: {  	[sflag:s18] =	ssyncadd.s32 $0xFFFFC000  }
0x141: {  	[spmem:s2] =	stream.indirect.scatter.add.f32 [tilespmem:s12], [sflag:$0x3], $0x80, s31, s16, $0xb8;
	[tilespmem:$0x1D000] =	vst v63  }
0x142: {  	_ =	swait.ge [sflag:s13], $0x4000  }
0x143: {  	[sflag:s13] =	ssyncset.done $0x0  }
0x144: {  	[sflag:s13] =	ssyncadd.s32 $0xFFFFC000  }
0x145: {  	[tilespmem:s12], [sflag:$0x1] =	stream.indirect.gather [hbm4b:s4+s16], $0x80, s1, s16, $0xb8;
	[tilespmem:$0x1D000] =	vst v63  }
0x146: {  	_ =	swait.ge [sflag:s19], $0x4000  }
0x147: {  	[sflag:s19] =	ssyncset.done $0x0  }
0x148: {  	[sflag:s19] =	ssyncadd.s32 $0xFFFFC000  }
0x149: {  	[spmem:s2] =	stream.indirect.scatter.add.f32 [tilespmem:s17], [sflag:$0x3], $0x80, s0, s16, $0xb8;
	[tilespmem:$0x1D000] =	vst v63  }
0x14a: {  	_ =	swait.ge [sflag:s13], $0x4000  }
0x14b: {  	[sflag:s13] =	ssyncset.done $0x0  }
0x14c: {  	[sflag:s13] =	ssyncadd.s32 $0xFFFFC000  }
0x14d: {  	[tilespmem:s17], [sflag:$0x2] =	stream.indirect.gather [hbm4b:s4+s16], $0x80, s6, s16, $0xb8;
	[tilespmem:$0x1D000] =	vst v63  }
0x14e: {  	_ =	swait.ge [sflag:s18], $0x4000  }
0x14f: {  	[sflag:s18] =	ssyncset.done $0x0  }
0x150: {  	[sflag:s18] =	ssyncadd.s32 $0xFFFFC000  }
0x151: {  	[spmem:s2] =	stream.indirect.scatter.add.f32 [tilespmem:s12], [sflag:$0x3], $0x80, s7, s16, $0xb8;
	[tilespmem:$0x1D000] =	vst v63  }
0x152: {  	_ =	swait.ge [sflag:s13], $0x4000  }
0x153: {  	[sflag:s13] =	ssyncset.done $0x0  }
0x154: {  	[sflag:s13] =	ssyncadd.s32 $0xFFFFC000  }
0x155: {  	p0 =	sne.s32 s11, $0x400;
	_ =	swait.ge [sflag:s19], $0x4000  }
.Ltmp1:
0x156: {  	[sflag:s19] =	ssyncset.done $0x0;
	(pc) =	sbr.rel @p0 .LBB2_4-.Ltmp1, $4  }
0x157: {  	[sflag:s19] =	ssyncadd.s32 $0xFFFFC000  }
0x158: {  	[spmem:s2] =	stream.indirect.scatter.add.f32 [tilespmem:s17], [sflag:$0x3], $0x80, s8, s16, $0xb8;
	[tilespmem:$0x1D000] =	vst v63  }
0x159: {  	_ =	swait.ge [sflag:s13], $0x4000  }
0x15a: {  	s11 =	sadd.s32 $0x100, s11;
	s5 =	rddreg [dreg:$0x5];
	[sflag:s13] =	ssyncset.done $0x0  }
0x15b: {  	[sflag:s13] =	ssyncadd.s32 $0xFFFFC000;
	s5 =	sadd.s32 s10, s5  }
0x15c: {  	[tilespmem:s14], [sflag:$0x3] =	stream.linear.gather [hbm4b:s5+s3], $0x800, $0x38;
	[tilespmem:$0x1D000] =	vst v63  }
0x15d: {  	_ =	swait.ge [sflag:s13], $0x800  }
0x15e: {  	s9 =	rddreg [dreg:$0x4];
	[sflag:s13] =	ssyncset.done $0x0  }
0x15f: {  	[sflag:s13] =	ssyncadd.s32 $0xFFFFF800;
	s5 =	sadd.s32 s10, s9  }
0x160: {  	[tilespmem:s15], [sflag:$0x3] =	stream.linear.gather [hbm4b:s5+s3], $0x800, $0x38;
	[tilespmem:$0x1D000] =	vst v63  }
0x161: {  	_ =	swait.ge [sflag:s13], $0x800  }
0x162: {  	[sflag:s13] =	ssyncset.done $0x0  }
0x163: {  	[sflag:s13] =	ssyncadd.s32 $0xFFFFF800  }
0x164: {  	[tilespmem:s12], [sflag:$0x1] =	stream.indirect.gather [hbm4b:s4+s16], $0x80, s14, s16, $0xb8;
	[tilespmem:$0x1D000] =	vst v63  }
0x165: {  	s11 =	rddreg [dreg:$0x6]  }
0x166: {  	[tilespmem:s17], [sflag:$0x2] =	stream.indirect.gather [hbm4b:s4+s16], $0x80, s11, s16, $0xb8;
	[tilespmem:$0x1D000] =	vst v63  }
0x167: {  	_ =	swait.ge [sflag:s18], $0x4000  }
0x168: {  	[sflag:s18] =	ssyncset.done $0x0  }
0x169: {  	[sflag:s18] =	ssyncadd.s32 $0xFFFFC000  }
0x16a: {  	[spmem:s2] =	stream.indirect.scatter.add.f32 [tilespmem:s12], [sflag:$0x3], $0x80, s15, s16, $0xb8;
	[tilespmem:$0x1D000] =	vst v63  }
0x16b: {  	_ =	swait.ge [sflag:s13], $0x4000  }
0x16c: {  	[sflag:s13] =	ssyncset.done $0x0  }
0x16d: {  	s9 =	rddreg [dreg:$0x7];
	[sflag:s13] =	ssyncadd.s32 $0xFFFFC000  }
0x16e: {  	[tilespmem:s12], [sflag:$0x1] =	stream.indirect.gather [hbm4b:s4+s16], $0x80, s9, s16, $0xb8;
	[tilespmem:$0x1D000] =	vst v63  }
0x16f: {  	_ =	swait.ge [sflag:s19], $0x4000  }
0x170: {  	[sflag:s19] =	ssyncset.done $0x0  }
0x171: {  	s10 =	rddreg [dreg:$0x8];
	[sflag:s19] =	ssyncadd.s32 $0xFFFFC000  }
0x172: {  	[spmem:s2] =	stream.indirect.scatter.add.f32 [tilespmem:s17], [sflag:$0x3], $0x80, s10, s16, $0xb8;
	[tilespmem:$0x1D000] =	vst v63  }
0x173: {  	_ =	swait.ge [sflag:s13], $0x4000  }
0x174: {  	[sflag:s13] =	ssyncset.done $0x0  }
0x175: {  	s11 =	rddreg [dreg:$0x9];
	[sflag:s13] =	ssyncadd.s32 $0xFFFFC000  }
0x176: {  	[tilespmem:s17], [sflag:$0x2] =	stream.indirect.gather [hbm4b:s4+s16], $0x80, s11, s16, $0xb8;
	[tilespmem:$0x1D000] =	vst v63  }
0x177: {  	_ =	swait.ge [sflag:s18], $0x4000  }
0x178: {  	[sflag:s18] =	ssyncset.done $0x0  }
0x179: {  	s9 =	rddreg [dreg:$0xa];
	[sflag:s18] =	ssyncadd.s32 $0xFFFFC000  }
0x17a: {  	[spmem:s2] =	stream.indirect.scatter.add.f32 [tilespmem:s12], [sflag:$0x3], $0x80, s9, s16, $0xb8;
	[tilespmem:$0x1D000] =	vst v63  }
0x17b: {  	_ =	swait.ge [sflag:s13], $0x4000  }
0x17c: {  	[sflag:s13] =	ssyncset.done $0x0  }
0x17d: {  	s10 =	rddreg [dreg:$0xb];
	[sflag:s13] =	ssyncadd.s32 $0xFFFFC000  }
0x17e: {  	[tilespmem:s12], [sflag:$0x1] =	stream.indirect.gather [hbm4b:s4+s16], $0x80, s10, s16, $0xb8;
	[tilespmem:$0x1D000] =	vst v63  }
0x17f: {  	_ =	swait.ge [sflag:s19], $0x4000  }
0x180: {  	[sflag:s19] =	ssyncset.done $0x0  }
0x181: {  	s11 =	rddreg [dreg:$0xc];
	[sflag:s19] =	ssyncadd.s32 $0xFFFFC000  }
0x182: {  	[spmem:s2] =	stream.indirect.scatter.add.f32 [tilespmem:s17], [sflag:$0x3], $0x80, s11, s16, $0xb8;
	[tilespmem:$0x1D000] =	vst v63  }
0x183: {  	_ =	swait.ge [sflag:s13], $0x4000  }
0x184: {  	[sflag:s13] =	ssyncset.done $0x0  }
0x185: {  	s9 =	rddreg [dreg:$0xd];
	[sflag:s13] =	ssyncadd.s32 $0xFFFFC000  }
0x186: {  	[tilespmem:s17], [sflag:$0x2] =	stream.indirect.gather [hbm4b:s4+s16], $0x80, s9, s16, $0xb8;
	[tilespmem:$0x1D000] =	vst v63  }
0x187: {  	_ =	swait.ge [sflag:s18], $0x4000  }
0x188: {  	[sflag:s18] =	ssyncset.done $0x0  }
0x189: {  	s10 =	rddreg [dreg:$0xe];
	[sflag:s18] =	ssyncadd.s32 $0xFFFFC000  }
0x18a: {  	[spmem:s2] =	stream.indirect.scatter.add.f32 [tilespmem:s12], [sflag:$0x3], $0x80, s10, s16, $0xb8;
	[tilespmem:$0x1D000] =	vst v63  }
0x18b: {  	_ =	swait.ge [sflag:s13], $0x4000  }
0x18c: {  	[sflag:s13] =	ssyncset.done $0x0  }
0x18d: {  	s11 =	rddreg [dreg:$0xf];
	[sflag:s13] =	ssyncadd.s32 $0xFFFFC000  }
0x18e: {  	[tilespmem:s12], [sflag:$0x1] =	stream.indirect.gather [hbm4b:s4+s16], $0x80, s11, s16, $0xb8;
	[tilespmem:$0x1D000] =	vst v63  }
0x18f: {  	_ =	swait.ge [sflag:s19], $0x4000  }
0x190: {  	[sflag:s19] =	ssyncset.done $0x0  }
0x191: {  	s9 =	rddreg [dreg:$0x10];
	[sflag:s19] =	ssyncadd.s32 $0xFFFFC000  }
0x192: {  	[spmem:s2] =	stream.indirect.scatter.add.f32 [tilespmem:s17], [sflag:$0x3], $0x80, s9, s16, $0xb8;
	[tilespmem:$0x1D000] =	vst v63  }
0x193: {  	_ =	swait.ge [sflag:s13], $0x4000  }
0x194: {  	[sflag:s13] =	ssyncset.done $0x0  }
0x195: {  	s10 =	rddreg [dreg:$0x11];
	[sflag:s13] =	ssyncadd.s32 $0xFFFFC000  }
0x196: {  	[tilespmem:s17], [sflag:$0x2] =	stream.indirect.gather [hbm4b:s4+s16], $0x80, s10, s16, $0xb8;
	[tilespmem:$0x1D000] =	vst v63  }
0x197: {  	_ =	swait.ge [sflag:s18], $0x4000  }
0x198: {  	[sflag:s18] =	ssyncset.done $0x0  }
0x199: {  	s11 =	rddreg [dreg:$0x12];
	[sflag:s18] =	ssyncadd.s32 $0xFFFFC000  }
0x19a: {  	[spmem:s2] =	stream.indirect.scatter.add.f32 [tilespmem:s12], [sflag:$0x3], $0x80, s11, s16, $0xb8;
	[tilespmem:$0x1D000] =	vst v63  }
0x19b: {  	_ =	swait.ge [sflag:s13], $0x4000  }
0x19c: {  	[sflag:s13] =	ssyncset.done $0x0  }
0x19d: {  	s9 =	rddreg [dreg:$0x13];
	[sflag:s13] =	ssyncadd.s32 $0xFFFFC000  }
0x19e: {  	[tilespmem:s12], [sflag:$0x1] =	stream.indirect.gather [hbm4b:s4+s16], $0x80, s9, s16, $0xb8;
	[tilespmem:$0x1D000] =	vst v63  }
0x19f: {  	_ =	swait.ge [sflag:s19], $0x4000  }
0x1a0: {  	[sflag:s19] =	ssyncset.done $0x0  }
0x1a1: {  	[sflag:s19] =	ssyncadd.s32 $0xFFFFC000  }
0x1a2: {  	[spmem:s2] =	stream.indirect.scatter.add.f32 [tilespmem:s17], [sflag:$0x3], $0x80, s20, s16, $0xb8;
	[tilespmem:$0x1D000] =	vst v63  }
0x1a3: {  	_ =	swait.ge [sflag:s13], $0x4000  }
0x1a4: {  	[sflag:s13] =	ssyncset.done $0x0  }
0x1a5: {  	[sflag:s13] =	ssyncadd.s32 $0xFFFFC000  }
0x1a6: {  	[tilespmem:s17], [sflag:$0x2] =	stream.indirect.gather [hbm4b:s4+s16], $0x80, s21, s16, $0xb8;
	[tilespmem:$0x1D000] =	vst v63  }
0x1a7: {  	_ =	swait.ge [sflag:s18], $0x4000  }
0x1a8: {  	[sflag:s18] =	ssyncset.done $0x0  }
0x1a9: {  	[sflag:s18] =	ssyncadd.s32 $0xFFFFC000  }
0x1aa: {  	[spmem:s2] =	stream.indirect.scatter.add.f32 [tilespmem:s12], [sflag:$0x3], $0x80, s22, s16, $0xb8;
	[tilespmem:$0x1D000] =	vst v63  }
0x1ab: {  	_ =	swait.ge [sflag:s13], $0x4000  }
0x1ac: {  	[sflag:s13] =	ssyncset.done $0x0  }
0x1ad: {  	[sflag:s13] =	ssyncadd.s32 $0xFFFFC000  }
0x1ae: {  	[tilespmem:s12], [sflag:$0x1] =	stream.indirect.gather [hbm4b:s4+s16], $0x80, s23, s16, $0xb8;
	[tilespmem:$0x1D000] =	vst v63  }
0x1af: {  	_ =	swait.ge [sflag:s19], $0x4000  }
0x1b0: {  	[sflag:s19] =	ssyncset.done $0x0  }
0x1b1: {  	[sflag:s19] =	ssyncadd.s32 $0xFFFFC000  }
0x1b2: {  	[spmem:s2] =	stream.indirect.scatter.add.f32 [tilespmem:s17], [sflag:$0x3], $0x80, s24, s16, $0xb8;
	[tilespmem:$0x1D000] =	vst v63  }
0x1b3: {  	_ =	swait.ge [sflag:s13], $0x4000  }
0x1b4: {  	[sflag:s13] =	ssyncset.done $0x0  }
0x1b5: {  	[sflag:s13] =	ssyncadd.s32 $0xFFFFC000  }
0x1b6: {  	[tilespmem:s17], [sflag:$0x2] =	stream.indirect.gather [hbm4b:s4+s16], $0x80, s25, s16, $0xb8;
	[tilespmem:$0x1D000] =	vst v63  }
0x1b7: {  	_ =	swait.ge [sflag:s18], $0x4000  }
0x1b8: {  	[sflag:s18] =	ssyncset.done $0x0  }
0x1b9: {  	[sflag:s18] =	ssyncadd.s32 $0xFFFFC000  }
0x1ba: {  	[spmem:s2] =	stream.indirect.scatter.add.f32 [tilespmem:s12], [sflag:$0x3], $0x80, s26, s16, $0xb8;
	[tilespmem:$0x1D000] =	vst v63  }
0x1bb: {  	_ =	swait.ge [sflag:s13], $0x4000  }
0x1bc: {  	[sflag:s13] =	ssyncset.done $0x0  }
0x1bd: {  	[sflag:s13] =	ssyncadd.s32 $0xFFFFC000  }
0x1be: {  	[tilespmem:s12], [sflag:$0x1] =	stream.indirect.gather [hbm4b:s4+s16], $0x80, s28, s16, $0xb8;
	[tilespmem:$0x1D000] =	vst v63  }
0x1bf: {  	_ =	swait.ge [sflag:s19], $0x4000  }
0x1c0: {  	[sflag:s19] =	ssyncset.done $0x0  }
0x1c1: {  	[sflag:s19] =	ssyncadd.s32 $0xFFFFC000  }
0x1c2: {  	[spmem:s2] =	stream.indirect.scatter.add.f32 [tilespmem:s17], [sflag:$0x3], $0x80, s29, s16, $0xb8;
	[tilespmem:$0x1D000] =	vst v63  }
0x1c3: {  	_ =	swait.ge [sflag:s13], $0x4000  }
0x1c4: {  	[sflag:s13] =	ssyncset.done $0x0  }
0x1c5: {  	[sflag:s13] =	ssyncadd.s32 $0xFFFFC000  }
0x1c6: {  	[tilespmem:s17], [sflag:$0x2] =	stream.indirect.gather [hbm4b:s4+s16], $0x80, s30, s16, $0xb8;
	[tilespmem:$0x1D000] =	vst v63  }
0x1c7: {  	_ =	swait.ge [sflag:s18], $0x4000  }
0x1c8: {  	[sflag:s18] =	ssyncset.done $0x0  }
0x1c9: {  	[sflag:s18] =	ssyncadd.s32 $0xFFFFC000  }
0x1ca: {  	[spmem:s2] =	stream.indirect.scatter.add.f32 [tilespmem:s12], [sflag:$0x3], $0x80, s31, s16, $0xb8;
	[tilespmem:$0x1D000] =	vst v63  }
0x1cb: {  	_ =	swait.ge [sflag:s13], $0x4000  }
0x1cc: {  	[sflag:s13] =	ssyncset.done $0x0  }
0x1cd: {  	[sflag:s13] =	ssyncadd.s32 $0xFFFFC000  }
0x1ce: {  	[tilespmem:s12], [sflag:$0x1] =	stream.indirect.gather [hbm4b:s4+s16], $0x80, s1, s16, $0xb8;
	[tilespmem:$0x1D000] =	vst v63  }
0x1cf: {  	_ =	swait.ge [sflag:s19], $0x4000  }
0x1d0: {  	[sflag:s19] =	ssyncset.done $0x0  }
0x1d1: {  	[sflag:s19] =	ssyncadd.s32 $0xFFFFC000  }
0x1d2: {  	[spmem:s2] =	stream.indirect.scatter.add.f32 [tilespmem:s17], [sflag:$0x3], $0x80, s0, s16, $0xb8;
	[tilespmem:$0x1D000] =	vst v63  }
0x1d3: {  	_ =	swait.ge [sflag:s13], $0x4000  }
0x1d4: {  	[sflag:s13] =	ssyncset.done $0x0  }
0x1d5: {  	[sflag:s13] =	ssyncadd.s32 $0xFFFFC000  }
0x1d6: {  	[tilespmem:s17], [sflag:$0x2] =	stream.indirect.gather [hbm4b:s4+s16], $0x80, s6, s16, $0xb8;
	[tilespmem:$0x1D000] =	vst v63  }
0x1d7: {  	_ =	swait.ge [sflag:s18], $0x4000  }
0x1d8: {  	[sflag:s18] =	ssyncset.done $0x0  }
0x1d9: {  	[sflag:s18] =	ssyncadd.s32 $0xFFFFC000  }
0x1da: {  	[spmem:s2] =	stream.indirect.scatter.add.f32 [tilespmem:s12], [sflag:$0x3], $0x80, s7, s16, $0xb8;
	[tilespmem:$0x1D000] =	vst v63  }
0x1db: {  	_ =	swait.ge [sflag:s13], $0x4000  }
0x1dc: {  	[sflag:s13] =	ssyncset.done $0x0  }
0x1dd: {  	[sflag:s13] =	ssyncadd.s32 $0xFFFFC000  }
0x1de: {  	_ =	swait.ge [sflag:s19], $0x4000  }
0x1df: {  	[sflag:s19] =	ssyncset.done $0x0  }
0x1e0: {  	[sflag:s19] =	ssyncadd.s32 $0xFFFFC000  }
0x1e1: {  	[spmem:s2] =	stream.indirect.scatter.add.f32 [tilespmem:s17], [sflag:$0x3], $0x80, s8, s16, $0xb8;
	[tilespmem:$0x1D000] =	vst v63  }
0x1e2: {  	_ =	swait.ge [sflag:s13], $0x4000  }
0x1e3: {  	[sflag:s13] =	ssyncset.done $0x0  }
0x1e4: {  	[sflag:s13] =	ssyncadd.s32 $0xFFFFC000  }
0x1e5: {  	s10 =	stileid.u32;
	[bflag:$0x0] =	sbarrier.arrive $0xFFFF  }
0x1e6: {  	s5 =	sshll.u32 s10, $0x6;
	s9 =	rddreg [dreg:$0x14]  }
0x1e7: {  	s5 =	sor.u32 $0x1C03, s5;
	s11 =	rddreg [dreg:$0x15];
	s9 =	sshrl.u32 s9, $0x3  }
0x1e8: {  	[hbm:s11], [sflag:s5] =	dma.local [spmem:s9], $0x2800  }
0x1e9: {  	_ =	swait.ge [sflag:s13], $0x2800  }
0x1ea: {  	s10 =	rddreg [dreg:$0x1b]  }
0x1eb: {  	s11 =	rddreg [dreg:$0x16];
	s9 =	sadd.s32 $0x1, s10  }
0x1ec: {  	p0 =	sne.s32 s9, s11  }
.Ltmp2:
0x1ed: {  	_ = 	snop;
	(pc) =	sbr.rel @p0 .LBB2_1-.Ltmp2, $3  }
0x1ee: {  	_ =	sdelay $0x1  }
0x1ef: {  	[sflag:s13] =	ssyncset.done $0x0  }
0x1f0: {  	[sflag:s13] =	ssyncadd.s32 $0xFFFFD800  }
0x1f1: {  	_ =	sfence.sel $0x180000  }
0x1f2: {  	[bflag:$0x0] =	sbarrier.arrive $0xFFFF  }
0x1f3: {  	_ =	strace $0x9000004A  }
0x1f4: {  	s0 =	stileid.u32;
	[bflag:$0x2] =	sbarrier.arrive $0xFFFF  }
0x1f5: {  	p0 =	sne.s32 s0, $0x0;
	s0 =	rddreg [dreg:$0x3]  }
0x1f6: {  	s0 =	sadd.s32 @!p0 $0x100000, s0  }
0x1f7: {  	[sflag:s0] =	ssyncadd.tile.s32 @!p0 $0x1;
	_ =	shalt  }
.Lfunc_end2:
_tile_overlayer_lowered:
.L_overlay_start_2:
0x1f8: {  	(tag) =	ssettag $0x2  }
0x1f9: {  	s0 =	rddreg [dreg:$0x0];
	s2 =	stileid.u32  }
0x1fa: {  	s1 =	rddreg [dreg:$0x1];
	p0 =	sne.s32 s2, $0x0  }
0x1fb: {  	s3 =	rddreg [dreg:$0x2];
	[bflag:$0x3] =	sbarrier.arrive $0xFFFF;
	s2 =	simm.s32 @!p0 $0x1C03  }
0x1fc: {  	[timem:s3], [sflag:s2] =	dma.local @!p0 [hbm:s0], s1  }
0x1fd: {  	s0 =	simm.s32 @!p0 $0x3  }
0x1fe: {  	_ =	swait.ge @!p0 [sflag:s0], s1  }
0x1ff: {  	s1 =	ssub.s32 @!p0 $0x0, s1;
	[sflag:s0] =	ssyncset.done @!p0 $0x0  }
0x200: {  	[sflag:s0] =	ssyncadd.s32 @!p0 s1  }
0x201: {  	[bflag:$0x3] =	sbarrier.arrive $0xFFFF  }
0x202: {  	_ =	shalt  }

// kernel: kernel.17.cloned.1.call-start
scs
__scs_entry_jumppad:
0x0: {  	(pc) =	sbr.rel $0x88, $3  }
0x1: {  	(tag) =	ssettag $0x0;
	lr =	simm.s32 $0x1  }
0x2: {  	[smem:$0x3F99] =	sst lr;
	_ =	strace $0xD0000000  }
0x3: {  	_ = 	snop  }
0x4: {  	_ = 	snop  }
0x5: {  	_ = 	snop  }
0x6: {  	_ = 	snop  }
0x7: {  	_ = 	snop  }
__scs_overlays_trampoline_lowered:
0x8: {  	[smem:$0x3FA8] =	sst s0  }
0x9: {  	[smem:$0x3FA9] =	sst s1  }
0xa: {  	[smem:$0x3FAA] =	sst s2  }
0xb: {  	[smem:$0x3FAB] =	sst s3  }
0xc: {  	[smem:$0x3FAC] =	sst s4  }
0xd: {  	[smem:$0x3FAD] =	sst s5  }
0xe: {  	[smem:$0x3FAE] =	sst s6  }
0xf: {  	[smem:$0x3FAF] =	sst s7  }
0x10: {  	[smem:$0x3FB0] =	sst s8  }
0x11: {  	[smem:$0x3FB1] =	sst s9;
	s0 =	simm.s32 @!p0 $0x0  }
0x12: {  	s1 =	sld [smem:$0x3F97];
	s0 =	simm.s32 @p0 $0x1  }
0x13: {  	[smem:$0x3FB2] =	sst s0;
	s0 =	simm.s32 @!p1 $0x0  }
0x14: {  	s2 =	sld [smem:$0x3F96];
	s0 =	simm.s32 @p1 $0x1  }
0x15: {  	[smem:$0x3FB3] =	sst s0;
	s0 =	simm.s32 @!p2 $0x0  }
0x16: {  	s3 =	sld [smem:$0x3FDB];
	s0 =	simm.s32 @p2 $0x1  }
0x17: {  	s4 =	simm.s32 $0x1BF5;
	[smem:$0x3FB5] =	sst s0  }
0x18: {  	s0 =	sld [smem:$0x3F98];
	_ =	swait.ge [sflag:s4], $0x0  }
0x19: {  	s7 =	sld [smem:$0x3F99]  }
0x1a: {  	s8 =	sadd.s32 $0xFFFFE003, lr  }
0x1b: {  	s9 =	sadd.s32 $0xFFFFFEF7, lr;
	s5 =	simm.s32 $0xFFFFFFFF;
	p2 =	slt.u32 s8, $0xFFFFF086  }
0x1c: {  	p1 =	slt.u32 s9, $0xF7A;
	s5 =	simm.s32 @!p2 $0x0  }
0x1d: {  	s5 =	simm.s32 @p1 $0x1;
	p0 =	seq.s32 s7, s2  }
0x1e: {  	s7 =	smul.u32 @!p0 $0xF7A, s2;
	p2 =	seq.s32 @!p0 s5, $0x0  }
0x1f: {  	s9 =	smul.u32 $0xF7A, s1;
	s8 =	simm.s32 @!p0 $0x1BF5;
	p2 =	por !p2, p0  }
0x20: {  	[sflag:s8] =	ssyncset.s32 @!p0 $0xFFFFF086;
	s6 =	sadd.s32 @!p0 s3, s7;
	s7 =	simm.s32 @!p0 $0x108  }
0x21: {  	s3 =	sadd.s32 s3, s9;
	s6 =	sadd.s32 @!p0 $0x88, s6;
	s7 =	simm.s32 @p2 $0x1082  }
0x22: {  	[simem:s7], [sflag:s8] =	dma.local @!p0 [hbm:s6], $0xF7A  }
0x23: {  	s9 =	sor.u32 $0xD0000000, s2;
	s6 =	simm.s32 $0x108;
	_ =	swait.ge @!p0 [sflag:s8], $0x0  }
0x24: {  	s3 =	sadd.s32 $0x88, s3;
	s6 =	simm.s32 @!p1 $0x1082;
	[sflag:s4] =	ssyncset.s32 $0xFFFFF086  }
0x25: {  	[simem:s6], [sflag:s4] =	dma.local [hbm:s3], $0xF7A  }
0x26: {  	[smem:$0x3F99] =	sst s1;
	(tag) =	ssettag s2;
	_ =	strace s9  }
0x27: {  	s1 =	sld [smem:$0x3FA9]  }
0x28: {  	s2 =	sld [smem:$0x3FAA]  }
0x29: {  	s4 =	sld [smem:$0x3FAC]  }
0x2a: {  	p0 =	seq.s32 s5, $0x0;
	s5 =	sld [smem:$0x3FAD]  }
0x2b: {  	s6 =	sld [smem:$0x3FAE]  }
0x2c: {  	s7 =	sld [smem:$0x3FAF]  }
0x2d: {  	s3 =	simm.s32 $0x108;
	s8 =	sld [smem:$0x3FB0]  }
0x2e: {  	s3 =	simm.s32 @!p0 $0x1082;
	s9 =	sld [smem:$0x3FB1]  }
0x2f: {  	lr =	sadd.s32 s0, s3;
	s0 =	sld [smem:$0x3FA8]  }
0x30: {  	s3 =	sld [smem:$0x3FAB]  }
0x31: {  	[smem:$0x3FB4] =	sst s10  }
0x32: {  	s10 =	sld [smem:$0x3FB2];
	_ =	sdelay $0x3  }
0x33: {  	p0 =	seq.s32 s10, $0x1;
	s10 =	sld [smem:$0x3FB4];
	_ =	sdelay $0x3  }
0x34: {  	[smem:$0x3FB4] =	sst s10  }
0x35: {  	s10 =	sld [smem:$0x3FB3];
	_ =	sdelay $0x3  }
0x36: {  	p1 =	seq.s32 s10, $0x1;
	s10 =	sld [smem:$0x3FB4];
	_ =	sdelay $0x3  }
0x37: {  	[smem:$0x3FB4] =	sst s10  }
0x38: {  	s10 =	sld [smem:$0x3FB5]  }
0x39: {  	_ = 	snop;
	(pc) =	sbr.ind lr, $3  }
0x3a: {  	_ = 	snop  }
0x3b: {  	_ = 	snop  }
0x3c: {  	p2 =	seq.s32 s10, $0x1;
	s10 =	sld [smem:$0x3FB4]  }
0x3d: {  	_ =	shalt  }
0x3e: {  	_ =	shalt  }
0x3f: {  	_ =	shalt  }
0x40: {  	_ =	shalt  }
0x41: {  	_ =	shalt  }
0x42: {  	_ =	shalt  }
0x43: {  	_ =	shalt  }
0x44: {  	_ =	shalt  }
0x45: {  	_ =	shalt  }
0x46: {  	_ =	shalt  }
0x47: {  	_ =	shalt  }
0x48: {  	_ =	shalt  }
0x49: {  	_ =	shalt  }
0x4a: {  	_ =	shalt  }
0x4b: {  	_ =	shalt  }
0x4c: {  	_ =	shalt  }
0x4d: {  	_ =	shalt  }
0x4e: {  	_ =	shalt  }
0x4f: {  	_ =	shalt  }
0x50: {  	_ =	shalt  }
0x51: {  	_ =	shalt  }
0x52: {  	_ =	shalt  }
0x53: {  	_ =	shalt  }
0x54: {  	_ =	shalt  }
0x55: {  	_ =	shalt  }
0x56: {  	_ =	shalt  }
0x57: {  	_ =	shalt  }
0x58: {  	_ =	shalt  }
0x59: {  	_ =	shalt  }
0x5a: {  	_ =	shalt  }
0x5b: {  	_ =	shalt  }
0x5c: {  	_ =	shalt  }
0x5d: {  	_ =	shalt  }
0x5e: {  	_ =	shalt  }
0x5f: {  	_ =	shalt  }
0x60: {  	_ =	shalt  }
0x61: {  	_ =	shalt  }
0x62: {  	_ =	shalt  }
0x63: {  	_ =	shalt  }
0x64: {  	_ =	shalt  }
0x65: {  	_ =	shalt  }
0x66: {  	_ =	shalt  }
0x67: {  	_ =	shalt  }
0x68: {  	_ =	shalt  }
0x69: {  	_ =	shalt  }
0x6a: {  	_ =	shalt  }
0x6b: {  	_ =	shalt  }
0x6c: {  	_ =	shalt  }
0x6d: {  	_ =	shalt  }
0x6e: {  	_ =	shalt  }
0x6f: {  	_ =	shalt  }
0x70: {  	_ =	shalt  }
0x71: {  	_ =	shalt  }
0x72: {  	_ =	shalt  }
0x73: {  	_ =	shalt  }
0x74: {  	_ =	shalt  }
0x75: {  	_ =	shalt  }
0x76: {  	_ =	shalt  }
0x77: {  	_ =	shalt  }
0x78: {  	_ =	shalt  }
0x79: {  	_ =	shalt  }
0x7a: {  	_ =	shalt  }
0x7b: {  	_ =	shalt  }
0x7c: {  	_ =	shalt  }
0x7d: {  	_ =	shalt  }
0x7e: {  	_ =	shalt  }
0x7f: {  	_ =	shalt  }
0x80: {  	_ =	shalt  }
0x81: {  	_ =	shalt  }
0x82: {  	_ =	shalt  }
0x83: {  	_ =	shalt  }
0x84: {  	_ =	shalt  }
0x85: {  	_ =	shalt  }
0x86: {  	_ =	shalt  }
0x87: {  	_ =	shalt  }
.Lfunc_end0:
.L_simem_size_0:
called_computation.2_lowered:
.L_overlay_start_0:
0x88: {  	s2 =	sld [smem:$0x3FD9]  }
0x89: {  	s3 =	sld [smem:$0x3FFE];
	_ =	sdelay $0x1  }
0x8a: {  	s1 =	srdreg.scid  }
0x8b: {  	s0 =	sand.u32 $0x1, s1  }
0x8c: {  	s17 =	sshll.u32 s0, $0xA;
	s2 =	sadd.s32 s3, s2  }
0x8d: {  	s2 =	sadd.s32 s2, s17  }
0x8e: {  	[smem:$0x3FC0] =	sst s2  }
0x8f: {  	_ = 	snop  }
0x90: {  	s2 =	sld [smem:$0x3FD0];
	(tm) =	ssettm $0x1  }
0x91: {  	s18 =	sld [smem:$0x3FFB];
	_ =	sdelay $0x3  }
0x92: {  	_ =	strace s18  }
0x93: {  	s3 =	sld [smem:$0x3FFC];
	_ =	sdelay $0x3  }
0x94: {  	_ =	strace s3  }
0x95: {  	s3 =	sld [smem:$0x3FFD];
	_ =	sdelay $0x3  }
0x96: {  	_ =	strace s3  }
0x97: {  	_ =	strace $0x8FFFFFFF  }
0x98: {  	s19 =	sld [smem:$0x3FDB];
	_ =	sdelay $0x1  }
0x99: {  	s4 =	simm.s32 $_scs_section_size  }
0x9a: {  	s5 =	simm.s32 $_size__tile_overlayer_lowered;
	s6 =	simm.s32 $_tile_overlayer_lowered  }
0x9b: {  	s22 =	simm.s32 $0x1BFF;
	s21 =	sshll.u32 s6, $0x1;
	s3 =	sadd.s32 s4, s19  }
0x9c: {  	s7 =	simm.s32 $0x0;
	s20 =	sshll.u32 s5, $0x1;
	s5 =	sadd.s32 s21, s3  }
0x9d: {  	[timem:s7], [sflag:s22] =	dma.local [hbm:s5], s20  }
0x9e: {  	_ =	swait.ge [sflag:s22], s20  }
0x9f: {  	s4 =	ssub.s32 $0x0, s20;
	[sflag:s22] =	ssyncset.done $0x0  }
0xa0: {  	[sflag:s22] =	ssyncadd.s32 s4;
	_ =	sdelay $0x1  }
0xa1: {  	s23 =	simm.s32 $0x1B8B  }
0xa2: {  	_ =	swait.ge [sflag:s23], $0x1  }
0xa3: {  	[sflag:s23] =	ssyncset.done $0x0  }
0xa4: {  	s25 =	simm.s32 $0x1B8E;
	s24 =	sld [smem:$0x3FFE];
	[sflag:s23] =	ssyncadd.s32 $0xFFFFFFFF  }
0xa5: {  	s26 =	simm.s32 $execute0_lowered;
	[smem:$0x3FD2] =	sst s25  }
0xa6: {  	s5 =	sshll.u32 s26, $0x1;
	_ =	strace $0x8000004C;
	[dreg:$0x1] =	wrdreg $0xFFFFFFFF  }
0xa7: {  	s28 =	simm.s32 $_size_execute0_lowered;
	s3 =	sadd.s32 s3, s5;
	[dreg:$0x0] =	wrdreg $0x0  }
0xa8: {  	s5 =	sshll.u32 s28, $0x1;
	[dreg:$0x2] =	wrdreg s3  }
0xa9: {  	[dreg:$0x3] =	wrdreg s5  }
0xaa: {  	[dreg:$0x4] =	wrdreg $0xC0  }
0xab: {  	_ =	task [dreg:s7], $0x5FFFF  }
0xac: {  	[dreg:$0x1] =	wrdreg $0xFFFFFFFF  }
0xad: {  	[dreg:$0x0] =	wrdreg $0x60  }
0xae: {  	[dreg:$0x2] =	wrdreg s24  }
0xaf: {  	[dreg:$0x3] =	wrdreg s2  }
0xb0: {  	[dreg:$0x4] =	wrdreg $0x0  }
0xb1: {  	[dreg:$0x5] =	wrdreg $0x9  }
0xb2: {  	_ =	task.clear_ibuf [dreg:s7], $0x6FFFF;
	_ =	strace $0x9000004C  }
0xb3: {  	s29 =	simm.s32 $0x9;
	_ =	strace $0x8000004E  }
0xb4: {  	_ =	swait.ge [sflag:s29], $0x1  }
0xb5: {  	[sflag:s29] =	ssyncadd.s32 $0xFFFFFFFF  }
0xb6: {  	_ =	strace $0x9000004E  }
0xb7: {  	_ =	sfence  }
0xb8: {  	s30 =	sld [smem:$0x0];
	_ =	sdelay $0x2  }
0xb9: {  	s31 =	sshll.u32 s1, $0xD;
	s1 =	sshrl.u32 s1, $0x2  }
0xba: {  	s3 =	sand.u32 $0x4000, s31;
	s1 =	sadd.s32 s1, s30  }
0xbb: {  	s0 =	sor.u32 s3, s0;
	s1 =	sshll.u32 s1, $0x11  }
0xbc: {  	s0 =	sor.u32 s1, s0  }
0xbd: {  	s0 =	sadd.s32 $0x8F2B, s0  }
0xbe: {  	[sflag:s0] =	ssyncadd.remote.s32 $0x1  }
0xbf: {  	_ =	sfence.sel $0xFFFF  }
0xc0: {  	[dreg:$0x0] =	wrdreg $0xFFFFFFFF;
	(pc) =	sbr.abs _section_cstart, $3  }
0xc1: {  	[dreg:$0x1] =	wrdreg $0xFFFFFFFF  }
0xc2: {  	_ =	task.clear_ibuf [dreg:s7], $0x2FFFF;
	_ =	strace $0x9FFFFFFF  }
0xc3: {  	(tm) =	ssettm $0x7FFFFFFF  }
tec
execute0_lowered:
.L_overlay_start_1:
0x0: {  	(tag) =	ssettag $0x1  }
0x1: {  	s0 =	rddreg [dreg:$0x0];
	s1 =	srdreg.scid  }
0x2: {  	s5 =	rddreg [dreg:$0x1];
	s9 =	stileid.u32  }
0x3: {  	s2 =	rddreg [dreg:$0x2];
	s6 =	smul.u32 $0x2800, s9  }
0x4: {  	s3 =	simm.s32 $0x0;
	s10 =	simm.s32 $0x14100;
	s8 =	smul.u32 $0x14000, s9  }
0x5: {  	[smem:$0x7FF] =	sst s3;
	s22 =	smul.u32 $0x50000, s9;
	s9 =	simm.s32 $0x14080  }
0x6: {  	s12 =	simm.s32 $0x14880;
	_ =	strace $0x8000004D;
	[dreg:$0x6] =	wrdreg s9  }
0x7: {  	s14 =	simm.s32 $0x14180;
	s16 =	simm.s32 $0x14900;
	[dreg:$0x7] =	wrdreg s10  }
0x8: {  	s18 =	simm.s32 $0x14200;
	s19 =	simm.s32 $0x14980;
	[dreg:$0x8] =	wrdreg s12  }
0x9: {  	s20 =	simm.s32 $0x14280;
	s21 =	simm.s32 $0x14A00;
	[dreg:$0x9] =	wrdreg s14  }
0xa: {  	s28 =	simm.s32 $0x14600;
	s29 =	simm.s32 $0x14D80;
	[dreg:$0xa] =	wrdreg s16  }
0xb: {  	s30 =	simm.s32 $0x14680;
	s1 =	sand.u32 $0x1, s1;
	[dreg:$0xb] =	wrdreg s18  }
0xc: {  	s31 =	simm.s32 $0x14E00;
	s4 =	smul.u32 $0x28000, s1;
	[dreg:$0xc] =	wrdreg s19  }
0xd: {  	s7 =	smul.u32 $0x140000, s1;
	s1 =	ssub.s32 $0x2, s1;
	[dreg:$0xd] =	wrdreg s20  }
0xe: {  	s12 =	simm.s32 $0x15000;
	s14 =	simm.s32 $0x14000;
	[dreg:$0xe] =	wrdreg s21  }
0xf: {  	s16 =	simm.s32 $0x80;
	s18 =	simm.s32 $0x1;
	s19 =	simm.s32 $0x2  }
0x10: {  	s20 =	simm.s32 $0x14B80;
	s21 =	simm.s32 $0x14480;
	s24 =	sshrl.u32 s1, $0x1  }
0x11: {  	s25 =	sshrl.u32 s22, $0x2;
	s22 =	simm.s32 $0x14300;
	s6 =	sadd.s32 s6, s4  }
0x12: {  	s4 =	sadd.s32 $0xE400, s0;
	s7 =	sadd.s32 s8, s7;
	s1 =	ssub.s32 s1, s24  }
0x13: {  	[dreg:$0xf] =	wrdreg s22;
	s24 =	simm.s32 $0x14380;
	s6 =	sshrl.u32 s6, $0x3  }
0x14: {  	s7 =	sshrl.u32 s7, $0x3;
	s1 =	smax.u32 s1, $0x1;
	[dreg:$0x11] =	wrdreg s24  }
0x15: {  	s23 =	sadd.s32 s6, s0;
	s5 =	sadd.s32 s6, s5;
	[dreg:$0x16] =	wrdreg s1  }
0x16: {  	s0 =	sadd.s32 s7, s0;
	s7 =	sadd.s32 s25, s2;
	[dreg:$0x5] =	wrdreg s5  }
0x17: {  	s9 =	simm.s32 $0x0;
	s25 =	simm.s32 $0x14B00;
	[dreg:$0x14] =	wrdreg s7  }
0x18: {  	s22 =	simm.s32 $0x14C00;
	s26 =	sadd.s32 $0x4400, s23;
	[dreg:$0x12] =	wrdreg s25  }
0x19: {  	s8 =	simm.s32 $0x14F80;
	s0 =	sadd.s32 $0x5E400, s0;
	[dreg:$0x4] =	wrdreg s26  }
0x1a: {  	s24 =	simm.s32 $0x14C80;
	s11 =	sadd.s32 $0x4000, s7;
	[dreg:$0x15] =	wrdreg s0  }
0x1b: {  	s1 =	simm.s32 $0x14700;
	s13 =	sadd.s32 $0x8000, s7;
	[dreg:$0x17] =	wrdreg s11  }
0x1c: {  	s6 =	simm.s32 $0x14780;
	s15 =	sadd.s32 $0xC000, s7;
	[dreg:$0x18] =	wrdreg s13  }
0x1d: {  	s17 =	sadd.s32 $0x10000, s7;
	s23 =	simm.s32 $0x14A80;
	[dreg:$0x19] =	wrdreg s15  }
0x1e: {  	s25 =	simm.s32 $0x14580;
	s7 =	simm.s32 $0x14F00;
	[dreg:$0x1a] =	wrdreg s17  }
0x1f: {  	s13 =	simm.s32 $0x3;
	s15 =	simm.s32 $0x14800;
	s17 =	simm.s32 $0x19000  }
0x20: {  	[dreg:$0x10] =	wrdreg s23;
	s26 =	simm.s32 $0x14400;
	s23 =	simm.s32 $0x14500  }
0x21: {  	v0 =	vimm.f32 $0.0e+00;
	s0 =	simm.s32 $0x14E80;
	[dreg:$0x13] =	wrdreg s26;
	s26 =	simm.s32 $0x14D00  }
.LBB2_1:
0x22: {  	s10 =	simm.s32 $0x0;
	s11 =	simm.s32 $0x200  }
.LBB2_2:
0x23: {  	p0 =	sne.s32 s11, $0xFE00;
	[tilespmem:s10+$0x15070] =	vst v0  }
0x24: {  	[tilespmem:s10+$0x15000] =	vst v0  }
0x25: {  	[tilespmem:s10+$0x15010] =	vst v0  }
.Ltmp0:
0x26: {  	[tilespmem:s10+$0x15020] =	vst v0;
	(pc) =	sbr.rel @p0 .LBB2_2-.Ltmp0, $4  }
0x27: {  	[tilespmem:s10+$0x15030] =	vst v0  }
0x28: {  	[tilespmem:s10+$0x15040] =	vst v0  }
0x29: {  	[tilespmem:s10+$0x15050] =	vst v0  }
0x2a: {  	[tilespmem:s10+$0x15060] =	vst v0;
	s10 =	sshra.s32 s11, $0x2;
	s11 =	sadd.s32 $0x200, s11  }
0x2b: {  	[tilespmem:s10+$0x15070] =	vst v0  }
0x2c: {  	[tilespmem:s10+$0x15000] =	vst v0  }
0x2d: {  	[tilespmem:s10+$0x15010] =	vst v0  }
0x2e: {  	[tilespmem:s10+$0x15020] =	vst v0  }
0x2f: {  	[tilespmem:s10+$0x15030] =	vst v0  }
0x30: {  	[tilespmem:s10+$0x15040] =	vst v0  }
0x31: {  	[dreg:$0x1b] =	wrdreg s9;
	[tilespmem:s10+$0x15050] =	vst v0  }
0x32: {  	[tilespmem:s10+$0x15060] =	vst v0;
	s5 =	rddreg [dreg:$0x14]  }
0x33: {  	[spmem:s5] =	stream.linear.scatter [tilespmem:s12], [sflag:$0x3], $0x4000, $0x38;
	[tilespmem:$0x1D000] =	vst v63  }
0x34: {  	_ =	swait.ge [sflag:s13], $0x4000  }
0x35: {  	[sflag:s13] =	ssyncset.done $0x0  }
0x36: {  	s10 =	rddreg [dreg:$0x17];
	[sflag:s13] =	ssyncadd.s32 $0xFFFFC000  }
0x37: {  	[spmem:s10] =	stream.linear.scatter [tilespmem:s12], [sflag:$0x3], $0x4000, $0x38;
	[tilespmem:$0x1D000] =	vst v63  }
0x38: {  	_ =	swait.ge [sflag:s13], $0x4000  }
0x39: {  	[sflag:s13] =	ssyncset.done $0x0  }
0x3a: {  	s11 =	rddreg [dreg:$0x18];
	[sflag:s13] =	ssyncadd.s32 $0xFFFFC000  }
0x3b: {  	[spmem:s11] =	stream.linear.scatter [tilespmem:s12], [sflag:$0x3], $0x4000, $0x38;
	[tilespmem:$0x1D000] =	vst v63  }
0x3c: {  	_ =	swait.ge [sflag:s13], $0x4000  }
0x3d: {  	[sflag:s13] =	ssyncset.done $0x0  }
0x3e: {  	s9 =	rddreg [dreg:$0x19];
	[sflag:s13] =	ssyncadd.s32 $0xFFFFC000  }
0x3f: {  	[spmem:s9] =	stream.linear.scatter [tilespmem:s12], [sflag:$0x3], $0x4000, $0x38;
	[tilespmem:$0x1D000] =	vst v63  }
0x40: {  	_ =	swait.ge [sflag:s13], $0x4000  }
0x41: {  	[sflag:s13] =	ssyncset.done $0x0  }
0x42: {  	s10 =	rddreg [dreg:$0x1a];
	[sflag:s13] =	ssyncadd.s32 $0xFFFFC000  }
0x43: {  	[spmem:s10] =	stream.linear.scatter [tilespmem:s12], [sflag:$0x3], $0x4000, $0x38;
	[tilespmem:$0x1D000] =	vst v63  }
0x44: {  	_ =	swait.ge [sflag:s13], $0x4000  }
0x45: {  	[sflag:s13] =	ssyncset.done $0x0  }
0x46: {  	[sflag:s13] =	ssyncadd.s32 $0xFFFFC000  }
0x47: {  	[bflag:$0x0] =	sbarrier.arrive $0xFFFF  }
0x48: {  	s11 =	rddreg [dreg:$0x5]  }
0x49: {  	s5 =	sadd.s32 $0x0, s11  }
0x4a: {  	[tilespmem:s14], [sflag:$0x3] =	stream.linear.gather [hbm4b:s5+s3], $0x800, $0x38;
	[tilespmem:$0x1D000] =	vst v63  }
0x4b: {  	_ =	swait.ge [sflag:s13], $0x800  }
0x4c: {  	s9 =	rddreg [dreg:$0x4];
	[sflag:s13] =	ssyncset.done $0x0  }
0x4d: {  	[sflag:s13] =	ssyncadd.s32 $0xFFFFF800;
	s5 =	sadd.s32 $0x0, s9  }
0x4e: {  	[tilespmem:s15], [sflag:$0x3] =	stream.linear.gather [hbm4b:s5+s3], $0x800, $0x38;
	[tilespmem:$0x1D000] =	vst v63  }
0x4f: {  	_ =	swait.ge [sflag:s13], $0x800  }
0x50: {  	[sflag:s13] =	ssyncset.done $0x0  }
0x51: {  	[sflag:s13] =	ssyncadd.s32 $0xFFFFF800  }
0x52: {  	[tilespmem:s12], [sflag:$0x1] =	stream.indirect.gather [hbm4b:s4+s16], $0x80, s14, s16, $0xb8;
	[tilespmem:$0x1D000] =	vst v63  }
0x53: {  	s10 =	rddreg [dreg:$0x6]  }
0x54: {  	[tilespmem:s17], [sflag:$0x2] =	stream.indirect.gather [hbm4b:s4+s16], $0x80, s10, s16, $0xb8;
	[tilespmem:$0x1D000] =	vst v63  }
0x55: {  	_ =	swait.ge [sflag:s18], $0x4000  }
0x56: {  	[sflag:s18] =	ssyncset.done $0x0  }
0x57: {  	[sflag:s18] =	ssyncadd.s32 $0xFFFFC000  }
0x58: {  	[spmem:s2] =	stream.indirect.scatter.add.f32 [tilespmem:s12], [sflag:$0x3], $0x80, s15, s16, $0xb8;
	[tilespmem:$0x1D000] =	vst v63  }
0x59: {  	_ =	swait.ge [sflag:s13], $0x4000  }
0x5a: {  	[sflag:s13] =	ssyncset.done $0x0  }
0x5b: {  	s11 =	rddreg [dreg:$0x7];
	[sflag:s13] =	ssyncadd.s32 $0xFFFFC000  }
0x5c: {  	[tilespmem:s12], [sflag:$0x1] =	stream.indirect.gather [hbm4b:s4+s16], $0x80, s11, s16, $0xb8;
	[tilespmem:$0x1D000] =	vst v63  }
0x5d: {  	_ =	swait.ge [sflag:s19], $0x4000  }
0x5e: {  	[sflag:s19] =	ssyncset.done $0x0  }
0x5f: {  	s9 =	rddreg [dreg:$0x8];
	[sflag:s19] =	ssyncadd.s32 $0xFFFFC000  }
0x60: {  	[spmem:s2] =	stream.indirect.scatter.add.f32 [tilespmem:s17], [sflag:$0x3], $0x80, s9, s16, $0xb8;
	[tilespmem:$0x1D000] =	vst v63  }
0x61: {  	_ =	swait.ge [sflag:s13], $0x4000  }
0x62: {  	[sflag:s13] =	ssyncset.done $0x0  }
0x63: {  	s10 =	rddreg [dreg:$0x9];
	[sflag:s13] =	ssyncadd.s32 $0xFFFFC000  }
0x64: {  	[tilespmem:s17], [sflag:$0x2] =	stream.indirect.gather [hbm4b:s4+s16], $0x80, s10, s16, $0xb8;
	[tilespmem:$0x1D000] =	vst v63  }
0x65: {  	_ =	swait.ge [sflag:s18], $0x4000  }
0x66: {  	[sflag:s18] =	ssyncset.done $0x0  }
0x67: {  	s11 =	rddreg [dreg:$0xa];
	[sflag:s18] =	ssyncadd.s32 $0xFFFFC000  }
0x68: {  	[spmem:s2] =	stream.indirect.scatter.add.f32 [tilespmem:s12], [sflag:$0x3], $0x80, s11, s16, $0xb8;
	[tilespmem:$0x1D000] =	vst v63  }
0x69: {  	_ =	swait.ge [sflag:s13], $0x4000  }
0x6a: {  	[sflag:s13] =	ssyncset.done $0x0  }
0x6b: {  	s9 =	rddreg [dreg:$0xb];
	[sflag:s13] =	ssyncadd.s32 $0xFFFFC000  }
0x6c: {  	[tilespmem:s12], [sflag:$0x1] =	stream.indirect.gather [hbm4b:s4+s16], $0x80, s9, s16, $0xb8;
	[tilespmem:$0x1D000] =	vst v63  }
0x6d: {  	_ =	swait.ge [sflag:s19], $0x4000  }
0x6e: {  	[sflag:s19] =	ssyncset.done $0x0  }
0x6f: {  	s10 =	rddreg [dreg:$0xc];
	[sflag:s19] =	ssyncadd.s32 $0xFFFFC000  }
0x70: {  	[spmem:s2] =	stream.indirect.scatter.add.f32 [tilespmem:s17], [sflag:$0x3], $0x80, s10, s16, $0xb8;
	[tilespmem:$0x1D000] =	vst v63  }
0x71: {  	_ =	swait.ge [sflag:s13], $0x4000  }
0x72: {  	[sflag:s13] =	ssyncset.done $0x0  }
0x73: {  	s11 =	rddreg [dreg:$0xd];
	[sflag:s13] =	ssyncadd.s32 $0xFFFFC000  }
0x74: {  	[tilespmem:s17], [sflag:$0x2] =	stream.indirect.gather [hbm4b:s4+s16], $0x80, s11, s16, $0xb8;
	[tilespmem:$0x1D000] =	vst v63  }
0x75: {  	_ =	swait.ge [sflag:s18], $0x4000  }
0x76: {  	[sflag:s18] =	ssyncset.done $0x0  }
0x77: {  	s9 =	rddreg [dreg:$0xe];
	[sflag:s18] =	ssyncadd.s32 $0xFFFFC000  }
0x78: {  	[spmem:s2] =	stream.indirect.scatter.add.f32 [tilespmem:s12], [sflag:$0x3], $0x80, s9, s16, $0xb8;
	[tilespmem:$0x1D000] =	vst v63  }
0x79: {  	_ =	swait.ge [sflag:s13], $0x4000  }
0x7a: {  	[sflag:s13] =	ssyncset.done $0x0  }
0x7b: {  	s10 =	rddreg [dreg:$0xf];
	[sflag:s13] =	ssyncadd.s32 $0xFFFFC000  }
0x7c: {  	[tilespmem:s12], [sflag:$0x1] =	stream.indirect.gather [hbm4b:s4+s16], $0x80, s10, s16, $0xb8;
	[tilespmem:$0x1D000] =	vst v63  }
0x7d: {  	_ =	swait.ge [sflag:s19], $0x4000  }
0x7e: {  	[sflag:s19] =	ssyncset.done $0x0  }
0x7f: {  	s11 =	rddreg [dreg:$0x10];
	[sflag:s19] =	ssyncadd.s32 $0xFFFFC000  }
0x80: {  	[spmem:s2] =	stream.indirect.scatter.add.f32 [tilespmem:s17], [sflag:$0x3], $0x80, s11, s16, $0xb8;
	[tilespmem:$0x1D000] =	vst v63  }
0x81: {  	_ =	swait.ge [sflag:s13], $0x4000  }
0x82: {  	[sflag:s13] =	ssyncset.done $0x0  }
0x83: {  	s9 =	rddreg [dreg:$0x11];
	[sflag:s13] =	ssyncadd.s32 $0xFFFFC000  }
0x84: {  	[tilespmem:s17], [sflag:$0x2] =	stream.indirect.gather [hbm4b:s4+s16], $0x80, s9, s16, $0xb8;
	[tilespmem:$0x1D000] =	vst v63  }
0x85: {  	_ =	swait.ge [sflag:s18], $0x4000  }
0x86: {  	[sflag:s18] =	ssyncset.done $0x0  }
0x87: {  	s10 =	rddreg [dreg:$0x12];
	[sflag:s18] =	ssyncadd.s32 $0xFFFFC000  }
0x88: {  	[spmem:s2] =	stream.indirect.scatter.add.f32 [tilespmem:s12], [sflag:$0x3], $0x80, s10, s16, $0xb8;
	[tilespmem:$0x1D000] =	vst v63  }
0x89: {  	_ =	swait.ge [sflag:s13], $0x4000  }
0x8a: {  	[sflag:s13] =	ssyncset.done $0x0  }
0x8b: {  	s11 =	rddreg [dreg:$0x13];
	[sflag:s13] =	ssyncadd.s32 $0xFFFFC000  }
0x8c: {  	[tilespmem:s12], [sflag:$0x1] =	stream.indirect.gather [hbm4b:s4+s16], $0x80, s11, s16, $0xb8;
	[tilespmem:$0x1D000] =	vst v63  }
0x8d: {  	_ =	swait.ge [sflag:s19], $0x4000  }
0x8e: {  	[sflag:s19] =	ssyncset.done $0x0  }
0x8f: {  	[sflag:s19] =	ssyncadd.s32 $0xFFFFC000  }
0x90: {  	[spmem:s2] =	stream.indirect.scatter.add.f32 [tilespmem:s17], [sflag:$0x3], $0x80, s20, s16, $0xb8;
	[tilespmem:$0x1D000] =	vst v63  }
0x91: {  	_ =	swait.ge [sflag:s13], $0x4000  }
0x92: {  	[sflag:s13] =	ssyncset.done $0x0  }
0x93: {  	[sflag:s13] =	ssyncadd.s32 $0xFFFFC000  }
0x94: {  	[tilespmem:s17], [sflag:$0x2] =	stream.indirect.gather [hbm4b:s4+s16], $0x80, s21, s16, $0xb8;
	[tilespmem:$0x1D000] =	vst v63  }
0x95: {  	_ =	swait.ge [sflag:s18], $0x4000  }
0x96: {  	[sflag:s18] =	ssyncset.done $0x0  }
0x97: {  	[sflag:s18] =	ssyncadd.s32 $0xFFFFC000  }
0x98: {  	[spmem:s2] =	stream.indirect.scatter.add.f32 [tilespmem:s12], [sflag:$0x3], $0x80, s22, s16, $0xb8;
	[tilespmem:$0x1D000] =	vst v63  }
0x99: {  	_ =	swait.ge [sflag:s13], $0x4000  }
0x9a: {  	[sflag:s13] =	ssyncset.done $0x0  }
0x9b: {  	[sflag:s13] =	ssyncadd.s32 $0xFFFFC000  }
0x9c: {  	[tilespmem:s12], [sflag:$0x1] =	stream.indirect.gather [hbm4b:s4+s16], $0x80, s23, s16, $0xb8;
	[tilespmem:$0x1D000] =	vst v63  }
0x9d: {  	_ =	swait.ge [sflag:s19], $0x4000  }
0x9e: {  	[sflag:s19] =	ssyncset.done $0x0  }
0x9f: {  	[sflag:s19] =	ssyncadd.s32 $0xFFFFC000  }
0xa0: {  	[spmem:s2] =	stream.indirect.scatter.add.f32 [tilespmem:s17], [sflag:$0x3], $0x80, s24, s16, $0xb8;
	[tilespmem:$0x1D000] =	vst v63  }
0xa1: {  	_ =	swait.ge [sflag:s13], $0x4000  }
0xa2: {  	[sflag:s13] =	ssyncset.done $0x0  }
0xa3: {  	[sflag:s13] =	ssyncadd.s32 $0xFFFFC000  }
0xa4: {  	[tilespmem:s17], [sflag:$0x2] =	stream.indirect.gather [hbm4b:s4+s16], $0x80, s25, s16, $0xb8;
	[tilespmem:$0x1D000] =	vst v63  }
0xa5: {  	_ =	swait.ge [sflag:s18], $0x4000  }
0xa6: {  	[sflag:s18] =	ssyncset.done $0x0  }
0xa7: {  	[sflag:s18] =	ssyncadd.s32 $0xFFFFC000  }
0xa8: {  	[spmem:s2] =	stream.indirect.scatter.add.f32 [tilespmem:s12], [sflag:$0x3], $0x80, s26, s16, $0xb8;
	[tilespmem:$0x1D000] =	vst v63  }
0xa9: {  	_ =	swait.ge [sflag:s13], $0x4000  }
0xaa: {  	[sflag:s13] =	ssyncset.done $0x0  }
0xab: {  	[sflag:s13] =	ssyncadd.s32 $0xFFFFC000  }
0xac: {  	[tilespmem:s12], [sflag:$0x1] =	stream.indirect.gather [hbm4b:s4+s16], $0x80, s28, s16, $0xb8;
	[tilespmem:$0x1D000] =	vst v63  }
0xad: {  	_ =	swait.ge [sflag:s19], $0x4000  }
0xae: {  	[sflag:s19] =	ssyncset.done $0x0  }
0xaf: {  	[sflag:s19] =	ssyncadd.s32 $0xFFFFC000  }
0xb0: {  	[spmem:s2] =	stream.indirect.scatter.add.f32 [tilespmem:s17], [sflag:$0x3], $0x80, s29, s16, $0xb8;
	[tilespmem:$0x1D000] =	vst v63  }
0xb1: {  	_ =	swait.ge [sflag:s13], $0x4000  }
0xb2: {  	[sflag:s13] =	ssyncset.done $0x0  }
0xb3: {  	[sflag:s13] =	ssyncadd.s32 $0xFFFFC000  }
0xb4: {  	[tilespmem:s17], [sflag:$0x2] =	stream.indirect.gather [hbm4b:s4+s16], $0x80, s30, s16, $0xb8;
	[tilespmem:$0x1D000] =	vst v63  }
0xb5: {  	_ =	swait.ge [sflag:s18], $0x4000  }
0xb6: {  	[sflag:s18] =	ssyncset.done $0x0  }
0xb7: {  	[sflag:s18] =	ssyncadd.s32 $0xFFFFC000  }
0xb8: {  	[spmem:s2] =	stream.indirect.scatter.add.f32 [tilespmem:s12], [sflag:$0x3], $0x80, s31, s16, $0xb8;
	[tilespmem:$0x1D000] =	vst v63  }
0xb9: {  	_ =	swait.ge [sflag:s13], $0x4000  }
0xba: {  	[sflag:s13] =	ssyncset.done $0x0  }
0xbb: {  	[sflag:s13] =	ssyncadd.s32 $0xFFFFC000  }
0xbc: {  	[tilespmem:s12], [sflag:$0x1] =	stream.indirect.gather [hbm4b:s4+s16], $0x80, s1, s16, $0xb8;
	[tilespmem:$0x1D000] =	vst v63  }
0xbd: {  	_ =	swait.ge [sflag:s19], $0x4000  }
0xbe: {  	[sflag:s19] =	ssyncset.done $0x0  }
0xbf: {  	[sflag:s19] =	ssyncadd.s32 $0xFFFFC000  }
0xc0: {  	[spmem:s2] =	stream.indirect.scatter.add.f32 [tilespmem:s17], [sflag:$0x3], $0x80, s0, s16, $0xb8;
	[tilespmem:$0x1D000] =	vst v63  }
0xc1: {  	_ =	swait.ge [sflag:s13], $0x4000  }
0xc2: {  	[sflag:s13] =	ssyncset.done $0x0  }
0xc3: {  	[sflag:s13] =	ssyncadd.s32 $0xFFFFC000  }
0xc4: {  	[tilespmem:s17], [sflag:$0x2] =	stream.indirect.gather [hbm4b:s4+s16], $0x80, s6, s16, $0xb8;
	[tilespmem:$0x1D000] =	vst v63  }
0xc5: {  	_ =	swait.ge [sflag:s18], $0x4000  }
0xc6: {  	[sflag:s18] =	ssyncset.done $0x0  }
0xc7: {  	[sflag:s18] =	ssyncadd.s32 $0xFFFFC000  }
0xc8: {  	[spmem:s2] =	stream.indirect.scatter.add.f32 [tilespmem:s12], [sflag:$0x3], $0x80, s7, s16, $0xb8;
	[tilespmem:$0x1D000] =	vst v63  }
0xc9: {  	_ =	swait.ge [sflag:s13], $0x4000  }
0xca: {  	[sflag:s13] =	ssyncset.done $0x0  }
0xcb: {  	[sflag:s13] =	ssyncadd.s32 $0xFFFFC000  }
0xcc: {  	_ =	swait.ge [sflag:s19], $0x4000  }
0xcd: {  	[sflag:s19] =	ssyncset.done $0x0  }
0xce: {  	[sflag:s19] =	ssyncadd.s32 $0xFFFFC000  }
0xcf: {  	[spmem:s2] =	stream.indirect.scatter.add.f32 [tilespmem:s17], [sflag:$0x3], $0x80, s8, s16, $0xb8;
	[tilespmem:$0x1D000] =	vst v63  }
0xd0: {  	s10 =	simm.s32 $0x100;
	_ =	swait.ge [sflag:s13], $0x4000  }
0xd1: {  	s11 =	simm.s32 $0x200;
	s5 =	rddreg [dreg:$0x5];
	[sflag:s13] =	ssyncset.done $0x0  }
.LBB2_4:
0xd2: {  	[sflag:s13] =	ssyncadd.s32 $0xFFFFC000;
	s5 =	sadd.s32 s10, s5  }
0xd3: {  	[tilespmem:s14], [sflag:$0x3] =	stream.linear.gather [hbm4b:s5+s3], $0x800, $0x38;
	[tilespmem:$0x1D000] =	vst v63  }
0xd4: {  	_ =	swait.ge [sflag:s13], $0x800  }
0xd5: {  	s5 =	rddreg [dreg:$0x4];
	[sflag:s13] =	ssyncset.done $0x0  }
0xd6: {  	[sflag:s13] =	ssyncadd.s32 $0xFFFFF800;
	s5 =	sadd.s32 s10, s5  }
0xd7: {  	[tilespmem:s15], [sflag:$0x3] =	stream.linear.gather [hbm4b:s5+s3], $0x800, $0x38;
	[tilespmem:$0x1D000] =	vst v63  }
0xd8: {  	_ =	swait.ge [sflag:s13], $0x800  }
0xd9: {  	[sflag:s13] =	ssyncset.done $0x0  }
0xda: {  	s9 =	smov.u32 s11;
	[sflag:s13] =	ssyncadd.s32 $0xFFFFF800  }
0xdb: {  	[tilespmem:s12], [sflag:$0x1] =	stream.indirect.gather [hbm4b:s4+s16], $0x80, s14, s16, $0xb8;
	[tilespmem:$0x1D000] =	vst v63  }
0xdc: {  	s10 =	smov.u32 s9;
	s9 =	rddreg [dreg:$0x6]  }
0xdd: {  	[tilespmem:s17], [sflag:$0x2] =	stream.indirect.gather [hbm4b:s4+s16], $0x80, s9, s16, $0xb8;
	[tilespmem:$0x1D000] =	vst v63  }
0xde: {  	_ =	swait.ge [sflag:s18], $0x4000  }
0xdf: {  	[sflag:s18] =	ssyncset.done $0x0  }
0xe0: {  	[sflag:s18] =	ssyncadd.s32 $0xFFFFC000  }
0xe1: {  	[spmem:s2] =	stream.indirect.scatter.add.f32 [tilespmem:s12], [sflag:$0x3], $0x80, s15, s16, $0xb8;
	[tilespmem:$0x1D000] =	vst v63  }
0xe2: {  	_ =	swait.ge [sflag:s13], $0x4000  }
0xe3: {  	[sflag:s13] =	ssyncset.done $0x0  }
0xe4: {  	s9 =	rddreg [dreg:$0x7];
	[sflag:s13] =	ssyncadd.s32 $0xFFFFC000  }
0xe5: {  	[tilespmem:s12], [sflag:$0x1] =	stream.indirect.gather [hbm4b:s4+s16], $0x80, s9, s16, $0xb8;
	[tilespmem:$0x1D000] =	vst v63  }
0xe6: {  	_ =	swait.ge [sflag:s19], $0x4000  }
0xe7: {  	[sflag:s19] =	ssyncset.done $0x0  }
0xe8: {  	s9 =	rddreg [dreg:$0x8];
	[sflag:s19] =	ssyncadd.s32 $0xFFFFC000  }
0xe9: {  	[spmem:s2] =	stream.indirect.scatter.add.f32 [tilespmem:s17], [sflag:$0x3], $0x80, s9, s16, $0xb8;
	[tilespmem:$0x1D000] =	vst v63  }
0xea: {  	_ =	swait.ge [sflag:s13], $0x4000  }
0xeb: {  	[sflag:s13] =	ssyncset.done $0x0  }
0xec: {  	s9 =	rddreg [dreg:$0x9];
	[sflag:s13] =	ssyncadd.s32 $0xFFFFC000  }
0xed: {  	[tilespmem:s17], [sflag:$0x2] =	stream.indirect.gather [hbm4b:s4+s16], $0x80, s9, s16, $0xb8;
	[tilespmem:$0x1D000] =	vst v63  }
0xee: {  	_ =	swait.ge [sflag:s18], $0x4000  }
0xef: {  	[sflag:s18] =	ssyncset.done $0x0  }
0xf0: {  	s9 =	rddreg [dreg:$0xa];
	[sflag:s18] =	ssyncadd.s32 $0xFFFFC000  }
0xf1: {  	[spmem:s2] =	stream.indirect.scatter.add.f32 [tilespmem:s12], [sflag:$0x3], $0x80, s9, s16, $0xb8;
	[tilespmem:$0x1D000] =	vst v63  }
0xf2: {  	_ =	swait.ge [sflag:s13], $0x4000  }
0xf3: {  	[sflag:s13] =	ssyncset.done $0x0  }
0xf4: {  	s9 =	rddreg [dreg:$0xb];
	[sflag:s13] =	ssyncadd.s32 $0xFFFFC000  }
0xf5: {  	[tilespmem:s12], [sflag:$0x1] =	stream.indirect.gather [hbm4b:s4+s16], $0x80, s9, s16, $0xb8;
	[tilespmem:$0x1D000] =	vst v63  }
0xf6: {  	_ =	swait.ge [sflag:s19], $0x4000  }
0xf7: {  	[sflag:s19] =	ssyncset.done $0x0  }
0xf8: {  	s9 =	rddreg [dreg:$0xc];
	[sflag:s19] =	ssyncadd.s32 $0xFFFFC000  }
0xf9: {  	[spmem:s2] =	stream.indirect.scatter.add.f32 [tilespmem:s17], [sflag:$0x3], $0x80, s9, s16, $0xb8;
	[tilespmem:$0x1D000] =	vst v63  }
0xfa: {  	_ =	swait.ge [sflag:s13], $0x4000  }
0xfb: {  	[sflag:s13] =	ssyncset.done $0x0  }
0xfc: {  	s9 =	rddreg [dreg:$0xd];
	[sflag:s13] =	ssyncadd.s32 $0xFFFFC000  }
0xfd: {  	[tilespmem:s17], [sflag:$0x2] =	stream.indirect.gather [hbm4b:s4+s16], $0x80, s9, s16, $0xb8;
	[tilespmem:$0x1D000] =	vst v63  }
0xfe: {  	_ =	swait.ge [sflag:s18], $0x4000  }
0xff: {  	[sflag:s18] =	ssyncset.done $0x0  }
0x100: {  	s9 =	rddreg [dreg:$0xe];
	[sflag:s18] =	ssyncadd.s32 $0xFFFFC000  }
0x101: {  	[spmem:s2] =	stream.indirect.scatter.add.f32 [tilespmem:s12], [sflag:$0x3], $0x80, s9, s16, $0xb8;
	[tilespmem:$0x1D000] =	vst v63  }
0x102: {  	_ =	swait.ge [sflag:s13], $0x4000  }
0x103: {  	[sflag:s13] =	ssyncset.done $0x0  }
0x104: {  	s9 =	rddreg [dreg:$0xf];
	[sflag:s13] =	ssyncadd.s32 $0xFFFFC000  }
0x105: {  	[tilespmem:s12], [sflag:$0x1] =	stream.indirect.gather [hbm4b:s4+s16], $0x80, s9, s16, $0xb8;
	[tilespmem:$0x1D000] =	vst v63  }
0x106: {  	_ =	swait.ge [sflag:s19], $0x4000  }
0x107: {  	[sflag:s19] =	ssyncset.done $0x0  }
0x108: {  	s9 =	rddreg [dreg:$0x10];
	[sflag:s19] =	ssyncadd.s32 $0xFFFFC000  }
0x109: {  	[spmem:s2] =	stream.indirect.scatter.add.f32 [tilespmem:s17], [sflag:$0x3], $0x80, s9, s16, $0xb8;
	[tilespmem:$0x1D000] =	vst v63  }
0x10a: {  	_ =	swait.ge [sflag:s13], $0x4000  }
0x10b: {  	[sflag:s13] =	ssyncset.done $0x0  }
0x10c: {  	s9 =	rddreg [dreg:$0x11];
	[sflag:s13] =	ssyncadd.s32 $0xFFFFC000  }
0x10d: {  	[tilespmem:s17], [sflag:$0x2] =	stream.indirect.gather [hbm4b:s4+s16], $0x80, s9, s16, $0xb8;
	[tilespmem:$0x1D000] =	vst v63  }
0x10e: {  	_ =	swait.ge [sflag:s18], $0x4000  }
0x10f: {  	[sflag:s18] =	ssyncset.done $0x0  }
0x110: {  	s9 =	rddreg [dreg:$0x12];
	[sflag:s18] =	ssyncadd.s32 $0xFFFFC000  }
0x111: {  	[spmem:s2] =	stream.indirect.scatter.add.f32 [tilespmem:s12], [sflag:$0x3], $0x80, s9, s16, $0xb8;
	[tilespmem:$0x1D000] =	vst v63  }
0x112: {  	_ =	swait.ge [sflag:s13], $0x4000  }
0x113: {  	[sflag:s13] =	ssyncset.done $0x0  }
0x114: {  	s9 =	rddreg [dreg:$0x13];
	[sflag:s13] =	ssyncadd.s32 $0xFFFFC000  }
0x115: {  	[tilespmem:s12], [sflag:$0x1] =	stream.indirect.gather [hbm4b:s4+s16], $0x80, s9, s16, $0xb8;
	[tilespmem:$0x1D000] =	vst v63  }
0x116: {  	_ =	swait.ge [sflag:s19], $0x4000  }
0x117: {  	[sflag:s19] =	ssyncset.done $0x0  }
0x118: {  	[sflag:s19] =	ssyncadd.s32 $0xFFFFC000  }
0x119: {  	[spmem:s2] =	stream.indirect.scatter.add.f32 [tilespmem:s17], [sflag:$0x3], $0x80, s20, s16, $0xb8;
	[tilespmem:$0x1D000] =	vst v63  }
0x11a: {  	_ =	swait.ge [sflag:s13], $0x4000  }
0x11b: {  	[sflag:s13] =	ssyncset.done $0x0  }
0x11c: {  	[sflag:s13] =	ssyncadd.s32 $0xFFFFC000  }
0x11d: {  	[tilespmem:s17], [sflag:$0x2] =	stream.indirect.gather [hbm4b:s4+s16], $0x80, s21, s16, $0xb8;
	[tilespmem:$0x1D000] =	vst v63  }
0x11e: {  	_ =	swait.ge [sflag:s18], $0x4000  }
0x11f: {  	[sflag:s18] =	ssyncset.done $0x0  }
0x120: {  	[sflag:s18] =	ssyncadd.s32 $0xFFFFC000  }
0x121: {  	[spmem:s2] =	stream.indirect.scatter.add.f32 [tilespmem:s12], [sflag:$0x3], $0x80, s22, s16, $0xb8;
	[tilespmem:$0x1D000] =	vst v63  }
0x122: {  	_ =	swait.ge [sflag:s13], $0x4000  }
0x123: {  	[sflag:s13] =	ssyncset.done $0x0  }
0x124: {  	[sflag:s13] =	ssyncadd.s32 $0xFFFFC000  }
0x125: {  	[tilespmem:s12], [sflag:$0x1] =	stream.indirect.gather [hbm4b:s4+s16], $0x80, s23, s16, $0xb8;
	[tilespmem:$0x1D000] =	vst v63  }
0x126: {  	_ =	swait.ge [sflag:s19], $0x4000  }
0x127: {  	[sflag:s19] =	ssyncset.done $0x0  }
0x128: {  	[sflag:s19] =	ssyncadd.s32 $0xFFFFC000  }
0x129: {  	[spmem:s2] =	stream.indirect.scatter.add.f32 [tilespmem:s17], [sflag:$0x3], $0x80, s24, s16, $0xb8;
	[tilespmem:$0x1D000] =	vst v63  }
0x12a: {  	_ =	swait.ge [sflag:s13], $0x4000  }
0x12b: {  	[sflag:s13] =	ssyncset.done $0x0  }
0x12c: {  	[sflag:s13] =	ssyncadd.s32 $0xFFFFC000  }
0x12d: {  	[tilespmem:s17], [sflag:$0x2] =	stream.indirect.gather [hbm4b:s4+s16], $0x80, s25, s16, $0xb8;
	[tilespmem:$0x1D000] =	vst v63  }
0x12e: {  	_ =	swait.ge [sflag:s18], $0x4000  }
0x12f: {  	[sflag:s18] =	ssyncset.done $0x0  }
0x130: {  	[sflag:s18] =	ssyncadd.s32 $0xFFFFC000  }
0x131: {  	[spmem:s2] =	stream.indirect.scatter.add.f32 [tilespmem:s12], [sflag:$0x3], $0x80, s26, s16, $0xb8;
	[tilespmem:$0x1D000] =	vst v63  }
0x132: {  	_ =	swait.ge [sflag:s13], $0x4000  }
0x133: {  	[sflag:s13] =	ssyncset.done $0x0  }
0x134: {  	[sflag:s13] =	ssyncadd.s32 $0xFFFFC000  }
0x135: {  	[tilespmem:s12], [sflag:$0x1] =	stream.indirect.gather [hbm4b:s4+s16], $0x80, s28, s16, $0xb8;
	[tilespmem:$0x1D000] =	vst v63  }
0x136: {  	_ =	swait.ge [sflag:s19], $0x4000  }
0x137: {  	[sflag:s19] =	ssyncset.done $0x0  }
0x138: {  	[sflag:s19] =	ssyncadd.s32 $0xFFFFC000  }
0x139: {  	[spmem:s2] =	stream.indirect.scatter.add.f32 [tilespmem:s17], [sflag:$0x3], $0x80, s29, s16, $0xb8;
	[tilespmem:$0x1D000] =	vst v63  }
0x13a: {  	_ =	swait.ge [sflag:s13], $0x4000  }
0x13b: {  	[sflag:s13] =	ssyncset.done $0x0  }
0x13c: {  	[sflag:s13] =	ssyncadd.s32 $0xFFFFC000  }
0x13d: {  	[tilespmem:s17], [sflag:$0x2] =	stream.indirect.gather [hbm4b:s4+s16], $0x80, s30, s16, $0xb8;
	[tilespmem:$0x1D000] =	vst v63  }
0x13e: {  	_ =	swait.ge [sflag:s18], $0x4000  }
0x13f: {  	[sflag:s18] =	ssyncset.done $0x0  }
0x140: {  	[sflag:s18] =	ssyncadd.s32 $0xFFFFC000  }
0x141: {  	[spmem:s2] =	stream.indirect.scatter.add.f32 [tilespmem:s12], [sflag:$0x3], $0x80, s31, s16, $0xb8;
	[tilespmem:$0x1D000] =	vst v63  }
0x142: {  	_ =	swait.ge [sflag:s13], $0x4000  }
0x143: {  	[sflag:s13] =	ssyncset.done $0x0  }
0x144: {  	[sflag:s13] =	ssyncadd.s32 $0xFFFFC000  }
0x145: {  	[tilespmem:s12], [sflag:$0x1] =	stream.indirect.gather [hbm4b:s4+s16], $0x80, s1, s16, $0xb8;
	[tilespmem:$0x1D000] =	vst v63  }
0x146: {  	_ =	swait.ge [sflag:s19], $0x4000  }
0x147: {  	[sflag:s19] =	ssyncset.done $0x0  }
0x148: {  	[sflag:s19] =	ssyncadd.s32 $0xFFFFC000  }
0x149: {  	[spmem:s2] =	stream.indirect.scatter.add.f32 [tilespmem:s17], [sflag:$0x3], $0x80, s0, s16, $0xb8;
	[tilespmem:$0x1D000] =	vst v63  }
0x14a: {  	_ =	swait.ge [sflag:s13], $0x4000  }
0x14b: {  	[sflag:s13] =	ssyncset.done $0x0  }
0x14c: {  	[sflag:s13] =	ssyncadd.s32 $0xFFFFC000  }
0x14d: {  	[tilespmem:s17], [sflag:$0x2] =	stream.indirect.gather [hbm4b:s4+s16], $0x80, s6, s16, $0xb8;
	[tilespmem:$0x1D000] =	vst v63  }
0x14e: {  	_ =	swait.ge [sflag:s18], $0x4000  }
0x14f: {  	[sflag:s18] =	ssyncset.done $0x0  }
0x150: {  	[sflag:s18] =	ssyncadd.s32 $0xFFFFC000  }
0x151: {  	[spmem:s2] =	stream.indirect.scatter.add.f32 [tilespmem:s12], [sflag:$0x3], $0x80, s7, s16, $0xb8;
	[tilespmem:$0x1D000] =	vst v63  }
0x152: {  	_ =	swait.ge [sflag:s13], $0x4000  }
0x153: {  	[sflag:s13] =	ssyncset.done $0x0  }
0x154: {  	[sflag:s13] =	ssyncadd.s32 $0xFFFFC000  }
0x155: {  	p0 =	sne.s32 s11, $0x400;
	_ =	swait.ge [sflag:s19], $0x4000  }
.Ltmp1:
0x156: {  	[sflag:s19] =	ssyncset.done $0x0;
	(pc) =	sbr.rel @p0 .LBB2_4-.Ltmp1, $4  }
0x157: {  	[sflag:s19] =	ssyncadd.s32 $0xFFFFC000  }
0x158: {  	[spmem:s2] =	stream.indirect.scatter.add.f32 [tilespmem:s17], [sflag:$0x3], $0x80, s8, s16, $0xb8;
	[tilespmem:$0x1D000] =	vst v63  }
0x159: {  	_ =	swait.ge [sflag:s13], $0x4000  }
0x15a: {  	s11 =	sadd.s32 $0x100, s11;
	s5 =	rddreg [dreg:$0x5];
	[sflag:s13] =	ssyncset.done $0x0  }
0x15b: {  	[sflag:s13] =	ssyncadd.s32 $0xFFFFC000;
	s5 =	sadd.s32 s10, s5  }
0x15c: {  	[tilespmem:s14], [sflag:$0x3] =	stream.linear.gather [hbm4b:s5+s3], $0x800, $0x38;
	[tilespmem:$0x1D000] =	vst v63  }
0x15d: {  	_ =	swait.ge [sflag:s13], $0x800  }
0x15e: {  	s9 =	rddreg [dreg:$0x4];
	[sflag:s13] =	ssyncset.done $0x0  }
0x15f: {  	[sflag:s13] =	ssyncadd.s32 $0xFFFFF800;
	s5 =	sadd.s32 s10, s9  }
0x160: {  	[tilespmem:s15], [sflag:$0x3] =	stream.linear.gather [hbm4b:s5+s3], $0x800, $0x38;
	[tilespmem:$0x1D000] =	vst v63  }
0x161: {  	_ =	swait.ge [sflag:s13], $0x800  }
0x162: {  	[sflag:s13] =	ssyncset.done $0x0  }
0x163: {  	[sflag:s13] =	ssyncadd.s32 $0xFFFFF800  }
0x164: {  	[tilespmem:s12], [sflag:$0x1] =	stream.indirect.gather [hbm4b:s4+s16], $0x80, s14, s16, $0xb8;
	[tilespmem:$0x1D000] =	vst v63  }
0x165: {  	s11 =	rddreg [dreg:$0x6]  }
0x166: {  	[tilespmem:s17], [sflag:$0x2] =	stream.indirect.gather [hbm4b:s4+s16], $0x80, s11, s16, $0xb8;
	[tilespmem:$0x1D000] =	vst v63  }
0x167: {  	_ =	swait.ge [sflag:s18], $0x4000  }
0x168: {  	[sflag:s18] =	ssyncset.done $0x0  }
0x169: {  	[sflag:s18] =	ssyncadd.s32 $0xFFFFC000  }
0x16a: {  	[spmem:s2] =	stream.indirect.scatter.add.f32 [tilespmem:s12], [sflag:$0x3], $0x80, s15, s16, $0xb8;
	[tilespmem:$0x1D000] =	vst v63  }
0x16b: {  	_ =	swait.ge [sflag:s13], $0x4000  }
0x16c: {  	[sflag:s13] =	ssyncset.done $0x0  }
0x16d: {  	s9 =	rddreg [dreg:$0x7];
	[sflag:s13] =	ssyncadd.s32 $0xFFFFC000  }
0x16e: {  	[tilespmem:s12], [sflag:$0x1] =	stream.indirect.gather [hbm4b:s4+s16], $0x80, s9, s16, $0xb8;
	[tilespmem:$0x1D000] =	vst v63  }
0x16f: {  	_ =	swait.ge [sflag:s19], $0x4000  }
0x170: {  	[sflag:s19] =	ssyncset.done $0x0  }
0x171: {  	s10 =	rddreg [dreg:$0x8];
	[sflag:s19] =	ssyncadd.s32 $0xFFFFC000  }
0x172: {  	[spmem:s2] =	stream.indirect.scatter.add.f32 [tilespmem:s17], [sflag:$0x3], $0x80, s10, s16, $0xb8;
	[tilespmem:$0x1D000] =	vst v63  }
0x173: {  	_ =	swait.ge [sflag:s13], $0x4000  }
0x174: {  	[sflag:s13] =	ssyncset.done $0x0  }
0x175: {  	s11 =	rddreg [dreg:$0x9];
	[sflag:s13] =	ssyncadd.s32 $0xFFFFC000  }
0x176: {  	[tilespmem:s17], [sflag:$0x2] =	stream.indirect.gather [hbm4b:s4+s16], $0x80, s11, s16, $0xb8;
	[tilespmem:$0x1D000] =	vst v63  }
0x177: {  	_ =	swait.ge [sflag:s18], $0x4000  }
0x178: {  	[sflag:s18] =	ssyncset.done $0x0  }
0x179: {  	s9 =	rddreg [dreg:$0xa];
	[sflag:s18] =	ssyncadd.s32 $0xFFFFC000  }
0x17a: {  	[spmem:s2] =	stream.indirect.scatter.add.f32 [tilespmem:s12], [sflag:$0x3], $0x80, s9, s16, $0xb8;
	[tilespmem:$0x1D000] =	vst v63  }
0x17b: {  	_ =	swait.ge [sflag:s13], $0x4000  }
0x17c: {  	[sflag:s13] =	ssyncset.done $0x0  }
0x17d: {  	s10 =	rddreg [dreg:$0xb];
	[sflag:s13] =	ssyncadd.s32 $0xFFFFC000  }
0x17e: {  	[tilespmem:s12], [sflag:$0x1] =	stream.indirect.gather [hbm4b:s4+s16], $0x80, s10, s16, $0xb8;
	[tilespmem:$0x1D000] =	vst v63  }
0x17f: {  	_ =	swait.ge [sflag:s19], $0x4000  }
0x180: {  	[sflag:s19] =	ssyncset.done $0x0  }
0x181: {  	s11 =	rddreg [dreg:$0xc];
	[sflag:s19] =	ssyncadd.s32 $0xFFFFC000  }
0x182: {  	[spmem:s2] =	stream.indirect.scatter.add.f32 [tilespmem:s17], [sflag:$0x3], $0x80, s11, s16, $0xb8;
	[tilespmem:$0x1D000] =	vst v63  }
0x183: {  	_ =	swait.ge [sflag:s13], $0x4000  }
0x184: {  	[sflag:s13] =	ssyncset.done $0x0  }
0x185: {  	s9 =	rddreg [dreg:$0xd];
	[sflag:s13] =	ssyncadd.s32 $0xFFFFC000  }
0x186: {  	[tilespmem:s17], [sflag:$0x2] =	stream.indirect.gather [hbm4b:s4+s16], $0x80, s9, s16, $0xb8;
	[tilespmem:$0x1D000] =	vst v63  }
0x187: {  	_ =	swait.ge [sflag:s18], $0x4000  }
0x188: {  	[sflag:s18] =	ssyncset.done $0x0  }
0x189: {  	s10 =	rddreg [dreg:$0xe];
	[sflag:s18] =	ssyncadd.s32 $0xFFFFC000  }
0x18a: {  	[spmem:s2] =	stream.indirect.scatter.add.f32 [tilespmem:s12], [sflag:$0x3], $0x80, s10, s16, $0xb8;
	[tilespmem:$0x1D000] =	vst v63  }
0x18b: {  	_ =	swait.ge [sflag:s13], $0x4000  }
0x18c: {  	[sflag:s13] =	ssyncset.done $0x0  }
0x18d: {  	s11 =	rddreg [dreg:$0xf];
	[sflag:s13] =	ssyncadd.s32 $0xFFFFC000  }
0x18e: {  	[tilespmem:s12], [sflag:$0x1] =	stream.indirect.gather [hbm4b:s4+s16], $0x80, s11, s16, $0xb8;
	[tilespmem:$0x1D000] =	vst v63  }
0x18f: {  	_ =	swait.ge [sflag:s19], $0x4000  }
0x190: {  	[sflag:s19] =	ssyncset.done $0x0  }
0x191: {  	s9 =	rddreg [dreg:$0x10];
	[sflag:s19] =	ssyncadd.s32 $0xFFFFC000  }
0x192: {  	[spmem:s2] =	stream.indirect.scatter.add.f32 [tilespmem:s17], [sflag:$0x3], $0x80, s9, s16, $0xb8;
	[tilespmem:$0x1D000] =	vst v63  }
0x193: {  	_ =	swait.ge [sflag:s13], $0x4000  }
0x194: {  	[sflag:s13] =	ssyncset.done $0x0  }
0x195: {  	s10 =	rddreg [dreg:$0x11];
	[sflag:s13] =	ssyncadd.s32 $0xFFFFC000  }
0x196: {  	[tilespmem:s17], [sflag:$0x2] =	stream.indirect.gather [hbm4b:s4+s16], $0x80, s10, s16, $0xb8;
	[tilespmem:$0x1D000] =	vst v63  }
0x197: {  	_ =	swait.ge [sflag:s18], $0x4000  }
0x198: {  	[sflag:s18] =	ssyncset.done $0x0  }
0x199: {  	s11 =	rddreg [dreg:$0x12];
	[sflag:s18] =	ssyncadd.s32 $0xFFFFC000  }
0x19a: {  	[spmem:s2] =	stream.indirect.scatter.add.f32 [tilespmem:s12], [sflag:$0x3], $0x80, s11, s16, $0xb8;
	[tilespmem:$0x1D000] =	vst v63  }
0x19b: {  	_ =	swait.ge [sflag:s13], $0x4000  }
0x19c: {  	[sflag:s13] =	ssyncset.done $0x0  }
0x19d: {  	s9 =	rddreg [dreg:$0x13];
	[sflag:s13] =	ssyncadd.s32 $0xFFFFC000  }
0x19e: {  	[tilespmem:s12], [sflag:$0x1] =	stream.indirect.gather [hbm4b:s4+s16], $0x80, s9, s16, $0xb8;
	[tilespmem:$0x1D000] =	vst v63  }
0x19f: {  	_ =	swait.ge [sflag:s19], $0x4000  }
0x1a0: {  	[sflag:s19] =	ssyncset.done $0x0  }
0x1a1: {  	[sflag:s19] =	ssyncadd.s32 $0xFFFFC000  }
0x1a2: {  	[spmem:s2] =	stream.indirect.scatter.add.f32 [tilespmem:s17], [sflag:$0x3], $0x80, s20, s16, $0xb8;
	[tilespmem:$0x1D000] =	vst v63  }
0x1a3: {  	_ =	swait.ge [sflag:s13], $0x4000  }
0x1a4: {  	[sflag:s13] =	ssyncset.done $0x0  }
0x1a5: {  	[sflag:s13] =	ssyncadd.s32 $0xFFFFC000  }
0x1a6: {  	[tilespmem:s17], [sflag:$0x2] =	stream.indirect.gather [hbm4b:s4+s16], $0x80, s21, s16, $0xb8;
	[tilespmem:$0x1D000] =	vst v63  }
0x1a7: {  	_ =	swait.ge [sflag:s18], $0x4000  }
0x1a8: {  	[sflag:s18] =	ssyncset.done $0x0  }
0x1a9: {  	[sflag:s18] =	ssyncadd.s32 $0xFFFFC000  }
0x1aa: {  	[spmem:s2] =	stream.indirect.scatter.add.f32 [tilespmem:s12], [sflag:$0x3], $0x80, s22, s16, $0xb8;
	[tilespmem:$0x1D000] =	vst v63  }
0x1ab: {  	_ =	swait.ge [sflag:s13], $0x4000  }
0x1ac: {  	[sflag:s13] =	ssyncset.done $0x0  }
0x1ad: {  	[sflag:s13] =	ssyncadd.s32 $0xFFFFC000  }
0x1ae: {  	[tilespmem:s12], [sflag:$0x1] =	stream.indirect.gather [hbm4b:s4+s16], $0x80, s23, s16, $0xb8;
	[tilespmem:$0x1D000] =	vst v63  }
0x1af: {  	_ =	swait.ge [sflag:s19], $0x4000  }
0x1b0: {  	[sflag:s19] =	ssyncset.done $0x0  }
0x1b1: {  	[sflag:s19] =	ssyncadd.s32 $0xFFFFC000  }
0x1b2: {  	[spmem:s2] =	stream.indirect.scatter.add.f32 [tilespmem:s17], [sflag:$0x3], $0x80, s24, s16, $0xb8;
	[tilespmem:$0x1D000] =	vst v63  }
0x1b3: {  	_ =	swait.ge [sflag:s13], $0x4000  }
0x1b4: {  	[sflag:s13] =	ssyncset.done $0x0  }
0x1b5: {  	[sflag:s13] =	ssyncadd.s32 $0xFFFFC000  }
0x1b6: {  	[tilespmem:s17], [sflag:$0x2] =	stream.indirect.gather [hbm4b:s4+s16], $0x80, s25, s16, $0xb8;
	[tilespmem:$0x1D000] =	vst v63  }
0x1b7: {  	_ =	swait.ge [sflag:s18], $0x4000  }
0x1b8: {  	[sflag:s18] =	ssyncset.done $0x0  }
0x1b9: {  	[sflag:s18] =	ssyncadd.s32 $0xFFFFC000  }
0x1ba: {  	[spmem:s2] =	stream.indirect.scatter.add.f32 [tilespmem:s12], [sflag:$0x3], $0x80, s26, s16, $0xb8;
	[tilespmem:$0x1D000] =	vst v63  }
0x1bb: {  	_ =	swait.ge [sflag:s13], $0x4000  }
0x1bc: {  	[sflag:s13] =	ssyncset.done $0x0  }
0x1bd: {  	[sflag:s13] =	ssyncadd.s32 $0xFFFFC000  }
0x1be: {  	[tilespmem:s12], [sflag:$0x1] =	stream.indirect.gather [hbm4b:s4+s16], $0x80, s28, s16, $0xb8;
	[tilespmem:$0x1D000] =	vst v63  }
0x1bf: {  	_ =	swait.ge [sflag:s19], $0x4000  }
0x1c0: {  	[sflag:s19] =	ssyncset.done $0x0  }
0x1c1: {  	[sflag:s19] =	ssyncadd.s32 $0xFFFFC000  }
0x1c2: {  	[spmem:s2] =	stream.indirect.scatter.add.f32 [tilespmem:s17], [sflag:$0x3], $0x80, s29, s16, $0xb8;
	[tilespmem:$0x1D000] =	vst v63  }
0x1c3: {  	_ =	swait.ge [sflag:s13], $0x4000  }
0x1c4: {  	[sflag:s13] =	ssyncset.done $0x0  }
0x1c5: {  	[sflag:s13] =	ssyncadd.s32 $0xFFFFC000  }
0x1c6: {  	[tilespmem:s17], [sflag:$0x2] =	stream.indirect.gather [hbm4b:s4+s16], $0x80, s30, s16, $0xb8;
	[tilespmem:$0x1D000] =	vst v63  }
0x1c7: {  	_ =	swait.ge [sflag:s18], $0x4000  }
0x1c8: {  	[sflag:s18] =	ssyncset.done $0x0  }
0x1c9: {  	[sflag:s18] =	ssyncadd.s32 $0xFFFFC000  }
0x1ca: {  	[spmem:s2] =	stream.indirect.scatter.add.f32 [tilespmem:s12], [sflag:$0x3], $0x80, s31, s16, $0xb8;
	[tilespmem:$0x1D000] =	vst v63  }
0x1cb: {  	_ =	swait.ge [sflag:s13], $0x4000  }
0x1cc: {  	[sflag:s13] =	ssyncset.done $0x0  }
0x1cd: {  	[sflag:s13] =	ssyncadd.s32 $0xFFFFC000  }
0x1ce: {  	[tilespmem:s12], [sflag:$0x1] =	stream.indirect.gather [hbm4b:s4+s16], $0x80, s1, s16, $0xb8;
	[tilespmem:$0x1D000] =	vst v63  }
0x1cf: {  	_ =	swait.ge [sflag:s19], $0x4000  }
0x1d0: {  	[sflag:s19] =	ssyncset.done $0x0  }
0x1d1: {  	[sflag:s19] =	ssyncadd.s32 $0xFFFFC000  }
0x1d2: {  	[spmem:s2] =	stream.indirect.scatter.add.f32 [tilespmem:s17], [sflag:$0x3], $0x80, s0, s16, $0xb8;
	[tilespmem:$0x1D000] =	vst v63  }
0x1d3: {  	_ =	swait.ge [sflag:s13], $0x4000  }
0x1d4: {  	[sflag:s13] =	ssyncset.done $0x0  }
0x1d5: {  	[sflag:s13] =	ssyncadd.s32 $0xFFFFC000  }
0x1d6: {  	[tilespmem:s17], [sflag:$0x2] =	stream.indirect.gather [hbm4b:s4+s16], $0x80, s6, s16, $0xb8;
	[tilespmem:$0x1D000] =	vst v63  }
0x1d7: {  	_ =	swait.ge [sflag:s18], $0x4000  }
0x1d8: {  	[sflag:s18] =	ssyncset.done $0x0  }
0x1d9: {  	[sflag:s18] =	ssyncadd.s32 $0xFFFFC000  }
0x1da: {  	[spmem:s2] =	stream.indirect.scatter.add.f32 [tilespmem:s12], [sflag:$0x3], $0x80, s7, s16, $0xb8;
	[tilespmem:$0x1D000] =	vst v63  }
0x1db: {  	_ =	swait.ge [sflag:s13], $0x4000  }
0x1dc: {  	[sflag:s13] =	ssyncset.done $0x0  }
0x1dd: {  	[sflag:s13] =	ssyncadd.s32 $0xFFFFC000  }
0x1de: {  	_ =	swait.ge [sflag:s19], $0x4000  }
0x1df: {  	[sflag:s19] =	ssyncset.done $0x0  }
0x1e0: {  	[sflag:s19] =	ssyncadd.s32 $0xFFFFC000  }
0x1e1: {  	[spmem:s2] =	stream.indirect.scatter.add.f32 [tilespmem:s17], [sflag:$0x3], $0x80, s8, s16, $0xb8;
	[tilespmem:$0x1D000] =	vst v63  }
0x1e2: {  	_ =	swait.ge [sflag:s13], $0x4000  }
0x1e3: {  	[sflag:s13] =	ssyncset.done $0x0  }
0x1e4: {  	[sflag:s13] =	ssyncadd.s32 $0xFFFFC000  }
0x1e5: {  	s10 =	stileid.u32;
	[bflag:$0x0] =	sbarrier.arrive $0xFFFF  }
0x1e6: {  	s5 =	sshll.u32 s10, $0x6;
	s9 =	rddreg [dreg:$0x14]  }
0x1e7: {  	s5 =	sor.u32 $0x1C03, s5;
	s11 =	rddreg [dreg:$0x15];
	s9 =	sshrl.u32 s9, $0x3  }
0x1e8: {  	[hbm:s11], [sflag:s5] =	dma.local [spmem:s9], $0x2800  }
0x1e9: {  	_ =	swait.ge [sflag:s13], $0x2800  }
0x1ea: {  	s10 =	rddreg [dreg:$0x1b]  }
0x1eb: {  	s11 =	rddreg [dreg:$0x16];
	s9 =	sadd.s32 $0x1, s10  }
0x1ec: {  	p0 =	sne.s32 s9, s11  }
.Ltmp2:
0x1ed: {  	_ = 	snop;
	(pc) =	sbr.rel @p0 .LBB2_1-.Ltmp2, $3  }
0x1ee: {  	_ =	sdelay $0x1  }
0x1ef: {  	[sflag:s13] =	ssyncset.done $0x0  }
0x1f0: {  	[sflag:s13] =	ssyncadd.s32 $0xFFFFD800  }
0x1f1: {  	_ =	sfence.sel $0x180000  }
0x1f2: {  	[bflag:$0x0] =	sbarrier.arrive $0xFFFF  }
0x1f3: {  	_ =	strace $0x9000004D  }
0x1f4: {  	s0 =	stileid.u32;
	[bflag:$0x2] =	sbarrier.arrive $0xFFFF  }
0x1f5: {  	p0 =	sne.s32 s0, $0x0;
	s0 =	rddreg [dreg:$0x3]  }
0x1f6: {  	s0 =	sadd.s32 @!p0 $0x100000, s0  }
0x1f7: {  	[sflag:s0] =	ssyncadd.tile.s32 @!p0 $0x1;
	_ =	shalt  }
.Lfunc_end2:
_tile_overlayer_lowered:
.L_overlay_start_2:
0x1f8: {  	(tag) =	ssettag $0x2  }
0x1f9: {  	s0 =	rddreg [dreg:$0x0];
	s2 =	stileid.u32  }
0x1fa: {  	s1 =	rddreg [dreg:$0x1];
	p0 =	sne.s32 s2, $0x0  }
0x1fb: {  	s3 =	rddreg [dreg:$0x2];
	[bflag:$0x3] =	sbarrier.arrive $0xFFFF;
	s2 =	simm.s32 @!p0 $0x1C03  }
0x1fc: {  	[timem:s3], [sflag:s2] =	dma.local @!p0 [hbm:s0], s1  }
0x1fd: {  	s0 =	simm.s32 @!p0 $0x3  }
0x1fe: {  	_ =	swait.ge @!p0 [sflag:s0], s1  }
0x1ff: {  	s1 =	ssub.s32 @!p0 $0x0, s1;
	[sflag:s0] =	ssyncset.done @!p0 $0x0  }
0x200: {  	[sflag:s0] =	ssyncadd.s32 @!p0 s1  }
0x201: {  	[bflag:$0x3] =	sbarrier.arrive $0xFFFF  }
0x202: {  	_ =	shalt  }

// kernel: kernel.20.cloned.1.call-start
scs
__scs_entry_jumppad:
0x0: {  	(pc) =	sbr.rel $0x88, $3  }
0x1: {  	(tag) =	ssettag $0x0;
	lr =	simm.s32 $0x1  }
0x2: {  	[smem:$0x3F99] =	sst lr;
	_ =	strace $0xD0000000  }
0x3: {  	_ = 	snop  }
0x4: {  	_ = 	snop  }
0x5: {  	_ = 	snop  }
0x6: {  	_ = 	snop  }
0x7: {  	_ = 	snop  }
__scs_overlays_trampoline_lowered:
0x8: {  	[smem:$0x3FA8] =	sst s0  }
0x9: {  	[smem:$0x3FA9] =	sst s1  }
0xa: {  	[smem:$0x3FAA] =	sst s2  }
0xb: {  	[smem:$0x3FAB] =	sst s3  }
0xc: {  	[smem:$0x3FAC] =	sst s4  }
0xd: {  	[smem:$0x3FAD] =	sst s5  }
0xe: {  	[smem:$0x3FAE] =	sst s6  }
0xf: {  	[smem:$0x3FAF] =	sst s7  }
0x10: {  	[smem:$0x3FB0] =	sst s8  }
0x11: {  	[smem:$0x3FB1] =	sst s9;
	s0 =	simm.s32 @!p0 $0x0  }
0x12: {  	s1 =	sld [smem:$0x3F97];
	s0 =	simm.s32 @p0 $0x1  }
0x13: {  	[smem:$0x3FB2] =	sst s0;
	s0 =	simm.s32 @!p1 $0x0  }
0x14: {  	s2 =	sld [smem:$0x3F96];
	s0 =	simm.s32 @p1 $0x1  }
0x15: {  	[smem:$0x3FB3] =	sst s0;
	s0 =	simm.s32 @!p2 $0x0  }
0x16: {  	s3 =	sld [smem:$0x3FDB];
	s0 =	simm.s32 @p2 $0x1  }
0x17: {  	s4 =	simm.s32 $0x1BF5;
	[smem:$0x3FB5] =	sst s0  }
0x18: {  	s0 =	sld [smem:$0x3F98];
	_ =	swait.ge [sflag:s4], $0x0  }
0x19: {  	s7 =	sld [smem:$0x3F99]  }
0x1a: {  	s8 =	sadd.s32 $0xFFFFE003, lr  }
0x1b: {  	s9 =	sadd.s32 $0xFFFFFEF7, lr;
	s5 =	simm.s32 $0xFFFFFFFF;
	p2 =	slt.u32 s8, $0xFFFFF086  }
0x1c: {  	p1 =	slt.u32 s9, $0xF7A;
	s5 =	simm.s32 @!p2 $0x0  }
0x1d: {  	s5 =	simm.s32 @p1 $0x1;
	p0 =	seq.s32 s7, s2  }
0x1e: {  	s7 =	smul.u32 @!p0 $0xF7A, s2;
	p2 =	seq.s32 @!p0 s5, $0x0  }
0x1f: {  	s9 =	smul.u32 $0xF7A, s1;
	s8 =	simm.s32 @!p0 $0x1BF5;
	p2 =	por !p2, p0  }
0x20: {  	[sflag:s8] =	ssyncset.s32 @!p0 $0xFFFFF086;
	s6 =	sadd.s32 @!p0 s3, s7;
	s7 =	simm.s32 @!p0 $0x108  }
0x21: {  	s3 =	sadd.s32 s3, s9;
	s6 =	sadd.s32 @!p0 $0x88, s6;
	s7 =	simm.s32 @p2 $0x1082  }
0x22: {  	[simem:s7], [sflag:s8] =	dma.local @!p0 [hbm:s6], $0xF7A  }
0x23: {  	s9 =	sor.u32 $0xD0000000, s2;
	s6 =	simm.s32 $0x108;
	_ =	swait.ge @!p0 [sflag:s8], $0x0  }
0x24: {  	s3 =	sadd.s32 $0x88, s3;
	s6 =	simm.s32 @!p1 $0x1082;
	[sflag:s4] =	ssyncset.s32 $0xFFFFF086  }
0x25: {  	[simem:s6], [sflag:s4] =	dma.local [hbm:s3], $0xF7A  }
0x26: {  	[smem:$0x3F99] =	sst s1;
	(tag) =	ssettag s2;
	_ =	strace s9  }
0x27: {  	s1 =	sld [smem:$0x3FA9]  }
0x28: {  	s2 =	sld [smem:$0x3FAA]  }
0x29: {  	s4 =	sld [smem:$0x3FAC]  }
0x2a: {  	p0 =	seq.s32 s5, $0x0;
	s5 =	sld [smem:$0x3FAD]  }
0x2b: {  	s6 =	sld [smem:$0x3FAE]  }
0x2c: {  	s7 =	sld [smem:$0x3FAF]  }
0x2d: {  	s3 =	simm.s32 $0x108;
	s8 =	sld [smem:$0x3FB0]  }
0x2e: {  	s3 =	simm.s32 @!p0 $0x1082;
	s9 =	sld [smem:$0x3FB1]  }
0x2f: {  	lr =	sadd.s32 s0, s3;
	s0 =	sld [smem:$0x3FA8]  }
0x30: {  	s3 =	sld [smem:$0x3FAB]  }
0x31: {  	[smem:$0x3FB4] =	sst s10  }
0x32: {  	s10 =	sld [smem:$0x3FB2];
	_ =	sdelay $0x3  }
0x33: {  	p0 =	seq.s32 s10, $0x1;
	s10 =	sld [smem:$0x3FB4];
	_ =	sdelay $0x3  }
0x34: {  	[smem:$0x3FB4] =	sst s10  }
0x35: {  	s10 =	sld [smem:$0x3FB3];
	_ =	sdelay $0x3  }
0x36: {  	p1 =	seq.s32 s10, $0x1;
	s10 =	sld [smem:$0x3FB4];
	_ =	sdelay $0x3  }
0x37: {  	[smem:$0x3FB4] =	sst s10  }
0x38: {  	s10 =	sld [smem:$0x3FB5]  }
0x39: {  	_ = 	snop;
	(pc) =	sbr.ind lr, $3  }
0x3a: {  	_ = 	snop  }
0x3b: {  	_ = 	snop  }
0x3c: {  	p2 =	seq.s32 s10, $0x1;
	s10 =	sld [smem:$0x3FB4]  }
0x3d: {  	_ =	shalt  }
0x3e: {  	_ =	shalt  }
0x3f: {  	_ =	shalt  }
0x40: {  	_ =	shalt  }
0x41: {  	_ =	shalt  }
0x42: {  	_ =	shalt  }
0x43: {  	_ =	shalt  }
0x44: {  	_ =	shalt  }
0x45: {  	_ =	shalt  }
0x46: {  	_ =	shalt  }
0x47: {  	_ =	shalt  }
0x48: {  	_ =	shalt  }
0x49: {  	_ =	shalt  }
0x4a: {  	_ =	shalt  }
0x4b: {  	_ =	shalt  }
0x4c: {  	_ =	shalt  }
0x4d: {  	_ =	shalt  }
0x4e: {  	_ =	shalt  }
0x4f: {  	_ =	shalt  }
0x50: {  	_ =	shalt  }
0x51: {  	_ =	shalt  }
0x52: {  	_ =	shalt  }
0x53: {  	_ =	shalt  }
0x54: {  	_ =	shalt  }
0x55: {  	_ =	shalt  }
0x56: {  	_ =	shalt  }
0x57: {  	_ =	shalt  }
0x58: {  	_ =	shalt  }
0x59: {  	_ =	shalt  }
0x5a: {  	_ =	shalt  }
0x5b: {  	_ =	shalt  }
0x5c: {  	_ =	shalt  }
0x5d: {  	_ =	shalt  }
0x5e: {  	_ =	shalt  }
0x5f: {  	_ =	shalt  }
0x60: {  	_ =	shalt  }
0x61: {  	_ =	shalt  }
0x62: {  	_ =	shalt  }
0x63: {  	_ =	shalt  }
0x64: {  	_ =	shalt  }
0x65: {  	_ =	shalt  }
0x66: {  	_ =	shalt  }
0x67: {  	_ =	shalt  }
0x68: {  	_ =	shalt  }
0x69: {  	_ =	shalt  }
0x6a: {  	_ =	shalt  }
0x6b: {  	_ =	shalt  }
0x6c: {  	_ =	shalt  }
0x6d: {  	_ =	shalt  }
0x6e: {  	_ =	shalt  }
0x6f: {  	_ =	shalt  }
0x70: {  	_ =	shalt  }
0x71: {  	_ =	shalt  }
0x72: {  	_ =	shalt  }
0x73: {  	_ =	shalt  }
0x74: {  	_ =	shalt  }
0x75: {  	_ =	shalt  }
0x76: {  	_ =	shalt  }
0x77: {  	_ =	shalt  }
0x78: {  	_ =	shalt  }
0x79: {  	_ =	shalt  }
0x7a: {  	_ =	shalt  }
0x7b: {  	_ =	shalt  }
0x7c: {  	_ =	shalt  }
0x7d: {  	_ =	shalt  }
0x7e: {  	_ =	shalt  }
0x7f: {  	_ =	shalt  }
0x80: {  	_ =	shalt  }
0x81: {  	_ =	shalt  }
0x82: {  	_ =	shalt  }
0x83: {  	_ =	shalt  }
0x84: {  	_ =	shalt  }
0x85: {  	_ =	shalt  }
0x86: {  	_ =	shalt  }
0x87: {  	_ =	shalt  }
.Lfunc_end0:
.L_simem_size_0:
called_computation.3_lowered:
.L_overlay_start_0:
0x88: {  	s2 =	sld [smem:$0x3FD9]  }
0x89: {  	s3 =	sld [smem:$0x3FFE];
	_ =	sdelay $0x1  }
0x8a: {  	s1 =	srdreg.scid  }
0x8b: {  	s0 =	sand.u32 $0x1, s1  }
0x8c: {  	s17 =	sshll.u32 s0, $0xA;
	s2 =	sadd.s32 s3, s2  }
0x8d: {  	s2 =	sadd.s32 s2, s17  }
0x8e: {  	[smem:$0x3FC0] =	sst s2  }
0x8f: {  	_ = 	snop  }
0x90: {  	s2 =	sld [smem:$0x3FD0];
	(tm) =	ssettm $0x1  }
0x91: {  	s18 =	sld [smem:$0x3FFB];
	_ =	sdelay $0x3  }
0x92: {  	_ =	strace s18  }
0x93: {  	s3 =	sld [smem:$0x3FFC];
	_ =	sdelay $0x3  }
0x94: {  	_ =	strace s3  }
0x95: {  	s3 =	sld [smem:$0x3FFD];
	_ =	sdelay $0x3  }
0x96: {  	_ =	strace s3  }
0x97: {  	_ =	strace $0x8FFFFFFF  }
0x98: {  	s19 =	sld [smem:$0x3FDB];
	_ =	sdelay $0x1  }
0x99: {  	s4 =	simm.s32 $_scs_section_size  }
0x9a: {  	s5 =	simm.s32 $_size__tile_overlayer_lowered;
	s6 =	simm.s32 $_tile_overlayer_lowered  }
0x9b: {  	s22 =	simm.s32 $0x1BFF;
	s21 =	sshll.u32 s6, $0x1;
	s3 =	sadd.s32 s4, s19  }
0x9c: {  	s7 =	simm.s32 $0x0;
	s20 =	sshll.u32 s5, $0x1;
	s5 =	sadd.s32 s21, s3  }
0x9d: {  	[timem:s7], [sflag:s22] =	dma.local [hbm:s5], s20  }
0x9e: {  	_ =	swait.ge [sflag:s22], s20  }
0x9f: {  	s4 =	ssub.s32 $0x0, s20;
	[sflag:s22] =	ssyncset.done $0x0  }
0xa0: {  	[sflag:s22] =	ssyncadd.s32 s4;
	_ =	sdelay $0x1  }
0xa1: {  	s23 =	simm.s32 $0x1B8B  }
0xa2: {  	_ =	swait.ge [sflag:s23], $0x1  }
0xa3: {  	[sflag:s23] =	ssyncset.done $0x0  }
0xa4: {  	s25 =	simm.s32 $0x1B8E;
	s24 =	sld [smem:$0x3FFE];
	[sflag:s23] =	ssyncadd.s32 $0xFFFFFFFF  }
0xa5: {  	s26 =	simm.s32 $execute0_lowered;
	[smem:$0x3FD2] =	sst s25  }
0xa6: {  	s5 =	sshll.u32 s26, $0x1;
	_ =	strace $0x8000004F;
	[dreg:$0x1] =	wrdreg $0xFFFFFFFF  }
0xa7: {  	s28 =	simm.s32 $_size_execute0_lowered;
	s3 =	sadd.s32 s3, s5;
	[dreg:$0x0] =	wrdreg $0x0  }
0xa8: {  	s5 =	sshll.u32 s28, $0x1;
	[dreg:$0x2] =	wrdreg s3  }
0xa9: {  	[dreg:$0x3] =	wrdreg s5  }
0xaa: {  	[dreg:$0x4] =	wrdreg $0xC0  }
0xab: {  	_ =	task [dreg:s7], $0x5FFFF  }
0xac: {  	[dreg:$0x1] =	wrdreg $0xFFFFFFFF  }
0xad: {  	[dreg:$0x0] =	wrdreg $0x60  }
0xae: {  	[dreg:$0x2] =	wrdreg s24  }
0xaf: {  	[dreg:$0x3] =	wrdreg s2  }
0xb0: {  	[dreg:$0x4] =	wrdreg $0x0  }
0xb1: {  	[dreg:$0x5] =	wrdreg $0x9  }
0xb2: {  	_ =	task.clear_ibuf [dreg:s7], $0x6FFFF;
	_ =	strace $0x9000004F  }
0xb3: {  	s29 =	simm.s32 $0x9;
	_ =	strace $0x80000051  }
0xb4: {  	_ =	swait.ge [sflag:s29], $0x1  }
0xb5: {  	[sflag:s29] =	ssyncadd.s32 $0xFFFFFFFF  }
0xb6: {  	_ =	strace $0x90000051  }
0xb7: {  	_ =	sfence  }
0xb8: {  	s30 =	sld [smem:$0x0];
	_ =	sdelay $0x2  }
0xb9: {  	s31 =	sshll.u32 s1, $0xD;
	s1 =	sshrl.u32 s1, $0x2  }
0xba: {  	s3 =	sand.u32 $0x4000, s31;
	s1 =	sadd.s32 s1, s30  }
0xbb: {  	s0 =	sor.u32 s3, s0;
	s1 =	sshll.u32 s1, $0x11  }
0xbc: {  	s0 =	sor.u32 s1, s0  }
0xbd: {  	s0 =	sadd.s32 $0x8F2B, s0  }
0xbe: {  	[sflag:s0] =	ssyncadd.remote.s32 $0x1  }
0xbf: {  	_ =	sfence.sel $0xFFFF  }
0xc0: {  	[dreg:$0x0] =	wrdreg $0xFFFFFFFF;
	(pc) =	sbr.abs _section_cstart, $3  }
0xc1: {  	[dreg:$0x1] =	wrdreg $0xFFFFFFFF  }
0xc2: {  	_ =	task.clear_ibuf [dreg:s7], $0x2FFFF;
	_ =	strace $0x9FFFFFFF  }
0xc3: {  	(tm) =	ssettm $0x7FFFFFFF  }
tec
execute0_lowered:
.L_overlay_start_1:
0x0: {  	(tag) =	ssettag $0x1  }
0x1: {  	s0 =	rddreg [dreg:$0x0];
	s1 =	srdreg.scid  }
0x2: {  	s5 =	rddreg [dreg:$0x1];
	s9 =	stileid.u32  }
0x3: {  	s2 =	rddreg [dreg:$0x2];
	s6 =	smul.u32 $0x2800, s9  }
0x4: {  	s3 =	simm.s32 $0x0;
	s10 =	simm.s32 $0x14100;
	s8 =	smul.u32 $0x14000, s9  }
0x5: {  	[smem:$0x7FF] =	sst s3;
	s22 =	smul.u32 $0x50000, s9;
	s9 =	simm.s32 $0x14080  }
0x6: {  	s12 =	simm.s32 $0x14880;
	_ =	strace $0x80000050;
	[dreg:$0x6] =	wrdreg s9  }
0x7: {  	s14 =	simm.s32 $0x14180;
	s16 =	simm.s32 $0x14900;
	[dreg:$0x7] =	wrdreg s10  }
0x8: {  	s18 =	simm.s32 $0x14200;
	s19 =	simm.s32 $0x14980;
	[dreg:$0x8] =	wrdreg s12  }
0x9: {  	s20 =	simm.s32 $0x14280;
	s21 =	simm.s32 $0x14A00;
	[dreg:$0x9] =	wrdreg s14  }
0xa: {  	s28 =	simm.s32 $0x14600;
	s29 =	simm.s32 $0x14D80;
	[dreg:$0xa] =	wrdreg s16  }
0xb: {  	s30 =	simm.s32 $0x14680;
	s1 =	sand.u32 $0x1, s1;
	[dreg:$0xb] =	wrdreg s18  }
0xc: {  	s31 =	simm.s32 $0x14E00;
	s4 =	smul.u32 $0x28000, s1;
	[dreg:$0xc] =	wrdreg s19  }
0xd: {  	s7 =	smul.u32 $0x140000, s1;
	s1 =	ssub.s32 $0x2, s1;
	[dreg:$0xd] =	wrdreg s20  }
0xe: {  	s12 =	simm.s32 $0x15000;
	s14 =	simm.s32 $0x14000;
	[dreg:$0xe] =	wrdreg s21  }
0xf: {  	s16 =	simm.s32 $0x80;
	s18 =	simm.s32 $0x1;
	s19 =	simm.s32 $0x2  }
0x10: {  	s20 =	simm.s32 $0x14B80;
	s21 =	simm.s32 $0x14480;
	s24 =	sshrl.u32 s1, $0x1  }
0x11: {  	s25 =	sshrl.u32 s22, $0x2;
	s22 =	simm.s32 $0x14300;
	s6 =	sadd.s32 s6, s4  }
0x12: {  	s4 =	sadd.s32 $0xE400, s0;
	s7 =	sadd.s32 s8, s7;
	s1 =	ssub.s32 s1, s24  }
0x13: {  	[dreg:$0xf] =	wrdreg s22;
	s24 =	simm.s32 $0x14380;
	s6 =	sshrl.u32 s6, $0x3  }
0x14: {  	s7 =	sshrl.u32 s7, $0x3;
	s1 =	smax.u32 s1, $0x1;
	[dreg:$0x11] =	wrdreg s24  }
0x15: {  	s23 =	sadd.s32 s6, s0;
	s5 =	sadd.s32 s6, s5;
	[dreg:$0x16] =	wrdreg s1  }
0x16: {  	s0 =	sadd.s32 s7, s0;
	s7 =	sadd.s32 s25, s2;
	[dreg:$0x5] =	wrdreg s5  }
0x17: {  	s9 =	simm.s32 $0x0;
	s25 =	simm.s32 $0x14B00;
	[dreg:$0x14] =	wrdreg s7  }
0x18: {  	s22 =	simm.s32 $0x14C00;
	s26 =	sadd.s32 $0x4400, s23;
	[dreg:$0x12] =	wrdreg s25  }
0x19: {  	s8 =	simm.s32 $0x14F80;
	s0 =	sadd.s32 $0x5E400, s0;
	[dreg:$0x4] =	wrdreg s26  }
0x1a: {  	s24 =	simm.s32 $0x14C80;
	s11 =	sadd.s32 $0x4000, s7;
	[dreg:$0x15] =	wrdreg s0  }
0x1b: {  	s1 =	simm.s32 $0x14700;
	s13 =	sadd.s32 $0x8000, s7;
	[dreg:$0x17] =	wrdreg s11  }
0x1c: {  	s6 =	simm.s32 $0x14780;
	s15 =	sadd.s32 $0xC000, s7;
	[dreg:$0x18] =	wrdreg s13  }
0x1d: {  	s17 =	sadd.s32 $0x10000, s7;
	s23 =	simm.s32 $0x14A80;
	[dreg:$0x19] =	wrdreg s15  }
0x1e: {  	s25 =	simm.s32 $0x14580;
	s7 =	simm.s32 $0x14F00;
	[dreg:$0x1a] =	wrdreg s17  }
0x1f: {  	s13 =	simm.s32 $0x3;
	s15 =	simm.s32 $0x14800;
	s17 =	simm.s32 $0x19000  }
0x20: {  	[dreg:$0x10] =	wrdreg s23;
	s26 =	simm.s32 $0x14400;
	s23 =	simm.s32 $0x14500  }
0x21: {  	v0 =	vimm.f32 $0.0e+00;
	s0 =	simm.s32 $0x14E80;
	[dreg:$0x13] =	wrdreg s26;
	s26 =	simm.s32 $0x14D00  }
.LBB2_1:
0x22: {  	s10 =	simm.s32 $0x0;
	s11 =	simm.s32 $0x200  }
.LBB2_2:
0x23: {  	p0 =	sne.s32 s11, $0xFE00;
	[tilespmem:s10+$0x15070] =	vst v0  }
0x24: {  	[tilespmem:s10+$0x15000] =	vst v0  }
0x25: {  	[tilespmem:s10+$0x15010] =	vst v0  }
.Ltmp0:
0x26: {  	[tilespmem:s10+$0x15020] =	vst v0;
	(pc) =	sbr.rel @p0 .LBB2_2-.Ltmp0, $4  }
0x27: {  	[tilespmem:s10+$0x15030] =	vst v0  }
0x28: {  	[tilespmem:s10+$0x15040] =	vst v0  }
0x29: {  	[tilespmem:s10+$0x15050] =	vst v0  }
0x2a: {  	[tilespmem:s10+$0x15060] =	vst v0;
	s10 =	sshra.s32 s11, $0x2;
	s11 =	sadd.s32 $0x200, s11  }
0x2b: {  	[tilespmem:s10+$0x15070] =	vst v0  }
0x2c: {  	[tilespmem:s10+$0x15000] =	vst v0  }
0x2d: {  	[tilespmem:s10+$0x15010] =	vst v0  }
0x2e: {  	[tilespmem:s10+$0x15020] =	vst v0  }
0x2f: {  	[tilespmem:s10+$0x15030] =	vst v0  }
0x30: {  	[tilespmem:s10+$0x15040] =	vst v0  }
0x31: {  	[dreg:$0x1b] =	wrdreg s9;
	[tilespmem:s10+$0x15050] =	vst v0  }
0x32: {  	[tilespmem:s10+$0x15060] =	vst v0;
	s5 =	rddreg [dreg:$0x14]  }
0x33: {  	[spmem:s5] =	stream.linear.scatter [tilespmem:s12], [sflag:$0x3], $0x4000, $0x38;
	[tilespmem:$0x1D000] =	vst v63  }
0x34: {  	_ =	swait.ge [sflag:s13], $0x4000  }
0x35: {  	[sflag:s13] =	ssyncset.done $0x0  }
0x36: {  	s10 =	rddreg [dreg:$0x17];
	[sflag:s13] =	ssyncadd.s32 $0xFFFFC000  }
0x37: {  	[spmem:s10] =	stream.linear.scatter [tilespmem:s12], [sflag:$0x3], $0x4000, $0x38;
	[tilespmem:$0x1D000] =	vst v63  }
0x38: {  	_ =	swait.ge [sflag:s13], $0x4000  }
0x39: {  	[sflag:s13] =	ssyncset.done $0x0  }
0x3a: {  	s11 =	rddreg [dreg:$0x18];
	[sflag:s13] =	ssyncadd.s32 $0xFFFFC000  }
0x3b: {  	[spmem:s11] =	stream.linear.scatter [tilespmem:s12], [sflag:$0x3], $0x4000, $0x38;
	[tilespmem:$0x1D000] =	vst v63  }
0x3c: {  	_ =	swait.ge [sflag:s13], $0x4000  }
0x3d: {  	[sflag:s13] =	ssyncset.done $0x0  }
0x3e: {  	s9 =	rddreg [dreg:$0x19];
	[sflag:s13] =	ssyncadd.s32 $0xFFFFC000  }
0x3f: {  	[spmem:s9] =	stream.linear.scatter [tilespmem:s12], [sflag:$0x3], $0x4000, $0x38;
	[tilespmem:$0x1D000] =	vst v63  }
0x40: {  	_ =	swait.ge [sflag:s13], $0x4000  }
0x41: {  	[sflag:s13] =	ssyncset.done $0x0  }
0x42: {  	s10 =	rddreg [dreg:$0x1a];
	[sflag:s13] =	ssyncadd.s32 $0xFFFFC000  }
0x43: {  	[spmem:s10] =	stream.linear.scatter [tilespmem:s12], [sflag:$0x3], $0x4000, $0x38;
	[tilespmem:$0x1D000] =	vst v63  }
0x44: {  	_ =	swait.ge [sflag:s13], $0x4000  }
0x45: {  	[sflag:s13] =	ssyncset.done $0x0  }
0x46: {  	[sflag:s13] =	ssyncadd.s32 $0xFFFFC000  }
0x47: {  	[bflag:$0x0] =	sbarrier.arrive $0xFFFF  }
0x48: {  	s11 =	rddreg [dreg:$0x5]  }
0x49: {  	s5 =	sadd.s32 $0x0, s11  }
0x4a: {  	[tilespmem:s14], [sflag:$0x3] =	stream.linear.gather [hbm4b:s5+s3], $0x800, $0x38;
	[tilespmem:$0x1D000] =	vst v63  }
0x4b: {  	_ =	swait.ge [sflag:s13], $0x800  }
0x4c: {  	s9 =	rddreg [dreg:$0x4];
	[sflag:s13] =	ssyncset.done $0x0  }
0x4d: {  	[sflag:s13] =	ssyncadd.s32 $0xFFFFF800;
	s5 =	sadd.s32 $0x0, s9  }
0x4e: {  	[tilespmem:s15], [sflag:$0x3] =	stream.linear.gather [hbm4b:s5+s3], $0x800, $0x38;
	[tilespmem:$0x1D000] =	vst v63  }
0x4f: {  	_ =	swait.ge [sflag:s13], $0x800  }
0x50: {  	[sflag:s13] =	ssyncset.done $0x0  }
0x51: {  	[sflag:s13] =	ssyncadd.s32 $0xFFFFF800  }
0x52: {  	[tilespmem:s12], [sflag:$0x1] =	stream.indirect.gather [hbm4b:s4+s16], $0x80, s14, s16, $0xb8;
	[tilespmem:$0x1D000] =	vst v63  }
0x53: {  	s10 =	rddreg [dreg:$0x6]  }
0x54: {  	[tilespmem:s17], [sflag:$0x2] =	stream.indirect.gather [hbm4b:s4+s16], $0x80, s10, s16, $0xb8;
	[tilespmem:$0x1D000] =	vst v63  }
0x55: {  	_ =	swait.ge [sflag:s18], $0x4000  }
0x56: {  	[sflag:s18] =	ssyncset.done $0x0  }
0x57: {  	[sflag:s18] =	ssyncadd.s32 $0xFFFFC000  }
0x58: {  	[spmem:s2] =	stream.indirect.scatter.add.f32 [tilespmem:s12], [sflag:$0x3], $0x80, s15, s16, $0xb8;
	[tilespmem:$0x1D000] =	vst v63  }
0x59: {  	_ =	swait.ge [sflag:s13], $0x4000  }
0x5a: {  	[sflag:s13] =	ssyncset.done $0x0  }
0x5b: {  	s11 =	rddreg [dreg:$0x7];
	[sflag:s13] =	ssyncadd.s32 $0xFFFFC000  }
0x5c: {  	[tilespmem:s12], [sflag:$0x1] =	stream.indirect.gather [hbm4b:s4+s16], $0x80, s11, s16, $0xb8;
	[tilespmem:$0x1D000] =	vst v63  }
0x5d: {  	_ =	swait.ge [sflag:s19], $0x4000  }
0x5e: {  	[sflag:s19] =	ssyncset.done $0x0  }
0x5f: {  	s9 =	rddreg [dreg:$0x8];
	[sflag:s19] =	ssyncadd.s32 $0xFFFFC000  }
0x60: {  	[spmem:s2] =	stream.indirect.scatter.add.f32 [tilespmem:s17], [sflag:$0x3], $0x80, s9, s16, $0xb8;
	[tilespmem:$0x1D000] =	vst v63  }
0x61: {  	_ =	swait.ge [sflag:s13], $0x4000  }
0x62: {  	[sflag:s13] =	ssyncset.done $0x0  }
0x63: {  	s10 =	rddreg [dreg:$0x9];
	[sflag:s13] =	ssyncadd.s32 $0xFFFFC000  }
0x64: {  	[tilespmem:s17], [sflag:$0x2] =	stream.indirect.gather [hbm4b:s4+s16], $0x80, s10, s16, $0xb8;
	[tilespmem:$0x1D000] =	vst v63  }
0x65: {  	_ =	swait.ge [sflag:s18], $0x4000  }
0x66: {  	[sflag:s18] =	ssyncset.done $0x0  }
0x67: {  	s11 =	rddreg [dreg:$0xa];
	[sflag:s18] =	ssyncadd.s32 $0xFFFFC000  }
0x68: {  	[spmem:s2] =	stream.indirect.scatter.add.f32 [tilespmem:s12], [sflag:$0x3], $0x80, s11, s16, $0xb8;
	[tilespmem:$0x1D000] =	vst v63  }
0x69: {  	_ =	swait.ge [sflag:s13], $0x4000  }
0x6a: {  	[sflag:s13] =	ssyncset.done $0x0  }
0x6b: {  	s9 =	rddreg [dreg:$0xb];
	[sflag:s13] =	ssyncadd.s32 $0xFFFFC000  }
0x6c: {  	[tilespmem:s12], [sflag:$0x1] =	stream.indirect.gather [hbm4b:s4+s16], $0x80, s9, s16, $0xb8;
	[tilespmem:$0x1D000] =	vst v63  }
0x6d: {  	_ =	swait.ge [sflag:s19], $0x4000  }
0x6e: {  	[sflag:s19] =	ssyncset.done $0x0  }
0x6f: {  	s10 =	rddreg [dreg:$0xc];
	[sflag:s19] =	ssyncadd.s32 $0xFFFFC000  }
0x70: {  	[spmem:s2] =	stream.indirect.scatter.add.f32 [tilespmem:s17], [sflag:$0x3], $0x80, s10, s16, $0xb8;
	[tilespmem:$0x1D000] =	vst v63  }
0x71: {  	_ =	swait.ge [sflag:s13], $0x4000  }
0x72: {  	[sflag:s13] =	ssyncset.done $0x0  }
0x73: {  	s11 =	rddreg [dreg:$0xd];
	[sflag:s13] =	ssyncadd.s32 $0xFFFFC000  }
0x74: {  	[tilespmem:s17], [sflag:$0x2] =	stream.indirect.gather [hbm4b:s4+s16], $0x80, s11, s16, $0xb8;
	[tilespmem:$0x1D000] =	vst v63  }
0x75: {  	_ =	swait.ge [sflag:s18], $0x4000  }
0x76: {  	[sflag:s18] =	ssyncset.done $0x0  }
0x77: {  	s9 =	rddreg [dreg:$0xe];
	[sflag:s18] =	ssyncadd.s32 $0xFFFFC000  }
0x78: {  	[spmem:s2] =	stream.indirect.scatter.add.f32 [tilespmem:s12], [sflag:$0x3], $0x80, s9, s16, $0xb8;
	[tilespmem:$0x1D000] =	vst v63  }
0x79: {  	_ =	swait.ge [sflag:s13], $0x4000  }
0x7a: {  	[sflag:s13] =	ssyncset.done $0x0  }
0x7b: {  	s10 =	rddreg [dreg:$0xf];
	[sflag:s13] =	ssyncadd.s32 $0xFFFFC000  }
0x7c: {  	[tilespmem:s12], [sflag:$0x1] =	stream.indirect.gather [hbm4b:s4+s16], $0x80, s10, s16, $0xb8;
	[tilespmem:$0x1D000] =	vst v63  }
0x7d: {  	_ =	swait.ge [sflag:s19], $0x4000  }
0x7e: {  	[sflag:s19] =	ssyncset.done $0x0  }
0x7f: {  	s11 =	rddreg [dreg:$0x10];
	[sflag:s19] =	ssyncadd.s32 $0xFFFFC000  }
0x80: {  	[spmem:s2] =	stream.indirect.scatter.add.f32 [tilespmem:s17], [sflag:$0x3], $0x80, s11, s16, $0xb8;
	[tilespmem:$0x1D000] =	vst v63  }
0x81: {  	_ =	swait.ge [sflag:s13], $0x4000  }
0x82: {  	[sflag:s13] =	ssyncset.done $0x0  }
0x83: {  	s9 =	rddreg [dreg:$0x11];
	[sflag:s13] =	ssyncadd.s32 $0xFFFFC000  }
0x84: {  	[tilespmem:s17], [sflag:$0x2] =	stream.indirect.gather [hbm4b:s4+s16], $0x80, s9, s16, $0xb8;
	[tilespmem:$0x1D000] =	vst v63  }
0x85: {  	_ =	swait.ge [sflag:s18], $0x4000  }
0x86: {  	[sflag:s18] =	ssyncset.done $0x0  }
0x87: {  	s10 =	rddreg [dreg:$0x12];
	[sflag:s18] =	ssyncadd.s32 $0xFFFFC000  }
0x88: {  	[spmem:s2] =	stream.indirect.scatter.add.f32 [tilespmem:s12], [sflag:$0x3], $0x80, s10, s16, $0xb8;
	[tilespmem:$0x1D000] =	vst v63  }
0x89: {  	_ =	swait.ge [sflag:s13], $0x4000  }
0x8a: {  	[sflag:s13] =	ssyncset.done $0x0  }
0x8b: {  	s11 =	rddreg [dreg:$0x13];
	[sflag:s13] =	ssyncadd.s32 $0xFFFFC000  }
0x8c: {  	[tilespmem:s12], [sflag:$0x1] =	stream.indirect.gather [hbm4b:s4+s16], $0x80, s11, s16, $0xb8;
	[tilespmem:$0x1D000] =	vst v63  }
0x8d: {  	_ =	swait.ge [sflag:s19], $0x4000  }
0x8e: {  	[sflag:s19] =	ssyncset.done $0x0  }
0x8f: {  	[sflag:s19] =	ssyncadd.s32 $0xFFFFC000  }
0x90: {  	[spmem:s2] =	stream.indirect.scatter.add.f32 [tilespmem:s17], [sflag:$0x3], $0x80, s20, s16, $0xb8;
	[tilespmem:$0x1D000] =	vst v63  }
0x91: {  	_ =	swait.ge [sflag:s13], $0x4000  }
0x92: {  	[sflag:s13] =	ssyncset.done $0x0  }
0x93: {  	[sflag:s13] =	ssyncadd.s32 $0xFFFFC000  }
0x94: {  	[tilespmem:s17], [sflag:$0x2] =	stream.indirect.gather [hbm4b:s4+s16], $0x80, s21, s16, $0xb8;
	[tilespmem:$0x1D000] =	vst v63  }
0x95: {  	_ =	swait.ge [sflag:s18], $0x4000  }
0x96: {  	[sflag:s18] =	ssyncset.done $0x0  }
0x97: {  	[sflag:s18] =	ssyncadd.s32 $0xFFFFC000  }
0x98: {  	[spmem:s2] =	stream.indirect.scatter.add.f32 [tilespmem:s12], [sflag:$0x3], $0x80, s22, s16, $0xb8;
	[tilespmem:$0x1D000] =	vst v63  }
0x99: {  	_ =	swait.ge [sflag:s13], $0x4000  }
0x9a: {  	[sflag:s13] =	ssyncset.done $0x0  }
0x9b: {  	[sflag:s13] =	ssyncadd.s32 $0xFFFFC000  }
0x9c: {  	[tilespmem:s12], [sflag:$0x1] =	stream.indirect.gather [hbm4b:s4+s16], $0x80, s23, s16, $0xb8;
	[tilespmem:$0x1D000] =	vst v63  }
0x9d: {  	_ =	swait.ge [sflag:s19], $0x4000  }
0x9e: {  	[sflag:s19] =	ssyncset.done $0x0  }
0x9f: {  	[sflag:s19] =	ssyncadd.s32 $0xFFFFC000  }
0xa0: {  	[spmem:s2] =	stream.indirect.scatter.add.f32 [tilespmem:s17], [sflag:$0x3], $0x80, s24, s16, $0xb8;
	[tilespmem:$0x1D000] =	vst v63  }
0xa1: {  	_ =	swait.ge [sflag:s13], $0x4000  }
0xa2: {  	[sflag:s13] =	ssyncset.done $0x0  }
0xa3: {  	[sflag:s13] =	ssyncadd.s32 $0xFFFFC000  }
0xa4: {  	[tilespmem:s17], [sflag:$0x2] =	stream.indirect.gather [hbm4b:s4+s16], $0x80, s25, s16, $0xb8;
	[tilespmem:$0x1D000] =	vst v63  }
0xa5: {  	_ =	swait.ge [sflag:s18], $0x4000  }
0xa6: {  	[sflag:s18] =	ssyncset.done $0x0  }
0xa7: {  	[sflag:s18] =	ssyncadd.s32 $0xFFFFC000  }
0xa8: {  	[spmem:s2] =	stream.indirect.scatter.add.f32 [tilespmem:s12], [sflag:$0x3], $0x80, s26, s16, $0xb8;
	[tilespmem:$0x1D000] =	vst v63  }
0xa9: {  	_ =	swait.ge [sflag:s13], $0x4000  }
0xaa: {  	[sflag:s13] =	ssyncset.done $0x0  }
0xab: {  	[sflag:s13] =	ssyncadd.s32 $0xFFFFC000  }
0xac: {  	[tilespmem:s12], [sflag:$0x1] =	stream.indirect.gather [hbm4b:s4+s16], $0x80, s28, s16, $0xb8;
	[tilespmem:$0x1D000] =	vst v63  }
0xad: {  	_ =	swait.ge [sflag:s19], $0x4000  }
0xae: {  	[sflag:s19] =	ssyncset.done $0x0  }
0xaf: {  	[sflag:s19] =	ssyncadd.s32 $0xFFFFC000  }
0xb0: {  	[spmem:s2] =	stream.indirect.scatter.add.f32 [tilespmem:s17], [sflag:$0x3], $0x80, s29, s16, $0xb8;
	[tilespmem:$0x1D000] =	vst v63  }
0xb1: {  	_ =	swait.ge [sflag:s13], $0x4000  }
0xb2: {  	[sflag:s13] =	ssyncset.done $0x0  }
0xb3: {  	[sflag:s13] =	ssyncadd.s32 $0xFFFFC000  }
0xb4: {  	[tilespmem:s17], [sflag:$0x2] =	stream.indirect.gather [hbm4b:s4+s16], $0x80, s30, s16, $0xb8;
	[tilespmem:$0x1D000] =	vst v63  }
0xb5: {  	_ =	swait.ge [sflag:s18], $0x4000  }
0xb6: {  	[sflag:s18] =	ssyncset.done $0x0  }
0xb7: {  	[sflag:s18] =	ssyncadd.s32 $0xFFFFC000  }
0xb8: {  	[spmem:s2] =	stream.indirect.scatter.add.f32 [tilespmem:s12], [sflag:$0x3], $0x80, s31, s16, $0xb8;
	[tilespmem:$0x1D000] =	vst v63  }
0xb9: {  	_ =	swait.ge [sflag:s13], $0x4000  }
0xba: {  	[sflag:s13] =	ssyncset.done $0x0  }
0xbb: {  	[sflag:s13] =	ssyncadd.s32 $0xFFFFC000  }
0xbc: {  	[tilespmem:s12], [sflag:$0x1] =	stream.indirect.gather [hbm4b:s4+s16], $0x80, s1, s16, $0xb8;
	[tilespmem:$0x1D000] =	vst v63  }
0xbd: {  	_ =	swait.ge [sflag:s19], $0x4000  }
0xbe: {  	[sflag:s19] =	ssyncset.done $0x0  }
0xbf: {  	[sflag:s19] =	ssyncadd.s32 $0xFFFFC000  }
0xc0: {  	[spmem:s2] =	stream.indirect.scatter.add.f32 [tilespmem:s17], [sflag:$0x3], $0x80, s0, s16, $0xb8;
	[tilespmem:$0x1D000] =	vst v63  }
0xc1: {  	_ =	swait.ge [sflag:s13], $0x4000  }
0xc2: {  	[sflag:s13] =	ssyncset.done $0x0  }
0xc3: {  	[sflag:s13] =	ssyncadd.s32 $0xFFFFC000  }
0xc4: {  	[tilespmem:s17], [sflag:$0x2] =	stream.indirect.gather [hbm4b:s4+s16], $0x80, s6, s16, $0xb8;
	[tilespmem:$0x1D000] =	vst v63  }
0xc5: {  	_ =	swait.ge [sflag:s18], $0x4000  }
0xc6: {  	[sflag:s18] =	ssyncset.done $0x0  }
0xc7: {  	[sflag:s18] =	ssyncadd.s32 $0xFFFFC000  }
0xc8: {  	[spmem:s2] =	stream.indirect.scatter.add.f32 [tilespmem:s12], [sflag:$0x3], $0x80, s7, s16, $0xb8;
	[tilespmem:$0x1D000] =	vst v63  }
0xc9: {  	_ =	swait.ge [sflag:s13], $0x4000  }
0xca: {  	[sflag:s13] =	ssyncset.done $0x0  }
0xcb: {  	[sflag:s13] =	ssyncadd.s32 $0xFFFFC000  }
0xcc: {  	_ =	swait.ge [sflag:s19], $0x4000  }
0xcd: {  	[sflag:s19] =	ssyncset.done $0x0  }
0xce: {  	[sflag:s19] =	ssyncadd.s32 $0xFFFFC000  }
0xcf: {  	[spmem:s2] =	stream.indirect.scatter.add.f32 [tilespmem:s17], [sflag:$0x3], $0x80, s8, s16, $0xb8;
	[tilespmem:$0x1D000] =	vst v63  }
0xd0: {  	s10 =	simm.s32 $0x100;
	_ =	swait.ge [sflag:s13], $0x4000  }
0xd1: {  	s11 =	simm.s32 $0x200;
	s5 =	rddreg [dreg:$0x5];
	[sflag:s13] =	ssyncset.done $0x0  }
.LBB2_4:
0xd2: {  	[sflag:s13] =	ssyncadd.s32 $0xFFFFC000;
	s5 =	sadd.s32 s10, s5  }
0xd3: {  	[tilespmem:s14], [sflag:$0x3] =	stream.linear.gather [hbm4b:s5+s3], $0x800, $0x38;
	[tilespmem:$0x1D000] =	vst v63  }
0xd4: {  	_ =	swait.ge [sflag:s13], $0x800  }
0xd5: {  	s5 =	rddreg [dreg:$0x4];
	[sflag:s13] =	ssyncset.done $0x0  }
0xd6: {  	[sflag:s13] =	ssyncadd.s32 $0xFFFFF800;
	s5 =	sadd.s32 s10, s5  }
0xd7: {  	[tilespmem:s15], [sflag:$0x3] =	stream.linear.gather [hbm4b:s5+s3], $0x800, $0x38;
	[tilespmem:$0x1D000] =	vst v63  }
0xd8: {  	_ =	swait.ge [sflag:s13], $0x800  }
0xd9: {  	[sflag:s13] =	ssyncset.done $0x0  }
0xda: {  	s9 =	smov.u32 s11;
	[sflag:s13] =	ssyncadd.s32 $0xFFFFF800  }
0xdb: {  	[tilespmem:s12], [sflag:$0x1] =	stream.indirect.gather [hbm4b:s4+s16], $0x80, s14, s16, $0xb8;
	[tilespmem:$0x1D000] =	vst v63  }
0xdc: {  	s10 =	smov.u32 s9;
	s9 =	rddreg [dreg:$0x6]  }
0xdd: {  	[tilespmem:s17], [sflag:$0x2] =	stream.indirect.gather [hbm4b:s4+s16], $0x80, s9, s16, $0xb8;
	[tilespmem:$0x1D000] =	vst v63  }
0xde: {  	_ =	swait.ge [sflag:s18], $0x4000  }
0xdf: {  	[sflag:s18] =	ssyncset.done $0x0  }
0xe0: {  	[sflag:s18] =	ssyncadd.s32 $0xFFFFC000  }
0xe1: {  	[spmem:s2] =	stream.indirect.scatter.add.f32 [tilespmem:s12], [sflag:$0x3], $0x80, s15, s16, $0xb8;
	[tilespmem:$0x1D000] =	vst v63  }
0xe2: {  	_ =	swait.ge [sflag:s13], $0x4000  }
0xe3: {  	[sflag:s13] =	ssyncset.done $0x0  }
0xe4: {  	s9 =	rddreg [dreg:$0x7];
	[sflag:s13] =	ssyncadd.s32 $0xFFFFC000  }
0xe5: {  	[tilespmem:s12], [sflag:$0x1] =	stream.indirect.gather [hbm4b:s4+s16], $0x80, s9, s16, $0xb8;
	[tilespmem:$0x1D000] =	vst v63  }
0xe6: {  	_ =	swait.ge [sflag:s19], $0x4000  }
0xe7: {  	[sflag:s19] =	ssyncset.done $0x0  }
0xe8: {  	s9 =	rddreg [dreg:$0x8];
	[sflag:s19] =	ssyncadd.s32 $0xFFFFC000  }
0xe9: {  	[spmem:s2] =	stream.indirect.scatter.add.f32 [tilespmem:s17], [sflag:$0x3], $0x80, s9, s16, $0xb8;
	[tilespmem:$0x1D000] =	vst v63  }
0xea: {  	_ =	swait.ge [sflag:s13], $0x4000  }
0xeb: {  	[sflag:s13] =	ssyncset.done $0x0  }
0xec: {  	s9 =	rddreg [dreg:$0x9];
	[sflag:s13] =	ssyncadd.s32 $0xFFFFC000  }
0xed: {  	[tilespmem:s17], [sflag:$0x2] =	stream.indirect.gather [hbm4b:s4+s16], $0x80, s9, s16, $0xb8;
	[tilespmem:$0x1D000] =	vst v63  }
0xee: {  	_ =	swait.ge [sflag:s18], $0x4000  }
0xef: {  	[sflag:s18] =	ssyncset.done $0x0  }
0xf0: {  	s9 =	rddreg [dreg:$0xa];
	[sflag:s18] =	ssyncadd.s32 $0xFFFFC000  }
0xf1: {  	[spmem:s2] =	stream.indirect.scatter.add.f32 [tilespmem:s12], [sflag:$0x3], $0x80, s9, s16, $0xb8;
	[tilespmem:$0x1D000] =	vst v63  }
0xf2: {  	_ =	swait.ge [sflag:s13], $0x4000  }
0xf3: {  	[sflag:s13] =	ssyncset.done $0x0  }
0xf4: {  	s9 =	rddreg [dreg:$0xb];
	[sflag:s13] =	ssyncadd.s32 $0xFFFFC000  }
0xf5: {  	[tilespmem:s12], [sflag:$0x1] =	stream.indirect.gather [hbm4b:s4+s16], $0x80, s9, s16, $0xb8;
	[tilespmem:$0x1D000] =	vst v63  }
0xf6: {  	_ =	swait.ge [sflag:s19], $0x4000  }
0xf7: {  	[sflag:s19] =	ssyncset.done $0x0  }
0xf8: {  	s9 =	rddreg [dreg:$0xc];
	[sflag:s19] =	ssyncadd.s32 $0xFFFFC000  }
0xf9: {  	[spmem:s2] =	stream.indirect.scatter.add.f32 [tilespmem:s17], [sflag:$0x3], $0x80, s9, s16, $0xb8;
	[tilespmem:$0x1D000] =	vst v63  }
0xfa: {  	_ =	swait.ge [sflag:s13], $0x4000  }
0xfb: {  	[sflag:s13] =	ssyncset.done $0x0  }
0xfc: {  	s9 =	rddreg [dreg:$0xd];
	[sflag:s13] =	ssyncadd.s32 $0xFFFFC000  }
0xfd: {  	[tilespmem:s17], [sflag:$0x2] =	stream.indirect.gather [hbm4b:s4+s16], $0x80, s9, s16, $0xb8;
	[tilespmem:$0x1D000] =	vst v63  }
0xfe: {  	_ =	swait.ge [sflag:s18], $0x4000  }
0xff: {  	[sflag:s18] =	ssyncset.done $0x0  }
0x100: {  	s9 =	rddreg [dreg:$0xe];
	[sflag:s18] =	ssyncadd.s32 $0xFFFFC000  }
0x101: {  	[spmem:s2] =	stream.indirect.scatter.add.f32 [tilespmem:s12], [sflag:$0x3], $0x80, s9, s16, $0xb8;
	[tilespmem:$0x1D000] =	vst v63  }
0x102: {  	_ =	swait.ge [sflag:s13], $0x4000  }
0x103: {  	[sflag:s13] =	ssyncset.done $0x0  }
0x104: {  	s9 =	rddreg [dreg:$0xf];
	[sflag:s13] =	ssyncadd.s32 $0xFFFFC000  }
0x105: {  	[tilespmem:s12], [sflag:$0x1] =	stream.indirect.gather [hbm4b:s4+s16], $0x80, s9, s16, $0xb8;
	[tilespmem:$0x1D000] =	vst v63  }
0x106: {  	_ =	swait.ge [sflag:s19], $0x4000  }
0x107: {  	[sflag:s19] =	ssyncset.done $0x0  }
0x108: {  	s9 =	rddreg [dreg:$0x10];
	[sflag:s19] =	ssyncadd.s32 $0xFFFFC000  }
0x109: {  	[spmem:s2] =	stream.indirect.scatter.add.f32 [tilespmem:s17], [sflag:$0x3], $0x80, s9, s16, $0xb8;
	[tilespmem:$0x1D000] =	vst v63  }
0x10a: {  	_ =	swait.ge [sflag:s13], $0x4000  }
0x10b: {  	[sflag:s13] =	ssyncset.done $0x0  }
0x10c: {  	s9 =	rddreg [dreg:$0x11];
	[sflag:s13] =	ssyncadd.s32 $0xFFFFC000  }
0x10d: {  	[tilespmem:s17], [sflag:$0x2] =	stream.indirect.gather [hbm4b:s4+s16], $0x80, s9, s16, $0xb8;
	[tilespmem:$0x1D000] =	vst v63  }
0x10e: {  	_ =	swait.ge [sflag:s18], $0x4000  }
0x10f: {  	[sflag:s18] =	ssyncset.done $0x0  }
0x110: {  	s9 =	rddreg [dreg:$0x12];
	[sflag:s18] =	ssyncadd.s32 $0xFFFFC000  }
0x111: {  	[spmem:s2] =	stream.indirect.scatter.add.f32 [tilespmem:s12], [sflag:$0x3], $0x80, s9, s16, $0xb8;
	[tilespmem:$0x1D000] =	vst v63  }
0x112: {  	_ =	swait.ge [sflag:s13], $0x4000  }
0x113: {  	[sflag:s13] =	ssyncset.done $0x0  }
0x114: {  	s9 =	rddreg [dreg:$0x13];
	[sflag:s13] =	ssyncadd.s32 $0xFFFFC000  }
0x115: {  	[tilespmem:s12], [sflag:$0x1] =	stream.indirect.gather [hbm4b:s4+s16], $0x80, s9, s16, $0xb8;
	[tilespmem:$0x1D000] =	vst v63  }
0x116: {  	_ =	swait.ge [sflag:s19], $0x4000  }
0x117: {  	[sflag:s19] =	ssyncset.done $0x0  }
0x118: {  	[sflag:s19] =	ssyncadd.s32 $0xFFFFC000  }
0x119: {  	[spmem:s2] =	stream.indirect.scatter.add.f32 [tilespmem:s17], [sflag:$0x3], $0x80, s20, s16, $0xb8;
	[tilespmem:$0x1D000] =	vst v63  }
0x11a: {  	_ =	swait.ge [sflag:s13], $0x4000  }
0x11b: {  	[sflag:s13] =	ssyncset.done $0x0  }
0x11c: {  	[sflag:s13] =	ssyncadd.s32 $0xFFFFC000  }
0x11d: {  	[tilespmem:s17], [sflag:$0x2] =	stream.indirect.gather [hbm4b:s4+s16], $0x80, s21, s16, $0xb8;
	[tilespmem:$0x1D000] =	vst v63  }
0x11e: {  	_ =	swait.ge [sflag:s18], $0x4000  }
0x11f: {  	[sflag:s18] =	ssyncset.done $0x0  }
0x120: {  	[sflag:s18] =	ssyncadd.s32 $0xFFFFC000  }
0x121: {  	[spmem:s2] =	stream.indirect.scatter.add.f32 [tilespmem:s12], [sflag:$0x3], $0x80, s22, s16, $0xb8;
	[tilespmem:$0x1D000] =	vst v63  }
0x122: {  	_ =	swait.ge [sflag:s13], $0x4000  }
0x123: {  	[sflag:s13] =	ssyncset.done $0x0  }
0x124: {  	[sflag:s13] =	ssyncadd.s32 $0xFFFFC000  }
0x125: {  	[tilespmem:s12], [sflag:$0x1] =	stream.indirect.gather [hbm4b:s4+s16], $0x80, s23, s16, $0xb8;
	[tilespmem:$0x1D000] =	vst v63  }
0x126: {  	_ =	swait.ge [sflag:s19], $0x4000  }
0x127: {  	[sflag:s19] =	ssyncset.done $0x0  }
0x128: {  	[sflag:s19] =	ssyncadd.s32 $0xFFFFC000  }
0x129: {  	[spmem:s2] =	stream.indirect.scatter.add.f32 [tilespmem:s17], [sflag:$0x3], $0x80, s24, s16, $0xb8;
	[tilespmem:$0x1D000] =	vst v63  }
0x12a: {  	_ =	swait.ge [sflag:s13], $0x4000  }
0x12b: {  	[sflag:s13] =	ssyncset.done $0x0  }
0x12c: {  	[sflag:s13] =	ssyncadd.s32 $0xFFFFC000  }
0x12d: {  	[tilespmem:s17], [sflag:$0x2] =	stream.indirect.gather [hbm4b:s4+s16], $0x80, s25, s16, $0xb8;
	[tilespmem:$0x1D000] =	vst v63  }
0x12e: {  	_ =	swait.ge [sflag:s18], $0x4000  }
0x12f: {  	[sflag:s18] =	ssyncset.done $0x0  }
0x130: {  	[sflag:s18] =	ssyncadd.s32 $0xFFFFC000  }
0x131: {  	[spmem:s2] =	stream.indirect.scatter.add.f32 [tilespmem:s12], [sflag:$0x3], $0x80, s26, s16, $0xb8;
	[tilespmem:$0x1D000] =	vst v63  }
0x132: {  	_ =	swait.ge [sflag:s13], $0x4000  }
0x133: {  	[sflag:s13] =	ssyncset.done $0x0  }
0x134: {  	[sflag:s13] =	ssyncadd.s32 $0xFFFFC000  }
0x135: {  	[tilespmem:s12], [sflag:$0x1] =	stream.indirect.gather [hbm4b:s4+s16], $0x80, s28, s16, $0xb8;
	[tilespmem:$0x1D000] =	vst v63  }
0x136: {  	_ =	swait.ge [sflag:s19], $0x4000  }
0x137: {  	[sflag:s19] =	ssyncset.done $0x0  }
0x138: {  	[sflag:s19] =	ssyncadd.s32 $0xFFFFC000  }
0x139: {  	[spmem:s2] =	stream.indirect.scatter.add.f32 [tilespmem:s17], [sflag:$0x3], $0x80, s29, s16, $0xb8;
	[tilespmem:$0x1D000] =	vst v63  }
0x13a: {  	_ =	swait.ge [sflag:s13], $0x4000  }
0x13b: {  	[sflag:s13] =	ssyncset.done $0x0  }
0x13c: {  	[sflag:s13] =	ssyncadd.s32 $0xFFFFC000  }
0x13d: {  	[tilespmem:s17], [sflag:$0x2] =	stream.indirect.gather [hbm4b:s4+s16], $0x80, s30, s16, $0xb8;
	[tilespmem:$0x1D000] =	vst v63  }
0x13e: {  	_ =	swait.ge [sflag:s18], $0x4000  }
0x13f: {  	[sflag:s18] =	ssyncset.done $0x0  }
0x140: {  	[sflag:s18] =	ssyncadd.s32 $0xFFFFC000  }
0x141: {  	[spmem:s2] =	stream.indirect.scatter.add.f32 [tilespmem:s12], [sflag:$0x3], $0x80, s31, s16, $0xb8;
	[tilespmem:$0x1D000] =	vst v63  }
0x142: {  	_ =	swait.ge [sflag:s13], $0x4000  }
0x143: {  	[sflag:s13] =	ssyncset.done $0x0  }
0x144: {  	[sflag:s13] =	ssyncadd.s32 $0xFFFFC000  }
0x145: {  	[tilespmem:s12], [sflag:$0x1] =	stream.indirect.gather [hbm4b:s4+s16], $0x80, s1, s16, $0xb8;
	[tilespmem:$0x1D000] =	vst v63  }
0x146: {  	_ =	swait.ge [sflag:s19], $0x4000  }
0x147: {  	[sflag:s19] =	ssyncset.done $0x0  }
0x148: {  	[sflag:s19] =	ssyncadd.s32 $0xFFFFC000  }
0x149: {  	[spmem:s2] =	stream.indirect.scatter.add.f32 [tilespmem:s17], [sflag:$0x3], $0x80, s0, s16, $0xb8;
	[tilespmem:$0x1D000] =	vst v63  }
0x14a: {  	_ =	swait.ge [sflag:s13], $0x4000  }
0x14b: {  	[sflag:s13] =	ssyncset.done $0x0  }
0x14c: {  	[sflag:s13] =	ssyncadd.s32 $0xFFFFC000  }
0x14d: {  	[tilespmem:s17], [sflag:$0x2] =	stream.indirect.gather [hbm4b:s4+s16], $0x80, s6, s16, $0xb8;
	[tilespmem:$0x1D000] =	vst v63  }
0x14e: {  	_ =	swait.ge [sflag:s18], $0x4000  }
0x14f: {  	[sflag:s18] =	ssyncset.done $0x0  }
0x150: {  	[sflag:s18] =	ssyncadd.s32 $0xFFFFC000  }
0x151: {  	[spmem:s2] =	stream.indirect.scatter.add.f32 [tilespmem:s12], [sflag:$0x3], $0x80, s7, s16, $0xb8;
	[tilespmem:$0x1D000] =	vst v63  }
0x152: {  	_ =	swait.ge [sflag:s13], $0x4000  }
0x153: {  	[sflag:s13] =	ssyncset.done $0x0  }
0x154: {  	[sflag:s13] =	ssyncadd.s32 $0xFFFFC000  }
0x155: {  	p0 =	sne.s32 s11, $0x400;
	_ =	swait.ge [sflag:s19], $0x4000  }
.Ltmp1:
0x156: {  	[sflag:s19] =	ssyncset.done $0x0;
	(pc) =	sbr.rel @p0 .LBB2_4-.Ltmp1, $4  }
0x157: {  	[sflag:s19] =	ssyncadd.s32 $0xFFFFC000  }
0x158: {  	[spmem:s2] =	stream.indirect.scatter.add.f32 [tilespmem:s17], [sflag:$0x3], $0x80, s8, s16, $0xb8;
	[tilespmem:$0x1D000] =	vst v63  }
0x159: {  	_ =	swait.ge [sflag:s13], $0x4000  }
0x15a: {  	s11 =	sadd.s32 $0x100, s11;
	s5 =	rddreg [dreg:$0x5];
	[sflag:s13] =	ssyncset.done $0x0  }
0x15b: {  	[sflag:s13] =	ssyncadd.s32 $0xFFFFC000;
	s5 =	sadd.s32 s10, s5  }
0x15c: {  	[tilespmem:s14], [sflag:$0x3] =	stream.linear.gather [hbm4b:s5+s3], $0x800, $0x38;
	[tilespmem:$0x1D000] =	vst v63  }
0x15d: {  	_ =	swait.ge [sflag:s13], $0x800  }
0x15e: {  	s9 =	rddreg [dreg:$0x4];
	[sflag:s13] =	ssyncset.done $0x0  }
0x15f: {  	[sflag:s13] =	ssyncadd.s32 $0xFFFFF800;
	s5 =	sadd.s32 s10, s9  }
0x160: {  	[tilespmem:s15], [sflag:$0x3] =	stream.linear.gather [hbm4b:s5+s3], $0x800, $0x38;
	[tilespmem:$0x1D000] =	vst v63  }
0x161: {  	_ =	swait.ge [sflag:s13], $0x800  }
0x162: {  	[sflag:s13] =	ssyncset.done $0x0  }
0x163: {  	[sflag:s13] =	ssyncadd.s32 $0xFFFFF800  }
0x164: {  	[tilespmem:s12], [sflag:$0x1] =	stream.indirect.gather [hbm4b:s4+s16], $0x80, s14, s16, $0xb8;
	[tilespmem:$0x1D000] =	vst v63  }
0x165: {  	s11 =	rddreg [dreg:$0x6]  }
0x166: {  	[tilespmem:s17], [sflag:$0x2] =	stream.indirect.gather [hbm4b:s4+s16], $0x80, s11, s16, $0xb8;
	[tilespmem:$0x1D000] =	vst v63  }
0x167: {  	_ =	swait.ge [sflag:s18], $0x4000  }
0x168: {  	[sflag:s18] =	ssyncset.done $0x0  }
0x169: {  	[sflag:s18] =	ssyncadd.s32 $0xFFFFC000  }
0x16a: {  	[spmem:s2] =	stream.indirect.scatter.add.f32 [tilespmem:s12], [sflag:$0x3], $0x80, s15, s16, $0xb8;
	[tilespmem:$0x1D000] =	vst v63  }
0x16b: {  	_ =	swait.ge [sflag:s13], $0x4000  }
0x16c: {  	[sflag:s13] =	ssyncset.done $0x0  }
0x16d: {  	s9 =	rddreg [dreg:$0x7];
	[sflag:s13] =	ssyncadd.s32 $0xFFFFC000  }
0x16e: {  	[tilespmem:s12], [sflag:$0x1] =	stream.indirect.gather [hbm4b:s4+s16], $0x80, s9, s16, $0xb8;
	[tilespmem:$0x1D000] =	vst v63  }
0x16f: {  	_ =	swait.ge [sflag:s19], $0x4000  }
0x170: {  	[sflag:s19] =	ssyncset.done $0x0  }
0x171: {  	s10 =	rddreg [dreg:$0x8];
	[sflag:s19] =	ssyncadd.s32 $0xFFFFC000  }
0x172: {  	[spmem:s2] =	stream.indirect.scatter.add.f32 [tilespmem:s17], [sflag:$0x3], $0x80, s10, s16, $0xb8;
	[tilespmem:$0x1D000] =	vst v63  }
0x173: {  	_ =	swait.ge [sflag:s13], $0x4000  }
0x174: {  	[sflag:s13] =	ssyncset.done $0x0  }
0x175: {  	s11 =	rddreg [dreg:$0x9];
	[sflag:s13] =	ssyncadd.s32 $0xFFFFC000  }
0x176: {  	[tilespmem:s17], [sflag:$0x2] =	stream.indirect.gather [hbm4b:s4+s16], $0x80, s11, s16, $0xb8;
	[tilespmem:$0x1D000] =	vst v63  }
0x177: {  	_ =	swait.ge [sflag:s18], $0x4000  }
0x178: {  	[sflag:s18] =	ssyncset.done $0x0  }
0x179: {  	s9 =	rddreg [dreg:$0xa];
	[sflag:s18] =	ssyncadd.s32 $0xFFFFC000  }
0x17a: {  	[spmem:s2] =	stream.indirect.scatter.add.f32 [tilespmem:s12], [sflag:$0x3], $0x80, s9, s16, $0xb8;
	[tilespmem:$0x1D000] =	vst v63  }
0x17b: {  	_ =	swait.ge [sflag:s13], $0x4000  }
0x17c: {  	[sflag:s13] =	ssyncset.done $0x0  }
0x17d: {  	s10 =	rddreg [dreg:$0xb];
	[sflag:s13] =	ssyncadd.s32 $0xFFFFC000  }
0x17e: {  	[tilespmem:s12], [sflag:$0x1] =	stream.indirect.gather [hbm4b:s4+s16], $0x80, s10, s16, $0xb8;
	[tilespmem:$0x1D000] =	vst v63  }
0x17f: {  	_ =	swait.ge [sflag:s19], $0x4000  }
0x180: {  	[sflag:s19] =	ssyncset.done $0x0  }
0x181: {  	s11 =	rddreg [dreg:$0xc];
	[sflag:s19] =	ssyncadd.s32 $0xFFFFC000  }
0x182: {  	[spmem:s2] =	stream.indirect.scatter.add.f32 [tilespmem:s17], [sflag:$0x3], $0x80, s11, s16, $0xb8;
	[tilespmem:$0x1D000] =	vst v63  }
0x183: {  	_ =	swait.ge [sflag:s13], $0x4000  }
0x184: {  	[sflag:s13] =	ssyncset.done $0x0  }
0x185: {  	s9 =	rddreg [dreg:$0xd];
	[sflag:s13] =	ssyncadd.s32 $0xFFFFC000  }
0x186: {  	[tilespmem:s17], [sflag:$0x2] =	stream.indirect.gather [hbm4b:s4+s16], $0x80, s9, s16, $0xb8;
	[tilespmem:$0x1D000] =	vst v63  }
0x187: {  	_ =	swait.ge [sflag:s18], $0x4000  }
0x188: {  	[sflag:s18] =	ssyncset.done $0x0  }
0x189: {  	s10 =	rddreg [dreg:$0xe];
	[sflag:s18] =	ssyncadd.s32 $0xFFFFC000  }
0x18a: {  	[spmem:s2] =	stream.indirect.scatter.add.f32 [tilespmem:s12], [sflag:$0x3], $0x80, s10, s16, $0xb8;
	[tilespmem:$0x1D000] =	vst v63  }
0x18b: {  	_ =	swait.ge [sflag:s13], $0x4000  }
0x18c: {  	[sflag:s13] =	ssyncset.done $0x0  }
0x18d: {  	s11 =	rddreg [dreg:$0xf];
	[sflag:s13] =	ssyncadd.s32 $0xFFFFC000  }
0x18e: {  	[tilespmem:s12], [sflag:$0x1] =	stream.indirect.gather [hbm4b:s4+s16], $0x80, s11, s16, $0xb8;
	[tilespmem:$0x1D000] =	vst v63  }
0x18f: {  	_ =	swait.ge [sflag:s19], $0x4000  }
0x190: {  	[sflag:s19] =	ssyncset.done $0x0  }
0x191: {  	s9 =	rddreg [dreg:$0x10];
	[sflag:s19] =	ssyncadd.s32 $0xFFFFC000  }
0x192: {  	[spmem:s2] =	stream.indirect.scatter.add.f32 [tilespmem:s17], [sflag:$0x3], $0x80, s9, s16, $0xb8;
	[tilespmem:$0x1D000] =	vst v63  }
0x193: {  	_ =	swait.ge [sflag:s13], $0x4000  }
0x194: {  	[sflag:s13] =	ssyncset.done $0x0  }
0x195: {  	s10 =	rddreg [dreg:$0x11];
	[sflag:s13] =	ssyncadd.s32 $0xFFFFC000  }
0x196: {  	[tilespmem:s17], [sflag:$0x2] =	stream.indirect.gather [hbm4b:s4+s16], $0x80, s10, s16, $0xb8;
	[tilespmem:$0x1D000] =	vst v63  }
0x197: {  	_ =	swait.ge [sflag:s18], $0x4000  }
0x198: {  	[sflag:s18] =	ssyncset.done $0x0  }
0x199: {  	s11 =	rddreg [dreg:$0x12];
	[sflag:s18] =	ssyncadd.s32 $0xFFFFC000  }
0x19a: {  	[spmem:s2] =	stream.indirect.scatter.add.f32 [tilespmem:s12], [sflag:$0x3], $0x80, s11, s16, $0xb8;
	[tilespmem:$0x1D000] =	vst v63  }
0x19b: {  	_ =	swait.ge [sflag:s13], $0x4000  }
0x19c: {  	[sflag:s13] =	ssyncset.done $0x0  }
0x19d: {  	s9 =	rddreg [dreg:$0x13];
	[sflag:s13] =	ssyncadd.s32 $0xFFFFC000  }
0x19e: {  	[tilespmem:s12], [sflag:$0x1] =	stream.indirect.gather [hbm4b:s4+s16], $0x80, s9, s16, $0xb8;
	[tilespmem:$0x1D000] =	vst v63  }
0x19f: {  	_ =	swait.ge [sflag:s19], $0x4000  }
0x1a0: {  	[sflag:s19] =	ssyncset.done $0x0  }
0x1a1: {  	[sflag:s19] =	ssyncadd.s32 $0xFFFFC000  }
0x1a2: {  	[spmem:s2] =	stream.indirect.scatter.add.f32 [tilespmem:s17], [sflag:$0x3], $0x80, s20, s16, $0xb8;
	[tilespmem:$0x1D000] =	vst v63  }
0x1a3: {  	_ =	swait.ge [sflag:s13], $0x4000  }
0x1a4: {  	[sflag:s13] =	ssyncset.done $0x0  }
0x1a5: {  	[sflag:s13] =	ssyncadd.s32 $0xFFFFC000  }
0x1a6: {  	[tilespmem:s17], [sflag:$0x2] =	stream.indirect.gather [hbm4b:s4+s16], $0x80, s21, s16, $0xb8;
	[tilespmem:$0x1D000] =	vst v63  }
0x1a7: {  	_ =	swait.ge [sflag:s18], $0x4000  }
0x1a8: {  	[sflag:s18] =	ssyncset.done $0x0  }
0x1a9: {  	[sflag:s18] =	ssyncadd.s32 $0xFFFFC000  }
0x1aa: {  	[spmem:s2] =	stream.indirect.scatter.add.f32 [tilespmem:s12], [sflag:$0x3], $0x80, s22, s16, $0xb8;
	[tilespmem:$0x1D000] =	vst v63  }
0x1ab: {  	_ =	swait.ge [sflag:s13], $0x4000  }
0x1ac: {  	[sflag:s13] =	ssyncset.done $0x0  }
0x1ad: {  	[sflag:s13] =	ssyncadd.s32 $0xFFFFC000  }
0x1ae: {  	[tilespmem:s12], [sflag:$0x1] =	stream.indirect.gather [hbm4b:s4+s16], $0x80, s23, s16, $0xb8;
	[tilespmem:$0x1D000] =	vst v63  }
0x1af: {  	_ =	swait.ge [sflag:s19], $0x4000  }
0x1b0: {  	[sflag:s19] =	ssyncset.done $0x0  }
0x1b1: {  	[sflag:s19] =	ssyncadd.s32 $0xFFFFC000  }
0x1b2: {  	[spmem:s2] =	stream.indirect.scatter.add.f32 [tilespmem:s17], [sflag:$0x3], $0x80, s24, s16, $0xb8;
	[tilespmem:$0x1D000] =	vst v63  }
0x1b3: {  	_ =	swait.ge [sflag:s13], $0x4000  }
0x1b4: {  	[sflag:s13] =	ssyncset.done $0x0  }
0x1b5: {  	[sflag:s13] =	ssyncadd.s32 $0xFFFFC000  }
0x1b6: {  	[tilespmem:s17], [sflag:$0x2] =	stream.indirect.gather [hbm4b:s4+s16], $0x80, s25, s16, $0xb8;
	[tilespmem:$0x1D000] =	vst v63  }
0x1b7: {  	_ =	swait.ge [sflag:s18], $0x4000  }
0x1b8: {  	[sflag:s18] =	ssyncset.done $0x0  }
0x1b9: {  	[sflag:s18] =	ssyncadd.s32 $0xFFFFC000  }
0x1ba: {  	[spmem:s2] =	stream.indirect.scatter.add.f32 [tilespmem:s12], [sflag:$0x3], $0x80, s26, s16, $0xb8;
	[tilespmem:$0x1D000] =	vst v63  }
0x1bb: {  	_ =	swait.ge [sflag:s13], $0x4000  }
0x1bc: {  	[sflag:s13] =	ssyncset.done $0x0  }
0x1bd: {  	[sflag:s13] =	ssyncadd.s32 $0xFFFFC000  }
0x1be: {  	[tilespmem:s12], [sflag:$0x1] =	stream.indirect.gather [hbm4b:s4+s16], $0x80, s28, s16, $0xb8;
	[tilespmem:$0x1D000] =	vst v63  }
0x1bf: {  	_ =	swait.ge [sflag:s19], $0x4000  }
0x1c0: {  	[sflag:s19] =	ssyncset.done $0x0  }
0x1c1: {  	[sflag:s19] =	ssyncadd.s32 $0xFFFFC000  }
0x1c2: {  	[spmem:s2] =	stream.indirect.scatter.add.f32 [tilespmem:s17], [sflag:$0x3], $0x80, s29, s16, $0xb8;
	[tilespmem:$0x1D000] =	vst v63  }
0x1c3: {  	_ =	swait.ge [sflag:s13], $0x4000  }
0x1c4: {  	[sflag:s13] =	ssyncset.done $0x0  }
0x1c5: {  	[sflag:s13] =	ssyncadd.s32 $0xFFFFC000  }
0x1c6: {  	[tilespmem:s17], [sflag:$0x2] =	stream.indirect.gather [hbm4b:s4+s16], $0x80, s30, s16, $0xb8;
	[tilespmem:$0x1D000] =	vst v63  }
0x1c7: {  	_ =	swait.ge [sflag:s18], $0x4000  }
0x1c8: {  	[sflag:s18] =	ssyncset.done $0x0  }
0x1c9: {  	[sflag:s18] =	ssyncadd.s32 $0xFFFFC000  }
0x1ca: {  	[spmem:s2] =	stream.indirect.scatter.add.f32 [tilespmem:s12], [sflag:$0x3], $0x80, s31, s16, $0xb8;
	[tilespmem:$0x1D000] =	vst v63  }
0x1cb: {  	_ =	swait.ge [sflag:s13], $0x4000  }
0x1cc: {  	[sflag:s13] =	ssyncset.done $0x0  }
0x1cd: {  	[sflag:s13] =	ssyncadd.s32 $0xFFFFC000  }
0x1ce: {  	[tilespmem:s12], [sflag:$0x1] =	stream.indirect.gather [hbm4b:s4+s16], $0x80, s1, s16, $0xb8;
	[tilespmem:$0x1D000] =	vst v63  }
0x1cf: {  	_ =	swait.ge [sflag:s19], $0x4000  }
0x1d0: {  	[sflag:s19] =	ssyncset.done $0x0  }
0x1d1: {  	[sflag:s19] =	ssyncadd.s32 $0xFFFFC000  }
0x1d2: {  	[spmem:s2] =	stream.indirect.scatter.add.f32 [tilespmem:s17], [sflag:$0x3], $0x80, s0, s16, $0xb8;
	[tilespmem:$0x1D000] =	vst v63  }
0x1d3: {  	_ =	swait.ge [sflag:s13], $0x4000  }
0x1d4: {  	[sflag:s13] =	ssyncset.done $0x0  }
0x1d5: {  	[sflag:s13] =	ssyncadd.s32 $0xFFFFC000  }
0x1d6: {  	[tilespmem:s17], [sflag:$0x2] =	stream.indirect.gather [hbm4b:s4+s16], $0x80, s6, s16, $0xb8;
	[tilespmem:$0x1D000] =	vst v63  }
0x1d7: {  	_ =	swait.ge [sflag:s18], $0x4000  }
0x1d8: {  	[sflag:s18] =	ssyncset.done $0x0  }
0x1d9: {  	[sflag:s18] =	ssyncadd.s32 $0xFFFFC000  }
0x1da: {  	[spmem:s2] =	stream.indirect.scatter.add.f32 [tilespmem:s12], [sflag:$0x3], $0x80, s7, s16, $0xb8;
	[tilespmem:$0x1D000] =	vst v63  }
0x1db: {  	_ =	swait.ge [sflag:s13], $0x4000  }
0x1dc: {  	[sflag:s13] =	ssyncset.done $0x0  }
0x1dd: {  	[sflag:s13] =	ssyncadd.s32 $0xFFFFC000  }
0x1de: {  	_ =	swait.ge [sflag:s19], $0x4000  }
0x1df: {  	[sflag:s19] =	ssyncset.done $0x0  }
0x1e0: {  	[sflag:s19] =	ssyncadd.s32 $0xFFFFC000  }
0x1e1: {  	[spmem:s2] =	stream.indirect.scatter.add.f32 [tilespmem:s17], [sflag:$0x3], $0x80, s8, s16, $0xb8;
	[tilespmem:$0x1D000] =	vst v63  }
0x1e2: {  	_ =	swait.ge [sflag:s13], $0x4000  }
0x1e3: {  	[sflag:s13] =	ssyncset.done $0x0  }
0x1e4: {  	[sflag:s13] =	ssyncadd.s32 $0xFFFFC000  }
0x1e5: {  	s10 =	stileid.u32;
	[bflag:$0x0] =	sbarrier.arrive $0xFFFF  }
0x1e6: {  	s5 =	sshll.u32 s10, $0x6;
	s9 =	rddreg [dreg:$0x14]  }
0x1e7: {  	s5 =	sor.u32 $0x1C03, s5;
	s11 =	rddreg [dreg:$0x15];
	s9 =	sshrl.u32 s9, $0x3  }
0x1e8: {  	[hbm:s11], [sflag:s5] =	dma.local [spmem:s9], $0x2800  }
0x1e9: {  	_ =	swait.ge [sflag:s13], $0x2800  }
0x1ea: {  	s10 =	rddreg [dreg:$0x1b]  }
0x1eb: {  	s11 =	rddreg [dreg:$0x16];
	s9 =	sadd.s32 $0x1, s10  }
0x1ec: {  	p0 =	sne.s32 s9, s11  }
.Ltmp2:
0x1ed: {  	_ = 	snop;
	(pc) =	sbr.rel @p0 .LBB2_1-.Ltmp2, $3  }
0x1ee: {  	_ =	sdelay $0x1  }
0x1ef: {  	[sflag:s13] =	ssyncset.done $0x0  }
0x1f0: {  	[sflag:s13] =	ssyncadd.s32 $0xFFFFD800  }
0x1f1: {  	_ =	sfence.sel $0x180000  }
0x1f2: {  	[bflag:$0x0] =	sbarrier.arrive $0xFFFF  }
0x1f3: {  	_ =	strace $0x90000050  }
0x1f4: {  	s0 =	stileid.u32;
	[bflag:$0x2] =	sbarrier.arrive $0xFFFF  }
0x1f5: {  	p0 =	sne.s32 s0, $0x0;
	s0 =	rddreg [dreg:$0x3]  }
0x1f6: {  	s0 =	sadd.s32 @!p0 $0x100000, s0  }
0x1f7: {  	[sflag:s0] =	ssyncadd.tile.s32 @!p0 $0x1;
	_ =	shalt  }
.Lfunc_end2:
_tile_overlayer_lowered:
.L_overlay_start_2:
0x1f8: {  	(tag) =	ssettag $0x2  }
0x1f9: {  	s0 =	rddreg [dreg:$0x0];
	s2 =	stileid.u32  }
0x1fa: {  	s1 =	rddreg [dreg:$0x1];
	p0 =	sne.s32 s2, $0x0  }
0x1fb: {  	s3 =	rddreg [dreg:$0x2];
	[bflag:$0x3] =	sbarrier.arrive $0xFFFF;
	s2 =	simm.s32 @!p0 $0x1C03  }
0x1fc: {  	[timem:s3], [sflag:s2] =	dma.local @!p0 [hbm:s0], s1  }
0x1fd: {  	s0 =	simm.s32 @!p0 $0x3  }
0x1fe: {  	_ =	swait.ge @!p0 [sflag:s0], s1  }
0x1ff: {  	s1 =	ssub.s32 @!p0 $0x0, s1;
	[sflag:s0] =	ssyncset.done @!p0 $0x0  }
0x200: {  	[sflag:s0] =	ssyncadd.s32 @!p0 s1  }
0x201: {  	[bflag:$0x3] =	sbarrier.arrive $0xFFFF  }
0x202: {  	_ =	shalt  }

</sc_bundles>
